<compile_context>
chip_gen: v7x
topology: tpu7x:2x2x1
jax: 0.10.2.dev20260603
libtpu: 0.0.44.dev20260713+nightly
codegen_flags: <defaults>
</compile_context>

<pallas_src>
import functools
import math

import jax
import jax.numpy as jnp
from jax import lax
from jax.experimental import pallas as pl
from jax.experimental.pallas import tpu as pltpu
from jax.experimental.pallas import tpu_sc as plsc

N = 10000
F = 128
E = 320000
_NPAD = 10240
ALPHA = 0.1
THETA = 0.5
EPS = 1e-5

_ROW_BLOCK = 2000
_GRID = N // _ROW_BLOCK



def _x0_body(x_ref, w_ref, b_ref, o_ref):
  acc = lax.dot_general(x_ref[...], w_ref[...], (((1,), (1,)), ((), ())),
                        preferred_element_type=jnp.float32)
  o_ref[...] = jnp.maximum(acc + b_ref[...], 0.0)


def _compute_x0(x, lin_w, lin_b2):
  return pl.pallas_call(
      _x0_body,
      grid=(_GRID,),
      in_specs=[
          pl.BlockSpec((_ROW_BLOCK, F), lambda i: (i, 0)),
          pl.BlockSpec((F, F), lambda i: (0, 0)),
          pl.BlockSpec((1, F), lambda i: (0, 0)),
      ],
      out_specs=pl.BlockSpec((_ROW_BLOCK, F), lambda i: (i, 0)),
      out_shape=jax.ShapeDtypeStruct((N, F), jnp.float32),
  )(x, lin_w, lin_b2)


def _layer_body(m_ref, x0_ref, w_ref, g_ref, b_ref, o_ref, h_scr, s_scr, *,
                beta):
  p = pl.program_id(0)
  i = pl.program_id(1)

  @pl.when(p == 0)
  def _():
    m = m_ref[0] + m_ref[1]
    t = (1.0 - ALPHA) * m + ALPHA * x0_ref[...]
    h = (1.0 - beta) * t + beta * jnp.dot(
        t, w_ref[...], preferred_element_type=jnp.float32)
    h_scr[pl.ds(i * _ROW_BLOCK, _ROW_BLOCK), :] = h

    @pl.when(i == 0)
    def _():
      s_scr[...] = jnp.zeros_like(s_scr)

    s_scr[0:1, :] = s_scr[0:1, :] + jnp.sum(h, axis=0, keepdims=True)
    s_scr[1:2, :] = s_scr[1:2, :] + jnp.sum(h * h, axis=0, keepdims=True)

  @pl.when(p == 1)
  def _():
    h = h_scr[pl.ds(i * _ROW_BLOCK, _ROW_BLOCK), :]
    mean = s_scr[0:1, :] * (1.0 / N)
    var = s_scr[1:2, :] * (1.0 / N) - mean * mean
    inv = lax.rsqrt(var + EPS)
    o_ref[...] = jnp.maximum((h - mean) * inv * g_ref[...] + b_ref[...], 0.0)


def _dense_layer(mpart, x0, w, g2, b2, beta):
  return pl.pallas_call(
      functools.partial(_layer_body, beta=beta),
      grid=(2, _GRID),
      in_specs=[
          pl.BlockSpec((2, _ROW_BLOCK, F),
                       lambda p, i: (0, jnp.where(p == 0, i, _GRID - 1), 0)),
          pl.BlockSpec((_ROW_BLOCK, F),
                       lambda p, i: (jnp.where(p == 0, i, _GRID - 1), 0)),
          pl.BlockSpec((F, F), lambda p, i: (0, 0)),
          pl.BlockSpec((1, F), lambda p, i: (0, 0)),
          pl.BlockSpec((1, F), lambda p, i: (0, 0)),
      ],
      out_specs=pl.BlockSpec((_ROW_BLOCK, F),
                             lambda p, i: (jnp.where(p == 0, 0, i), 0)),
      out_shape=jax.ShapeDtypeStruct((N, F), jnp.float32),
      scratch_shapes=[
          pltpu.VMEM((N, F), jnp.float32),
          pltpu.VMEM((8, F), jnp.float32),
      ],
  )(mpart, x0, w, g2, b2)



_CHUNK = 64
_NITER = 160
_EPAD = 32 * _NITER * _CHUNK


def _make_segsum():
  info = plsc.get_sparse_core_info()
  nc, ns = info.num_cores, info.num_subcores
  nw = nc * ns
  chunk = _CHUNK
  niter = _NITER
  npad = _NPAD
  rpt = npad // ns

  mesh = plsc.VectorSubcoreMesh(core_axis_name="c", subcore_axis_name="s")

  @functools.partial(
      pl.kernel,
      out_type=jax.ShapeDtypeStruct((nc, npad, F), jnp.float32),
      mesh=mesh,
      scratch_types=(
          [pltpu.VMEM((chunk,), jnp.int32)] * 8 +
          [pltpu.VMEM((chunk,), jnp.int32)] * 8 +
          [pltpu.VMEM((chunk, F), jnp.float32)] * 4 +
          [pltpu.VMEM_SHARED((npad, F), jnp.float32)] +
          [pltpu.SemaphoreType.DMA] * 22
      ),
  )
  def segsum(h_hbm, src_hbm, dst_hbm, out_hbm, *sc):
    sidx = list(sc[0:8])
    didx = list(sc[8:16])
    rows = list(sc[16:20])
    acc = sc[20]
    semg = list(sc[21:25])
    sems = list(sc[25:27])
    semi = list(sc[27:35])
    semj = list(sc[35:43])

    cid = lax.axis_index("c")
    sid = lax.axis_index("s")
    wid = sid * nc + cid
    epw = niter * chunk
    ebase = wid * epw

    for j in range(4):
      pltpu.async_copy(src_hbm.at[pl.ds(ebase + j * chunk, chunk)], sidx[j],
                       semi[j])
      pltpu.async_copy(dst_hbm.at[pl.ds(ebase + j * chunk, chunk)], didx[j],
                       semj[j])

    def zero_body(i, carry):
      rows[0][i // 8, pl.ds((i % 8) * 16, 16)] = jnp.zeros((16,), jnp.float32)
      return carry

    lax.fori_loop(0, chunk * 8, zero_body, 0)
    row0 = sid * rpt
    for j in range(rpt // chunk):
      pltpu.sync_copy(rows[0], acc.at[pl.ds(row0 + j * chunk, chunk)])
    plsc.subcore_barrier()

    def emit_body(i, ti):
      r, k, s = i % 4, i % 8, i % 2
      if i >= 4:
        pltpu.make_async_copy(
            rows[(i - 4) % 4], acc.at[didx[(i - 4) % 8]], sems[s]).wait()
      pltpu.make_async_copy(src_hbm.at[pl.ds(0, chunk)], sidx[k],
                            semi[k]).wait()
      pltpu.make_async_copy(dst_hbm.at[pl.ds(0, chunk)], didx[k],
                            semj[k]).wait()
      pltpu.async_copy(h_hbm.at[sidx[k]], rows[r], semg[r])
      if i >= 2:
        r2, k2 = (i - 2) % 4, (i - 2) % 8
        pltpu.make_async_copy(
            h_hbm.at[sidx[k2]], rows[r2], semg[r2]).wait()
        pltpu.async_copy(rows[r2], acc.at[didx[k2]], sems[(i - 2) % 2],
                         add=True)
      if i + 4 <= niter - 1:
        k4 = (i + 4) % 8
        off4 = ebase + (ti + 4) * chunk
        pltpu.async_copy(src_hbm.at[pl.ds(off4, chunk)], sidx[k4], semi[k4])
        pltpu.async_copy(dst_hbm.at[pl.ds(off4, chunk)], didx[k4], semj[k4])

    for i in range(8):
      emit_body(i, i)

    def main_body(q, carry):
      base = 8 + q * 8
      for off in range(8):
        emit_body(8 + off, base + off)
      return carry

    lax.fori_loop(0, (niter - 16) // 8, main_body, 0)

    for i in range(niter - 8, niter):
      emit_body(i, i)

    for i in (niter - 2, niter - 1):
      r2, k2 = i % 4, i % 8
      pltpu.make_async_copy(
          h_hbm.at[sidx[k2]], rows[r2], semg[r2]).wait()
      pltpu.async_copy(rows[r2], acc.at[didx[k2]], sems[i % 2], add=True)
    for i in range(4):
      pltpu.make_async_copy(
          rows[(niter - 4 + i) % 4], acc.at[didx[(niter - 4 + i) % 8]],
          sems[i % 2]).wait()

    plsc.subcore_barrier()
    pltpu.sync_copy(acc.at[pl.ds(row0, rpt)],
                    out_hbm.at[cid, pl.ds(row0, rpt)])

  return segsum


@functools.cache
def _segsum_fn():
  return _make_segsum()


def _segsum(h, src, dst):
  return _segsum_fn()(h, src, dst)


def kernel(x, edge_index, lin_w, lin_b, conv_w1, conv_w2, bn_gamma, bn_beta):
  pad = _EPAD - E
  tail = jnp.stack([jnp.arange(pad, dtype=jnp.int32) % N,
                    N + jnp.arange(pad, dtype=jnp.int32) % (_NPAD - N)])
  edges = jnp.concatenate([edge_index, tail], axis=1)
  src = edges[0]
  dst = edges[1]
  lin_b2 = lin_b.reshape(1, F)
  g2 = bn_gamma.reshape(1, F)
  b2 = bn_beta.reshape(1, F)

  x0 = _compute_x0(x, lin_w, lin_b2)
  h = x0
  for layer, w in enumerate((conv_w1, conv_w2), start=1):
    beta = float(math.log(THETA / layer + 1.0))
    mpart = _segsum(h, src, dst)
    h = _dense_layer(mpart, x0, w, g2, b2, beta)
  return h

# --- scband reference (transcript-rebuilt; emitter-appended) ---
"""Pipeline reference for scband-bi-gcnencoder-7069516169809 (READ-ONLY COPY).

The authoritative reference and input builder live on the scoring server;
editing this copy changes nothing except your own understanding.
"""

import jax, jax.numpy as jnp
import numpy as np

N = 10000
E = 320000
F = 128
C = 128
L = 2
ALPHA = 0.1
THETA = 0.5
EPS = 1e-5


def setup_inputs(seed: int = 0) -> dict:
    key = jax.random.key(seed)
    ks = jax.random.split(key, 8)
    x = jax.random.normal(ks[0], (N, F), dtype=jnp.float32)
    edge_index = jax.random.randint(ks[1], (2, E), 0, N, dtype=jnp.int32)
    lin_w = jax.random.normal(ks[2], (C, F), dtype=jnp.float32) * 0.05
    lin_b = jnp.zeros((C,), dtype=jnp.float32)
    conv_w1 = jax.random.normal(ks[3], (C, C), dtype=jnp.float32) * 0.05
    conv_w2 = jax.random.normal(ks[4], (C, C), dtype=jnp.float32) * 0.05
    bn_gamma = jnp.ones((C,), dtype=jnp.float32)
    bn_beta = jnp.zeros((C,), dtype=jnp.float32)
    return {"x": x, "edge_index": edge_index, "lin_w": lin_w, "lin_b": lin_b,
            "conv_w1": conv_w1, "conv_w2": conv_w2, "bn_gamma": bn_gamma, "bn_beta": bn_beta}


def reference(x, edge_index, lin_w, lin_b, conv_w1, conv_w2, bn_gamma, bn_beta):
    src = edge_index[0]
    dst = edge_index[1]
    # x = x0 = lin(x).relu()
    x0 = jax.nn.relu(x @ lin_w.T + lin_b)
    h = x0
    for layer, W in enumerate((conv_w1, conv_w2), start=1):
        # GCN2Conv (normalize=False, shared_weights=True, edge_weight=None)
        beta = float(np.log(THETA / layer + 1.0))
        # propagate: sum of x_j from source nodes into target nodes
        m = jax.ops.segment_sum(h[src], dst, num_segments=N)
        m = (1.0 - ALPHA) * m + ALPHA * x0
        h = (1.0 - beta) * m + beta * (m @ W)
        # BatchNorm1d in default training mode: batch statistics (biased var)
        mean = jnp.mean(h, axis=0)
        var = jnp.mean((h - mean) ** 2, axis=0)
        h = (h - mean) * jax.lax.rsqrt(var + EPS) * bn_gamma + bn_beta
        h = jax.nn.relu(h)
    return h

if __name__ == "__main__":
    import jax
    _d = setup_inputs()
    print(jax.jit(kernel)(*tuple(_d.values())))

</pallas_src>

<mosaic_0001>
#map = affine_map<(d0, d1) -> (0, 0)>
#map1 = affine_map<(d0, d1) -> (0)>
#map2 = affine_map<(d0, d1) -> (0, 0, 0)>
module attributes {stable_mosaic.version = 14 : i64} {
  func.func @segsum(%arg0: i32, %arg1: i32, %arg2: memref<10000x128xf32, #tpu.memory_space<hbm>>, %arg3: memref<327680xi32, #tpu.memory_space<hbm>>, %arg4: memref<327680xi32, #tpu.memory_space<hbm>>, %arg5: memref<2x10240x128xf32, #tpu.memory_space<hbm>>, %arg6: memref<64xi32, #tpu.memory_space<vmem>>, %arg7: memref<64xi32, #tpu.memory_space<vmem>>, %arg8: memref<64xi32, #tpu.memory_space<vmem>>, %arg9: memref<64xi32, #tpu.memory_space<vmem>>, %arg10: memref<64xi32, #tpu.memory_space<vmem>>, %arg11: memref<64xi32, #tpu.memory_space<vmem>>, %arg12: memref<64xi32, #tpu.memory_space<vmem>>, %arg13: memref<64xi32, #tpu.memory_space<vmem>>, %arg14: memref<64xi32, #tpu.memory_space<vmem>>, %arg15: memref<64xi32, #tpu.memory_space<vmem>>, %arg16: memref<64xi32, #tpu.memory_space<vmem>>, %arg17: memref<64xi32, #tpu.memory_space<vmem>>, %arg18: memref<64xi32, #tpu.memory_space<vmem>>, %arg19: memref<64xi32, #tpu.memory_space<vmem>>, %arg20: memref<64xi32, #tpu.memory_space<vmem>>, %arg21: memref<64xi32, #tpu.memory_space<vmem>>, %arg22: memref<64x128xf32, #tpu.memory_space<vmem>>, %arg23: memref<64x128xf32, #tpu.memory_space<vmem>>, %arg24: memref<64x128xf32, #tpu.memory_space<vmem>>, %arg25: memref<64x128xf32, #tpu.memory_space<vmem>>, %arg26: memref<10240x128xf32, #tpu.memory_space<vmem_shared>>, %arg27: memref<!tpu.dma_semaphore, #tpu.memory_space<semaphore_mem>>, %arg28: memref<!tpu.dma_semaphore, #tpu.memory_space<semaphore_mem>>, %arg29: memref<!tpu.dma_semaphore, #tpu.memory_space<semaphore_mem>>, %arg30: memref<!tpu.dma_semaphore, #tpu.memory_space<semaphore_mem>>, %arg31: memref<!tpu.dma_semaphore, #tpu.memory_space<semaphore_mem>>, %arg32: memref<!tpu.dma_semaphore, #tpu.memory_space<semaphore_mem>>, %arg33: memref<!tpu.dma_semaphore, #tpu.memory_space<semaphore_mem>>, %arg34: memref<!tpu.dma_semaphore, #tpu.memory_space<semaphore_mem>>, %arg35: memref<!tpu.dma_semaphore, #tpu.memory_space<semaphore_mem>>, %arg36: memref<!tpu.dma_semaphore, #tpu.memory_space<semaphore_mem>>, %arg37: memref<!tpu.dma_semaphore, #tpu.memory_space<semaphore_mem>>, %arg38: memref<!tpu.dma_semaphore, #tpu.memory_space<semaphore_mem>>, %arg39: memref<!tpu.dma_semaphore, #tpu.memory_space<semaphore_mem>>, %arg40: memref<!tpu.dma_semaphore, #tpu.memory_space<semaphore_mem>>, %arg41: memref<!tpu.dma_semaphore, #tpu.memory_space<semaphore_mem>>, %arg42: memref<!tpu.dma_semaphore, #tpu.memory_space<semaphore_mem>>, %arg43: memref<!tpu.dma_semaphore, #tpu.memory_space<semaphore_mem>>, %arg44: memref<!tpu.dma_semaphore, #tpu.memory_space<semaphore_mem>>, %arg45: memref<!tpu.dma_semaphore, #tpu.memory_space<semaphore_mem>>, %arg46: memref<!tpu.dma_semaphore, #tpu.memory_space<semaphore_mem>>, %arg47: memref<!tpu.dma_semaphore, #tpu.memory_space<semaphore_mem>>, %arg48: memref<!tpu.dma_semaphore, #tpu.memory_space<semaphore_mem>>) attributes {dimension_semantics = [#tpu.dimension_semantics<core_parallel>, #tpu.dimension_semantics<subcore_parallel>], iteration_bounds = array<i64: 2, 16>, scalar_prefetch = 0 : i64, scratch_operands = 43 : i64, tpu.core_type = #tpu.core_type<sc_vector_subcore>, window_params = [{transform_indices = #map}, {transform_indices = #map1}, {transform_indices = #map1}, {transform_indices = #map2}]} {
    %mul3A = arith.constant 2 : i32
    %mul3A_0 = arith.muli %arg1, %mul3A : i32
    %add3A = arith.addi %mul3A_0, %arg0 : i32
    %mul3A_1 = arith.constant 10240 : i32
    %mul3A_2 = arith.muli %add3A, %mul3A_1 : i32
    %add3A_3 = arith.constant 0 : i32
    %add3A_4 = arith.addi %mul3A_2, %add3A_3 : i32
    %dma_start3A = tpu.memref_slice %arg3[%add3A_4] : memref<327680xi32, #tpu.memory_space<hbm>> -> memref<64xi32, #tpu.memory_space<hbm>>
    %dma_start3A_5 = tpu.memref_slice %arg3[%add3A_4] : memref<327680xi32, #tpu.memory_space<hbm>> -> memref<64xi32, #tpu.memory_space<hbm>>
    tpu.enqueue_dma source(%dma_start3A_5 : memref<64xi32, #tpu.memory_space<hbm>>) target(%arg6 : memref<64xi32, #tpu.memory_space<vmem>>) target_semaphore(%arg33 : memref<!tpu.dma_semaphore, #tpu.memory_space<semaphore_mem>>)
    %add3A_6 = arith.constant 0 : i32
    %add3A_7 = arith.addi %mul3A_2, %add3A_6 : i32
    %dma_start3A_8 = tpu.memref_slice %arg4[%add3A_7] : memref<327680xi32, #tpu.memory_space<hbm>> -> memref<64xi32, #tpu.memory_space<hbm>>
    %dma_start3A_9 = tpu.memref_slice %arg4[%add3A_7] : memref<327680xi32, #tpu.memory_space<hbm>> -> memref<64xi32, #tpu.memory_space<hbm>>
    tpu.enqueue_dma source(%dma_start3A_9 : memref<64xi32, #tpu.memory_space<hbm>>) target(%arg14 : memref<64xi32, #tpu.memory_space<vmem>>) target_semaphore(%arg41 : memref<!tpu.dma_semaphore, #tpu.memory_space<semaphore_mem>>)
    %add3A_10 = arith.constant 64 : i32
    %add3A_11 = arith.addi %mul3A_2, %add3A_10 : i32
    %dma_start3A_12 = tpu.memref_slice %arg3[%add3A_11] : memref<327680xi32, #tpu.memory_space<hbm>> -> memref<64xi32, #tpu.memory_space<hbm>>
    %dma_start3A_13 = tpu.memref_slice %arg3[%add3A_11] : memref<327680xi32, #tpu.memory_space<hbm>> -> memref<64xi32, #tpu.memory_space<hbm>>
    tpu.enqueue_dma source(%dma_start3A_13 : memref<64xi32, #tpu.memory_space<hbm>>) target(%arg7 : memref<64xi32, #tpu.memory_space<vmem>>) target_semaphore(%arg34 : memref<!tpu.dma_semaphore, #tpu.memory_space<semaphore_mem>>)
    %add3A_14 = arith.constant 64 : i32
    %add3A_15 = arith.addi %mul3A_2, %add3A_14 : i32
    %dma_start3A_16 = tpu.memref_slice %arg4[%add3A_15] : memref<327680xi32, #tpu.memory_space<hbm>> -> memref<64xi32, #tpu.memory_space<hbm>>
    %dma_start3A_17 = tpu.memref_slice %arg4[%add3A_15] : memref<327680xi32, #tpu.memory_space<hbm>> -> memref<64xi32, #tpu.memory_space<hbm>>
    tpu.enqueue_dma source(%dma_start3A_17 : memref<64xi32, #tpu.memory_space<hbm>>) target(%arg15 : memref<64xi32, #tpu.memory_space<vmem>>) target_semaphore(%arg42 : memref<!tpu.dma_semaphore, #tpu.memory_space<semaphore_mem>>)
    %add3A_18 = arith.constant 128 : i32
    %add3A_19 = arith.addi %mul3A_2, %add3A_18 : i32
    %dma_start3A_20 = tpu.memref_slice %arg3[%add3A_19] : memref<327680xi32, #tpu.memory_space<hbm>> -> memref<64xi32, #tpu.memory_space<hbm>>
    %dma_start3A_21 = tpu.memref_slice %arg3[%add3A_19] : memref<327680xi32, #tpu.memory_space<hbm>> -> memref<64xi32, #tpu.memory_space<hbm>>
    tpu.enqueue_dma source(%dma_start3A_21 : memref<64xi32, #tpu.memory_space<hbm>>) target(%arg8 : memref<64xi32, #tpu.memory_space<vmem>>) target_semaphore(%arg35 : memref<!tpu.dma_semaphore, #tpu.memory_space<semaphore_mem>>)
    %add3A_22 = arith.constant 128 : i32
    %add3A_23 = arith.addi %mul3A_2, %add3A_22 : i32
    %dma_start3A_24 = tpu.memref_slice %arg4[%add3A_23] : memref<327680xi32, #tpu.memory_space<hbm>> -> memref<64xi32, #tpu.memory_space<hbm>>
    %dma_start3A_25 = tpu.memref_slice %arg4[%add3A_23] : memref<327680xi32, #tpu.memory_space<hbm>> -> memref<64xi32, #tpu.memory_space<hbm>>
    tpu.enqueue_dma source(%dma_start3A_25 : memref<64xi32, #tpu.memory_space<hbm>>) target(%arg16 : memref<64xi32, #tpu.memory_space<vmem>>) target_semaphore(%arg43 : memref<!tpu.dma_semaphore, #tpu.memory_space<semaphore_mem>>)
    %add3A_26 = arith.constant 192 : i32
    %add3A_27 = arith.addi %mul3A_2, %add3A_26 : i32
    %dma_start3A_28 = tpu.memref_slice %arg3[%add3A_27] : memref<327680xi32, #tpu.memory_space<hbm>> -> memref<64xi32, #tpu.memory_space<hbm>>
    %dma_start3A_29 = tpu.memref_slice %arg3[%add3A_27] : memref<327680xi32, #tpu.memory_space<hbm>> -> memref<64xi32, #tpu.memory_space<hbm>>
    tpu.enqueue_dma source(%dma_start3A_29 : memref<64xi32, #tpu.memory_space<hbm>>) target(%arg9 : memref<64xi32, #tpu.memory_space<vmem>>) target_semaphore(%arg36 : memref<!tpu.dma_semaphore, #tpu.memory_space<semaphore_mem>>)
    %add3A_30 = arith.constant 192 : i32
    %add3A_31 = arith.addi %mul3A_2, %add3A_30 : i32
    %dma_start3A_32 = tpu.memref_slice %arg4[%add3A_31] : memref<327680xi32, #tpu.memory_space<hbm>> -> memref<64xi32, #tpu.memory_space<hbm>>
    %dma_start3A_33 = tpu.memref_slice %arg4[%add3A_31] : memref<327680xi32, #tpu.memory_space<hbm>> -> memref<64xi32, #tpu.memory_space<hbm>>
    tpu.enqueue_dma source(%dma_start3A_33 : memref<64xi32, #tpu.memory_space<hbm>>) target(%arg17 : memref<64xi32, #tpu.memory_space<vmem>>) target_semaphore(%arg44 : memref<!tpu.dma_semaphore, #tpu.memory_space<semaphore_mem>>)
    %scan3A = arith.constant 0 : i32
    %scan3A_34 = arith.constant 0 : i32
    %scan3A_35 = arith.constant 512 : i32
    %scan3A_36 = arith.addi %scan3A_34, %scan3A_35 : i32
    %scan3A_37 = arith.constant 1 : i32
    scf.for %scan3A_459 = %scan3A_34 to %scan3A_36 step %scan3A_37  : i32 {
      %broadcast_in_dim3A = arith.constant 0.000000e+00 : f32
      %broadcast_in_dim3A_460 = vector.broadcast %broadcast_in_dim3A : f32 to vector<16xf32>
      %jit3A = arith.constant 8 : i32
      %div3A = arith.divsi %scan3A_459, %jit3A : i32
      %sign3A = arith.constant 0 : i32
      %sign3A_461 = arith.cmpi sgt, %scan3A_459, %sign3A : i32
      %sign3A_462 = arith.extui %sign3A_461 : i1 to i32
      %sign3A_463 = arith.constant 0 : i32
      %sign3A_464 = arith.cmpi slt, %scan3A_459, %sign3A_463 : i32
      %sign3A_465 = arith.extui %sign3A_464 : i1 to i32
      %sign3A_466 = arith.subi %sign3A_462, %sign3A_465 : i32
      %sign3A_467 = arith.constant 0 : i32
      %sign3A_468 = arith.cmpi sgt, %jit3A, %sign3A_467 : i32
      %sign3A_469 = arith.extui %sign3A_468 : i1 to i32
      %sign3A_470 = arith.constant 0 : i32
      %sign3A_471 = arith.cmpi slt, %jit3A, %sign3A_470 : i32
      %sign3A_472 = arith.extui %sign3A_471 : i1 to i32
      %sign3A_473 = arith.subi %sign3A_469, %sign3A_472 : i32
      %ne3A = arith.cmpi ne, %sign3A_466, %sign3A_473 : i32
      %rem3A = arith.remsi %scan3A_459, %jit3A : i32
      %ne3A_474 = arith.constant 0 : i32
      %ne3A_475 = arith.cmpi ne, %rem3A, %ne3A_474 : i32
      %and3A = arith.andi %ne3A, %ne3A_475 : i1
      %sub3A = arith.constant 1 : i32
      %sub3A_476 = arith.subi %div3A, %sub3A : i32
      %select_n3A = arith.select %and3A, %sub3A_476, %div3A : i32
      %jit3A_477 = arith.constant 8 : i32
      %eq3A = arith.constant 0 : i32
      %eq3A_478 = arith.cmpi eq, %jit3A_477, %eq3A : i32
      %jit3A_479 = arith.constant 1 : i32
      %select_n3A_480 = arith.select %eq3A_478, %jit3A_479, %jit3A_477 : i32
      %rem3A_481 = arith.remsi %scan3A_459, %select_n3A_480 : i32
      %ne3A_482 = arith.constant 0 : i32
      %ne3A_483 = arith.cmpi ne, %rem3A_481, %ne3A_482 : i32
      %lt3A = arith.constant 0 : i32
      %lt3A_484 = arith.cmpi slt, %rem3A_481, %lt3A : i32
      %lt3A_485 = arith.constant 0 : i32
      %lt3A_486 = arith.cmpi slt, %select_n3A_480, %lt3A_485 : i32
      %ne3A_487 = arith.xori %lt3A_484, %lt3A_486 : i1
      %and3A_488 = arith.andi %ne3A_487, %ne3A_483 : i1
      %add3A_489 = arith.addi %rem3A_481, %select_n3A_480 : i32
      %select_n3A_490 = arith.select %and3A_488, %add3A_489, %rem3A_481 : i32
      %mul3A_491 = arith.constant 16 : i32
      %mul3A_492 = arith.muli %select_n3A_490, %mul3A_491 : i32
      %swap3A = arith.index_cast %select_n3A : i32 to index
      %swap3A_493 = arith.index_cast %mul3A_492 : i32 to index
      %swap3A_494 = tpu.vector_load %arg22[%swap3A, %swap3A_493] {strides = array<i32>} : memref<64x128xf32, #tpu.memory_space<vmem>>, vector<1x16xf32>,
      %swap3A_495 = vector.shape_cast %swap3A_494 : vector<1x16xf32> to vector<16xf32>
      %swap3A_496 = vector.shape_cast %broadcast_in_dim3A_460 : vector<16xf32> to vector<1x16xf32>
      tpu.vector_store %arg22[%swap3A, %swap3A_493], %swap3A_496 {strides = array<i32>} : memref<64x128xf32, #tpu.memory_space<vmem>>, vector<1x16xf32>,
    }
    %scan3A_38 = arith.constant 512 : i32
    %mul3A_39 = arith.constant 640 : i32
    %mul3A_40 = arith.muli %arg1, %mul3A_39 : i32
    %add3A_41 = arith.constant 0 : i32
    %add3A_42 = arith.addi %mul3A_40, %add3A_41 : i32
    "tpu.region"() ({
      %run_scoped3A = tpu.sem_alloc : memref<!tpu.dma_semaphore, #tpu.memory_space<semaphore_mem>>
      %dma_start3A_459 = arith.constant 0 : i32
      %dma_start3A_460 = tpu.memref_slice %arg26[%add3A_42, %dma_start3A_459] : memref<10240x128xf32, #tpu.memory_space<vmem_shared>> -> memref<64x128xf32, #tpu.memory_space<vmem_shared>>
      %dma_start3A_461 = arith.constant 0 : i32
      %dma_start3A_462 = tpu.memref_slice %arg26[%add3A_42, %dma_start3A_461] : memref<10240x128xf32, #tpu.memory_space<vmem_shared>> -> memref<64x128xf32, #tpu.memory_space<vmem_shared>>
      tpu.enqueue_dma source(%arg22 : memref<64x128xf32, #tpu.memory_space<vmem>>) target(%dma_start3A_462 : memref<64x128xf32, #tpu.memory_space<vmem_shared>>) target_semaphore(%run_scoped3A : memref<!tpu.dma_semaphore, #tpu.memory_space<semaphore_mem>>)
      %dma_wait3A_463 = arith.constant 0 : i32
      %dma_wait3A_464 = tpu.memref_slice %arg26[%add3A_42, %dma_wait3A_463] : memref<10240x128xf32, #tpu.memory_space<vmem_shared>> -> memref<64x128xf32, #tpu.memory_space<vmem_shared>>
      %dma_wait3A_465 = arith.constant 0 : i32
      %dma_wait3A_466 = tpu.memref_slice %arg26[%add3A_42, %dma_wait3A_465] : memref<10240x128xf32, #tpu.memory_space<vmem_shared>> -> memref<64x128xf32, #tpu.memory_space<vmem_shared>>
      tpu.wait_dma2 semaphore(%run_scoped3A : memref<!tpu.dma_semaphore, #tpu.memory_space<semaphore_mem>>) src(%arg22 : memref<64x128xf32, #tpu.memory_space<vmem>>) dst(%dma_wait3A_466 : memref<64x128xf32, #tpu.memory_space<vmem_shared>>)
      tpu.yield
    }) : () -> ()
    %add3A_43 = arith.constant 64 : i32
    %add3A_44 = arith.addi %mul3A_40, %add3A_43 : i32
    "tpu.region"() ({
      %run_scoped3A = tpu.sem_alloc : memref<!tpu.dma_semaphore, #tpu.memory_space<semaphore_mem>>
      %dma_start3A_459 = arith.constant 0 : i32
      %dma_start3A_460 = tpu.memref_slice %arg26[%add3A_44, %dma_start3A_459] : memref<10240x128xf32, #tpu.memory_space<vmem_shared>> -> memref<64x128xf32, #tpu.memory_space<vmem_shared>>
      %dma_start3A_461 = arith.constant 0 : i32
      %dma_start3A_462 = tpu.memref_slice %arg26[%add3A_44, %dma_start3A_461] : memref<10240x128xf32, #tpu.memory_space<vmem_shared>> -> memref<64x128xf32, #tpu.memory_space<vmem_shared>>
      tpu.enqueue_dma source(%arg22 : memref<64x128xf32, #tpu.memory_space<vmem>>) target(%dma_start3A_462 : memref<64x128xf32, #tpu.memory_space<vmem_shared>>) target_semaphore(%run_scoped3A : memref<!tpu.dma_semaphore, #tpu.memory_space<semaphore_mem>>)
      %dma_wait3A_463 = arith.constant 0 : i32
      %dma_wait3A_464 = tpu.memref_slice %arg26[%add3A_44, %dma_wait3A_463] : memref<10240x128xf32, #tpu.memory_space<vmem_shared>> -> memref<64x128xf32, #tpu.memory_space<vmem_shared>>
      %dma_wait3A_465 = arith.constant 0 : i32
      %dma_wait3A_466 = tpu.memref_slice %arg26[%add3A_44, %dma_wait3A_465] : memref<10240x128xf32, #tpu.memory_space<vmem_shared>> -> memref<64x128xf32, #tpu.memory_space<vmem_shared>>
      tpu.wait_dma2 semaphore(%run_scoped3A : memref<!tpu.dma_semaphore, #tpu.memory_space<semaphore_mem>>) src(%arg22 : memref<64x128xf32, #tpu.memory_space<vmem>>) dst(%dma_wait3A_466 : memref<64x128xf32, #tpu.memory_space<vmem_shared>>)
      tpu.yield
    }) : () -> ()
    %add3A_45 = arith.constant 128 : i32
    %add3A_46 = arith.addi %mul3A_40, %add3A_45 : i32
    "tpu.region"() ({
      %run_scoped3A = tpu.sem_alloc : memref<!tpu.dma_semaphore, #tpu.memory_space<semaphore_mem>>
      %dma_start3A_459 = arith.constant 0 : i32
      %dma_start3A_460 = tpu.memref_slice %arg26[%add3A_46, %dma_start3A_459] : memref<10240x128xf32, #tpu.memory_space<vmem_shared>> -> memref<64x128xf32, #tpu.memory_space<vmem_shared>>
      %dma_start3A_461 = arith.constant 0 : i32
      %dma_start3A_462 = tpu.memref_slice %arg26[%add3A_46, %dma_start3A_461] : memref<10240x128xf32, #tpu.memory_space<vmem_shared>> -> memref<64x128xf32, #tpu.memory_space<vmem_shared>>
      tpu.enqueue_dma source(%arg22 : memref<64x128xf32, #tpu.memory_space<vmem>>) target(%dma_start3A_462 : memref<64x128xf32, #tpu.memory_space<vmem_shared>>) target_semaphore(%run_scoped3A : memref<!tpu.dma_semaphore, #tpu.memory_space<semaphore_mem>>)
      %dma_wait3A_463 = arith.constant 0 : i32
      %dma_wait3A_464 = tpu.memref_slice %arg26[%add3A_46, %dma_wait3A_463] : memref<10240x128xf32, #tpu.memory_space<vmem_shared>> -> memref<64x128xf32, #tpu.memory_space<vmem_shared>>
      %dma_wait3A_465 = arith.constant 0 : i32
      %dma_wait3A_466 = tpu.memref_slice %arg26[%add3A_46, %dma_wait3A_465] : memref<10240x128xf32, #tpu.memory_space<vmem_shared>> -> memref<64x128xf32, #tpu.memory_space<vmem_shared>>
      tpu.wait_dma2 semaphore(%run_scoped3A : memref<!tpu.dma_semaphore, #tpu.memory_space<semaphore_mem>>) src(%arg22 : memref<64x128xf32, #tpu.memory_space<vmem>>) dst(%dma_wait3A_466 : memref<64x128xf32, #tpu.memory_space<vmem_shared>>)
      tpu.yield
    }) : () -> ()
    %add3A_47 = arith.constant 192 : i32
    %add3A_48 = arith.addi %mul3A_40, %add3A_47 : i32
    "tpu.region"() ({
      %run_scoped3A = tpu.sem_alloc : memref<!tpu.dma_semaphore, #tpu.memory_space<semaphore_mem>>
      %dma_start3A_459 = arith.constant 0 : i32
      %dma_start3A_460 = tpu.memref_slice %arg26[%add3A_48, %dma_start3A_459] : memref<10240x128xf32, #tpu.memory_space<vmem_shared>> -> memref<64x128xf32, #tpu.memory_space<vmem_shared>>
      %dma_start3A_461 = arith.constant 0 : i32
      %dma_start3A_462 = tpu.memref_slice %arg26[%add3A_48, %dma_start3A_461] : memref<10240x128xf32, #tpu.memory_space<vmem_shared>> -> memref<64x128xf32, #tpu.memory_space<vmem_shared>>
      tpu.enqueue_dma source(%arg22 : memref<64x128xf32, #tpu.memory_space<vmem>>) target(%dma_start3A_462 : memref<64x128xf32, #tpu.memory_space<vmem_shared>>) target_semaphore(%run_scoped3A : memref<!tpu.dma_semaphore, #tpu.memory_space<semaphore_mem>>)
      %dma_wait3A_463 = arith.constant 0 : i32
      %dma_wait3A_464 = tpu.memref_slice %arg26[%add3A_48, %dma_wait3A_463] : memref<10240x128xf32, #tpu.memory_space<vmem_shared>> -> memref<64x128xf32, #tpu.memory_space<vmem_shared>>
      %dma_wait3A_465 = arith.constant 0 : i32
      %dma_wait3A_466 = tpu.memref_slice %arg26[%add3A_48, %dma_wait3A_465] : memref<10240x128xf32, #tpu.memory_space<vmem_shared>> -> memref<64x128xf32, #tpu.memory_space<vmem_shared>>
      tpu.wait_dma2 semaphore(%run_scoped3A : memref<!tpu.dma_semaphore, #tpu.memory_space<semaphore_mem>>) src(%arg22 : memref<64x128xf32, #tpu.memory_space<vmem>>) dst(%dma_wait3A_466 : memref<64x128xf32, #tpu.memory_space<vmem_shared>>)
      tpu.yield
    }) : () -> ()
    %add3A_49 = arith.constant 256 : i32
    %add3A_50 = arith.addi %mul3A_40, %add3A_49 : i32
    "tpu.region"() ({
      %run_scoped3A = tpu.sem_alloc : memref<!tpu.dma_semaphore, #tpu.memory_space<semaphore_mem>>
      %dma_start3A_459 = arith.constant 0 : i32
      %dma_start3A_460 = tpu.memref_slice %arg26[%add3A_50, %dma_start3A_459] : memref<10240x128xf32, #tpu.memory_space<vmem_shared>> -> memref<64x128xf32, #tpu.memory_space<vmem_shared>>
      %dma_start3A_461 = arith.constant 0 : i32
      %dma_start3A_462 = tpu.memref_slice %arg26[%add3A_50, %dma_start3A_461] : memref<10240x128xf32, #tpu.memory_space<vmem_shared>> -> memref<64x128xf32, #tpu.memory_space<vmem_shared>>
      tpu.enqueue_dma source(%arg22 : memref<64x128xf32, #tpu.memory_space<vmem>>) target(%dma_start3A_462 : memref<64x128xf32, #tpu.memory_space<vmem_shared>>) target_semaphore(%run_scoped3A : memref<!tpu.dma_semaphore, #tpu.memory_space<semaphore_mem>>)
      %dma_wait3A_463 = arith.constant 0 : i32
      %dma_wait3A_464 = tpu.memref_slice %arg26[%add3A_50, %dma_wait3A_463] : memref<10240x128xf32, #tpu.memory_space<vmem_shared>> -> memref<64x128xf32, #tpu.memory_space<vmem_shared>>
      %dma_wait3A_465 = arith.constant 0 : i32
      %dma_wait3A_466 = tpu.memref_slice %arg26[%add3A_50, %dma_wait3A_465] : memref<10240x128xf32, #tpu.memory_space<vmem_shared>> -> memref<64x128xf32, #tpu.memory_space<vmem_shared>>
      tpu.wait_dma2 semaphore(%run_scoped3A : memref<!tpu.dma_semaphore, #tpu.memory_space<semaphore_mem>>) src(%arg22 : memref<64x128xf32, #tpu.memory_space<vmem>>) dst(%dma_wait3A_466 : memref<64x128xf32, #tpu.memory_space<vmem_shared>>)
      tpu.yield
    }) : () -> ()
    %add3A_51 = arith.constant 320 : i32
    %add3A_52 = arith.addi %mul3A_40, %add3A_51 : i32
    "tpu.region"() ({
      %run_scoped3A = tpu.sem_alloc : memref<!tpu.dma_semaphore, #tpu.memory_space<semaphore_mem>>
      %dma_start3A_459 = arith.constant 0 : i32
      %dma_start3A_460 = tpu.memref_slice %arg26[%add3A_52, %dma_start3A_459] : memref<10240x128xf32, #tpu.memory_space<vmem_shared>> -> memref<64x128xf32, #tpu.memory_space<vmem_shared>>
      %dma_start3A_461 = arith.constant 0 : i32
      %dma_start3A_462 = tpu.memref_slice %arg26[%add3A_52, %dma_start3A_461] : memref<10240x128xf32, #tpu.memory_space<vmem_shared>> -> memref<64x128xf32, #tpu.memory_space<vmem_shared>>
      tpu.enqueue_dma source(%arg22 : memref<64x128xf32, #tpu.memory_space<vmem>>) target(%dma_start3A_462 : memref<64x128xf32, #tpu.memory_space<vmem_shared>>) target_semaphore(%run_scoped3A : memref<!tpu.dma_semaphore, #tpu.memory_space<semaphore_mem>>)
      %dma_wait3A_463 = arith.constant 0 : i32
      %dma_wait3A_464 = tpu.memref_slice %arg26[%add3A_52, %dma_wait3A_463] : memref<10240x128xf32, #tpu.memory_space<vmem_shared>> -> memref<64x128xf32, #tpu.memory_space<vmem_shared>>
      %dma_wait3A_465 = arith.constant 0 : i32
      %dma_wait3A_466 = tpu.memref_slice %arg26[%add3A_52, %dma_wait3A_465] : memref<10240x128xf32, #tpu.memory_space<vmem_shared>> -> memref<64x128xf32, #tpu.memory_space<vmem_shared>>
      tpu.wait_dma2 semaphore(%run_scoped3A : memref<!tpu.dma_semaphore, #tpu.memory_space<semaphore_mem>>) src(%arg22 : memref<64x128xf32, #tpu.memory_space<vmem>>) dst(%dma_wait3A_466 : memref<64x128xf32, #tpu.memory_space<vmem_shared>>)
      tpu.yield
    }) : () -> ()
    %add3A_53 = arith.constant 384 : i32
    %add3A_54 = arith.addi %mul3A_40, %add3A_53 : i32
    "tpu.region"() ({
      %run_scoped3A = tpu.sem_alloc : memref<!tpu.dma_semaphore, #tpu.memory_space<semaphore_mem>>
      %dma_start3A_459 = arith.constant 0 : i32
      %dma_start3A_460 = tpu.memref_slice %arg26[%add3A_54, %dma_start3A_459] : memref<10240x128xf32, #tpu.memory_space<vmem_shared>> -> memref<64x128xf32, #tpu.memory_space<vmem_shared>>
      %dma_start3A_461 = arith.constant 0 : i32
      %dma_start3A_462 = tpu.memref_slice %arg26[%add3A_54, %dma_start3A_461] : memref<10240x128xf32, #tpu.memory_space<vmem_shared>> -> memref<64x128xf32, #tpu.memory_space<vmem_shared>>
      tpu.enqueue_dma source(%arg22 : memref<64x128xf32, #tpu.memory_space<vmem>>) target(%dma_start3A_462 : memref<64x128xf32, #tpu.memory_space<vmem_shared>>) target_semaphore(%run_scoped3A : memref<!tpu.dma_semaphore, #tpu.memory_space<semaphore_mem>>)
      %dma_wait3A_463 = arith.constant 0 : i32
      %dma_wait3A_464 = tpu.memref_slice %arg26[%add3A_54, %dma_wait3A_463] : memref<10240x128xf32, #tpu.memory_space<vmem_shared>> -> memref<64x128xf32, #tpu.memory_space<vmem_shared>>
      %dma_wait3A_465 = arith.constant 0 : i32
      %dma_wait3A_466 = tpu.memref_slice %arg26[%add3A_54, %dma_wait3A_465] : memref<10240x128xf32, #tpu.memory_space<vmem_shared>> -> memref<64x128xf32, #tpu.memory_space<vmem_shared>>
      tpu.wait_dma2 semaphore(%run_scoped3A : memref<!tpu.dma_semaphore, #tpu.memory_space<semaphore_mem>>) src(%arg22 : memref<64x128xf32, #tpu.memory_space<vmem>>) dst(%dma_wait3A_466 : memref<64x128xf32, #tpu.memory_space<vmem_shared>>)
      tpu.yield
    }) : () -> ()
    %add3A_55 = arith.constant 448 : i32
    %add3A_56 = arith.addi %mul3A_40, %add3A_55 : i32
    "tpu.region"() ({
      %run_scoped3A = tpu.sem_alloc : memref<!tpu.dma_semaphore, #tpu.memory_space<semaphore_mem>>
      %dma_start3A_459 = arith.constant 0 : i32
      %dma_start3A_460 = tpu.memref_slice %arg26[%add3A_56, %dma_start3A_459] : memref<10240x128xf32, #tpu.memory_space<vmem_shared>> -> memref<64x128xf32, #tpu.memory_space<vmem_shared>>
      %dma_start3A_461 = arith.constant 0 : i32
      %dma_start3A_462 = tpu.memref_slice %arg26[%add3A_56, %dma_start3A_461] : memref<10240x128xf32, #tpu.memory_space<vmem_shared>> -> memref<64x128xf32, #tpu.memory_space<vmem_shared>>
      tpu.enqueue_dma source(%arg22 : memref<64x128xf32, #tpu.memory_space<vmem>>) target(%dma_start3A_462 : memref<64x128xf32, #tpu.memory_space<vmem_shared>>) target_semaphore(%run_scoped3A : memref<!tpu.dma_semaphore, #tpu.memory_space<semaphore_mem>>)
      %dma_wait3A_463 = arith.constant 0 : i32
      %dma_wait3A_464 = tpu.memref_slice %arg26[%add3A_56, %dma_wait3A_463] : memref<10240x128xf32, #tpu.memory_space<vmem_shared>> -> memref<64x128xf32, #tpu.memory_space<vmem_shared>>
      %dma_wait3A_465 = arith.constant 0 : i32
      %dma_wait3A_466 = tpu.memref_slice %arg26[%add3A_56, %dma_wait3A_465] : memref<10240x128xf32, #tpu.memory_space<vmem_shared>> -> memref<64x128xf32, #tpu.memory_space<vmem_shared>>
      tpu.wait_dma2 semaphore(%run_scoped3A : memref<!tpu.dma_semaphore, #tpu.memory_space<semaphore_mem>>) src(%arg22 : memref<64x128xf32, #tpu.memory_space<vmem>>) dst(%dma_wait3A_466 : memref<64x128xf32, #tpu.memory_space<vmem_shared>>)
      tpu.yield
    }) : () -> ()
    %add3A_57 = arith.constant 512 : i32
    %add3A_58 = arith.addi %mul3A_40, %add3A_57 : i32
    "tpu.region"() ({
      %run_scoped3A = tpu.sem_alloc : memref<!tpu.dma_semaphore, #tpu.memory_space<semaphore_mem>>
      %dma_start3A_459 = arith.constant 0 : i32
      %dma_start3A_460 = tpu.memref_slice %arg26[%add3A_58, %dma_start3A_459] : memref<10240x128xf32, #tpu.memory_space<vmem_shared>> -> memref<64x128xf32, #tpu.memory_space<vmem_shared>>
      %dma_start3A_461 = arith.constant 0 : i32
      %dma_start3A_462 = tpu.memref_slice %arg26[%add3A_58, %dma_start3A_461] : memref<10240x128xf32, #tpu.memory_space<vmem_shared>> -> memref<64x128xf32, #tpu.memory_space<vmem_shared>>
      tpu.enqueue_dma source(%arg22 : memref<64x128xf32, #tpu.memory_space<vmem>>) target(%dma_start3A_462 : memref<64x128xf32, #tpu.memory_space<vmem_shared>>) target_semaphore(%run_scoped3A : memref<!tpu.dma_semaphore, #tpu.memory_space<semaphore_mem>>)
      %dma_wait3A_463 = arith.constant 0 : i32
      %dma_wait3A_464 = tpu.memref_slice %arg26[%add3A_58, %dma_wait3A_463] : memref<10240x128xf32, #tpu.memory_space<vmem_shared>> -> memref<64x128xf32, #tpu.memory_space<vmem_shared>>
      %dma_wait3A_465 = arith.constant 0 : i32
      %dma_wait3A_466 = tpu.memref_slice %arg26[%add3A_58, %dma_wait3A_465] : memref<10240x128xf32, #tpu.memory_space<vmem_shared>> -> memref<64x128xf32, #tpu.memory_space<vmem_shared>>
      tpu.wait_dma2 semaphore(%run_scoped3A : memref<!tpu.dma_semaphore, #tpu.memory_space<semaphore_mem>>) src(%arg22 : memref<64x128xf32, #tpu.memory_space<vmem>>) dst(%dma_wait3A_466 : memref<64x128xf32, #tpu.memory_space<vmem_shared>>)
      tpu.yield
    }) : () -> ()
    %add3A_59 = arith.constant 576 : i32
    %add3A_60 = arith.addi %mul3A_40, %add3A_59 : i32
    "tpu.region"() ({
      %run_scoped3A = tpu.sem_alloc : memref<!tpu.dma_semaphore, #tpu.memory_space<semaphore_mem>>
      %dma_start3A_459 = arith.constant 0 : i32
      %dma_start3A_460 = tpu.memref_slice %arg26[%add3A_60, %dma_start3A_459] : memref<10240x128xf32, #tpu.memory_space<vmem_shared>> -> memref<64x128xf32, #tpu.memory_space<vmem_shared>>
      %dma_start3A_461 = arith.constant 0 : i32
      %dma_start3A_462 = tpu.memref_slice %arg26[%add3A_60, %dma_start3A_461] : memref<10240x128xf32, #tpu.memory_space<vmem_shared>> -> memref<64x128xf32, #tpu.memory_space<vmem_shared>>
      tpu.enqueue_dma source(%arg22 : memref<64x128xf32, #tpu.memory_space<vmem>>) target(%dma_start3A_462 : memref<64x128xf32, #tpu.memory_space<vmem_shared>>) target_semaphore(%run_scoped3A : memref<!tpu.dma_semaphore, #tpu.memory_space<semaphore_mem>>)
      %dma_wait3A_463 = arith.constant 0 : i32
      %dma_wait3A_464 = tpu.memref_slice %arg26[%add3A_60, %dma_wait3A_463] : memref<10240x128xf32, #tpu.memory_space<vmem_shared>> -> memref<64x128xf32, #tpu.memory_space<vmem_shared>>
      %dma_wait3A_465 = arith.constant 0 : i32
      %dma_wait3A_466 = tpu.memref_slice %arg26[%add3A_60, %dma_wait3A_465] : memref<10240x128xf32, #tpu.memory_space<vmem_shared>> -> memref<64x128xf32, #tpu.memory_space<vmem_shared>>
      tpu.wait_dma2 semaphore(%run_scoped3A : memref<!tpu.dma_semaphore, #tpu.memory_space<semaphore_mem>>) src(%arg22 : memref<64x128xf32, #tpu.memory_space<vmem>>) dst(%dma_wait3A_466 : memref<64x128xf32, #tpu.memory_space<vmem_shared>>)
      tpu.yield
    }) : () -> ()
    %barrier3A = arith.constant 0 : index
    tpu.barrier barrier_id(%barrier3A)
    %dma_wait3A = arith.constant 0 : i32
    %dma_wait3A_61 = tpu.memref_slice %arg3[%dma_wait3A] : memref<327680xi32, #tpu.memory_space<hbm>> -> memref<64xi32, #tpu.memory_space<hbm>>
    %dma_wait3A_62 = arith.constant 0 : i32
    %dma_wait3A_63 = tpu.memref_slice %arg3[%dma_wait3A_62] : memref<327680xi32, #tpu.memory_space<hbm>> -> memref<64xi32, #tpu.memory_space<hbm>>
    tpu.wait_dma2 semaphore(%arg33 : memref<!tpu.dma_semaphore, #tpu.memory_space<semaphore_mem>>) src(%dma_wait3A_63 : memref<64xi32, #tpu.memory_space<hbm>>) dst(%arg6 : memref<64xi32, #tpu.memory_space<vmem>>)
    %dma_wait3A_64 = arith.constant 0 : i32
    %dma_wait3A_65 = tpu.memref_slice %arg4[%dma_wait3A_64] : memref<327680xi32, #tpu.memory_space<hbm>> -> memref<64xi32, #tpu.memory_space<hbm>>
    %dma_wait3A_66 = arith.constant 0 : i32
    %dma_wait3A_67 = tpu.memref_slice %arg4[%dma_wait3A_66] : memref<327680xi32, #tpu.memory_space<hbm>> -> memref<64xi32, #tpu.memory_space<hbm>>
    tpu.wait_dma2 semaphore(%arg41 : memref<!tpu.dma_semaphore, #tpu.memory_space<semaphore_mem>>) src(%dma_wait3A_67 : memref<64xi32, #tpu.memory_space<hbm>>) dst(%arg14 : memref<64xi32, #tpu.memory_space<vmem>>)
    %dma_start3A_68 = arith.constant 0 : i32
    %dma_start3A_69 = arith.constant 0 : i32
    %dma_start3A_70 = tpu.memref_slice %arg2[%dma_start3A_68, %dma_start3A_69] : memref<10000x128xf32, #tpu.memory_space<hbm>> -> memref<10000x128xf32, #tpu.memory_space<hbm>>
    tpu.enqueue_indirect_dma source(%dma_start3A_70 : memref<10000x128xf32, #tpu.memory_space<hbm>>) target(%arg22 : memref<64x128xf32, #tpu.memory_space<vmem>>) offsets(%arg6 : memref<64xi32, #tpu.memory_space<vmem>>) semaphore(%arg27 : memref<!tpu.dma_semaphore, #tpu.memory_space<semaphore_mem>>)
    %add3A_71 = arith.constant 256 : i32
    %add3A_72 = arith.addi %mul3A_2, %add3A_71 : i32
    %dma_start3A_73 = tpu.memref_slice %arg3[%add3A_72] : memref<327680xi32, #tpu.memory_space<hbm>> -> memref<64xi32, #tpu.memory_space<hbm>>
    %dma_start3A_74 = tpu.memref_slice %arg3[%add3A_72] : memref<327680xi32, #tpu.memory_space<hbm>> -> memref<64xi32, #tpu.memory_space<hbm>>
    tpu.enqueue_dma source(%dma_start3A_74 : memref<64xi32, #tpu.memory_space<hbm>>) target(%arg10 : memref<64xi32, #tpu.memory_space<vmem>>) target_semaphore(%arg37 : memref<!tpu.dma_semaphore, #tpu.memory_space<semaphore_mem>>)
    %dma_start3A_75 = tpu.memref_slice %arg4[%add3A_72] : memref<327680xi32, #tpu.memory_space<hbm>> -> memref<64xi32, #tpu.memory_space<hbm>>
    %dma_start3A_76 = tpu.memref_slice %arg4[%add3A_72] : memref<327680xi32, #tpu.memory_space<hbm>> -> memref<64xi32, #tpu.memory_space<hbm>>
    tpu.enqueue_dma source(%dma_start3A_76 : memref<64xi32, #tpu.memory_space<hbm>>) target(%arg18 : memref<64xi32, #tpu.memory_space<vmem>>) target_semaphore(%arg45 : memref<!tpu.dma_semaphore, #tpu.memory_space<semaphore_mem>>)
    %dma_wait3A_77 = arith.constant 0 : i32
    %dma_wait3A_78 = tpu.memref_slice %arg3[%dma_wait3A_77] : memref<327680xi32, #tpu.memory_space<hbm>> -> memref<64xi32, #tpu.memory_space<hbm>>
    %dma_wait3A_79 = arith.constant 0 : i32
    %dma_wait3A_80 = tpu.memref_slice %arg3[%dma_wait3A_79] : memref<327680xi32, #tpu.memory_space<hbm>> -> memref<64xi32, #tpu.memory_space<hbm>>
    tpu.wait_dma2 semaphore(%arg34 : memref<!tpu.dma_semaphore, #tpu.memory_space<semaphore_mem>>) src(%dma_wait3A_80 : memref<64xi32, #tpu.memory_space<hbm>>) dst(%arg7 : memref<64xi32, #tpu.memory_space<vmem>>)
    %dma_wait3A_81 = arith.constant 0 : i32
    %dma_wait3A_82 = tpu.memref_slice %arg4[%dma_wait3A_81] : memref<327680xi32, #tpu.memory_space<hbm>> -> memref<64xi32, #tpu.memory_space<hbm>>
    %dma_wait3A_83 = arith.constant 0 : i32
    %dma_wait3A_84 = tpu.memref_slice %arg4[%dma_wait3A_83] : memref<327680xi32, #tpu.memory_space<hbm>> -> memref<64xi32, #tpu.memory_space<hbm>>
    tpu.wait_dma2 semaphore(%arg42 : memref<!tpu.dma_semaphore, #tpu.memory_space<semaphore_mem>>) src(%dma_wait3A_84 : memref<64xi32, #tpu.memory_space<hbm>>) dst(%arg15 : memref<64xi32, #tpu.memory_space<vmem>>)
    %dma_start3A_85 = arith.constant 0 : i32
    %dma_start3A_86 = arith.constant 0 : i32
    %dma_start3A_87 = tpu.memref_slice %arg2[%dma_start3A_85, %dma_start3A_86] : memref<10000x128xf32, #tpu.memory_space<hbm>> -> memref<10000x128xf32, #tpu.memory_space<hbm>>
    tpu.enqueue_indirect_dma source(%dma_start3A_87 : memref<10000x128xf32, #tpu.memory_space<hbm>>) target(%arg23 : memref<64x128xf32, #tpu.memory_space<vmem>>) offsets(%arg7 : memref<64xi32, #tpu.memory_space<vmem>>) semaphore(%arg28 : memref<!tpu.dma_semaphore, #tpu.memory_space<semaphore_mem>>)
    %add3A_88 = arith.constant 320 : i32
    %add3A_89 = arith.addi %mul3A_2, %add3A_88 : i32
    %dma_start3A_90 = tpu.memref_slice %arg3[%add3A_89] : memref<327680xi32, #tpu.memory_space<hbm>> -> memref<64xi32, #tpu.memory_space<hbm>>
    %dma_start3A_91 = tpu.memref_slice %arg3[%add3A_89] : memref<327680xi32, #tpu.memory_space<hbm>> -> memref<64xi32, #tpu.memory_space<hbm>>
    tpu.enqueue_dma source(%dma_start3A_91 : memref<64xi32, #tpu.memory_space<hbm>>) target(%arg11 : memref<64xi32, #tpu.memory_space<vmem>>) target_semaphore(%arg38 : memref<!tpu.dma_semaphore, #tpu.memory_space<semaphore_mem>>)
    %dma_start3A_92 = tpu.memref_slice %arg4[%add3A_89] : memref<327680xi32, #tpu.memory_space<hbm>> -> memref<64xi32, #tpu.memory_space<hbm>>
    %dma_start3A_93 = tpu.memref_slice %arg4[%add3A_89] : memref<327680xi32, #tpu.memory_space<hbm>> -> memref<64xi32, #tpu.memory_space<hbm>>
    tpu.enqueue_dma source(%dma_start3A_93 : memref<64xi32, #tpu.memory_space<hbm>>) target(%arg19 : memref<64xi32, #tpu.memory_space<vmem>>) target_semaphore(%arg46 : memref<!tpu.dma_semaphore, #tpu.memory_space<semaphore_mem>>)
    %dma_wait3A_94 = arith.constant 0 : i32
    %dma_wait3A_95 = tpu.memref_slice %arg3[%dma_wait3A_94] : memref<327680xi32, #tpu.memory_space<hbm>> -> memref<64xi32, #tpu.memory_space<hbm>>
    %dma_wait3A_96 = arith.constant 0 : i32
    %dma_wait3A_97 = tpu.memref_slice %arg3[%dma_wait3A_96] : memref<327680xi32, #tpu.memory_space<hbm>> -> memref<64xi32, #tpu.memory_space<hbm>>
    tpu.wait_dma2 semaphore(%arg35 : memref<!tpu.dma_semaphore, #tpu.memory_space<semaphore_mem>>) src(%dma_wait3A_97 : memref<64xi32, #tpu.memory_space<hbm>>) dst(%arg8 : memref<64xi32, #tpu.memory_space<vmem>>)
    %dma_wait3A_98 = arith.constant 0 : i32
    %dma_wait3A_99 = tpu.memref_slice %arg4[%dma_wait3A_98] : memref<327680xi32, #tpu.memory_space<hbm>> -> memref<64xi32, #tpu.memory_space<hbm>>
    %dma_wait3A_100 = arith.constant 0 : i32
    %dma_wait3A_101 = tpu.memref_slice %arg4[%dma_wait3A_100] : memref<327680xi32, #tpu.memory_space<hbm>> -> memref<64xi32, #tpu.memory_space<hbm>>
    tpu.wait_dma2 semaphore(%arg43 : memref<!tpu.dma_semaphore, #tpu.memory_space<semaphore_mem>>) src(%dma_wait3A_101 : memref<64xi32, #tpu.memory_space<hbm>>) dst(%arg16 : memref<64xi32, #tpu.memory_space<vmem>>)
    %dma_start3A_102 = arith.constant 0 : i32
    %dma_start3A_103 = arith.constant 0 : i32
    %dma_start3A_104 = tpu.memref_slice %arg2[%dma_start3A_102, %dma_start3A_103] : memref<10000x128xf32, #tpu.memory_space<hbm>> -> memref<10000x128xf32, #tpu.memory_space<hbm>>
    tpu.enqueue_indirect_dma source(%dma_start3A_104 : memref<10000x128xf32, #tpu.memory_space<hbm>>) target(%arg24 : memref<64x128xf32, #tpu.memory_space<vmem>>) offsets(%arg8 : memref<64xi32, #tpu.memory_space<vmem>>) semaphore(%arg29 : memref<!tpu.dma_semaphore, #tpu.memory_space<semaphore_mem>>)
    %dma_wait3A_105 = arith.constant 0 : i32
    %dma_wait3A_106 = arith.constant 0 : i32
    %dma_wait3A_107 = tpu.memref_slice %arg2[%dma_wait3A_105, %dma_wait3A_106] : memref<10000x128xf32, #tpu.memory_space<hbm>> -> memref<10000x128xf32, #tpu.memory_space<hbm>>
    tpu.wait_indirect_dma semaphore(%arg27 : memref<!tpu.dma_semaphore, #tpu.memory_space<semaphore_mem>>) src(%dma_wait3A_107 : memref<10000x128xf32, #tpu.memory_space<hbm>>) dst(%arg22 : memref<64x128xf32, #tpu.memory_space<vmem>>)
    %dma_start3A_108 = arith.constant 0 : i32
    %dma_start3A_109 = arith.constant 0 : i32
    %dma_start3A_110 = tpu.memref_slice %arg26[%dma_start3A_108, %dma_start3A_109] : memref<10240x128xf32, #tpu.memory_space<vmem_shared>> -> memref<10240x128xf32, #tpu.memory_space<vmem_shared>>
    tpu.enqueue_indirect_dma source(%arg22 : memref<64x128xf32, #tpu.memory_space<vmem>>) target(%dma_start3A_110 : memref<10240x128xf32, #tpu.memory_space<vmem_shared>>) offsets(%arg14 : memref<64xi32, #tpu.memory_space<vmem>>) semaphore(%arg31 : memref<!tpu.dma_semaphore, #tpu.memory_space<semaphore_mem>>) {add = true}
    %add3A_111 = arith.constant 384 : i32
    %add3A_112 = arith.addi %mul3A_2, %add3A_111 : i32
    %dma_start3A_113 = tpu.memref_slice %arg3[%add3A_112] : memref<327680xi32, #tpu.memory_space<hbm>> -> memref<64xi32, #tpu.memory_space<hbm>>
    %dma_start3A_114 = tpu.memref_slice %arg3[%add3A_112] : memref<327680xi32, #tpu.memory_space<hbm>> -> memref<64xi32, #tpu.memory_space<hbm>>
    tpu.enqueue_dma source(%dma_start3A_114 : memref<64xi32, #tpu.memory_space<hbm>>) target(%arg12 : memref<64xi32, #tpu.memory_space<vmem>>) target_semaphore(%arg39 : memref<!tpu.dma_semaphore, #tpu.memory_space<semaphore_mem>>)
    %dma_start3A_115 = tpu.memref_slice %arg4[%add3A_112] : memref<327680xi32, #tpu.memory_space<hbm>> -> memref<64xi32, #tpu.memory_space<hbm>>
    %dma_start3A_116 = tpu.memref_slice %arg4[%add3A_112] : memref<327680xi32, #tpu.memory_space<hbm>> -> memref<64xi32, #tpu.memory_space<hbm>>
    tpu.enqueue_dma source(%dma_start3A_116 : memref<64xi32, #tpu.memory_space<hbm>>) target(%arg20 : memref<64xi32, #tpu.memory_space<vmem>>) target_semaphore(%arg47 : memref<!tpu.dma_semaphore, #tpu.memory_space<semaphore_mem>>)
    %dma_wait3A_117 = arith.constant 0 : i32
    %dma_wait3A_118 = tpu.memref_slice %arg3[%dma_wait3A_117] : memref<327680xi32, #tpu.memory_space<hbm>> -> memref<64xi32, #tpu.memory_space<hbm>>
    %dma_wait3A_119 = arith.constant 0 : i32
    %dma_wait3A_120 = tpu.memref_slice %arg3[%dma_wait3A_119] : memref<327680xi32, #tpu.memory_space<hbm>> -> memref<64xi32, #tpu.memory_space<hbm>>
    tpu.wait_dma2 semaphore(%arg36 : memref<!tpu.dma_semaphore, #tpu.memory_space<semaphore_mem>>) src(%dma_wait3A_120 : memref<64xi32, #tpu.memory_space<hbm>>) dst(%arg9 : memref<64xi32, #tpu.memory_space<vmem>>)
    %dma_wait3A_121 = arith.constant 0 : i32
    %dma_wait3A_122 = tpu.memref_slice %arg4[%dma_wait3A_121] : memref<327680xi32, #tpu.memory_space<hbm>> -> memref<64xi32, #tpu.memory_space<hbm>>
    %dma_wait3A_123 = arith.constant 0 : i32
    %dma_wait3A_124 = tpu.memref_slice %arg4[%dma_wait3A_123] : memref<327680xi32, #tpu.memory_space<hbm>> -> memref<64xi32, #tpu.memory_space<hbm>>
    tpu.wait_dma2 semaphore(%arg44 : memref<!tpu.dma_semaphore, #tpu.memory_space<semaphore_mem>>) src(%dma_wait3A_124 : memref<64xi32, #tpu.memory_space<hbm>>) dst(%arg17 : memref<64xi32, #tpu.memory_space<vmem>>)
    %dma_start3A_125 = arith.constant 0 : i32
    %dma_start3A_126 = arith.constant 0 : i32
    %dma_start3A_127 = tpu.memref_slice %arg2[%dma_start3A_125, %dma_start3A_126] : memref<10000x128xf32, #tpu.memory_space<hbm>> -> memref<10000x128xf32, #tpu.memory_space<hbm>>
    tpu.enqueue_indirect_dma source(%dma_start3A_127 : memref<10000x128xf32, #tpu.memory_space<hbm>>) target(%arg25 : memref<64x128xf32, #tpu.memory_space<vmem>>) offsets(%arg9 : memref<64xi32, #tpu.memory_space<vmem>>) semaphore(%arg30 : memref<!tpu.dma_semaphore, #tpu.memory_space<semaphore_mem>>)
    %dma_wait3A_128 = arith.constant 0 : i32
    %dma_wait3A_129 = arith.constant 0 : i32
    %dma_wait3A_130 = tpu.memref_slice %arg2[%dma_wait3A_128, %dma_wait3A_129] : memref<10000x128xf32, #tpu.memory_space<hbm>> -> memref<10000x128xf32, #tpu.memory_space<hbm>>
    tpu.wait_indirect_dma semaphore(%arg28 : memref<!tpu.dma_semaphore, #tpu.memory_space<semaphore_mem>>) src(%dma_wait3A_130 : memref<10000x128xf32, #tpu.memory_space<hbm>>) dst(%arg23 : memref<64x128xf32, #tpu.memory_space<vmem>>)
    %dma_start3A_131 = arith.constant 0 : i32
    %dma_start3A_132 = arith.constant 0 : i32
    %dma_start3A_133 = tpu.memref_slice %arg26[%dma_start3A_131, %dma_start3A_132] : memref<10240x128xf32, #tpu.memory_space<vmem_shared>> -> memref<10240x128xf32, #tpu.memory_space<vmem_shared>>
    tpu.enqueue_indirect_dma source(%arg23 : memref<64x128xf32, #tpu.memory_space<vmem>>) target(%dma_start3A_133 : memref<10240x128xf32, #tpu.memory_space<vmem_shared>>) offsets(%arg15 : memref<64xi32, #tpu.memory_space<vmem>>) semaphore(%arg32 : memref<!tpu.dma_semaphore, #tpu.memory_space<semaphore_mem>>) {add = true}
    %add3A_134 = arith.constant 448 : i32
    %add3A_135 = arith.addi %mul3A_2, %add3A_134 : i32
    %dma_start3A_136 = tpu.memref_slice %arg3[%add3A_135] : memref<327680xi32, #tpu.memory_space<hbm>> -> memref<64xi32, #tpu.memory_space<hbm>>
    %dma_start3A_137 = tpu.memref_slice %arg3[%add3A_135] : memref<327680xi32, #tpu.memory_space<hbm>> -> memref<64xi32, #tpu.memory_space<hbm>>
    tpu.enqueue_dma source(%dma_start3A_137 : memref<64xi32, #tpu.memory_space<hbm>>) target(%arg13 : memref<64xi32, #tpu.memory_space<vmem>>) target_semaphore(%arg40 : memref<!tpu.dma_semaphore, #tpu.memory_space<semaphore_mem>>)
    %dma_start3A_138 = tpu.memref_slice %arg4[%add3A_135] : memref<327680xi32, #tpu.memory_space<hbm>> -> memref<64xi32, #tpu.memory_space<hbm>>
    %dma_start3A_139 = tpu.memref_slice %arg4[%add3A_135] : memref<327680xi32, #tpu.memory_space<hbm>> -> memref<64xi32, #tpu.memory_space<hbm>>
    tpu.enqueue_dma source(%dma_start3A_139 : memref<64xi32, #tpu.memory_space<hbm>>) target(%arg21 : memref<64xi32, #tpu.memory_space<vmem>>) target_semaphore(%arg48 : memref<!tpu.dma_semaphore, #tpu.memory_space<semaphore_mem>>)
    %dma_wait3A_140 = arith.constant 0 : i32
    %dma_wait3A_141 = arith.constant 0 : i32
    %dma_wait3A_142 = tpu.memref_slice %arg26[%dma_wait3A_140, %dma_wait3A_141] : memref<10240x128xf32, #tpu.memory_space<vmem_shared>> -> memref<10240x128xf32, #tpu.memory_space<vmem_shared>>
    tpu.wait_indirect_dma semaphore(%arg31 : memref<!tpu.dma_semaphore, #tpu.memory_space<semaphore_mem>>) src(%arg22 : memref<64x128xf32, #tpu.memory_space<vmem>>) dst(%dma_wait3A_142 : memref<10240x128xf32, #tpu.memory_space<vmem_shared>>)
    %dma_wait3A_143 = arith.constant 0 : i32
    %dma_wait3A_144 = tpu.memref_slice %arg3[%dma_wait3A_143] : memref<327680xi32, #tpu.memory_space<hbm>> -> memref<64xi32, #tpu.memory_space<hbm>>
    %dma_wait3A_145 = arith.constant 0 : i32
    %dma_wait3A_146 = tpu.memref_slice %arg3[%dma_wait3A_145] : memref<327680xi32, #tpu.memory_space<hbm>> -> memref<64xi32, #tpu.memory_space<hbm>>
    tpu.wait_dma2 semaphore(%arg37 : memref<!tpu.dma_semaphore, #tpu.memory_space<semaphore_mem>>) src(%dma_wait3A_146 : memref<64xi32, #tpu.memory_space<hbm>>) dst(%arg10 : memref<64xi32, #tpu.memory_space<vmem>>)
    %dma_wait3A_147 = arith.constant 0 : i32
    %dma_wait3A_148 = tpu.memref_slice %arg4[%dma_wait3A_147] : memref<327680xi32, #tpu.memory_space<hbm>> -> memref<64xi32, #tpu.memory_space<hbm>>
    %dma_wait3A_149 = arith.constant 0 : i32
    %dma_wait3A_150 = tpu.memref_slice %arg4[%dma_wait3A_149] : memref<327680xi32, #tpu.memory_space<hbm>> -> memref<64xi32, #tpu.memory_space<hbm>>
    tpu.wait_dma2 semaphore(%arg45 : memref<!tpu.dma_semaphore, #tpu.memory_space<semaphore_mem>>) src(%dma_wait3A_150 : memref<64xi32, #tpu.memory_space<hbm>>) dst(%arg18 : memref<64xi32, #tpu.memory_space<vmem>>)
    %dma_start3A_151 = arith.constant 0 : i32
    %dma_start3A_152 = arith.constant 0 : i32
    %dma_start3A_153 = tpu.memref_slice %arg2[%dma_start3A_151, %dma_start3A_152] : memref<10000x128xf32, #tpu.memory_space<hbm>> -> memref<10000x128xf32, #tpu.memory_space<hbm>>
    tpu.enqueue_indirect_dma source(%dma_start3A_153 : memref<10000x128xf32, #tpu.memory_space<hbm>>) target(%arg22 : memref<64x128xf32, #tpu.memory_space<vmem>>) offsets(%arg10 : memref<64xi32, #tpu.memory_space<vmem>>) semaphore(%arg27 : memref<!tpu.dma_semaphore, #tpu.memory_space<semaphore_mem>>)
    %dma_wait3A_154 = arith.constant 0 : i32
    %dma_wait3A_155 = arith.constant 0 : i32
    %dma_wait3A_156 = tpu.memref_slice %arg2[%dma_wait3A_154, %dma_wait3A_155] : memref<10000x128xf32, #tpu.memory_space<hbm>> -> memref<10000x128xf32, #tpu.memory_space<hbm>>
    tpu.wait_indirect_dma semaphore(%arg29 : memref<!tpu.dma_semaphore, #tpu.memory_space<semaphore_mem>>) src(%dma_wait3A_156 : memref<10000x128xf32, #tpu.memory_space<hbm>>) dst(%arg24 : memref<64x128xf32, #tpu.memory_space<vmem>>)
    %dma_start3A_157 = arith.constant 0 : i32
    %dma_start3A_158 = arith.constant 0 : i32
    %dma_start3A_159 = tpu.memref_slice %arg26[%dma_start3A_157, %dma_start3A_158] : memref<10240x128xf32, #tpu.memory_space<vmem_shared>> -> memref<10240x128xf32, #tpu.memory_space<vmem_shared>>
    tpu.enqueue_indirect_dma source(%arg24 : memref<64x128xf32, #tpu.memory_space<vmem>>) target(%dma_start3A_159 : memref<10240x128xf32, #tpu.memory_space<vmem_shared>>) offsets(%arg16 : memref<64xi32, #tpu.memory_space<vmem>>) semaphore(%arg31 : memref<!tpu.dma_semaphore, #tpu.memory_space<semaphore_mem>>) {add = true}
    %add3A_160 = arith.constant 512 : i32
    %add3A_161 = arith.addi %mul3A_2, %add3A_160 : i32
    %dma_start3A_162 = tpu.memref_slice %arg3[%add3A_161] : memref<327680xi32, #tpu.memory_space<hbm>> -> memref<64xi32, #tpu.memory_space<hbm>>
    %dma_start3A_163 = tpu.memref_slice %arg3[%add3A_161] : memref<327680xi32, #tpu.memory_space<hbm>> -> memref<64xi32, #tpu.memory_space<hbm>>
    tpu.enqueue_dma source(%dma_start3A_163 : memref<64xi32, #tpu.memory_space<hbm>>) target(%arg6 : memref<64xi32, #tpu.memory_space<vmem>>) target_semaphore(%arg33 : memref<!tpu.dma_semaphore, #tpu.memory_space<semaphore_mem>>)
    %dma_start3A_164 = tpu.memref_slice %arg4[%add3A_161] : memref<327680xi32, #tpu.memory_space<hbm>> -> memref<64xi32, #tpu.memory_space<hbm>>
    %dma_start3A_165 = tpu.memref_slice %arg4[%add3A_161] : memref<327680xi32, #tpu.memory_space<hbm>> -> memref<64xi32, #tpu.memory_space<hbm>>
    tpu.enqueue_dma source(%dma_start3A_165 : memref<64xi32, #tpu.memory_space<hbm>>) target(%arg14 : memref<64xi32, #tpu.memory_space<vmem>>) target_semaphore(%arg41 : memref<!tpu.dma_semaphore, #tpu.memory_space<semaphore_mem>>)
    %dma_wait3A_166 = arith.constant 0 : i32
    %dma_wait3A_167 = arith.constant 0 : i32
    %dma_wait3A_168 = tpu.memref_slice %arg26[%dma_wait3A_166, %dma_wait3A_167] : memref<10240x128xf32, #tpu.memory_space<vmem_shared>> -> memref<10240x128xf32, #tpu.memory_space<vmem_shared>>
    tpu.wait_indirect_dma semaphore(%arg32 : memref<!tpu.dma_semaphore, #tpu.memory_space<semaphore_mem>>) src(%arg23 : memref<64x128xf32, #tpu.memory_space<vmem>>) dst(%dma_wait3A_168 : memref<10240x128xf32, #tpu.memory_space<vmem_shared>>)
    %dma_wait3A_169 = arith.constant 0 : i32
    %dma_wait3A_170 = tpu.memref_slice %arg3[%dma_wait3A_169] : memref<327680xi32, #tpu.memory_space<hbm>> -> memref<64xi32, #tpu.memory_space<hbm>>
    %dma_wait3A_171 = arith.constant 0 : i32
    %dma_wait3A_172 = tpu.memref_slice %arg3[%dma_wait3A_171] : memref<327680xi32, #tpu.memory_space<hbm>> -> memref<64xi32, #tpu.memory_space<hbm>>
    tpu.wait_dma2 semaphore(%arg38 : memref<!tpu.dma_semaphore, #tpu.memory_space<semaphore_mem>>) src(%dma_wait3A_172 : memref<64xi32, #tpu.memory_space<hbm>>) dst(%arg11 : memref<64xi32, #tpu.memory_space<vmem>>)
    %dma_wait3A_173 = arith.constant 0 : i32
    %dma_wait3A_174 = tpu.memref_slice %arg4[%dma_wait3A_173] : memref<327680xi32, #tpu.memory_space<hbm>> -> memref<64xi32, #tpu.memory_space<hbm>>
    %dma_wait3A_175 = arith.constant 0 : i32
    %dma_wait3A_176 = tpu.memref_slice %arg4[%dma_wait3A_175] : memref<327680xi32, #tpu.memory_space<hbm>> -> memref<64xi32, #tpu.memory_space<hbm>>
    tpu.wait_dma2 semaphore(%arg46 : memref<!tpu.dma_semaphore, #tpu.memory_space<semaphore_mem>>) src(%dma_wait3A_176 : memref<64xi32, #tpu.memory_space<hbm>>) dst(%arg19 : memref<64xi32, #tpu.memory_space<vmem>>)
    %dma_start3A_177 = arith.constant 0 : i32
    %dma_start3A_178 = arith.constant 0 : i32
    %dma_start3A_179 = tpu.memref_slice %arg2[%dma_start3A_177, %dma_start3A_178] : memref<10000x128xf32, #tpu.memory_space<hbm>> -> memref<10000x128xf32, #tpu.memory_space<hbm>>
    tpu.enqueue_indirect_dma source(%dma_start3A_179 : memref<10000x128xf32, #tpu.memory_space<hbm>>) target(%arg23 : memref<64x128xf32, #tpu.memory_space<vmem>>) offsets(%arg11 : memref<64xi32, #tpu.memory_space<vmem>>) semaphore(%arg28 : memref<!tpu.dma_semaphore, #tpu.memory_space<semaphore_mem>>)
    %dma_wait3A_180 = arith.constant 0 : i32
    %dma_wait3A_181 = arith.constant 0 : i32
    %dma_wait3A_182 = tpu.memref_slice %arg2[%dma_wait3A_180, %dma_wait3A_181] : memref<10000x128xf32, #tpu.memory_space<hbm>> -> memref<10000x128xf32, #tpu.memory_space<hbm>>
    tpu.wait_indirect_dma semaphore(%arg30 : memref<!tpu.dma_semaphore, #tpu.memory_space<semaphore_mem>>) src(%dma_wait3A_182 : memref<10000x128xf32, #tpu.memory_space<hbm>>) dst(%arg25 : memref<64x128xf32, #tpu.memory_space<vmem>>)
    %dma_start3A_183 = arith.constant 0 : i32
    %dma_start3A_184 = arith.constant 0 : i32
    %dma_start3A_185 = tpu.memref_slice %arg26[%dma_start3A_183, %dma_start3A_184] : memref<10240x128xf32, #tpu.memory_space<vmem_shared>> -> memref<10240x128xf32, #tpu.memory_space<vmem_shared>>
    tpu.enqueue_indirect_dma source(%arg25 : memref<64x128xf32, #tpu.memory_space<vmem>>) target(%dma_start3A_185 : memref<10240x128xf32, #tpu.memory_space<vmem_shared>>) offsets(%arg17 : memref<64xi32, #tpu.memory_space<vmem>>) semaphore(%arg32 : memref<!tpu.dma_semaphore, #tpu.memory_space<semaphore_mem>>) {add = true}
    %add3A_186 = arith.constant 576 : i32
    %add3A_187 = arith.addi %mul3A_2, %add3A_186 : i32
    %dma_start3A_188 = tpu.memref_slice %arg3[%add3A_187] : memref<327680xi32, #tpu.memory_space<hbm>> -> memref<64xi32, #tpu.memory_space<hbm>>
    %dma_start3A_189 = tpu.memref_slice %arg3[%add3A_187] : memref<327680xi32, #tpu.memory_space<hbm>> -> memref<64xi32, #tpu.memory_space<hbm>>
    tpu.enqueue_dma source(%dma_start3A_189 : memref<64xi32, #tpu.memory_space<hbm>>) target(%arg7 : memref<64xi32, #tpu.memory_space<vmem>>) target_semaphore(%arg34 : memref<!tpu.dma_semaphore, #tpu.memory_space<semaphore_mem>>)
    %dma_start3A_190 = tpu.memref_slice %arg4[%add3A_187] : memref<327680xi32, #tpu.memory_space<hbm>> -> memref<64xi32, #tpu.memory_space<hbm>>
    %dma_start3A_191 = tpu.memref_slice %arg4[%add3A_187] : memref<327680xi32, #tpu.memory_space<hbm>> -> memref<64xi32, #tpu.memory_space<hbm>>
    tpu.enqueue_dma source(%dma_start3A_191 : memref<64xi32, #tpu.memory_space<hbm>>) target(%arg15 : memref<64xi32, #tpu.memory_space<vmem>>) target_semaphore(%arg42 : memref<!tpu.dma_semaphore, #tpu.memory_space<semaphore_mem>>)
    %dma_wait3A_192 = arith.constant 0 : i32
    %dma_wait3A_193 = arith.constant 0 : i32
    %dma_wait3A_194 = tpu.memref_slice %arg26[%dma_wait3A_192, %dma_wait3A_193] : memref<10240x128xf32, #tpu.memory_space<vmem_shared>> -> memref<10240x128xf32, #tpu.memory_space<vmem_shared>>
    tpu.wait_indirect_dma semaphore(%arg31 : memref<!tpu.dma_semaphore, #tpu.memory_space<semaphore_mem>>) src(%arg24 : memref<64x128xf32, #tpu.memory_space<vmem>>) dst(%dma_wait3A_194 : memref<10240x128xf32, #tpu.memory_space<vmem_shared>>)
    %dma_wait3A_195 = arith.constant 0 : i32
    %dma_wait3A_196 = tpu.memref_slice %arg3[%dma_wait3A_195] : memref<327680xi32, #tpu.memory_space<hbm>> -> memref<64xi32, #tpu.memory_space<hbm>>
    %dma_wait3A_197 = arith.constant 0 : i32
    %dma_wait3A_198 = tpu.memref_slice %arg3[%dma_wait3A_197] : memref<327680xi32, #tpu.memory_space<hbm>> -> memref<64xi32, #tpu.memory_space<hbm>>
    tpu.wait_dma2 semaphore(%arg39 : memref<!tpu.dma_semaphore, #tpu.memory_space<semaphore_mem>>) src(%dma_wait3A_198 : memref<64xi32, #tpu.memory_space<hbm>>) dst(%arg12 : memref<64xi32, #tpu.memory_space<vmem>>)
    %dma_wait3A_199 = arith.constant 0 : i32
    %dma_wait3A_200 = tpu.memref_slice %arg4[%dma_wait3A_199] : memref<327680xi32, #tpu.memory_space<hbm>> -> memref<64xi32, #tpu.memory_space<hbm>>
    %dma_wait3A_201 = arith.constant 0 : i32
    %dma_wait3A_202 = tpu.memref_slice %arg4[%dma_wait3A_201] : memref<327680xi32, #tpu.memory_space<hbm>> -> memref<64xi32, #tpu.memory_space<hbm>>
    tpu.wait_dma2 semaphore(%arg47 : memref<!tpu.dma_semaphore, #tpu.memory_space<semaphore_mem>>) src(%dma_wait3A_202 : memref<64xi32, #tpu.memory_space<hbm>>) dst(%arg20 : memref<64xi32, #tpu.memory_space<vmem>>)
    %dma_start3A_203 = arith.constant 0 : i32
    %dma_start3A_204 = arith.constant 0 : i32
    %dma_start3A_205 = tpu.memref_slice %arg2[%dma_start3A_203, %dma_start3A_204] : memref<10000x128xf32, #tpu.memory_space<hbm>> -> memref<10000x128xf32, #tpu.memory_space<hbm>>
    tpu.enqueue_indirect_dma source(%dma_start3A_205 : memref<10000x128xf32, #tpu.memory_space<hbm>>) target(%arg24 : memref<64x128xf32, #tpu.memory_space<vmem>>) offsets(%arg12 : memref<64xi32, #tpu.memory_space<vmem>>) semaphore(%arg29 : memref<!tpu.dma_semaphore, #tpu.memory_space<semaphore_mem>>)
    %dma_wait3A_206 = arith.constant 0 : i32
    %dma_wait3A_207 = arith.constant 0 : i32
    %dma_wait3A_208 = tpu.memref_slice %arg2[%dma_wait3A_206, %dma_wait3A_207] : memref<10000x128xf32, #tpu.memory_space<hbm>> -> memref<10000x128xf32, #tpu.memory_space<hbm>>
    tpu.wait_indirect_dma semaphore(%arg27 : memref<!tpu.dma_semaphore, #tpu.memory_space<semaphore_mem>>) src(%dma_wait3A_208 : memref<10000x128xf32, #tpu.memory_space<hbm>>) dst(%arg22 : memref<64x128xf32, #tpu.memory_space<vmem>>)
    %dma_start3A_209 = arith.constant 0 : i32
    %dma_start3A_210 = arith.constant 0 : i32
    %dma_start3A_211 = tpu.memref_slice %arg26[%dma_start3A_209, %dma_start3A_210] : memref<10240x128xf32, #tpu.memory_space<vmem_shared>> -> memref<10240x128xf32, #tpu.memory_space<vmem_shared>>
    tpu.enqueue_indirect_dma source(%arg22 : memref<64x128xf32, #tpu.memory_space<vmem>>) target(%dma_start3A_211 : memref<10240x128xf32, #tpu.memory_space<vmem_shared>>) offsets(%arg18 : memref<64xi32, #tpu.memory_space<vmem>>) semaphore(%arg31 : memref<!tpu.dma_semaphore, #tpu.memory_space<semaphore_mem>>) {add = true}
    %add3A_212 = arith.constant 640 : i32
    %add3A_213 = arith.addi %mul3A_2, %add3A_212 : i32
    %dma_start3A_214 = tpu.memref_slice %arg3[%add3A_213] : memref<327680xi32, #tpu.memory_space<hbm>> -> memref<64xi32, #tpu.memory_space<hbm>>
    %dma_start3A_215 = tpu.memref_slice %arg3[%add3A_213] : memref<327680xi32, #tpu.memory_space<hbm>> -> memref<64xi32, #tpu.memory_space<hbm>>
    tpu.enqueue_dma source(%dma_start3A_215 : memref<64xi32, #tpu.memory_space<hbm>>) target(%arg8 : memref<64xi32, #tpu.memory_space<vmem>>) target_semaphore(%arg35 : memref<!tpu.dma_semaphore, #tpu.memory_space<semaphore_mem>>)
    %dma_start3A_216 = tpu.memref_slice %arg4[%add3A_213] : memref<327680xi32, #tpu.memory_space<hbm>> -> memref<64xi32, #tpu.memory_space<hbm>>
    %dma_start3A_217 = tpu.memref_slice %arg4[%add3A_213] : memref<327680xi32, #tpu.memory_space<hbm>> -> memref<64xi32, #tpu.memory_space<hbm>>
    tpu.enqueue_dma source(%dma_start3A_217 : memref<64xi32, #tpu.memory_space<hbm>>) target(%arg16 : memref<64xi32, #tpu.memory_space<vmem>>) target_semaphore(%arg43 : memref<!tpu.dma_semaphore, #tpu.memory_space<semaphore_mem>>)
    %dma_wait3A_218 = arith.constant 0 : i32
    %dma_wait3A_219 = arith.constant 0 : i32
    %dma_wait3A_220 = tpu.memref_slice %arg26[%dma_wait3A_218, %dma_wait3A_219] : memref<10240x128xf32, #tpu.memory_space<vmem_shared>> -> memref<10240x128xf32, #tpu.memory_space<vmem_shared>>
    tpu.wait_indirect_dma semaphore(%arg32 : memref<!tpu.dma_semaphore, #tpu.memory_space<semaphore_mem>>) src(%arg25 : memref<64x128xf32, #tpu.memory_space<vmem>>) dst(%dma_wait3A_220 : memref<10240x128xf32, #tpu.memory_space<vmem_shared>>)
    %dma_wait3A_221 = arith.constant 0 : i32
    %dma_wait3A_222 = tpu.memref_slice %arg3[%dma_wait3A_221] : memref<327680xi32, #tpu.memory_space<hbm>> -> memref<64xi32, #tpu.memory_space<hbm>>
    %dma_wait3A_223 = arith.constant 0 : i32
    %dma_wait3A_224 = tpu.memref_slice %arg3[%dma_wait3A_223] : memref<327680xi32, #tpu.memory_space<hbm>> -> memref<64xi32, #tpu.memory_space<hbm>>
    tpu.wait_dma2 semaphore(%arg40 : memref<!tpu.dma_semaphore, #tpu.memory_space<semaphore_mem>>) src(%dma_wait3A_224 : memref<64xi32, #tpu.memory_space<hbm>>) dst(%arg13 : memref<64xi32, #tpu.memory_space<vmem>>)
    %dma_wait3A_225 = arith.constant 0 : i32
    %dma_wait3A_226 = tpu.memref_slice %arg4[%dma_wait3A_225] : memref<327680xi32, #tpu.memory_space<hbm>> -> memref<64xi32, #tpu.memory_space<hbm>>
    %dma_wait3A_227 = arith.constant 0 : i32
    %dma_wait3A_228 = tpu.memref_slice %arg4[%dma_wait3A_227] : memref<327680xi32, #tpu.memory_space<hbm>> -> memref<64xi32, #tpu.memory_space<hbm>>
    tpu.wait_dma2 semaphore(%arg48 : memref<!tpu.dma_semaphore, #tpu.memory_space<semaphore_mem>>) src(%dma_wait3A_228 : memref<64xi32, #tpu.memory_space<hbm>>) dst(%arg21 : memref<64xi32, #tpu.memory_space<vmem>>)
    %dma_start3A_229 = arith.constant 0 : i32
    %dma_start3A_230 = arith.constant 0 : i32
    %dma_start3A_231 = tpu.memref_slice %arg2[%dma_start3A_229, %dma_start3A_230] : memref<10000x128xf32, #tpu.memory_space<hbm>> -> memref<10000x128xf32, #tpu.memory_space<hbm>>
    tpu.enqueue_indirect_dma source(%dma_start3A_231 : memref<10000x128xf32, #tpu.memory_space<hbm>>) target(%arg25 : memref<64x128xf32, #tpu.memory_space<vmem>>) offsets(%arg13 : memref<64xi32, #tpu.memory_space<vmem>>) semaphore(%arg30 : memref<!tpu.dma_semaphore, #tpu.memory_space<semaphore_mem>>)
    %dma_wait3A_232 = arith.constant 0 : i32
    %dma_wait3A_233 = arith.constant 0 : i32
    %dma_wait3A_234 = tpu.memref_slice %arg2[%dma_wait3A_232, %dma_wait3A_233] : memref<10000x128xf32, #tpu.memory_space<hbm>> -> memref<10000x128xf32, #tpu.memory_space<hbm>>
    tpu.wait_indirect_dma semaphore(%arg28 : memref<!tpu.dma_semaphore, #tpu.memory_space<semaphore_mem>>) src(%dma_wait3A_234 : memref<10000x128xf32, #tpu.memory_space<hbm>>) dst(%arg23 : memref<64x128xf32, #tpu.memory_space<vmem>>)
    %dma_start3A_235 = arith.constant 0 : i32
    %dma_start3A_236 = arith.constant 0 : i32
    %dma_start3A_237 = tpu.memref_slice %arg26[%dma_start3A_235, %dma_start3A_236] : memref<10240x128xf32, #tpu.memory_space<vmem_shared>> -> memref<10240x128xf32, #tpu.memory_space<vmem_shared>>
    tpu.enqueue_indirect_dma source(%arg23 : memref<64x128xf32, #tpu.memory_space<vmem>>) target(%dma_start3A_237 : memref<10240x128xf32, #tpu.memory_space<vmem_shared>>) offsets(%arg19 : memref<64xi32, #tpu.memory_space<vmem>>) semaphore(%arg32 : memref<!tpu.dma_semaphore, #tpu.memory_space<semaphore_mem>>) {add = true}
    %add3A_238 = arith.constant 704 : i32
    %add3A_239 = arith.addi %mul3A_2, %add3A_238 : i32
    %dma_start3A_240 = tpu.memref_slice %arg3[%add3A_239] : memref<327680xi32, #tpu.memory_space<hbm>> -> memref<64xi32, #tpu.memory_space<hbm>>
    %dma_start3A_241 = tpu.memref_slice %arg3[%add3A_239] : memref<327680xi32, #tpu.memory_space<hbm>> -> memref<64xi32, #tpu.memory_space<hbm>>
    tpu.enqueue_dma source(%dma_start3A_241 : memref<64xi32, #tpu.memory_space<hbm>>) target(%arg9 : memref<64xi32, #tpu.memory_space<vmem>>) target_semaphore(%arg36 : memref<!tpu.dma_semaphore, #tpu.memory_space<semaphore_mem>>)
    %dma_start3A_242 = tpu.memref_slice %arg4[%add3A_239] : memref<327680xi32, #tpu.memory_space<hbm>> -> memref<64xi32, #tpu.memory_space<hbm>>
    %dma_start3A_243 = tpu.memref_slice %arg4[%add3A_239] : memref<327680xi32, #tpu.memory_space<hbm>> -> memref<64xi32, #tpu.memory_space<hbm>>
    tpu.enqueue_dma source(%dma_start3A_243 : memref<64xi32, #tpu.memory_space<hbm>>) target(%arg17 : memref<64xi32, #tpu.memory_space<vmem>>) target_semaphore(%arg44 : memref<!tpu.dma_semaphore, #tpu.memory_space<semaphore_mem>>)
    %scan3A_244 = arith.constant 0 : i32
    %scan3A_245 = arith.constant 0 : i32
    %scan3A_246 = arith.constant 18 : i32
    %scan3A_247 = arith.addi %scan3A_245, %scan3A_246 : i32
    %scan3A_248 = arith.constant 1 : i32
    scf.for %scan3A_459 = %scan3A_245 to %scan3A_247 step %scan3A_248  : i32 {
      %mul3A_460 = arith.constant 8 : i32
      %mul3A_461 = arith.muli %scan3A_459, %mul3A_460 : i32
      %add3A_462 = arith.constant 8 : i32
      %add3A_463 = arith.addi %add3A_462, %mul3A_461 : i32
      %add3A_464 = arith.constant 0 : i32
      %add3A_465 = arith.addi %add3A_463, %add3A_464 : i32
      %dma_wait3A_466 = arith.constant 0 : i32
      %dma_wait3A_467 = arith.constant 0 : i32
      %dma_wait3A_468 = tpu.memref_slice %arg26[%dma_wait3A_466, %dma_wait3A_467] : memref<10240x128xf32, #tpu.memory_space<vmem_shared>> -> memref<10240x128xf32, #tpu.memory_space<vmem_shared>>
      tpu.wait_indirect_dma semaphore(%arg31 : memref<!tpu.dma_semaphore, #tpu.memory_space<semaphore_mem>>) src(%arg22 : memref<64x128xf32, #tpu.memory_space<vmem>>) dst(%dma_wait3A_468 : memref<10240x128xf32, #tpu.memory_space<vmem_shared>>)
      %dma_wait3A_469 = arith.constant 0 : i32
      %dma_wait3A_470 = tpu.memref_slice %arg3[%dma_wait3A_469] : memref<327680xi32, #tpu.memory_space<hbm>> -> memref<64xi32, #tpu.memory_space<hbm>>
      %dma_wait3A_471 = arith.constant 0 : i32
      %dma_wait3A_472 = tpu.memref_slice %arg3[%dma_wait3A_471] : memref<327680xi32, #tpu.memory_space<hbm>> -> memref<64xi32, #tpu.memory_space<hbm>>
      tpu.wait_dma2 semaphore(%arg33 : memref<!tpu.dma_semaphore, #tpu.memory_space<semaphore_mem>>) src(%dma_wait3A_472 : memref<64xi32, #tpu.memory_space<hbm>>) dst(%arg6 : memref<64xi32, #tpu.memory_space<vmem>>)
      %dma_wait3A_473 = arith.constant 0 : i32
      %dma_wait3A_474 = tpu.memref_slice %arg4[%dma_wait3A_473] : memref<327680xi32, #tpu.memory_space<hbm>> -> memref<64xi32, #tpu.memory_space<hbm>>
      %dma_wait3A_475 = arith.constant 0 : i32
      %dma_wait3A_476 = tpu.memref_slice %arg4[%dma_wait3A_475] : memref<327680xi32, #tpu.memory_space<hbm>> -> memref<64xi32, #tpu.memory_space<hbm>>
      tpu.wait_dma2 semaphore(%arg41 : memref<!tpu.dma_semaphore, #tpu.memory_space<semaphore_mem>>) src(%dma_wait3A_476 : memref<64xi32, #tpu.memory_space<hbm>>) dst(%arg14 : memref<64xi32, #tpu.memory_space<vmem>>)
      %dma_start3A_477 = arith.constant 0 : i32
      %dma_start3A_478 = arith.constant 0 : i32
      %dma_start3A_479 = tpu.memref_slice %arg2[%dma_start3A_477, %dma_start3A_478] : memref<10000x128xf32, #tpu.memory_space<hbm>> -> memref<10000x128xf32, #tpu.memory_space<hbm>>
      tpu.enqueue_indirect_dma source(%dma_start3A_479 : memref<10000x128xf32, #tpu.memory_space<hbm>>) target(%arg22 : memref<64x128xf32, #tpu.memory_space<vmem>>) offsets(%arg6 : memref<64xi32, #tpu.memory_space<vmem>>) semaphore(%arg27 : memref<!tpu.dma_semaphore, #tpu.memory_space<semaphore_mem>>)
      %dma_wait3A_480 = arith.constant 0 : i32
      %dma_wait3A_481 = arith.constant 0 : i32
      %dma_wait3A_482 = tpu.memref_slice %arg2[%dma_wait3A_480, %dma_wait3A_481] : memref<10000x128xf32, #tpu.memory_space<hbm>> -> memref<10000x128xf32, #tpu.memory_space<hbm>>
      tpu.wait_indirect_dma semaphore(%arg29 : memref<!tpu.dma_semaphore, #tpu.memory_space<semaphore_mem>>) src(%dma_wait3A_482 : memref<10000x128xf32, #tpu.memory_space<hbm>>) dst(%arg24 : memref<64x128xf32, #tpu.memory_space<vmem>>)
      %dma_start3A_483 = arith.constant 0 : i32
      %dma_start3A_484 = arith.constant 0 : i32
      %dma_start3A_485 = tpu.memref_slice %arg26[%dma_start3A_483, %dma_start3A_484] : memref<10240x128xf32, #tpu.memory_space<vmem_shared>> -> memref<10240x128xf32, #tpu.memory_space<vmem_shared>>
      tpu.enqueue_indirect_dma source(%arg24 : memref<64x128xf32, #tpu.memory_space<vmem>>) target(%dma_start3A_485 : memref<10240x128xf32, #tpu.memory_space<vmem_shared>>) offsets(%arg20 : memref<64xi32, #tpu.memory_space<vmem>>) semaphore(%arg31 : memref<!tpu.dma_semaphore, #tpu.memory_space<semaphore_mem>>) {add = true}
      %add3A_486 = arith.constant 4 : i32
      %add3A_487 = arith.addi %add3A_465, %add3A_486 : i32
      %mul3A_488 = arith.constant 64 : i32
      %mul3A_489 = arith.muli %add3A_487, %mul3A_488 : i32
      %add3A_490 = arith.addi %mul3A_2, %mul3A_489 : i32
      %dma_start3A_491 = tpu.memref_slice %arg3[%add3A_490] : memref<327680xi32, #tpu.memory_space<hbm>> -> memref<64xi32, #tpu.memory_space<hbm>>
      %dma_start3A_492 = tpu.memref_slice %arg3[%add3A_490] : memref<327680xi32, #tpu.memory_space<hbm>> -> memref<64xi32, #tpu.memory_space<hbm>>
      tpu.enqueue_dma source(%dma_start3A_492 : memref<64xi32, #tpu.memory_space<hbm>>) target(%arg10 : memref<64xi32, #tpu.memory_space<vmem>>) target_semaphore(%arg37 : memref<!tpu.dma_semaphore, #tpu.memory_space<semaphore_mem>>)
      %dma_start3A_493 = tpu.memref_slice %arg4[%add3A_490] : memref<327680xi32, #tpu.memory_space<hbm>> -> memref<64xi32, #tpu.memory_space<hbm>>
      %dma_start3A_494 = tpu.memref_slice %arg4[%add3A_490] : memref<327680xi32, #tpu.memory_space<hbm>> -> memref<64xi32, #tpu.memory_space<hbm>>
      tpu.enqueue_dma source(%dma_start3A_494 : memref<64xi32, #tpu.memory_space<hbm>>) target(%arg18 : memref<64xi32, #tpu.memory_space<vmem>>) target_semaphore(%arg45 : memref<!tpu.dma_semaphore, #tpu.memory_space<semaphore_mem>>)
      %add3A_495 = arith.constant 1 : i32
      %add3A_496 = arith.addi %add3A_463, %add3A_495 : i32
      %dma_wait3A_497 = arith.constant 0 : i32
      %dma_wait3A_498 = arith.constant 0 : i32
      %dma_wait3A_499 = tpu.memref_slice %arg26[%dma_wait3A_497, %dma_wait3A_498] : memref<10240x128xf32, #tpu.memory_space<vmem_shared>> -> memref<10240x128xf32, #tpu.memory_space<vmem_shared>>
      tpu.wait_indirect_dma semaphore(%arg32 : memref<!tpu.dma_semaphore, #tpu.memory_space<semaphore_mem>>) src(%arg23 : memref<64x128xf32, #tpu.memory_space<vmem>>) dst(%dma_wait3A_499 : memref<10240x128xf32, #tpu.memory_space<vmem_shared>>)
      %dma_wait3A_500 = arith.constant 0 : i32
      %dma_wait3A_501 = tpu.memref_slice %arg3[%dma_wait3A_500] : memref<327680xi32, #tpu.memory_space<hbm>> -> memref<64xi32, #tpu.memory_space<hbm>>
      %dma_wait3A_502 = arith.constant 0 : i32
      %dma_wait3A_503 = tpu.memref_slice %arg3[%dma_wait3A_502] : memref<327680xi32, #tpu.memory_space<hbm>> -> memref<64xi32, #tpu.memory_space<hbm>>
      tpu.wait_dma2 semaphore(%arg34 : memref<!tpu.dma_semaphore, #tpu.memory_space<semaphore_mem>>) src(%dma_wait3A_503 : memref<64xi32, #tpu.memory_space<hbm>>) dst(%arg7 : memref<64xi32, #tpu.memory_space<vmem>>)
      %dma_wait3A_504 = arith.constant 0 : i32
      %dma_wait3A_505 = tpu.memref_slice %arg4[%dma_wait3A_504] : memref<327680xi32, #tpu.memory_space<hbm>> -> memref<64xi32, #tpu.memory_space<hbm>>
      %dma_wait3A_506 = arith.constant 0 : i32
      %dma_wait3A_507 = tpu.memref_slice %arg4[%dma_wait3A_506] : memref<327680xi32, #tpu.memory_space<hbm>> -> memref<64xi32, #tpu.memory_space<hbm>>
      tpu.wait_dma2 semaphore(%arg42 : memref<!tpu.dma_semaphore, #tpu.memory_space<semaphore_mem>>) src(%dma_wait3A_507 : memref<64xi32, #tpu.memory_space<hbm>>) dst(%arg15 : memref<64xi32, #tpu.memory_space<vmem>>)
      %dma_start3A_508 = arith.constant 0 : i32
      %dma_start3A_509 = arith.constant 0 : i32
      %dma_start3A_510 = tpu.memref_slice %arg2[%dma_start3A_508, %dma_start3A_509] : memref<10000x128xf32, #tpu.memory_space<hbm>> -> memref<10000x128xf32, #tpu.memory_space<hbm>>
      tpu.enqueue_indirect_dma source(%dma_start3A_510 : memref<10000x128xf32, #tpu.memory_space<hbm>>) target(%arg23 : memref<64x128xf32, #tpu.memory_space<vmem>>) offsets(%arg7 : memref<64xi32, #tpu.memory_space<vmem>>) semaphore(%arg28 : memref<!tpu.dma_semaphore, #tpu.memory_space<semaphore_mem>>)
      %dma_wait3A_511 = arith.constant 0 : i32
      %dma_wait3A_512 = arith.constant 0 : i32
      %dma_wait3A_513 = tpu.memref_slice %arg2[%dma_wait3A_511, %dma_wait3A_512] : memref<10000x128xf32, #tpu.memory_space<hbm>> -> memref<10000x128xf32, #tpu.memory_space<hbm>>
      tpu.wait_indirect_dma semaphore(%arg30 : memref<!tpu.dma_semaphore, #tpu.memory_space<semaphore_mem>>) src(%dma_wait3A_513 : memref<10000x128xf32, #tpu.memory_space<hbm>>) dst(%arg25 : memref<64x128xf32, #tpu.memory_space<vmem>>)
      %dma_start3A_514 = arith.constant 0 : i32
      %dma_start3A_515 = arith.constant 0 : i32
      %dma_start3A_516 = tpu.memref_slice %arg26[%dma_start3A_514, %dma_start3A_515] : memref<10240x128xf32, #tpu.memory_space<vmem_shared>> -> memref<10240x128xf32, #tpu.memory_space<vmem_shared>>
      tpu.enqueue_indirect_dma source(%arg25 : memref<64x128xf32, #tpu.memory_space<vmem>>) target(%dma_start3A_516 : memref<10240x128xf32, #tpu.memory_space<vmem_shared>>) offsets(%arg21 : memref<64xi32, #tpu.memory_space<vmem>>) semaphore(%arg32 : memref<!tpu.dma_semaphore, #tpu.memory_space<semaphore_mem>>) {add = true}
      %add3A_517 = arith.constant 4 : i32
      %add3A_518 = arith.addi %add3A_496, %add3A_517 : i32
      %mul3A_519 = arith.constant 64 : i32
      %mul3A_520 = arith.muli %add3A_518, %mul3A_519 : i32
      %add3A_521 = arith.addi %mul3A_2, %mul3A_520 : i32
      %dma_start3A_522 = tpu.memref_slice %arg3[%add3A_521] : memref<327680xi32, #tpu.memory_space<hbm>> -> memref<64xi32, #tpu.memory_space<hbm>>
      %dma_start3A_523 = tpu.memref_slice %arg3[%add3A_521] : memref<327680xi32, #tpu.memory_space<hbm>> -> memref<64xi32, #tpu.memory_space<hbm>>
      tpu.enqueue_dma source(%dma_start3A_523 : memref<64xi32, #tpu.memory_space<hbm>>) target(%arg11 : memref<64xi32, #tpu.memory_space<vmem>>) target_semaphore(%arg38 : memref<!tpu.dma_semaphore, #tpu.memory_space<semaphore_mem>>)
      %dma_start3A_524 = tpu.memref_slice %arg4[%add3A_521] : memref<327680xi32, #tpu.memory_space<hbm>> -> memref<64xi32, #tpu.memory_space<hbm>>
      %dma_start3A_525 = tpu.memref_slice %arg4[%add3A_521] : memref<327680xi32, #tpu.memory_space<hbm>> -> memref<64xi32, #tpu.memory_space<hbm>>
      tpu.enqueue_dma source(%dma_start3A_525 : memref<64xi32, #tpu.memory_space<hbm>>) target(%arg19 : memref<64xi32, #tpu.memory_space<vmem>>) target_semaphore(%arg46 : memref<!tpu.dma_semaphore, #tpu.memory_space<semaphore_mem>>)
      %add3A_526 = arith.constant 2 : i32
      %add3A_527 = arith.addi %add3A_463, %add3A_526 : i32
      %dma_wait3A_528 = arith.constant 0 : i32
      %dma_wait3A_529 = arith.constant 0 : i32
      %dma_wait3A_530 = tpu.memref_slice %arg26[%dma_wait3A_528, %dma_wait3A_529] : memref<10240x128xf32, #tpu.memory_space<vmem_shared>> -> memref<10240x128xf32, #tpu.memory_space<vmem_shared>>
      tpu.wait_indirect_dma semaphore(%arg31 : memref<!tpu.dma_semaphore, #tpu.memory_space<semaphore_mem>>) src(%arg24 : memref<64x128xf32, #tpu.memory_space<vmem>>) dst(%dma_wait3A_530 : memref<10240x128xf32, #tpu.memory_space<vmem_shared>>)
      %dma_wait3A_531 = arith.constant 0 : i32
      %dma_wait3A_532 = tpu.memref_slice %arg3[%dma_wait3A_531] : memref<327680xi32, #tpu.memory_space<hbm>> -> memref<64xi32, #tpu.memory_space<hbm>>
      %dma_wait3A_533 = arith.constant 0 : i32
      %dma_wait3A_534 = tpu.memref_slice %arg3[%dma_wait3A_533] : memref<327680xi32, #tpu.memory_space<hbm>> -> memref<64xi32, #tpu.memory_space<hbm>>
      tpu.wait_dma2 semaphore(%arg35 : memref<!tpu.dma_semaphore, #tpu.memory_space<semaphore_mem>>) src(%dma_wait3A_534 : memref<64xi32, #tpu.memory_space<hbm>>) dst(%arg8 : memref<64xi32, #tpu.memory_space<vmem>>)
      %dma_wait3A_535 = arith.constant 0 : i32
      %dma_wait3A_536 = tpu.memref_slice %arg4[%dma_wait3A_535] : memref<327680xi32, #tpu.memory_space<hbm>> -> memref<64xi32, #tpu.memory_space<hbm>>
      %dma_wait3A_537 = arith.constant 0 : i32
      %dma_wait3A_538 = tpu.memref_slice %arg4[%dma_wait3A_537] : memref<327680xi32, #tpu.memory_space<hbm>> -> memref<64xi32, #tpu.memory_space<hbm>>
      tpu.wait_dma2 semaphore(%arg43 : memref<!tpu.dma_semaphore, #tpu.memory_space<semaphore_mem>>) src(%dma_wait3A_538 : memref<64xi32, #tpu.memory_space<hbm>>) dst(%arg16 : memref<64xi32, #tpu.memory_space<vmem>>)
      %dma_start3A_539 = arith.constant 0 : i32
      %dma_start3A_540 = arith.constant 0 : i32
      %dma_start3A_541 = tpu.memref_slice %arg2[%dma_start3A_539, %dma_start3A_540] : memref<10000x128xf32, #tpu.memory_space<hbm>> -> memref<10000x128xf32, #tpu.memory_space<hbm>>
      tpu.enqueue_indirect_dma source(%dma_start3A_541 : memref<10000x128xf32, #tpu.memory_space<hbm>>) target(%arg24 : memref<64x128xf32, #tpu.memory_space<vmem>>) offsets(%arg8 : memref<64xi32, #tpu.memory_space<vmem>>) semaphore(%arg29 : memref<!tpu.dma_semaphore, #tpu.memory_space<semaphore_mem>>)
      %dma_wait3A_542 = arith.constant 0 : i32
      %dma_wait3A_543 = arith.constant 0 : i32
      %dma_wait3A_544 = tpu.memref_slice %arg2[%dma_wait3A_542, %dma_wait3A_543] : memref<10000x128xf32, #tpu.memory_space<hbm>> -> memref<10000x128xf32, #tpu.memory_space<hbm>>
      tpu.wait_indirect_dma semaphore(%arg27 : memref<!tpu.dma_semaphore, #tpu.memory_space<semaphore_mem>>) src(%dma_wait3A_544 : memref<10000x128xf32, #tpu.memory_space<hbm>>) dst(%arg22 : memref<64x128xf32, #tpu.memory_space<vmem>>)
      %dma_start3A_545 = arith.constant 0 : i32
      %dma_start3A_546 = arith.constant 0 : i32
      %dma_start3A_547 = tpu.memref_slice %arg26[%dma_start3A_545, %dma_start3A_546] : memref<10240x128xf32, #tpu.memory_space<vmem_shared>> -> memref<10240x128xf32, #tpu.memory_space<vmem_shared>>
      tpu.enqueue_indirect_dma source(%arg22 : memref<64x128xf32, #tpu.memory_space<vmem>>) target(%dma_start3A_547 : memref<10240x128xf32, #tpu.memory_space<vmem_shared>>) offsets(%arg14 : memref<64xi32, #tpu.memory_space<vmem>>) semaphore(%arg31 : memref<!tpu.dma_semaphore, #tpu.memory_space<semaphore_mem>>) {add = true}
      %add3A_548 = arith.constant 4 : i32
      %add3A_549 = arith.addi %add3A_527, %add3A_548 : i32
      %mul3A_550 = arith.constant 64 : i32
      %mul3A_551 = arith.muli %add3A_549, %mul3A_550 : i32
      %add3A_552 = arith.addi %mul3A_2, %mul3A_551 : i32
      %dma_start3A_553 = tpu.memref_slice %arg3[%add3A_552] : memref<327680xi32, #tpu.memory_space<hbm>> -> memref<64xi32, #tpu.memory_space<hbm>>
      %dma_start3A_554 = tpu.memref_slice %arg3[%add3A_552] : memref<327680xi32, #tpu.memory_space<hbm>> -> memref<64xi32, #tpu.memory_space<hbm>>
      tpu.enqueue_dma source(%dma_start3A_554 : memref<64xi32, #tpu.memory_space<hbm>>) target(%arg12 : memref<64xi32, #tpu.memory_space<vmem>>) target_semaphore(%arg39 : memref<!tpu.dma_semaphore, #tpu.memory_space<semaphore_mem>>)
      %dma_start3A_555 = tpu.memref_slice %arg4[%add3A_552] : memref<327680xi32, #tpu.memory_space<hbm>> -> memref<64xi32, #tpu.memory_space<hbm>>
      %dma_start3A_556 = tpu.memref_slice %arg4[%add3A_552] : memref<327680xi32, #tpu.memory_space<hbm>> -> memref<64xi32, #tpu.memory_space<hbm>>
      tpu.enqueue_dma source(%dma_start3A_556 : memref<64xi32, #tpu.memory_space<hbm>>) target(%arg20 : memref<64xi32, #tpu.memory_space<vmem>>) target_semaphore(%arg47 : memref<!tpu.dma_semaphore, #tpu.memory_space<semaphore_mem>>)
      %add3A_557 = arith.constant 3 : i32
      %add3A_558 = arith.addi %add3A_463, %add3A_557 : i32
      %dma_wait3A_559 = arith.constant 0 : i32
      %dma_wait3A_560 = arith.constant 0 : i32
      %dma_wait3A_561 = tpu.memref_slice %arg26[%dma_wait3A_559, %dma_wait3A_560] : memref<10240x128xf32, #tpu.memory_space<vmem_shared>> -> memref<10240x128xf32, #tpu.memory_space<vmem_shared>>
      tpu.wait_indirect_dma semaphore(%arg32 : memref<!tpu.dma_semaphore, #tpu.memory_space<semaphore_mem>>) src(%arg25 : memref<64x128xf32, #tpu.memory_space<vmem>>) dst(%dma_wait3A_561 : memref<10240x128xf32, #tpu.memory_space<vmem_shared>>)
      %dma_wait3A_562 = arith.constant 0 : i32
      %dma_wait3A_563 = tpu.memref_slice %arg3[%dma_wait3A_562] : memref<327680xi32, #tpu.memory_space<hbm>> -> memref<64xi32, #tpu.memory_space<hbm>>
      %dma_wait3A_564 = arith.constant 0 : i32
      %dma_wait3A_565 = tpu.memref_slice %arg3[%dma_wait3A_564] : memref<327680xi32, #tpu.memory_space<hbm>> -> memref<64xi32, #tpu.memory_space<hbm>>
      tpu.wait_dma2 semaphore(%arg36 : memref<!tpu.dma_semaphore, #tpu.memory_space<semaphore_mem>>) src(%dma_wait3A_565 : memref<64xi32, #tpu.memory_space<hbm>>) dst(%arg9 : memref<64xi32, #tpu.memory_space<vmem>>)
      %dma_wait3A_566 = arith.constant 0 : i32
      %dma_wait3A_567 = tpu.memref_slice %arg4[%dma_wait3A_566] : memref<327680xi32, #tpu.memory_space<hbm>> -> memref<64xi32, #tpu.memory_space<hbm>>
      %dma_wait3A_568 = arith.constant 0 : i32
      %dma_wait3A_569 = tpu.memref_slice %arg4[%dma_wait3A_568] : memref<327680xi32, #tpu.memory_space<hbm>> -> memref<64xi32, #tpu.memory_space<hbm>>
      tpu.wait_dma2 semaphore(%arg44 : memref<!tpu.dma_semaphore, #tpu.memory_space<semaphore_mem>>) src(%dma_wait3A_569 : memref<64xi32, #tpu.memory_space<hbm>>) dst(%arg17 : memref<64xi32, #tpu.memory_space<vmem>>)
      %dma_start3A_570 = arith.constant 0 : i32
      %dma_start3A_571 = arith.constant 0 : i32
      %dma_start3A_572 = tpu.memref_slice %arg2[%dma_start3A_570, %dma_start3A_571] : memref<10000x128xf32, #tpu.memory_space<hbm>> -> memref<10000x128xf32, #tpu.memory_space<hbm>>
      tpu.enqueue_indirect_dma source(%dma_start3A_572 : memref<10000x128xf32, #tpu.memory_space<hbm>>) target(%arg25 : memref<64x128xf32, #tpu.memory_space<vmem>>) offsets(%arg9 : memref<64xi32, #tpu.memory_space<vmem>>) semaphore(%arg30 : memref<!tpu.dma_semaphore, #tpu.memory_space<semaphore_mem>>)
      %dma_wait3A_573 = arith.constant 0 : i32
      %dma_wait3A_574 = arith.constant 0 : i32
      %dma_wait3A_575 = tpu.memref_slice %arg2[%dma_wait3A_573, %dma_wait3A_574] : memref<10000x128xf32, #tpu.memory_space<hbm>> -> memref<10000x128xf32, #tpu.memory_space<hbm>>
      tpu.wait_indirect_dma semaphore(%arg28 : memref<!tpu.dma_semaphore, #tpu.memory_space<semaphore_mem>>) src(%dma_wait3A_575 : memref<10000x128xf32, #tpu.memory_space<hbm>>) dst(%arg23 : memref<64x128xf32, #tpu.memory_space<vmem>>)
      %dma_start3A_576 = arith.constant 0 : i32
      %dma_start3A_577 = arith.constant 0 : i32
      %dma_start3A_578 = tpu.memref_slice %arg26[%dma_start3A_576, %dma_start3A_577] : memref<10240x128xf32, #tpu.memory_space<vmem_shared>> -> memref<10240x128xf32, #tpu.memory_space<vmem_shared>>
      tpu.enqueue_indirect_dma source(%arg23 : memref<64x128xf32, #tpu.memory_space<vmem>>) target(%dma_start3A_578 : memref<10240x128xf32, #tpu.memory_space<vmem_shared>>) offsets(%arg15 : memref<64xi32, #tpu.memory_space<vmem>>) semaphore(%arg32 : memref<!tpu.dma_semaphore, #tpu.memory_space<semaphore_mem>>) {add = true}
      %add3A_579 = arith.constant 4 : i32
      %add3A_580 = arith.addi %add3A_558, %add3A_579 : i32
      %mul3A_581 = arith.constant 64 : i32
      %mul3A_582 = arith.muli %add3A_580, %mul3A_581 : i32
      %add3A_583 = arith.addi %mul3A_2, %mul3A_582 : i32
      %dma_start3A_584 = tpu.memref_slice %arg3[%add3A_583] : memref<327680xi32, #tpu.memory_space<hbm>> -> memref<64xi32, #tpu.memory_space<hbm>>
      %dma_start3A_585 = tpu.memref_slice %arg3[%add3A_583] : memref<327680xi32, #tpu.memory_space<hbm>> -> memref<64xi32, #tpu.memory_space<hbm>>
      tpu.enqueue_dma source(%dma_start3A_585 : memref<64xi32, #tpu.memory_space<hbm>>) target(%arg13 : memref<64xi32, #tpu.memory_space<vmem>>) target_semaphore(%arg40 : memref<!tpu.dma_semaphore, #tpu.memory_space<semaphore_mem>>)
      %dma_start3A_586 = tpu.memref_slice %arg4[%add3A_583] : memref<327680xi32, #tpu.memory_space<hbm>> -> memref<64xi32, #tpu.memory_space<hbm>>
      %dma_start3A_587 = tpu.memref_slice %arg4[%add3A_583] : memref<327680xi32, #tpu.memory_space<hbm>> -> memref<64xi32, #tpu.memory_space<hbm>>
      tpu.enqueue_dma source(%dma_start3A_587 : memref<64xi32, #tpu.memory_space<hbm>>) target(%arg21 : memref<64xi32, #tpu.memory_space<vmem>>) target_semaphore(%arg48 : memref<!tpu.dma_semaphore, #tpu.memory_space<semaphore_mem>>)
      %add3A_588 = arith.constant 4 : i32
      %add3A_589 = arith.addi %add3A_463, %add3A_588 : i32
      %dma_wait3A_590 = arith.constant 0 : i32
      %dma_wait3A_591 = arith.constant 0 : i32
      %dma_wait3A_592 = tpu.memref_slice %arg26[%dma_wait3A_590, %dma_wait3A_591] : memref<10240x128xf32, #tpu.memory_space<vmem_shared>> -> memref<10240x128xf32, #tpu.memory_space<vmem_shared>>
      tpu.wait_indirect_dma semaphore(%arg31 : memref<!tpu.dma_semaphore, #tpu.memory_space<semaphore_mem>>) src(%arg22 : memref<64x128xf32, #tpu.memory_space<vmem>>) dst(%dma_wait3A_592 : memref<10240x128xf32, #tpu.memory_space<vmem_shared>>)
      %dma_wait3A_593 = arith.constant 0 : i32
      %dma_wait3A_594 = tpu.memref_slice %arg3[%dma_wait3A_593] : memref<327680xi32, #tpu.memory_space<hbm>> -> memref<64xi32, #tpu.memory_space<hbm>>
      %dma_wait3A_595 = arith.constant 0 : i32
      %dma_wait3A_596 = tpu.memref_slice %arg3[%dma_wait3A_595] : memref<327680xi32, #tpu.memory_space<hbm>> -> memref<64xi32, #tpu.memory_space<hbm>>
      tpu.wait_dma2 semaphore(%arg37 : memref<!tpu.dma_semaphore, #tpu.memory_space<semaphore_mem>>) src(%dma_wait3A_596 : memref<64xi32, #tpu.memory_space<hbm>>) dst(%arg10 : memref<64xi32, #tpu.memory_space<vmem>>)
      %dma_wait3A_597 = arith.constant 0 : i32
      %dma_wait3A_598 = tpu.memref_slice %arg4[%dma_wait3A_597] : memref<327680xi32, #tpu.memory_space<hbm>> -> memref<64xi32, #tpu.memory_space<hbm>>
      %dma_wait3A_599 = arith.constant 0 : i32
      %dma_wait3A_600 = tpu.memref_slice %arg4[%dma_wait3A_599] : memref<327680xi32, #tpu.memory_space<hbm>> -> memref<64xi32, #tpu.memory_space<hbm>>
      tpu.wait_dma2 semaphore(%arg45 : memref<!tpu.dma_semaphore, #tpu.memory_space<semaphore_mem>>) src(%dma_wait3A_600 : memref<64xi32, #tpu.memory_space<hbm>>) dst(%arg18 : memref<64xi32, #tpu.memory_space<vmem>>)
      %dma_start3A_601 = arith.constant 0 : i32
      %dma_start3A_602 = arith.constant 0 : i32
      %dma_start3A_603 = tpu.memref_slice %arg2[%dma_start3A_601, %dma_start3A_602] : memref<10000x128xf32, #tpu.memory_space<hbm>> -> memref<10000x128xf32, #tpu.memory_space<hbm>>
      tpu.enqueue_indirect_dma source(%dma_start3A_603 : memref<10000x128xf32, #tpu.memory_space<hbm>>) target(%arg22 : memref<64x128xf32, #tpu.memory_space<vmem>>) offsets(%arg10 : memref<64xi32, #tpu.memory_space<vmem>>) semaphore(%arg27 : memref<!tpu.dma_semaphore, #tpu.memory_space<semaphore_mem>>)
      %dma_wait3A_604 = arith.constant 0 : i32
      %dma_wait3A_605 = arith.constant 0 : i32
      %dma_wait3A_606 = tpu.memref_slice %arg2[%dma_wait3A_604, %dma_wait3A_605] : memref<10000x128xf32, #tpu.memory_space<hbm>> -> memref<10000x128xf32, #tpu.memory_space<hbm>>
      tpu.wait_indirect_dma semaphore(%arg29 : memref<!tpu.dma_semaphore, #tpu.memory_space<semaphore_mem>>) src(%dma_wait3A_606 : memref<10000x128xf32, #tpu.memory_space<hbm>>) dst(%arg24 : memref<64x128xf32, #tpu.memory_space<vmem>>)
      %dma_start3A_607 = arith.constant 0 : i32
      %dma_start3A_608 = arith.constant 0 : i32
      %dma_start3A_609 = tpu.memref_slice %arg26[%dma_start3A_607, %dma_start3A_608] : memref<10240x128xf32, #tpu.memory_space<vmem_shared>> -> memref<10240x128xf32, #tpu.memory_space<vmem_shared>>
      tpu.enqueue_indirect_dma source(%arg24 : memref<64x128xf32, #tpu.memory_space<vmem>>) target(%dma_start3A_609 : memref<10240x128xf32, #tpu.memory_space<vmem_shared>>) offsets(%arg16 : memref<64xi32, #tpu.memory_space<vmem>>) semaphore(%arg31 : memref<!tpu.dma_semaphore, #tpu.memory_space<semaphore_mem>>) {add = true}
      %add3A_610 = arith.constant 4 : i32
      %add3A_611 = arith.addi %add3A_589, %add3A_610 : i32
      %mul3A_612 = arith.constant 64 : i32
      %mul3A_613 = arith.muli %add3A_611, %mul3A_612 : i32
      %add3A_614 = arith.addi %mul3A_2, %mul3A_613 : i32
      %dma_start3A_615 = tpu.memref_slice %arg3[%add3A_614] : memref<327680xi32, #tpu.memory_space<hbm>> -> memref<64xi32, #tpu.memory_space<hbm>>
      %dma_start3A_616 = tpu.memref_slice %arg3[%add3A_614] : memref<327680xi32, #tpu.memory_space<hbm>> -> memref<64xi32, #tpu.memory_space<hbm>>
      tpu.enqueue_dma source(%dma_start3A_616 : memref<64xi32, #tpu.memory_space<hbm>>) target(%arg6 : memref<64xi32, #tpu.memory_space<vmem>>) target_semaphore(%arg33 : memref<!tpu.dma_semaphore, #tpu.memory_space<semaphore_mem>>)
      %dma_start3A_617 = tpu.memref_slice %arg4[%add3A_614] : memref<327680xi32, #tpu.memory_space<hbm>> -> memref<64xi32, #tpu.memory_space<hbm>>
      %dma_start3A_618 = tpu.memref_slice %arg4[%add3A_614] : memref<327680xi32, #tpu.memory_space<hbm>> -> memref<64xi32, #tpu.memory_space<hbm>>
      tpu.enqueue_dma source(%dma_start3A_618 : memref<64xi32, #tpu.memory_space<hbm>>) target(%arg14 : memref<64xi32, #tpu.memory_space<vmem>>) target_semaphore(%arg41 : memref<!tpu.dma_semaphore, #tpu.memory_space<semaphore_mem>>)
      %add3A_619 = arith.constant 5 : i32
      %add3A_620 = arith.addi %add3A_463, %add3A_619 : i32
      %dma_wait3A_621 = arith.constant 0 : i32
      %dma_wait3A_622 = arith.constant 0 : i32
      %dma_wait3A_623 = tpu.memref_slice %arg26[%dma_wait3A_621, %dma_wait3A_622] : memref<10240x128xf32, #tpu.memory_space<vmem_shared>> -> memref<10240x128xf32, #tpu.memory_space<vmem_shared>>
      tpu.wait_indirect_dma semaphore(%arg32 : memref<!tpu.dma_semaphore, #tpu.memory_space<semaphore_mem>>) src(%arg23 : memref<64x128xf32, #tpu.memory_space<vmem>>) dst(%dma_wait3A_623 : memref<10240x128xf32, #tpu.memory_space<vmem_shared>>)
      %dma_wait3A_624 = arith.constant 0 : i32
      %dma_wait3A_625 = tpu.memref_slice %arg3[%dma_wait3A_624] : memref<327680xi32, #tpu.memory_space<hbm>> -> memref<64xi32, #tpu.memory_space<hbm>>
      %dma_wait3A_626 = arith.constant 0 : i32
      %dma_wait3A_627 = tpu.memref_slice %arg3[%dma_wait3A_626] : memref<327680xi32, #tpu.memory_space<hbm>> -> memref<64xi32, #tpu.memory_space<hbm>>
      tpu.wait_dma2 semaphore(%arg38 : memref<!tpu.dma_semaphore, #tpu.memory_space<semaphore_mem>>) src(%dma_wait3A_627 : memref<64xi32, #tpu.memory_space<hbm>>) dst(%arg11 : memref<64xi32, #tpu.memory_space<vmem>>)
      %dma_wait3A_628 = arith.constant 0 : i32
      %dma_wait3A_629 = tpu.memref_slice %arg4[%dma_wait3A_628] : memref<327680xi32, #tpu.memory_space<hbm>> -> memref<64xi32, #tpu.memory_space<hbm>>
      %dma_wait3A_630 = arith.constant 0 : i32
      %dma_wait3A_631 = tpu.memref_slice %arg4[%dma_wait3A_630] : memref<327680xi32, #tpu.memory_space<hbm>> -> memref<64xi32, #tpu.memory_space<hbm>>
      tpu.wait_dma2 semaphore(%arg46 : memref<!tpu.dma_semaphore, #tpu.memory_space<semaphore_mem>>) src(%dma_wait3A_631 : memref<64xi32, #tpu.memory_space<hbm>>) dst(%arg19 : memref<64xi32, #tpu.memory_space<vmem>>)
      %dma_start3A_632 = arith.constant 0 : i32
      %dma_start3A_633 = arith.constant 0 : i32
      %dma_start3A_634 = tpu.memref_slice %arg2[%dma_start3A_632, %dma_start3A_633] : memref<10000x128xf32, #tpu.memory_space<hbm>> -> memref<10000x128xf32, #tpu.memory_space<hbm>>
      tpu.enqueue_indirect_dma source(%dma_start3A_634 : memref<10000x128xf32, #tpu.memory_space<hbm>>) target(%arg23 : memref<64x128xf32, #tpu.memory_space<vmem>>) offsets(%arg11 : memref<64xi32, #tpu.memory_space<vmem>>) semaphore(%arg28 : memref<!tpu.dma_semaphore, #tpu.memory_space<semaphore_mem>>)
      %dma_wait3A_635 = arith.constant 0 : i32
      %dma_wait3A_636 = arith.constant 0 : i32
      %dma_wait3A_637 = tpu.memref_slice %arg2[%dma_wait3A_635, %dma_wait3A_636] : memref<10000x128xf32, #tpu.memory_space<hbm>> -> memref<10000x128xf32, #tpu.memory_space<hbm>>
      tpu.wait_indirect_dma semaphore(%arg30 : memref<!tpu.dma_semaphore, #tpu.memory_space<semaphore_mem>>) src(%dma_wait3A_637 : memref<10000x128xf32, #tpu.memory_space<hbm>>) dst(%arg25 : memref<64x128xf32, #tpu.memory_space<vmem>>)
      %dma_start3A_638 = arith.constant 0 : i32
      %dma_start3A_639 = arith.constant 0 : i32
      %dma_start3A_640 = tpu.memref_slice %arg26[%dma_start3A_638, %dma_start3A_639] : memref<10240x128xf32, #tpu.memory_space<vmem_shared>> -> memref<10240x128xf32, #tpu.memory_space<vmem_shared>>
      tpu.enqueue_indirect_dma source(%arg25 : memref<64x128xf32, #tpu.memory_space<vmem>>) target(%dma_start3A_640 : memref<10240x128xf32, #tpu.memory_space<vmem_shared>>) offsets(%arg17 : memref<64xi32, #tpu.memory_space<vmem>>) semaphore(%arg32 : memref<!tpu.dma_semaphore, #tpu.memory_space<semaphore_mem>>) {add = true}
      %add3A_641 = arith.constant 4 : i32
      %add3A_642 = arith.addi %add3A_620, %add3A_641 : i32
      %mul3A_643 = arith.constant 64 : i32
      %mul3A_644 = arith.muli %add3A_642, %mul3A_643 : i32
      %add3A_645 = arith.addi %mul3A_2, %mul3A_644 : i32
      %dma_start3A_646 = tpu.memref_slice %arg3[%add3A_645] : memref<327680xi32, #tpu.memory_space<hbm>> -> memref<64xi32, #tpu.memory_space<hbm>>
      %dma_start3A_647 = tpu.memref_slice %arg3[%add3A_645] : memref<327680xi32, #tpu.memory_space<hbm>> -> memref<64xi32, #tpu.memory_space<hbm>>
      tpu.enqueue_dma source(%dma_start3A_647 : memref<64xi32, #tpu.memory_space<hbm>>) target(%arg7 : memref<64xi32, #tpu.memory_space<vmem>>) target_semaphore(%arg34 : memref<!tpu.dma_semaphore, #tpu.memory_space<semaphore_mem>>)
      %dma_start3A_648 = tpu.memref_slice %arg4[%add3A_645] : memref<327680xi32, #tpu.memory_space<hbm>> -> memref<64xi32, #tpu.memory_space<hbm>>
      %dma_start3A_649 = tpu.memref_slice %arg4[%add3A_645] : memref<327680xi32, #tpu.memory_space<hbm>> -> memref<64xi32, #tpu.memory_space<hbm>>
      tpu.enqueue_dma source(%dma_start3A_649 : memref<64xi32, #tpu.memory_space<hbm>>) target(%arg15 : memref<64xi32, #tpu.memory_space<vmem>>) target_semaphore(%arg42 : memref<!tpu.dma_semaphore, #tpu.memory_space<semaphore_mem>>)
      %add3A_650 = arith.constant 6 : i32
      %add3A_651 = arith.addi %add3A_463, %add3A_650 : i32
      %dma_wait3A_652 = arith.constant 0 : i32
      %dma_wait3A_653 = arith.constant 0 : i32
      %dma_wait3A_654 = tpu.memref_slice %arg26[%dma_wait3A_652, %dma_wait3A_653] : memref<10240x128xf32, #tpu.memory_space<vmem_shared>> -> memref<10240x128xf32, #tpu.memory_space<vmem_shared>>
      tpu.wait_indirect_dma semaphore(%arg31 : memref<!tpu.dma_semaphore, #tpu.memory_space<semaphore_mem>>) src(%arg24 : memref<64x128xf32, #tpu.memory_space<vmem>>) dst(%dma_wait3A_654 : memref<10240x128xf32, #tpu.memory_space<vmem_shared>>)
      %dma_wait3A_655 = arith.constant 0 : i32
      %dma_wait3A_656 = tpu.memref_slice %arg3[%dma_wait3A_655] : memref<327680xi32, #tpu.memory_space<hbm>> -> memref<64xi32, #tpu.memory_space<hbm>>
      %dma_wait3A_657 = arith.constant 0 : i32
      %dma_wait3A_658 = tpu.memref_slice %arg3[%dma_wait3A_657] : memref<327680xi32, #tpu.memory_space<hbm>> -> memref<64xi32, #tpu.memory_space<hbm>>
      tpu.wait_dma2 semaphore(%arg39 : memref<!tpu.dma_semaphore, #tpu.memory_space<semaphore_mem>>) src(%dma_wait3A_658 : memref<64xi32, #tpu.memory_space<hbm>>) dst(%arg12 : memref<64xi32, #tpu.memory_space<vmem>>)
      %dma_wait3A_659 = arith.constant 0 : i32
      %dma_wait3A_660 = tpu.memref_slice %arg4[%dma_wait3A_659] : memref<327680xi32, #tpu.memory_space<hbm>> -> memref<64xi32, #tpu.memory_space<hbm>>
      %dma_wait3A_661 = arith.constant 0 : i32
      %dma_wait3A_662 = tpu.memref_slice %arg4[%dma_wait3A_661] : memref<327680xi32, #tpu.memory_space<hbm>> -> memref<64xi32, #tpu.memory_space<hbm>>
      tpu.wait_dma2 semaphore(%arg47 : memref<!tpu.dma_semaphore, #tpu.memory_space<semaphore_mem>>) src(%dma_wait3A_662 : memref<64xi32, #tpu.memory_space<hbm>>) dst(%arg20 : memref<64xi32, #tpu.memory_space<vmem>>)
      %dma_start3A_663 = arith.constant 0 : i32
      %dma_start3A_664 = arith.constant 0 : i32
      %dma_start3A_665 = tpu.memref_slice %arg2[%dma_start3A_663, %dma_start3A_664] : memref<10000x128xf32, #tpu.memory_space<hbm>> -> memref<10000x128xf32, #tpu.memory_space<hbm>>
      tpu.enqueue_indirect_dma source(%dma_start3A_665 : memref<10000x128xf32, #tpu.memory_space<hbm>>) target(%arg24 : memref<64x128xf32, #tpu.memory_space<vmem>>) offsets(%arg12 : memref<64xi32, #tpu.memory_space<vmem>>) semaphore(%arg29 : memref<!tpu.dma_semaphore, #tpu.memory_space<semaphore_mem>>)
      %dma_wait3A_666 = arith.constant 0 : i32
      %dma_wait3A_667 = arith.constant 0 : i32
      %dma_wait3A_668 = tpu.memref_slice %arg2[%dma_wait3A_666, %dma_wait3A_667] : memref<10000x128xf32, #tpu.memory_space<hbm>> -> memref<10000x128xf32, #tpu.memory_space<hbm>>
      tpu.wait_indirect_dma semaphore(%arg27 : memref<!tpu.dma_semaphore, #tpu.memory_space<semaphore_mem>>) src(%dma_wait3A_668 : memref<10000x128xf32, #tpu.memory_space<hbm>>) dst(%arg22 : memref<64x128xf32, #tpu.memory_space<vmem>>)
      %dma_start3A_669 = arith.constant 0 : i32
      %dma_start3A_670 = arith.constant 0 : i32
      %dma_start3A_671 = tpu.memref_slice %arg26[%dma_start3A_669, %dma_start3A_670] : memref<10240x128xf32, #tpu.memory_space<vmem_shared>> -> memref<10240x128xf32, #tpu.memory_space<vmem_shared>>
      tpu.enqueue_indirect_dma source(%arg22 : memref<64x128xf32, #tpu.memory_space<vmem>>) target(%dma_start3A_671 : memref<10240x128xf32, #tpu.memory_space<vmem_shared>>) offsets(%arg18 : memref<64xi32, #tpu.memory_space<vmem>>) semaphore(%arg31 : memref<!tpu.dma_semaphore, #tpu.memory_space<semaphore_mem>>) {add = true}
      %add3A_672 = arith.constant 4 : i32
      %add3A_673 = arith.addi %add3A_651, %add3A_672 : i32
      %mul3A_674 = arith.constant 64 : i32
      %mul3A_675 = arith.muli %add3A_673, %mul3A_674 : i32
      %add3A_676 = arith.addi %mul3A_2, %mul3A_675 : i32
      %dma_start3A_677 = tpu.memref_slice %arg3[%add3A_676] : memref<327680xi32, #tpu.memory_space<hbm>> -> memref<64xi32, #tpu.memory_space<hbm>>
      %dma_start3A_678 = tpu.memref_slice %arg3[%add3A_676] : memref<327680xi32, #tpu.memory_space<hbm>> -> memref<64xi32, #tpu.memory_space<hbm>>
      tpu.enqueue_dma source(%dma_start3A_678 : memref<64xi32, #tpu.memory_space<hbm>>) target(%arg8 : memref<64xi32, #tpu.memory_space<vmem>>) target_semaphore(%arg35 : memref<!tpu.dma_semaphore, #tpu.memory_space<semaphore_mem>>)
      %dma_start3A_679 = tpu.memref_slice %arg4[%add3A_676] : memref<327680xi32, #tpu.memory_space<hbm>> -> memref<64xi32, #tpu.memory_space<hbm>>
      %dma_start3A_680 = tpu.memref_slice %arg4[%add3A_676] : memref<327680xi32, #tpu.memory_space<hbm>> -> memref<64xi32, #tpu.memory_space<hbm>>
      tpu.enqueue_dma source(%dma_start3A_680 : memref<64xi32, #tpu.memory_space<hbm>>) target(%arg16 : memref<64xi32, #tpu.memory_space<vmem>>) target_semaphore(%arg43 : memref<!tpu.dma_semaphore, #tpu.memory_space<semaphore_mem>>)
      %add3A_681 = arith.constant 7 : i32
      %add3A_682 = arith.addi %add3A_463, %add3A_681 : i32
      %dma_wait3A_683 = arith.constant 0 : i32
      %dma_wait3A_684 = arith.constant 0 : i32
      %dma_wait3A_685 = tpu.memref_slice %arg26[%dma_wait3A_683, %dma_wait3A_684] : memref<10240x128xf32, #tpu.memory_space<vmem_shared>> -> memref<10240x128xf32, #tpu.memory_space<vmem_shared>>
      tpu.wait_indirect_dma semaphore(%arg32 : memref<!tpu.dma_semaphore, #tpu.memory_space<semaphore_mem>>) src(%arg25 : memref<64x128xf32, #tpu.memory_space<vmem>>) dst(%dma_wait3A_685 : memref<10240x128xf32, #tpu.memory_space<vmem_shared>>)
      %dma_wait3A_686 = arith.constant 0 : i32
      %dma_wait3A_687 = tpu.memref_slice %arg3[%dma_wait3A_686] : memref<327680xi32, #tpu.memory_space<hbm>> -> memref<64xi32, #tpu.memory_space<hbm>>
      %dma_wait3A_688 = arith.constant 0 : i32
      %dma_wait3A_689 = tpu.memref_slice %arg3[%dma_wait3A_688] : memref<327680xi32, #tpu.memory_space<hbm>> -> memref<64xi32, #tpu.memory_space<hbm>>
      tpu.wait_dma2 semaphore(%arg40 : memref<!tpu.dma_semaphore, #tpu.memory_space<semaphore_mem>>) src(%dma_wait3A_689 : memref<64xi32, #tpu.memory_space<hbm>>) dst(%arg13 : memref<64xi32, #tpu.memory_space<vmem>>)
      %dma_wait3A_690 = arith.constant 0 : i32
      %dma_wait3A_691 = tpu.memref_slice %arg4[%dma_wait3A_690] : memref<327680xi32, #tpu.memory_space<hbm>> -> memref<64xi32, #tpu.memory_space<hbm>>
      %dma_wait3A_692 = arith.constant 0 : i32
      %dma_wait3A_693 = tpu.memref_slice %arg4[%dma_wait3A_692] : memref<327680xi32, #tpu.memory_space<hbm>> -> memref<64xi32, #tpu.memory_space<hbm>>
      tpu.wait_dma2 semaphore(%arg48 : memref<!tpu.dma_semaphore, #tpu.memory_space<semaphore_mem>>) src(%dma_wait3A_693 : memref<64xi32, #tpu.memory_space<hbm>>) dst(%arg21 : memref<64xi32, #tpu.memory_space<vmem>>)
      %dma_start3A_694 = arith.constant 0 : i32
      %dma_start3A_695 = arith.constant 0 : i32
      %dma_start3A_696 = tpu.memref_slice %arg2[%dma_start3A_694, %dma_start3A_695] : memref<10000x128xf32, #tpu.memory_space<hbm>> -> memref<10000x128xf32, #tpu.memory_space<hbm>>
      tpu.enqueue_indirect_dma source(%dma_start3A_696 : memref<10000x128xf32, #tpu.memory_space<hbm>>) target(%arg25 : memref<64x128xf32, #tpu.memory_space<vmem>>) offsets(%arg13 : memref<64xi32, #tpu.memory_space<vmem>>) semaphore(%arg30 : memref<!tpu.dma_semaphore, #tpu.memory_space<semaphore_mem>>)
      %dma_wait3A_697 = arith.constant 0 : i32
      %dma_wait3A_698 = arith.constant 0 : i32
      %dma_wait3A_699 = tpu.memref_slice %arg2[%dma_wait3A_697, %dma_wait3A_698] : memref<10000x128xf32, #tpu.memory_space<hbm>> -> memref<10000x128xf32, #tpu.memory_space<hbm>>
      tpu.wait_indirect_dma semaphore(%arg28 : memref<!tpu.dma_semaphore, #tpu.memory_space<semaphore_mem>>) src(%dma_wait3A_699 : memref<10000x128xf32, #tpu.memory_space<hbm>>) dst(%arg23 : memref<64x128xf32, #tpu.memory_space<vmem>>)
      %dma_start3A_700 = arith.constant 0 : i32
      %dma_start3A_701 = arith.constant 0 : i32
      %dma_start3A_702 = tpu.memref_slice %arg26[%dma_start3A_700, %dma_start3A_701] : memref<10240x128xf32, #tpu.memory_space<vmem_shared>> -> memref<10240x128xf32, #tpu.memory_space<vmem_shared>>
      tpu.enqueue_indirect_dma source(%arg23 : memref<64x128xf32, #tpu.memory_space<vmem>>) target(%dma_start3A_702 : memref<10240x128xf32, #tpu.memory_space<vmem_shared>>) offsets(%arg19 : memref<64xi32, #tpu.memory_space<vmem>>) semaphore(%arg32 : memref<!tpu.dma_semaphore, #tpu.memory_space<semaphore_mem>>) {add = true}
      %add3A_703 = arith.constant 4 : i32
      %add3A_704 = arith.addi %add3A_682, %add3A_703 : i32
      %mul3A_705 = arith.constant 64 : i32
      %mul3A_706 = arith.muli %add3A_704, %mul3A_705 : i32
      %add3A_707 = arith.addi %mul3A_2, %mul3A_706 : i32
      %dma_start3A_708 = tpu.memref_slice %arg3[%add3A_707] : memref<327680xi32, #tpu.memory_space<hbm>> -> memref<64xi32, #tpu.memory_space<hbm>>
      %dma_start3A_709 = tpu.memref_slice %arg3[%add3A_707] : memref<327680xi32, #tpu.memory_space<hbm>> -> memref<64xi32, #tpu.memory_space<hbm>>
      tpu.enqueue_dma source(%dma_start3A_709 : memref<64xi32, #tpu.memory_space<hbm>>) target(%arg9 : memref<64xi32, #tpu.memory_space<vmem>>) target_semaphore(%arg36 : memref<!tpu.dma_semaphore, #tpu.memory_space<semaphore_mem>>)
      %dma_start3A_710 = tpu.memref_slice %arg4[%add3A_707] : memref<327680xi32, #tpu.memory_space<hbm>> -> memref<64xi32, #tpu.memory_space<hbm>>
      %dma_start3A_711 = tpu.memref_slice %arg4[%add3A_707] : memref<327680xi32, #tpu.memory_space<hbm>> -> memref<64xi32, #tpu.memory_space<hbm>>
      tpu.enqueue_dma source(%dma_start3A_711 : memref<64xi32, #tpu.memory_space<hbm>>) target(%arg17 : memref<64xi32, #tpu.memory_space<vmem>>) target_semaphore(%arg44 : memref<!tpu.dma_semaphore, #tpu.memory_space<semaphore_mem>>)
    }
    %scan3A_249 = arith.constant 18 : i32
    %dma_wait3A_250 = arith.constant 0 : i32
    %dma_wait3A_251 = arith.constant 0 : i32
    %dma_wait3A_252 = tpu.memref_slice %arg26[%dma_wait3A_250, %dma_wait3A_251] : memref<10240x128xf32, #tpu.memory_space<vmem_shared>> -> memref<10240x128xf32, #tpu.memory_space<vmem_shared>>
    tpu.wait_indirect_dma semaphore(%arg31 : memref<!tpu.dma_semaphore, #tpu.memory_space<semaphore_mem>>) src(%arg22 : memref<64x128xf32, #tpu.memory_space<vmem>>) dst(%dma_wait3A_252 : memref<10240x128xf32, #tpu.memory_space<vmem_shared>>)
    %dma_wait3A_253 = arith.constant 0 : i32
    %dma_wait3A_254 = tpu.memref_slice %arg3[%dma_wait3A_253] : memref<327680xi32, #tpu.memory_space<hbm>> -> memref<64xi32, #tpu.memory_space<hbm>>
    %dma_wait3A_255 = arith.constant 0 : i32
    %dma_wait3A_256 = tpu.memref_slice %arg3[%dma_wait3A_255] : memref<327680xi32, #tpu.memory_space<hbm>> -> memref<64xi32, #tpu.memory_space<hbm>>
    tpu.wait_dma2 semaphore(%arg33 : memref<!tpu.dma_semaphore, #tpu.memory_space<semaphore_mem>>) src(%dma_wait3A_256 : memref<64xi32, #tpu.memory_space<hbm>>) dst(%arg6 : memref<64xi32, #tpu.memory_space<vmem>>)
    %dma_wait3A_257 = arith.constant 0 : i32
    %dma_wait3A_258 = tpu.memref_slice %arg4[%dma_wait3A_257] : memref<327680xi32, #tpu.memory_space<hbm>> -> memref<64xi32, #tpu.memory_space<hbm>>
    %dma_wait3A_259 = arith.constant 0 : i32
    %dma_wait3A_260 = tpu.memref_slice %arg4[%dma_wait3A_259] : memref<327680xi32, #tpu.memory_space<hbm>> -> memref<64xi32, #tpu.memory_space<hbm>>
    tpu.wait_dma2 semaphore(%arg41 : memref<!tpu.dma_semaphore, #tpu.memory_space<semaphore_mem>>) src(%dma_wait3A_260 : memref<64xi32, #tpu.memory_space<hbm>>) dst(%arg14 : memref<64xi32, #tpu.memory_space<vmem>>)
    %dma_start3A_261 = arith.constant 0 : i32
    %dma_start3A_262 = arith.constant 0 : i32
    %dma_start3A_263 = tpu.memref_slice %arg2[%dma_start3A_261, %dma_start3A_262] : memref<10000x128xf32, #tpu.memory_space<hbm>> -> memref<10000x128xf32, #tpu.memory_space<hbm>>
    tpu.enqueue_indirect_dma source(%dma_start3A_263 : memref<10000x128xf32, #tpu.memory_space<hbm>>) target(%arg22 : memref<64x128xf32, #tpu.memory_space<vmem>>) offsets(%arg6 : memref<64xi32, #tpu.memory_space<vmem>>) semaphore(%arg27 : memref<!tpu.dma_semaphore, #tpu.memory_space<semaphore_mem>>)
    %dma_wait3A_264 = arith.constant 0 : i32
    %dma_wait3A_265 = arith.constant 0 : i32
    %dma_wait3A_266 = tpu.memref_slice %arg2[%dma_wait3A_264, %dma_wait3A_265] : memref<10000x128xf32, #tpu.memory_space<hbm>> -> memref<10000x128xf32, #tpu.memory_space<hbm>>
    tpu.wait_indirect_dma semaphore(%arg29 : memref<!tpu.dma_semaphore, #tpu.memory_space<semaphore_mem>>) src(%dma_wait3A_266 : memref<10000x128xf32, #tpu.memory_space<hbm>>) dst(%arg24 : memref<64x128xf32, #tpu.memory_space<vmem>>)
    %dma_start3A_267 = arith.constant 0 : i32
    %dma_start3A_268 = arith.constant 0 : i32
    %dma_start3A_269 = tpu.memref_slice %arg26[%dma_start3A_267, %dma_start3A_268] : memref<10240x128xf32, #tpu.memory_space<vmem_shared>> -> memref<10240x128xf32, #tpu.memory_space<vmem_shared>>
    tpu.enqueue_indirect_dma source(%arg24 : memref<64x128xf32, #tpu.memory_space<vmem>>) target(%dma_start3A_269 : memref<10240x128xf32, #tpu.memory_space<vmem_shared>>) offsets(%arg20 : memref<64xi32, #tpu.memory_space<vmem>>) semaphore(%arg31 : memref<!tpu.dma_semaphore, #tpu.memory_space<semaphore_mem>>) {add = true}
    %add3A_270 = arith.constant 9984 : i32
    %add3A_271 = arith.addi %mul3A_2, %add3A_270 : i32
    %dma_start3A_272 = tpu.memref_slice %arg3[%add3A_271] : memref<327680xi32, #tpu.memory_space<hbm>> -> memref<64xi32, #tpu.memory_space<hbm>>
    %dma_start3A_273 = tpu.memref_slice %arg3[%add3A_271] : memref<327680xi32, #tpu.memory_space<hbm>> -> memref<64xi32, #tpu.memory_space<hbm>>
    tpu.enqueue_dma source(%dma_start3A_273 : memref<64xi32, #tpu.memory_space<hbm>>) target(%arg10 : memref<64xi32, #tpu.memory_space<vmem>>) target_semaphore(%arg37 : memref<!tpu.dma_semaphore, #tpu.memory_space<semaphore_mem>>)
    %dma_start3A_274 = tpu.memref_slice %arg4[%add3A_271] : memref<327680xi32, #tpu.memory_space<hbm>> -> memref<64xi32, #tpu.memory_space<hbm>>
    %dma_start3A_275 = tpu.memref_slice %arg4[%add3A_271] : memref<327680xi32, #tpu.memory_space<hbm>> -> memref<64xi32, #tpu.memory_space<hbm>>
    tpu.enqueue_dma source(%dma_start3A_275 : memref<64xi32, #tpu.memory_space<hbm>>) target(%arg18 : memref<64xi32, #tpu.memory_space<vmem>>) target_semaphore(%arg45 : memref<!tpu.dma_semaphore, #tpu.memory_space<semaphore_mem>>)
    %dma_wait3A_276 = arith.constant 0 : i32
    %dma_wait3A_277 = arith.constant 0 : i32
    %dma_wait3A_278 = tpu.memref_slice %arg26[%dma_wait3A_276, %dma_wait3A_277] : memref<10240x128xf32, #tpu.memory_space<vmem_shared>> -> memref<10240x128xf32, #tpu.memory_space<vmem_shared>>
    tpu.wait_indirect_dma semaphore(%arg32 : memref<!tpu.dma_semaphore, #tpu.memory_space<semaphore_mem>>) src(%arg23 : memref<64x128xf32, #tpu.memory_space<vmem>>) dst(%dma_wait3A_278 : memref<10240x128xf32, #tpu.memory_space<vmem_shared>>)
    %dma_wait3A_279 = arith.constant 0 : i32
    %dma_wait3A_280 = tpu.memref_slice %arg3[%dma_wait3A_279] : memref<327680xi32, #tpu.memory_space<hbm>> -> memref<64xi32, #tpu.memory_space<hbm>>
    %dma_wait3A_281 = arith.constant 0 : i32
    %dma_wait3A_282 = tpu.memref_slice %arg3[%dma_wait3A_281] : memref<327680xi32, #tpu.memory_space<hbm>> -> memref<64xi32, #tpu.memory_space<hbm>>
    tpu.wait_dma2 semaphore(%arg34 : memref<!tpu.dma_semaphore, #tpu.memory_space<semaphore_mem>>) src(%dma_wait3A_282 : memref<64xi32, #tpu.memory_space<hbm>>) dst(%arg7 : memref<64xi32, #tpu.memory_space<vmem>>)
    %dma_wait3A_283 = arith.constant 0 : i32
    %dma_wait3A_284 = tpu.memref_slice %arg4[%dma_wait3A_283] : memref<327680xi32, #tpu.memory_space<hbm>> -> memref<64xi32, #tpu.memory_space<hbm>>
    %dma_wait3A_285 = arith.constant 0 : i32
    %dma_wait3A_286 = tpu.memref_slice %arg4[%dma_wait3A_285] : memref<327680xi32, #tpu.memory_space<hbm>> -> memref<64xi32, #tpu.memory_space<hbm>>
    tpu.wait_dma2 semaphore(%arg42 : memref<!tpu.dma_semaphore, #tpu.memory_space<semaphore_mem>>) src(%dma_wait3A_286 : memref<64xi32, #tpu.memory_space<hbm>>) dst(%arg15 : memref<64xi32, #tpu.memory_space<vmem>>)
    %dma_start3A_287 = arith.constant 0 : i32
    %dma_start3A_288 = arith.constant 0 : i32
    %dma_start3A_289 = tpu.memref_slice %arg2[%dma_start3A_287, %dma_start3A_288] : memref<10000x128xf32, #tpu.memory_space<hbm>> -> memref<10000x128xf32, #tpu.memory_space<hbm>>
    tpu.enqueue_indirect_dma source(%dma_start3A_289 : memref<10000x128xf32, #tpu.memory_space<hbm>>) target(%arg23 : memref<64x128xf32, #tpu.memory_space<vmem>>) offsets(%arg7 : memref<64xi32, #tpu.memory_space<vmem>>) semaphore(%arg28 : memref<!tpu.dma_semaphore, #tpu.memory_space<semaphore_mem>>)
    %dma_wait3A_290 = arith.constant 0 : i32
    %dma_wait3A_291 = arith.constant 0 : i32
    %dma_wait3A_292 = tpu.memref_slice %arg2[%dma_wait3A_290, %dma_wait3A_291] : memref<10000x128xf32, #tpu.memory_space<hbm>> -> memref<10000x128xf32, #tpu.memory_space<hbm>>
    tpu.wait_indirect_dma semaphore(%arg30 : memref<!tpu.dma_semaphore, #tpu.memory_space<semaphore_mem>>) src(%dma_wait3A_292 : memref<10000x128xf32, #tpu.memory_space<hbm>>) dst(%arg25 : memref<64x128xf32, #tpu.memory_space<vmem>>)
    %dma_start3A_293 = arith.constant 0 : i32
    %dma_start3A_294 = arith.constant 0 : i32
    %dma_start3A_295 = tpu.memref_slice %arg26[%dma_start3A_293, %dma_start3A_294] : memref<10240x128xf32, #tpu.memory_space<vmem_shared>> -> memref<10240x128xf32, #tpu.memory_space<vmem_shared>>
    tpu.enqueue_indirect_dma source(%arg25 : memref<64x128xf32, #tpu.memory_space<vmem>>) target(%dma_start3A_295 : memref<10240x128xf32, #tpu.memory_space<vmem_shared>>) offsets(%arg21 : memref<64xi32, #tpu.memory_space<vmem>>) semaphore(%arg32 : memref<!tpu.dma_semaphore, #tpu.memory_space<semaphore_mem>>) {add = true}
    %add3A_296 = arith.constant 10048 : i32
    %add3A_297 = arith.addi %mul3A_2, %add3A_296 : i32
    %dma_start3A_298 = tpu.memref_slice %arg3[%add3A_297] : memref<327680xi32, #tpu.memory_space<hbm>> -> memref<64xi32, #tpu.memory_space<hbm>>
    %dma_start3A_299 = tpu.memref_slice %arg3[%add3A_297] : memref<327680xi32, #tpu.memory_space<hbm>> -> memref<64xi32, #tpu.memory_space<hbm>>
    tpu.enqueue_dma source(%dma_start3A_299 : memref<64xi32, #tpu.memory_space<hbm>>) target(%arg11 : memref<64xi32, #tpu.memory_space<vmem>>) target_semaphore(%arg38 : memref<!tpu.dma_semaphore, #tpu.memory_space<semaphore_mem>>)
    %dma_start3A_300 = tpu.memref_slice %arg4[%add3A_297] : memref<327680xi32, #tpu.memory_space<hbm>> -> memref<64xi32, #tpu.memory_space<hbm>>
    %dma_start3A_301 = tpu.memref_slice %arg4[%add3A_297] : memref<327680xi32, #tpu.memory_space<hbm>> -> memref<64xi32, #tpu.memory_space<hbm>>
    tpu.enqueue_dma source(%dma_start3A_301 : memref<64xi32, #tpu.memory_space<hbm>>) target(%arg19 : memref<64xi32, #tpu.memory_space<vmem>>) target_semaphore(%arg46 : memref<!tpu.dma_semaphore, #tpu.memory_space<semaphore_mem>>)
    %dma_wait3A_302 = arith.constant 0 : i32
    %dma_wait3A_303 = arith.constant 0 : i32
    %dma_wait3A_304 = tpu.memref_slice %arg26[%dma_wait3A_302, %dma_wait3A_303] : memref<10240x128xf32, #tpu.memory_space<vmem_shared>> -> memref<10240x128xf32, #tpu.memory_space<vmem_shared>>
    tpu.wait_indirect_dma semaphore(%arg31 : memref<!tpu.dma_semaphore, #tpu.memory_space<semaphore_mem>>) src(%arg24 : memref<64x128xf32, #tpu.memory_space<vmem>>) dst(%dma_wait3A_304 : memref<10240x128xf32, #tpu.memory_space<vmem_shared>>)
    %dma_wait3A_305 = arith.constant 0 : i32
    %dma_wait3A_306 = tpu.memref_slice %arg3[%dma_wait3A_305] : memref<327680xi32, #tpu.memory_space<hbm>> -> memref<64xi32, #tpu.memory_space<hbm>>
    %dma_wait3A_307 = arith.constant 0 : i32
    %dma_wait3A_308 = tpu.memref_slice %arg3[%dma_wait3A_307] : memref<327680xi32, #tpu.memory_space<hbm>> -> memref<64xi32, #tpu.memory_space<hbm>>
    tpu.wait_dma2 semaphore(%arg35 : memref<!tpu.dma_semaphore, #tpu.memory_space<semaphore_mem>>) src(%dma_wait3A_308 : memref<64xi32, #tpu.memory_space<hbm>>) dst(%arg8 : memref<64xi32, #tpu.memory_space<vmem>>)
    %dma_wait3A_309 = arith.constant 0 : i32
    %dma_wait3A_310 = tpu.memref_slice %arg4[%dma_wait3A_309] : memref<327680xi32, #tpu.memory_space<hbm>> -> memref<64xi32, #tpu.memory_space<hbm>>
    %dma_wait3A_311 = arith.constant 0 : i32
    %dma_wait3A_312 = tpu.memref_slice %arg4[%dma_wait3A_311] : memref<327680xi32, #tpu.memory_space<hbm>> -> memref<64xi32, #tpu.memory_space<hbm>>
    tpu.wait_dma2 semaphore(%arg43 : memref<!tpu.dma_semaphore, #tpu.memory_space<semaphore_mem>>) src(%dma_wait3A_312 : memref<64xi32, #tpu.memory_space<hbm>>) dst(%arg16 : memref<64xi32, #tpu.memory_space<vmem>>)
    %dma_start3A_313 = arith.constant 0 : i32
    %dma_start3A_314 = arith.constant 0 : i32
    %dma_start3A_315 = tpu.memref_slice %arg2[%dma_start3A_313, %dma_start3A_314] : memref<10000x128xf32, #tpu.memory_space<hbm>> -> memref<10000x128xf32, #tpu.memory_space<hbm>>
    tpu.enqueue_indirect_dma source(%dma_start3A_315 : memref<10000x128xf32, #tpu.memory_space<hbm>>) target(%arg24 : memref<64x128xf32, #tpu.memory_space<vmem>>) offsets(%arg8 : memref<64xi32, #tpu.memory_space<vmem>>) semaphore(%arg29 : memref<!tpu.dma_semaphore, #tpu.memory_space<semaphore_mem>>)
    %dma_wait3A_316 = arith.constant 0 : i32
    %dma_wait3A_317 = arith.constant 0 : i32
    %dma_wait3A_318 = tpu.memref_slice %arg2[%dma_wait3A_316, %dma_wait3A_317] : memref<10000x128xf32, #tpu.memory_space<hbm>> -> memref<10000x128xf32, #tpu.memory_space<hbm>>
    tpu.wait_indirect_dma semaphore(%arg27 : memref<!tpu.dma_semaphore, #tpu.memory_space<semaphore_mem>>) src(%dma_wait3A_318 : memref<10000x128xf32, #tpu.memory_space<hbm>>) dst(%arg22 : memref<64x128xf32, #tpu.memory_space<vmem>>)
    %dma_start3A_319 = arith.constant 0 : i32
    %dma_start3A_320 = arith.constant 0 : i32
    %dma_start3A_321 = tpu.memref_slice %arg26[%dma_start3A_319, %dma_start3A_320] : memref<10240x128xf32, #tpu.memory_space<vmem_shared>> -> memref<10240x128xf32, #tpu.memory_space<vmem_shared>>
    tpu.enqueue_indirect_dma source(%arg22 : memref<64x128xf32, #tpu.memory_space<vmem>>) target(%dma_start3A_321 : memref<10240x128xf32, #tpu.memory_space<vmem_shared>>) offsets(%arg14 : memref<64xi32, #tpu.memory_space<vmem>>) semaphore(%arg31 : memref<!tpu.dma_semaphore, #tpu.memory_space<semaphore_mem>>) {add = true}
    %add3A_322 = arith.constant 10112 : i32
    %add3A_323 = arith.addi %mul3A_2, %add3A_322 : i32
    %dma_start3A_324 = tpu.memref_slice %arg3[%add3A_323] : memref<327680xi32, #tpu.memory_space<hbm>> -> memref<64xi32, #tpu.memory_space<hbm>>
    %dma_start3A_325 = tpu.memref_slice %arg3[%add3A_323] : memref<327680xi32, #tpu.memory_space<hbm>> -> memref<64xi32, #tpu.memory_space<hbm>>
    tpu.enqueue_dma source(%dma_start3A_325 : memref<64xi32, #tpu.memory_space<hbm>>) target(%arg12 : memref<64xi32, #tpu.memory_space<vmem>>) target_semaphore(%arg39 : memref<!tpu.dma_semaphore, #tpu.memory_space<semaphore_mem>>)
    %dma_start3A_326 = tpu.memref_slice %arg4[%add3A_323] : memref<327680xi32, #tpu.memory_space<hbm>> -> memref<64xi32, #tpu.memory_space<hbm>>
    %dma_start3A_327 = tpu.memref_slice %arg4[%add3A_323] : memref<327680xi32, #tpu.memory_space<hbm>> -> memref<64xi32, #tpu.memory_space<hbm>>
    tpu.enqueue_dma source(%dma_start3A_327 : memref<64xi32, #tpu.memory_space<hbm>>) target(%arg20 : memref<64xi32, #tpu.memory_space<vmem>>) target_semaphore(%arg47 : memref<!tpu.dma_semaphore, #tpu.memory_space<semaphore_mem>>)
    %dma_wait3A_328 = arith.constant 0 : i32
    %dma_wait3A_329 = arith.constant 0 : i32
    %dma_wait3A_330 = tpu.memref_slice %arg26[%dma_wait3A_328, %dma_wait3A_329] : memref<10240x128xf32, #tpu.memory_space<vmem_shared>> -> memref<10240x128xf32, #tpu.memory_space<vmem_shared>>
    tpu.wait_indirect_dma semaphore(%arg32 : memref<!tpu.dma_semaphore, #tpu.memory_space<semaphore_mem>>) src(%arg25 : memref<64x128xf32, #tpu.memory_space<vmem>>) dst(%dma_wait3A_330 : memref<10240x128xf32, #tpu.memory_space<vmem_shared>>)
    %dma_wait3A_331 = arith.constant 0 : i32
    %dma_wait3A_332 = tpu.memref_slice %arg3[%dma_wait3A_331] : memref<327680xi32, #tpu.memory_space<hbm>> -> memref<64xi32, #tpu.memory_space<hbm>>
    %dma_wait3A_333 = arith.constant 0 : i32
    %dma_wait3A_334 = tpu.memref_slice %arg3[%dma_wait3A_333] : memref<327680xi32, #tpu.memory_space<hbm>> -> memref<64xi32, #tpu.memory_space<hbm>>
    tpu.wait_dma2 semaphore(%arg36 : memref<!tpu.dma_semaphore, #tpu.memory_space<semaphore_mem>>) src(%dma_wait3A_334 : memref<64xi32, #tpu.memory_space<hbm>>) dst(%arg9 : memref<64xi32, #tpu.memory_space<vmem>>)
    %dma_wait3A_335 = arith.constant 0 : i32
    %dma_wait3A_336 = tpu.memref_slice %arg4[%dma_wait3A_335] : memref<327680xi32, #tpu.memory_space<hbm>> -> memref<64xi32, #tpu.memory_space<hbm>>
    %dma_wait3A_337 = arith.constant 0 : i32
    %dma_wait3A_338 = tpu.memref_slice %arg4[%dma_wait3A_337] : memref<327680xi32, #tpu.memory_space<hbm>> -> memref<64xi32, #tpu.memory_space<hbm>>
    tpu.wait_dma2 semaphore(%arg44 : memref<!tpu.dma_semaphore, #tpu.memory_space<semaphore_mem>>) src(%dma_wait3A_338 : memref<64xi32, #tpu.memory_space<hbm>>) dst(%arg17 : memref<64xi32, #tpu.memory_space<vmem>>)
    %dma_start3A_339 = arith.constant 0 : i32
    %dma_start3A_340 = arith.constant 0 : i32
    %dma_start3A_341 = tpu.memref_slice %arg2[%dma_start3A_339, %dma_start3A_340] : memref<10000x128xf32, #tpu.memory_space<hbm>> -> memref<10000x128xf32, #tpu.memory_space<hbm>>
    tpu.enqueue_indirect_dma source(%dma_start3A_341 : memref<10000x128xf32, #tpu.memory_space<hbm>>) target(%arg25 : memref<64x128xf32, #tpu.memory_space<vmem>>) offsets(%arg9 : memref<64xi32, #tpu.memory_space<vmem>>) semaphore(%arg30 : memref<!tpu.dma_semaphore, #tpu.memory_space<semaphore_mem>>)
    %dma_wait3A_342 = arith.constant 0 : i32
    %dma_wait3A_343 = arith.constant 0 : i32
    %dma_wait3A_344 = tpu.memref_slice %arg2[%dma_wait3A_342, %dma_wait3A_343] : memref<10000x128xf32, #tpu.memory_space<hbm>> -> memref<10000x128xf32, #tpu.memory_space<hbm>>
    tpu.wait_indirect_dma semaphore(%arg28 : memref<!tpu.dma_semaphore, #tpu.memory_space<semaphore_mem>>) src(%dma_wait3A_344 : memref<10000x128xf32, #tpu.memory_space<hbm>>) dst(%arg23 : memref<64x128xf32, #tpu.memory_space<vmem>>)
    %dma_start3A_345 = arith.constant 0 : i32
    %dma_start3A_346 = arith.constant 0 : i32
    %dma_start3A_347 = tpu.memref_slice %arg26[%dma_start3A_345, %dma_start3A_346] : memref<10240x128xf32, #tpu.memory_space<vmem_shared>> -> memref<10240x128xf32, #tpu.memory_space<vmem_shared>>
    tpu.enqueue_indirect_dma source(%arg23 : memref<64x128xf32, #tpu.memory_space<vmem>>) target(%dma_start3A_347 : memref<10240x128xf32, #tpu.memory_space<vmem_shared>>) offsets(%arg15 : memref<64xi32, #tpu.memory_space<vmem>>) semaphore(%arg32 : memref<!tpu.dma_semaphore, #tpu.memory_space<semaphore_mem>>) {add = true}
    %add3A_348 = arith.constant 10176 : i32
    %add3A_349 = arith.addi %mul3A_2, %add3A_348 : i32
    %dma_start3A_350 = tpu.memref_slice %arg3[%add3A_349] : memref<327680xi32, #tpu.memory_space<hbm>> -> memref<64xi32, #tpu.memory_space<hbm>>
    %dma_start3A_351 = tpu.memref_slice %arg3[%add3A_349] : memref<327680xi32, #tpu.memory_space<hbm>> -> memref<64xi32, #tpu.memory_space<hbm>>
    tpu.enqueue_dma source(%dma_start3A_351 : memref<64xi32, #tpu.memory_space<hbm>>) target(%arg13 : memref<64xi32, #tpu.memory_space<vmem>>) target_semaphore(%arg40 : memref<!tpu.dma_semaphore, #tpu.memory_space<semaphore_mem>>)
    %dma_start3A_352 = tpu.memref_slice %arg4[%add3A_349] : memref<327680xi32, #tpu.memory_space<hbm>> -> memref<64xi32, #tpu.memory_space<hbm>>
    %dma_start3A_353 = tpu.memref_slice %arg4[%add3A_349] : memref<327680xi32, #tpu.memory_space<hbm>> -> memref<64xi32, #tpu.memory_space<hbm>>
    tpu.enqueue_dma source(%dma_start3A_353 : memref<64xi32, #tpu.memory_space<hbm>>) target(%arg21 : memref<64xi32, #tpu.memory_space<vmem>>) target_semaphore(%arg48 : memref<!tpu.dma_semaphore, #tpu.memory_space<semaphore_mem>>)
    %dma_wait3A_354 = arith.constant 0 : i32
    %dma_wait3A_355 = arith.constant 0 : i32
    %dma_wait3A_356 = tpu.memref_slice %arg26[%dma_wait3A_354, %dma_wait3A_355] : memref<10240x128xf32, #tpu.memory_space<vmem_shared>> -> memref<10240x128xf32, #tpu.memory_space<vmem_shared>>
    tpu.wait_indirect_dma semaphore(%arg31 : memref<!tpu.dma_semaphore, #tpu.memory_space<semaphore_mem>>) src(%arg22 : memref<64x128xf32, #tpu.memory_space<vmem>>) dst(%dma_wait3A_356 : memref<10240x128xf32, #tpu.memory_space<vmem_shared>>)
    %dma_wait3A_357 = arith.constant 0 : i32
    %dma_wait3A_358 = tpu.memref_slice %arg3[%dma_wait3A_357] : memref<327680xi32, #tpu.memory_space<hbm>> -> memref<64xi32, #tpu.memory_space<hbm>>
    %dma_wait3A_359 = arith.constant 0 : i32
    %dma_wait3A_360 = tpu.memref_slice %arg3[%dma_wait3A_359] : memref<327680xi32, #tpu.memory_space<hbm>> -> memref<64xi32, #tpu.memory_space<hbm>>
    tpu.wait_dma2 semaphore(%arg37 : memref<!tpu.dma_semaphore, #tpu.memory_space<semaphore_mem>>) src(%dma_wait3A_360 : memref<64xi32, #tpu.memory_space<hbm>>) dst(%arg10 : memref<64xi32, #tpu.memory_space<vmem>>)
    %dma_wait3A_361 = arith.constant 0 : i32
    %dma_wait3A_362 = tpu.memref_slice %arg4[%dma_wait3A_361] : memref<327680xi32, #tpu.memory_space<hbm>> -> memref<64xi32, #tpu.memory_space<hbm>>
    %dma_wait3A_363 = arith.constant 0 : i32
    %dma_wait3A_364 = tpu.memref_slice %arg4[%dma_wait3A_363] : memref<327680xi32, #tpu.memory_space<hbm>> -> memref<64xi32, #tpu.memory_space<hbm>>
    tpu.wait_dma2 semaphore(%arg45 : memref<!tpu.dma_semaphore, #tpu.memory_space<semaphore_mem>>) src(%dma_wait3A_364 : memref<64xi32, #tpu.memory_space<hbm>>) dst(%arg18 : memref<64xi32, #tpu.memory_space<vmem>>)
    %dma_start3A_365 = arith.constant 0 : i32
    %dma_start3A_366 = arith.constant 0 : i32
    %dma_start3A_367 = tpu.memref_slice %arg2[%dma_start3A_365, %dma_start3A_366] : memref<10000x128xf32, #tpu.memory_space<hbm>> -> memref<10000x128xf32, #tpu.memory_space<hbm>>
    tpu.enqueue_indirect_dma source(%dma_start3A_367 : memref<10000x128xf32, #tpu.memory_space<hbm>>) target(%arg22 : memref<64x128xf32, #tpu.memory_space<vmem>>) offsets(%arg10 : memref<64xi32, #tpu.memory_space<vmem>>) semaphore(%arg27 : memref<!tpu.dma_semaphore, #tpu.memory_space<semaphore_mem>>)
    %dma_wait3A_368 = arith.constant 0 : i32
    %dma_wait3A_369 = arith.constant 0 : i32
    %dma_wait3A_370 = tpu.memref_slice %arg2[%dma_wait3A_368, %dma_wait3A_369] : memref<10000x128xf32, #tpu.memory_space<hbm>> -> memref<10000x128xf32, #tpu.memory_space<hbm>>
    tpu.wait_indirect_dma semaphore(%arg29 : memref<!tpu.dma_semaphore, #tpu.memory_space<semaphore_mem>>) src(%dma_wait3A_370 : memref<10000x128xf32, #tpu.memory_space<hbm>>) dst(%arg24 : memref<64x128xf32, #tpu.memory_space<vmem>>)
    %dma_start3A_371 = arith.constant 0 : i32
    %dma_start3A_372 = arith.constant 0 : i32
    %dma_start3A_373 = tpu.memref_slice %arg26[%dma_start3A_371, %dma_start3A_372] : memref<10240x128xf32, #tpu.memory_space<vmem_shared>> -> memref<10240x128xf32, #tpu.memory_space<vmem_shared>>
    tpu.enqueue_indirect_dma source(%arg24 : memref<64x128xf32, #tpu.memory_space<vmem>>) target(%dma_start3A_373 : memref<10240x128xf32, #tpu.memory_space<vmem_shared>>) offsets(%arg16 : memref<64xi32, #tpu.memory_space<vmem>>) semaphore(%arg31 : memref<!tpu.dma_semaphore, #tpu.memory_space<semaphore_mem>>) {add = true}
    %dma_wait3A_374 = arith.constant 0 : i32
    %dma_wait3A_375 = arith.constant 0 : i32
    %dma_wait3A_376 = tpu.memref_slice %arg26[%dma_wait3A_374, %dma_wait3A_375] : memref<10240x128xf32, #tpu.memory_space<vmem_shared>> -> memref<10240x128xf32, #tpu.memory_space<vmem_shared>>
    tpu.wait_indirect_dma semaphore(%arg32 : memref<!tpu.dma_semaphore, #tpu.memory_space<semaphore_mem>>) src(%arg23 : memref<64x128xf32, #tpu.memory_space<vmem>>) dst(%dma_wait3A_376 : memref<10240x128xf32, #tpu.memory_space<vmem_shared>>)
    %dma_wait3A_377 = arith.constant 0 : i32
    %dma_wait3A_378 = tpu.memref_slice %arg3[%dma_wait3A_377] : memref<327680xi32, #tpu.memory_space<hbm>> -> memref<64xi32, #tpu.memory_space<hbm>>
    %dma_wait3A_379 = arith.constant 0 : i32
    %dma_wait3A_380 = tpu.memref_slice %arg3[%dma_wait3A_379] : memref<327680xi32, #tpu.memory_space<hbm>> -> memref<64xi32, #tpu.memory_space<hbm>>
    tpu.wait_dma2 semaphore(%arg38 : memref<!tpu.dma_semaphore, #tpu.memory_space<semaphore_mem>>) src(%dma_wait3A_380 : memref<64xi32, #tpu.memory_space<hbm>>) dst(%arg11 : memref<64xi32, #tpu.memory_space<vmem>>)
    %dma_wait3A_381 = arith.constant 0 : i32
    %dma_wait3A_382 = tpu.memref_slice %arg4[%dma_wait3A_381] : memref<327680xi32, #tpu.memory_space<hbm>> -> memref<64xi32, #tpu.memory_space<hbm>>
    %dma_wait3A_383 = arith.constant 0 : i32
    %dma_wait3A_384 = tpu.memref_slice %arg4[%dma_wait3A_383] : memref<327680xi32, #tpu.memory_space<hbm>> -> memref<64xi32, #tpu.memory_space<hbm>>
    tpu.wait_dma2 semaphore(%arg46 : memref<!tpu.dma_semaphore, #tpu.memory_space<semaphore_mem>>) src(%dma_wait3A_384 : memref<64xi32, #tpu.memory_space<hbm>>) dst(%arg19 : memref<64xi32, #tpu.memory_space<vmem>>)
    %dma_start3A_385 = arith.constant 0 : i32
    %dma_start3A_386 = arith.constant 0 : i32
    %dma_start3A_387 = tpu.memref_slice %arg2[%dma_start3A_385, %dma_start3A_386] : memref<10000x128xf32, #tpu.memory_space<hbm>> -> memref<10000x128xf32, #tpu.memory_space<hbm>>
    tpu.enqueue_indirect_dma source(%dma_start3A_387 : memref<10000x128xf32, #tpu.memory_space<hbm>>) target(%arg23 : memref<64x128xf32, #tpu.memory_space<vmem>>) offsets(%arg11 : memref<64xi32, #tpu.memory_space<vmem>>) semaphore(%arg28 : memref<!tpu.dma_semaphore, #tpu.memory_space<semaphore_mem>>)
    %dma_wait3A_388 = arith.constant 0 : i32
    %dma_wait3A_389 = arith.constant 0 : i32
    %dma_wait3A_390 = tpu.memref_slice %arg2[%dma_wait3A_388, %dma_wait3A_389] : memref<10000x128xf32, #tpu.memory_space<hbm>> -> memref<10000x128xf32, #tpu.memory_space<hbm>>
    tpu.wait_indirect_dma semaphore(%arg30 : memref<!tpu.dma_semaphore, #tpu.memory_space<semaphore_mem>>) src(%dma_wait3A_390 : memref<10000x128xf32, #tpu.memory_space<hbm>>) dst(%arg25 : memref<64x128xf32, #tpu.memory_space<vmem>>)
    %dma_start3A_391 = arith.constant 0 : i32
    %dma_start3A_392 = arith.constant 0 : i32
    %dma_start3A_393 = tpu.memref_slice %arg26[%dma_start3A_391, %dma_start3A_392] : memref<10240x128xf32, #tpu.memory_space<vmem_shared>> -> memref<10240x128xf32, #tpu.memory_space<vmem_shared>>
    tpu.enqueue_indirect_dma source(%arg25 : memref<64x128xf32, #tpu.memory_space<vmem>>) target(%dma_start3A_393 : memref<10240x128xf32, #tpu.memory_space<vmem_shared>>) offsets(%arg17 : memref<64xi32, #tpu.memory_space<vmem>>) semaphore(%arg32 : memref<!tpu.dma_semaphore, #tpu.memory_space<semaphore_mem>>) {add = true}
    %dma_wait3A_394 = arith.constant 0 : i32
    %dma_wait3A_395 = arith.constant 0 : i32
    %dma_wait3A_396 = tpu.memref_slice %arg26[%dma_wait3A_394, %dma_wait3A_395] : memref<10240x128xf32, #tpu.memory_space<vmem_shared>> -> memref<10240x128xf32, #tpu.memory_space<vmem_shared>>
    tpu.wait_indirect_dma semaphore(%arg31 : memref<!tpu.dma_semaphore, #tpu.memory_space<semaphore_mem>>) src(%arg24 : memref<64x128xf32, #tpu.memory_space<vmem>>) dst(%dma_wait3A_396 : memref<10240x128xf32, #tpu.memory_space<vmem_shared>>)
    %dma_wait3A_397 = arith.constant 0 : i32
    %dma_wait3A_398 = tpu.memref_slice %arg3[%dma_wait3A_397] : memref<327680xi32, #tpu.memory_space<hbm>> -> memref<64xi32, #tpu.memory_space<hbm>>
    %dma_wait3A_399 = arith.constant 0 : i32
    %dma_wait3A_400 = tpu.memref_slice %arg3[%dma_wait3A_399] : memref<327680xi32, #tpu.memory_space<hbm>> -> memref<64xi32, #tpu.memory_space<hbm>>
    tpu.wait_dma2 semaphore(%arg39 : memref<!tpu.dma_semaphore, #tpu.memory_space<semaphore_mem>>) src(%dma_wait3A_400 : memref<64xi32, #tpu.memory_space<hbm>>) dst(%arg12 : memref<64xi32, #tpu.memory_space<vmem>>)
    %dma_wait3A_401 = arith.constant 0 : i32
    %dma_wait3A_402 = tpu.memref_slice %arg4[%dma_wait3A_401] : memref<327680xi32, #tpu.memory_space<hbm>> -> memref<64xi32, #tpu.memory_space<hbm>>
    %dma_wait3A_403 = arith.constant 0 : i32
    %dma_wait3A_404 = tpu.memref_slice %arg4[%dma_wait3A_403] : memref<327680xi32, #tpu.memory_space<hbm>> -> memref<64xi32, #tpu.memory_space<hbm>>
    tpu.wait_dma2 semaphore(%arg47 : memref<!tpu.dma_semaphore, #tpu.memory_space<semaphore_mem>>) src(%dma_wait3A_404 : memref<64xi32, #tpu.memory_space<hbm>>) dst(%arg20 : memref<64xi32, #tpu.memory_space<vmem>>)
    %dma_start3A_405 = arith.constant 0 : i32
    %dma_start3A_406 = arith.constant 0 : i32
    %dma_start3A_407 = tpu.memref_slice %arg2[%dma_start3A_405, %dma_start3A_406] : memref<10000x128xf32, #tpu.memory_space<hbm>> -> memref<10000x128xf32, #tpu.memory_space<hbm>>
    tpu.enqueue_indirect_dma source(%dma_start3A_407 : memref<10000x128xf32, #tpu.memory_space<hbm>>) target(%arg24 : memref<64x128xf32, #tpu.memory_space<vmem>>) offsets(%arg12 : memref<64xi32, #tpu.memory_space<vmem>>) semaphore(%arg29 : memref<!tpu.dma_semaphore, #tpu.memory_space<semaphore_mem>>)
    %dma_wait3A_408 = arith.constant 0 : i32
    %dma_wait3A_409 = arith.constant 0 : i32
    %dma_wait3A_410 = tpu.memref_slice %arg2[%dma_wait3A_408, %dma_wait3A_409] : memref<10000x128xf32, #tpu.memory_space<hbm>> -> memref<10000x128xf32, #tpu.memory_space<hbm>>
    tpu.wait_indirect_dma semaphore(%arg27 : memref<!tpu.dma_semaphore, #tpu.memory_space<semaphore_mem>>) src(%dma_wait3A_410 : memref<10000x128xf32, #tpu.memory_space<hbm>>) dst(%arg22 : memref<64x128xf32, #tpu.memory_space<vmem>>)
    %dma_start3A_411 = arith.constant 0 : i32
    %dma_start3A_412 = arith.constant 0 : i32
    %dma_start3A_413 = tpu.memref_slice %arg26[%dma_start3A_411, %dma_start3A_412] : memref<10240x128xf32, #tpu.memory_space<vmem_shared>> -> memref<10240x128xf32, #tpu.memory_space<vmem_shared>>
    tpu.enqueue_indirect_dma source(%arg22 : memref<64x128xf32, #tpu.memory_space<vmem>>) target(%dma_start3A_413 : memref<10240x128xf32, #tpu.memory_space<vmem_shared>>) offsets(%arg18 : memref<64xi32, #tpu.memory_space<vmem>>) semaphore(%arg31 : memref<!tpu.dma_semaphore, #tpu.memory_space<semaphore_mem>>) {add = true}
    %dma_wait3A_414 = arith.constant 0 : i32
    %dma_wait3A_415 = arith.constant 0 : i32
    %dma_wait3A_416 = tpu.memref_slice %arg26[%dma_wait3A_414, %dma_wait3A_415] : memref<10240x128xf32, #tpu.memory_space<vmem_shared>> -> memref<10240x128xf32, #tpu.memory_space<vmem_shared>>
    tpu.wait_indirect_dma semaphore(%arg32 : memref<!tpu.dma_semaphore, #tpu.memory_space<semaphore_mem>>) src(%arg25 : memref<64x128xf32, #tpu.memory_space<vmem>>) dst(%dma_wait3A_416 : memref<10240x128xf32, #tpu.memory_space<vmem_shared>>)
    %dma_wait3A_417 = arith.constant 0 : i32
    %dma_wait3A_418 = tpu.memref_slice %arg3[%dma_wait3A_417] : memref<327680xi32, #tpu.memory_space<hbm>> -> memref<64xi32, #tpu.memory_space<hbm>>
    %dma_wait3A_419 = arith.constant 0 : i32
    %dma_wait3A_420 = tpu.memref_slice %arg3[%dma_wait3A_419] : memref<327680xi32, #tpu.memory_space<hbm>> -> memref<64xi32, #tpu.memory_space<hbm>>
    tpu.wait_dma2 semaphore(%arg40 : memref<!tpu.dma_semaphore, #tpu.memory_space<semaphore_mem>>) src(%dma_wait3A_420 : memref<64xi32, #tpu.memory_space<hbm>>) dst(%arg13 : memref<64xi32, #tpu.memory_space<vmem>>)
    %dma_wait3A_421 = arith.constant 0 : i32
    %dma_wait3A_422 = tpu.memref_slice %arg4[%dma_wait3A_421] : memref<327680xi32, #tpu.memory_space<hbm>> -> memref<64xi32, #tpu.memory_space<hbm>>
    %dma_wait3A_423 = arith.constant 0 : i32
    %dma_wait3A_424 = tpu.memref_slice %arg4[%dma_wait3A_423] : memref<327680xi32, #tpu.memory_space<hbm>> -> memref<64xi32, #tpu.memory_space<hbm>>
    tpu.wait_dma2 semaphore(%arg48 : memref<!tpu.dma_semaphore, #tpu.memory_space<semaphore_mem>>) src(%dma_wait3A_424 : memref<64xi32, #tpu.memory_space<hbm>>) dst(%arg21 : memref<64xi32, #tpu.memory_space<vmem>>)
    %dma_start3A_425 = arith.constant 0 : i32
    %dma_start3A_426 = arith.constant 0 : i32
    %dma_start3A_427 = tpu.memref_slice %arg2[%dma_start3A_425, %dma_start3A_426] : memref<10000x128xf32, #tpu.memory_space<hbm>> -> memref<10000x128xf32, #tpu.memory_space<hbm>>
    tpu.enqueue_indirect_dma source(%dma_start3A_427 : memref<10000x128xf32, #tpu.memory_space<hbm>>) target(%arg25 : memref<64x128xf32, #tpu.memory_space<vmem>>) offsets(%arg13 : memref<64xi32, #tpu.memory_space<vmem>>) semaphore(%arg30 : memref<!tpu.dma_semaphore, #tpu.memory_space<semaphore_mem>>)
    %dma_wait3A_428 = arith.constant 0 : i32
    %dma_wait3A_429 = arith.constant 0 : i32
    %dma_wait3A_430 = tpu.memref_slice %arg2[%dma_wait3A_428, %dma_wait3A_429] : memref<10000x128xf32, #tpu.memory_space<hbm>> -> memref<10000x128xf32, #tpu.memory_space<hbm>>
    tpu.wait_indirect_dma semaphore(%arg28 : memref<!tpu.dma_semaphore, #tpu.memory_space<semaphore_mem>>) src(%dma_wait3A_430 : memref<10000x128xf32, #tpu.memory_space<hbm>>) dst(%arg23 : memref<64x128xf32, #tpu.memory_space<vmem>>)
    %dma_start3A_431 = arith.constant 0 : i32
    %dma_start3A_432 = arith.constant 0 : i32
    %dma_start3A_433 = tpu.memref_slice %arg26[%dma_start3A_431, %dma_start3A_432] : memref<10240x128xf32, #tpu.memory_space<vmem_shared>> -> memref<10240x128xf32, #tpu.memory_space<vmem_shared>>
    tpu.enqueue_indirect_dma source(%arg23 : memref<64x128xf32, #tpu.memory_space<vmem>>) target(%dma_start3A_433 : memref<10240x128xf32, #tpu.memory_space<vmem_shared>>) offsets(%arg19 : memref<64xi32, #tpu.memory_space<vmem>>) semaphore(%arg32 : memref<!tpu.dma_semaphore, #tpu.memory_space<semaphore_mem>>) {add = true}
    %dma_wait3A_434 = arith.constant 0 : i32
    %dma_wait3A_435 = arith.constant 0 : i32
    %dma_wait3A_436 = tpu.memref_slice %arg2[%dma_wait3A_434, %dma_wait3A_435] : memref<10000x128xf32, #tpu.memory_space<hbm>> -> memref<10000x128xf32, #tpu.memory_space<hbm>>
    tpu.wait_indirect_dma semaphore(%arg29 : memref<!tpu.dma_semaphore, #tpu.memory_space<semaphore_mem>>) src(%dma_wait3A_436 : memref<10000x128xf32, #tpu.memory_space<hbm>>) dst(%arg24 : memref<64x128xf32, #tpu.memory_space<vmem>>)
    %dma_start3A_437 = arith.constant 0 : i32
    %dma_start3A_438 = arith.constant 0 : i32
    %dma_start3A_439 = tpu.memref_slice %arg26[%dma_start3A_437, %dma_start3A_438] : memref<10240x128xf32, #tpu.memory_space<vmem_shared>> -> memref<10240x128xf32, #tpu.memory_space<vmem_shared>>
    tpu.enqueue_indirect_dma source(%arg24 : memref<64x128xf32, #tpu.memory_space<vmem>>) target(%dma_start3A_439 : memref<10240x128xf32, #tpu.memory_space<vmem_shared>>) offsets(%arg20 : memref<64xi32, #tpu.memory_space<vmem>>) semaphore(%arg31 : memref<!tpu.dma_semaphore, #tpu.memory_space<semaphore_mem>>) {add = true}
    %dma_wait3A_440 = arith.constant 0 : i32
    %dma_wait3A_441 = arith.constant 0 : i32
    %dma_wait3A_442 = tpu.memref_slice %arg2[%dma_wait3A_440, %dma_wait3A_441] : memref<10000x128xf32, #tpu.memory_space<hbm>> -> memref<10000x128xf32, #tpu.memory_space<hbm>>
    tpu.wait_indirect_dma semaphore(%arg30 : memref<!tpu.dma_semaphore, #tpu.memory_space<semaphore_mem>>) src(%dma_wait3A_442 : memref<10000x128xf32, #tpu.memory_space<hbm>>) dst(%arg25 : memref<64x128xf32, #tpu.memory_space<vmem>>)
    %dma_start3A_443 = arith.constant 0 : i32
    %dma_start3A_444 = arith.constant 0 : i32
    %dma_start3A_445 = tpu.memref_slice %arg26[%dma_start3A_443, %dma_start3A_444] : memref<10240x128xf32, #tpu.memory_space<vmem_shared>> -> memref<10240x128xf32, #tpu.memory_space<vmem_shared>>
    tpu.enqueue_indirect_dma source(%arg25 : memref<64x128xf32, #tpu.memory_space<vmem>>) target(%dma_start3A_445 : memref<10240x128xf32, #tpu.memory_space<vmem_shared>>) offsets(%arg21 : memref<64xi32, #tpu.memory_space<vmem>>) semaphore(%arg32 : memref<!tpu.dma_semaphore, #tpu.memory_space<semaphore_mem>>) {add = true}
    %dma_wait3A_446 = arith.constant 0 : i32
    %dma_wait3A_447 = arith.constant 0 : i32
    %dma_wait3A_448 = tpu.memref_slice %arg26[%dma_wait3A_446, %dma_wait3A_447] : memref<10240x128xf32, #tpu.memory_space<vmem_shared>> -> memref<10240x128xf32, #tpu.memory_space<vmem_shared>>
    tpu.wait_indirect_dma semaphore(%arg31 : memref<!tpu.dma_semaphore, #tpu.memory_space<semaphore_mem>>) src(%arg22 : memref<64x128xf32, #tpu.memory_space<vmem>>) dst(%dma_wait3A_448 : memref<10240x128xf32, #tpu.memory_space<vmem_shared>>)
    %dma_wait3A_449 = arith.constant 0 : i32
    %dma_wait3A_450 = arith.constant 0 : i32
    %dma_wait3A_451 = tpu.memref_slice %arg26[%dma_wait3A_449, %dma_wait3A_450] : memref<10240x128xf32, #tpu.memory_space<vmem_shared>> -> memref<10240x128xf32, #tpu.memory_space<vmem_shared>>
    tpu.wait_indirect_dma semaphore(%arg32 : memref<!tpu.dma_semaphore, #tpu.memory_space<semaphore_mem>>) src(%arg23 : memref<64x128xf32, #tpu.memory_space<vmem>>) dst(%dma_wait3A_451 : memref<10240x128xf32, #tpu.memory_space<vmem_shared>>)
    %dma_wait3A_452 = arith.constant 0 : i32
    %dma_wait3A_453 = arith.constant 0 : i32
    %dma_wait3A_454 = tpu.memref_slice %arg26[%dma_wait3A_452, %dma_wait3A_453] : memref<10240x128xf32, #tpu.memory_space<vmem_shared>> -> memref<10240x128xf32, #tpu.memory_space<vmem_shared>>
    tpu.wait_indirect_dma semaphore(%arg31 : memref<!tpu.dma_semaphore, #tpu.memory_space<semaphore_mem>>) src(%arg24 : memref<64x128xf32, #tpu.memory_space<vmem>>) dst(%dma_wait3A_454 : memref<10240x128xf32, #tpu.memory_space<vmem_shared>>)
    %dma_wait3A_455 = arith.constant 0 : i32
    %dma_wait3A_456 = arith.constant 0 : i32
    %dma_wait3A_457 = tpu.memref_slice %arg26[%dma_wait3A_455, %dma_wait3A_456] : memref<10240x128xf32, #tpu.memory_space<vmem_shared>> -> memref<10240x128xf32, #tpu.memory_space<vmem_shared>>
    tpu.wait_indirect_dma semaphore(%arg32 : memref<!tpu.dma_semaphore, #tpu.memory_space<semaphore_mem>>) src(%arg25 : memref<64x128xf32, #tpu.memory_space<vmem>>) dst(%dma_wait3A_457 : memref<10240x128xf32, #tpu.memory_space<vmem_shared>>)
    %barrier3A_458 = arith.constant 0 : index
    tpu.barrier barrier_id(%barrier3A_458)
    "tpu.region"() ({
      %run_scoped3A = tpu.sem_alloc : memref<!tpu.dma_semaphore, #tpu.memory_space<semaphore_mem>>
      %dma_start3A_459 = arith.constant 0 : i32
      %dma_start3A_460 = tpu.memref_slice %arg5[%arg0, %mul3A_40, %dma_start3A_459] : memref<2x10240x128xf32, #tpu.memory_space<hbm>> -> memref<1x640x128xf32, #tpu.memory_space<hbm>>
      %dma_start3A_461 = tpu.memref_squeeze %dma_start3A_460 : memref<1x640x128xf32, #tpu.memory_space<hbm>> -> memref<640x128xf32, #tpu.memory_space<hbm>>
      %dma_start3A_462 = arith.constant 0 : i32
      %dma_start3A_463 = tpu.memref_slice %arg26[%mul3A_40, %dma_start3A_462] : memref<10240x128xf32, #tpu.memory_space<vmem_shared>> -> memref<640x128xf32, #tpu.memory_space<vmem_shared>>
      tpu.enqueue_dma source(%dma_start3A_463 : memref<640x128xf32, #tpu.memory_space<vmem_shared>>) target(%dma_start3A_461 : memref<640x128xf32, #tpu.memory_space<hbm>>) target_semaphore(%run_scoped3A : memref<!tpu.dma_semaphore, #tpu.memory_space<semaphore_mem>>)
      %dma_wait3A_464 = arith.constant 0 : i32
      %dma_wait3A_465 = tpu.memref_slice %arg5[%arg0, %mul3A_40, %dma_wait3A_464] : memref<2x10240x128xf32, #tpu.memory_space<hbm>> -> memref<1x640x128xf32, #tpu.memory_space<hbm>>
      %dma_wait3A_466 = tpu.memref_squeeze %dma_wait3A_465 : memref<1x640x128xf32, #tpu.memory_space<hbm>> -> memref<640x128xf32, #tpu.memory_space<hbm>>
      %dma_wait3A_467 = arith.constant 0 : i32
      %dma_wait3A_468 = tpu.memref_slice %arg26[%mul3A_40, %dma_wait3A_467] : memref<10240x128xf32, #tpu.memory_space<vmem_shared>> -> memref<640x128xf32, #tpu.memory_space<vmem_shared>>
      tpu.wait_dma2 semaphore(%run_scoped3A : memref<!tpu.dma_semaphore, #tpu.memory_space<semaphore_mem>>) src(%dma_wait3A_468 : memref<640x128xf32, #tpu.memory_space<vmem_shared>>) dst(%dma_wait3A_466 : memref<640x128xf32, #tpu.memory_space<hbm>>)
      tpu.yield
    }) : () -> ()
    return
  }
}

#map = affine_map<(d0, d1) -> (0, 0)>
#map1 = affine_map<(d0, d1) -> (0)>
#map2 = affine_map<(d0, d1) -> (0, 0, 0)>
module attributes {stable_mosaic.version = 14 : i64} {
  func.func @segsum(%arg0: i32, %arg1: i32, %arg2: memref<10000x128xf32, #tpu.memory_space<hbm>>, %arg3: memref<327680xi32, #tpu.memory_space<hbm>>, %arg4: memref<327680xi32, #tpu.memory_space<hbm>>, %arg5: memref<2x10240x128xf32, #tpu.memory_space<hbm>>, %arg6: memref<64xi32, #tpu.memory_space<vmem>>, %arg7: memref<64xi32, #tpu.memory_space<vmem>>, %arg8: memref<64xi32, #tpu.memory_space<vmem>>, %arg9: memref<64xi32, #tpu.memory_space<vmem>>, %arg10: memref<64xi32, #tpu.memory_space<vmem>>, %arg11: memref<64xi32, #tpu.memory_space<vmem>>, %arg12: memref<64xi32, #tpu.memory_space<vmem>>, %arg13: memref<64xi32, #tpu.memory_space<vmem>>, %arg14: memref<64xi32, #tpu.memory_space<vmem>>, %arg15: memref<64xi32, #tpu.memory_space<vmem>>, %arg16: memref<64xi32, #tpu.memory_space<vmem>>, %arg17: memref<64xi32, #tpu.memory_space<vmem>>, %arg18: memref<64xi32, #tpu.memory_space<vmem>>, %arg19: memref<64xi32, #tpu.memory_space<vmem>>, %arg20: memref<64xi32, #tpu.memory_space<vmem>>, %arg21: memref<64xi32, #tpu.memory_space<vmem>>, %arg22: memref<64x128xf32, #tpu.memory_space<vmem>>, %arg23: memref<64x128xf32, #tpu.memory_space<vmem>>, %arg24: memref<64x128xf32, #tpu.memory_space<vmem>>, %arg25: memref<64x128xf32, #tpu.memory_space<vmem>>, %arg26: memref<10240x128xf32, #tpu.memory_space<vmem_shared>>, %arg27: memref<!tpu.dma_semaphore, #tpu.memory_space<semaphore_mem>>, %arg28: memref<!tpu.dma_semaphore, #tpu.memory_space<semaphore_mem>>, %arg29: memref<!tpu.dma_semaphore, #tpu.memory_space<semaphore_mem>>, %arg30: memref<!tpu.dma_semaphore, #tpu.memory_space<semaphore_mem>>, %arg31: memref<!tpu.dma_semaphore, #tpu.memory_space<semaphore_mem>>, %arg32: memref<!tpu.dma_semaphore, #tpu.memory_space<semaphore_mem>>, %arg33: memref<!tpu.dma_semaphore, #tpu.memory_space<semaphore_mem>>, %arg34: memref<!tpu.dma_semaphore, #tpu.memory_space<semaphore_mem>>, %arg35: memref<!tpu.dma_semaphore, #tpu.memory_space<semaphore_mem>>, %arg36: memref<!tpu.dma_semaphore, #tpu.memory_space<semaphore_mem>>, %arg37: memref<!tpu.dma_semaphore, #tpu.memory_space<semaphore_mem>>, %arg38: memref<!tpu.dma_semaphore, #tpu.memory_space<semaphore_mem>>, %arg39: memref<!tpu.dma_semaphore, #tpu.memory_space<semaphore_mem>>, %arg40: memref<!tpu.dma_semaphore, #tpu.memory_space<semaphore_mem>>, %arg41: memref<!tpu.dma_semaphore, #tpu.memory_space<semaphore_mem>>, %arg42: memref<!tpu.dma_semaphore, #tpu.memory_space<semaphore_mem>>, %arg43: memref<!tpu.dma_semaphore, #tpu.memory_space<semaphore_mem>>, %arg44: memref<!tpu.dma_semaphore, #tpu.memory_space<semaphore_mem>>, %arg45: memref<!tpu.dma_semaphore, #tpu.memory_space<semaphore_mem>>, %arg46: memref<!tpu.dma_semaphore, #tpu.memory_space<semaphore_mem>>, %arg47: memref<!tpu.dma_semaphore, #tpu.memory_space<semaphore_mem>>, %arg48: memref<!tpu.dma_semaphore, #tpu.memory_space<semaphore_mem>>) attributes {dimension_semantics = [#tpu.dimension_semantics<core_parallel>, #tpu.dimension_semantics<subcore_parallel>], iteration_bounds = array<i64: 2, 16>, scalar_prefetch = 0 : i64, scratch_operands = 43 : i64, tpu.core_type = #tpu.core_type<sc_vector_subcore>, window_params = [{transform_indices = #map}, {transform_indices = #map1}, {transform_indices = #map1}, {transform_indices = #map2}]} {
    %mul3A = arith.constant 2 : i32
    %mul3A_0 = arith.muli %arg1, %mul3A : i32
    %add3A = arith.addi %mul3A_0, %arg0 : i32
    %mul3A_1 = arith.constant 10240 : i32
    %mul3A_2 = arith.muli %add3A, %mul3A_1 : i32
    %add3A_3 = arith.constant 0 : i32
    %add3A_4 = arith.addi %mul3A_2, %add3A_3 : i32
    %dma_start3A = tpu.memref_slice %arg3[%add3A_4] : memref<327680xi32, #tpu.memory_space<hbm>> -> memref<64xi32, #tpu.memory_space<hbm>>
    %dma_start3A_5 = tpu.memref_slice %arg3[%add3A_4] : memref<327680xi32, #tpu.memory_space<hbm>> -> memref<64xi32, #tpu.memory_space<hbm>>
    tpu.enqueue_dma source(%dma_start3A_5 : memref<64xi32, #tpu.memory_space<hbm>>) target(%arg6 : memref<64xi32, #tpu.memory_space<vmem>>) target_semaphore(%arg33 : memref<!tpu.dma_semaphore, #tpu.memory_space<semaphore_mem>>)
    %add3A_6 = arith.constant 0 : i32
    %add3A_7 = arith.addi %mul3A_2, %add3A_6 : i32
    %dma_start3A_8 = tpu.memref_slice %arg4[%add3A_7] : memref<327680xi32, #tpu.memory_space<hbm>> -> memref<64xi32, #tpu.memory_space<hbm>>
    %dma_start3A_9 = tpu.memref_slice %arg4[%add3A_7] : memref<327680xi32, #tpu.memory_space<hbm>> -> memref<64xi32, #tpu.memory_space<hbm>>
    tpu.enqueue_dma source(%dma_start3A_9 : memref<64xi32, #tpu.memory_space<hbm>>) target(%arg14 : memref<64xi32, #tpu.memory_space<vmem>>) target_semaphore(%arg41 : memref<!tpu.dma_semaphore, #tpu.memory_space<semaphore_mem>>)
    %add3A_10 = arith.constant 64 : i32
    %add3A_11 = arith.addi %mul3A_2, %add3A_10 : i32
    %dma_start3A_12 = tpu.memref_slice %arg3[%add3A_11] : memref<327680xi32, #tpu.memory_space<hbm>> -> memref<64xi32, #tpu.memory_space<hbm>>
    %dma_start3A_13 = tpu.memref_slice %arg3[%add3A_11] : memref<327680xi32, #tpu.memory_space<hbm>> -> memref<64xi32, #tpu.memory_space<hbm>>
    tpu.enqueue_dma source(%dma_start3A_13 : memref<64xi32, #tpu.memory_space<hbm>>) target(%arg7 : memref<64xi32, #tpu.memory_space<vmem>>) target_semaphore(%arg34 : memref<!tpu.dma_semaphore, #tpu.memory_space<semaphore_mem>>)
    %add3A_14 = arith.constant 64 : i32
    %add3A_15 = arith.addi %mul3A_2, %add3A_14 : i32
    %dma_start3A_16 = tpu.memref_slice %arg4[%add3A_15] : memref<327680xi32, #tpu.memory_space<hbm>> -> memref<64xi32, #tpu.memory_space<hbm>>
    %dma_start3A_17 = tpu.memref_slice %arg4[%add3A_15] : memref<327680xi32, #tpu.memory_space<hbm>> -> memref<64xi32, #tpu.memory_space<hbm>>
    tpu.enqueue_dma source(%dma_start3A_17 : memref<64xi32, #tpu.memory_space<hbm>>) target(%arg15 : memref<64xi32, #tpu.memory_space<vmem>>) target_semaphore(%arg42 : memref<!tpu.dma_semaphore, #tpu.memory_space<semaphore_mem>>)
    %add3A_18 = arith.constant 128 : i32
    %add3A_19 = arith.addi %mul3A_2, %add3A_18 : i32
    %dma_start3A_20 = tpu.memref_slice %arg3[%add3A_19] : memref<327680xi32, #tpu.memory_space<hbm>> -> memref<64xi32, #tpu.memory_space<hbm>>
    %dma_start3A_21 = tpu.memref_slice %arg3[%add3A_19] : memref<327680xi32, #tpu.memory_space<hbm>> -> memref<64xi32, #tpu.memory_space<hbm>>
    tpu.enqueue_dma source(%dma_start3A_21 : memref<64xi32, #tpu.memory_space<hbm>>) target(%arg8 : memref<64xi32, #tpu.memory_space<vmem>>) target_semaphore(%arg35 : memref<!tpu.dma_semaphore, #tpu.memory_space<semaphore_mem>>)
    %add3A_22 = arith.constant 128 : i32
    %add3A_23 = arith.addi %mul3A_2, %add3A_22 : i32
    %dma_start3A_24 = tpu.memref_slice %arg4[%add3A_23] : memref<327680xi32, #tpu.memory_space<hbm>> -> memref<64xi32, #tpu.memory_space<hbm>>
    %dma_start3A_25 = tpu.memref_slice %arg4[%add3A_23] : memref<327680xi32, #tpu.memory_space<hbm>> -> memref<64xi32, #tpu.memory_space<hbm>>
    tpu.enqueue_dma source(%dma_start3A_25 : memref<64xi32, #tpu.memory_space<hbm>>) target(%arg16 : memref<64xi32, #tpu.memory_space<vmem>>) target_semaphore(%arg43 : memref<!tpu.dma_semaphore, #tpu.memory_space<semaphore_mem>>)
    %add3A_26 = arith.constant 192 : i32
    %add3A_27 = arith.addi %mul3A_2, %add3A_26 : i32
    %dma_start3A_28 = tpu.memref_slice %arg3[%add3A_27] : memref<327680xi32, #tpu.memory_space<hbm>> -> memref<64xi32, #tpu.memory_space<hbm>>
    %dma_start3A_29 = tpu.memref_slice %arg3[%add3A_27] : memref<327680xi32, #tpu.memory_space<hbm>> -> memref<64xi32, #tpu.memory_space<hbm>>
    tpu.enqueue_dma source(%dma_start3A_29 : memref<64xi32, #tpu.memory_space<hbm>>) target(%arg9 : memref<64xi32, #tpu.memory_space<vmem>>) target_semaphore(%arg36 : memref<!tpu.dma_semaphore, #tpu.memory_space<semaphore_mem>>)
    %add3A_30 = arith.constant 192 : i32
    %add3A_31 = arith.addi %mul3A_2, %add3A_30 : i32
    %dma_start3A_32 = tpu.memref_slice %arg4[%add3A_31] : memref<327680xi32, #tpu.memory_space<hbm>> -> memref<64xi32, #tpu.memory_space<hbm>>
    %dma_start3A_33 = tpu.memref_slice %arg4[%add3A_31] : memref<327680xi32, #tpu.memory_space<hbm>> -> memref<64xi32, #tpu.memory_space<hbm>>
    tpu.enqueue_dma source(%dma_start3A_33 : memref<64xi32, #tpu.memory_space<hbm>>) target(%arg17 : memref<64xi32, #tpu.memory_space<vmem>>) target_semaphore(%arg44 : memref<!tpu.dma_semaphore, #tpu.memory_space<semaphore_mem>>)
    %scan3A = arith.constant 0 : i32
    %scan3A_34 = arith.constant 0 : i32
    %scan3A_35 = arith.constant 512 : i32
    %scan3A_36 = arith.addi %scan3A_34, %scan3A_35 : i32
    %scan3A_37 = arith.constant 1 : i32
    scf.for %scan3A_459 = %scan3A_34 to %scan3A_36 step %scan3A_37  : i32 {
      %broadcast_in_dim3A = arith.constant 0.000000e+00 : f32
      %broadcast_in_dim3A_460 = vector.broadcast %broadcast_in_dim3A : f32 to vector<16xf32>
      %jit3A = arith.constant 8 : i32
      %div3A = arith.divsi %scan3A_459, %jit3A : i32
      %sign3A = arith.constant 0 : i32
      %sign3A_461 = arith.cmpi sgt, %scan3A_459, %sign3A : i32
      %sign3A_462 = arith.extui %sign3A_461 : i1 to i32
      %sign3A_463 = arith.constant 0 : i32
      %sign3A_464 = arith.cmpi slt, %scan3A_459, %sign3A_463 : i32
      %sign3A_465 = arith.extui %sign3A_464 : i1 to i32
      %sign3A_466 = arith.subi %sign3A_462, %sign3A_465 : i32
      %sign3A_467 = arith.constant 0 : i32
      %sign3A_468 = arith.cmpi sgt, %jit3A, %sign3A_467 : i32
      %sign3A_469 = arith.extui %sign3A_468 : i1 to i32
      %sign3A_470 = arith.constant 0 : i32
      %sign3A_471 = arith.cmpi slt, %jit3A, %sign3A_470 : i32
      %sign3A_472 = arith.extui %sign3A_471 : i1 to i32
      %sign3A_473 = arith.subi %sign3A_469, %sign3A_472 : i32
      %ne3A = arith.cmpi ne, %sign3A_466, %sign3A_473 : i32
      %rem3A = arith.remsi %scan3A_459, %jit3A : i32
      %ne3A_474 = arith.constant 0 : i32
      %ne3A_475 = arith.cmpi ne, %rem3A, %ne3A_474 : i32
      %and3A = arith.andi %ne3A, %ne3A_475 : i1
      %sub3A = arith.constant 1 : i32
      %sub3A_476 = arith.subi %div3A, %sub3A : i32
      %select_n3A = arith.select %and3A, %sub3A_476, %div3A : i32
      %jit3A_477 = arith.constant 8 : i32
      %eq3A = arith.constant 0 : i32
      %eq3A_478 = arith.cmpi eq, %jit3A_477, %eq3A : i32
      %jit3A_479 = arith.constant 1 : i32
      %select_n3A_480 = arith.select %eq3A_478, %jit3A_479, %jit3A_477 : i32
      %rem3A_481 = arith.remsi %scan3A_459, %select_n3A_480 : i32
      %ne3A_482 = arith.constant 0 : i32
      %ne3A_483 = arith.cmpi ne, %rem3A_481, %ne3A_482 : i32
      %lt3A = arith.constant 0 : i32
      %lt3A_484 = arith.cmpi slt, %rem3A_481, %lt3A : i32
      %lt3A_485 = arith.constant 0 : i32
      %lt3A_486 = arith.cmpi slt, %select_n3A_480, %lt3A_485 : i32
      %ne3A_487 = arith.xori %lt3A_484, %lt3A_486 : i1
      %and3A_488 = arith.andi %ne3A_487, %ne3A_483 : i1
      %add3A_489 = arith.addi %rem3A_481, %select_n3A_480 : i32
      %select_n3A_490 = arith.select %and3A_488, %add3A_489, %rem3A_481 : i32
      %mul3A_491 = arith.constant 16 : i32
      %mul3A_492 = arith.muli %select_n3A_490, %mul3A_491 : i32
      %swap3A = arith.index_cast %select_n3A : i32 to index
      %swap3A_493 = arith.index_cast %mul3A_492 : i32 to index
      %swap3A_494 = tpu.vector_load %arg22[%swap3A, %swap3A_493] {strides = array<i32>} : memref<64x128xf32, #tpu.memory_space<vmem>>, vector<1x16xf32>,
      %swap3A_495 = vector.shape_cast %swap3A_494 : vector<1x16xf32> to vector<16xf32>
      %swap3A_496 = vector.shape_cast %broadcast_in_dim3A_460 : vector<16xf32> to vector<1x16xf32>
      tpu.vector_store %arg22[%swap3A, %swap3A_493], %swap3A_496 {strides = array<i32>} : memref<64x128xf32, #tpu.memory_space<vmem>>, vector<1x16xf32>,
    }
    %scan3A_38 = arith.constant 512 : i32
    %mul3A_39 = arith.constant 640 : i32
    %mul3A_40 = arith.muli %arg1, %mul3A_39 : i32
    %add3A_41 = arith.constant 0 : i32
    %add3A_42 = arith.addi %mul3A_40, %add3A_41 : i32
    "tpu.region"() ({
      %run_scoped3A = tpu.sem_alloc : memref<!tpu.dma_semaphore, #tpu.memory_space<semaphore_mem>>
      %dma_start3A_459 = arith.constant 0 : i32
      %dma_start3A_460 = tpu.memref_slice %arg26[%add3A_42, %dma_start3A_459] : memref<10240x128xf32, #tpu.memory_space<vmem_shared>> -> memref<64x128xf32, #tpu.memory_space<vmem_shared>>
      %dma_start3A_461 = arith.constant 0 : i32
      %dma_start3A_462 = tpu.memref_slice %arg26[%add3A_42, %dma_start3A_461] : memref<10240x128xf32, #tpu.memory_space<vmem_shared>> -> memref<64x128xf32, #tpu.memory_space<vmem_shared>>
      tpu.enqueue_dma source(%arg22 : memref<64x128xf32, #tpu.memory_space<vmem>>) target(%dma_start3A_462 : memref<64x128xf32, #tpu.memory_space<vmem_shared>>) target_semaphore(%run_scoped3A : memref<!tpu.dma_semaphore, #tpu.memory_space<semaphore_mem>>)
      %dma_wait3A_463 = arith.constant 0 : i32
      %dma_wait3A_464 = tpu.memref_slice %arg26[%add3A_42, %dma_wait3A_463] : memref<10240x128xf32, #tpu.memory_space<vmem_shared>> -> memref<64x128xf32, #tpu.memory_space<vmem_shared>>
      %dma_wait3A_465 = arith.constant 0 : i32
      %dma_wait3A_466 = tpu.memref_slice %arg26[%add3A_42, %dma_wait3A_465] : memref<10240x128xf32, #tpu.memory_space<vmem_shared>> -> memref<64x128xf32, #tpu.memory_space<vmem_shared>>
      tpu.wait_dma2 semaphore(%run_scoped3A : memref<!tpu.dma_semaphore, #tpu.memory_space<semaphore_mem>>) src(%arg22 : memref<64x128xf32, #tpu.memory_space<vmem>>) dst(%dma_wait3A_466 : memref<64x128xf32, #tpu.memory_space<vmem_shared>>)
      tpu.yield
    }) : () -> ()
    %add3A_43 = arith.constant 64 : i32
    %add3A_44 = arith.addi %mul3A_40, %add3A_43 : i32
    "tpu.region"() ({
      %run_scoped3A = tpu.sem_alloc : memref<!tpu.dma_semaphore, #tpu.memory_space<semaphore_mem>>
      %dma_start3A_459 = arith.constant 0 : i32
      %dma_start3A_460 = tpu.memref_slice %arg26[%add3A_44, %dma_start3A_459] : memref<10240x128xf32, #tpu.memory_space<vmem_shared>> -> memref<64x128xf32, #tpu.memory_space<vmem_shared>>
      %dma_start3A_461 = arith.constant 0 : i32
      %dma_start3A_462 = tpu.memref_slice %arg26[%add3A_44, %dma_start3A_461] : memref<10240x128xf32, #tpu.memory_space<vmem_shared>> -> memref<64x128xf32, #tpu.memory_space<vmem_shared>>
      tpu.enqueue_dma source(%arg22 : memref<64x128xf32, #tpu.memory_space<vmem>>) target(%dma_start3A_462 : memref<64x128xf32, #tpu.memory_space<vmem_shared>>) target_semaphore(%run_scoped3A : memref<!tpu.dma_semaphore, #tpu.memory_space<semaphore_mem>>)
      %dma_wait3A_463 = arith.constant 0 : i32
      %dma_wait3A_464 = tpu.memref_slice %arg26[%add3A_44, %dma_wait3A_463] : memref<10240x128xf32, #tpu.memory_space<vmem_shared>> -> memref<64x128xf32, #tpu.memory_space<vmem_shared>>
      %dma_wait3A_465 = arith.constant 0 : i32
      %dma_wait3A_466 = tpu.memref_slice %arg26[%add3A_44, %dma_wait3A_465] : memref<10240x128xf32, #tpu.memory_space<vmem_shared>> -> memref<64x128xf32, #tpu.memory_space<vmem_shared>>
      tpu.wait_dma2 semaphore(%run_scoped3A : memref<!tpu.dma_semaphore, #tpu.memory_space<semaphore_mem>>) src(%arg22 : memref<64x128xf32, #tpu.memory_space<vmem>>) dst(%dma_wait3A_466 : memref<64x128xf32, #tpu.memory_space<vmem_shared>>)
      tpu.yield
    }) : () -> ()
    %add3A_45 = arith.constant 128 : i32
    %add3A_46 = arith.addi %mul3A_40, %add3A_45 : i32
    "tpu.region"() ({
      %run_scoped3A = tpu.sem_alloc : memref<!tpu.dma_semaphore, #tpu.memory_space<semaphore_mem>>
      %dma_start3A_459 = arith.constant 0 : i32
      %dma_start3A_460 = tpu.memref_slice %arg26[%add3A_46, %dma_start3A_459] : memref<10240x128xf32, #tpu.memory_space<vmem_shared>> -> memref<64x128xf32, #tpu.memory_space<vmem_shared>>
      %dma_start3A_461 = arith.constant 0 : i32
      %dma_start3A_462 = tpu.memref_slice %arg26[%add3A_46, %dma_start3A_461] : memref<10240x128xf32, #tpu.memory_space<vmem_shared>> -> memref<64x128xf32, #tpu.memory_space<vmem_shared>>
      tpu.enqueue_dma source(%arg22 : memref<64x128xf32, #tpu.memory_space<vmem>>) target(%dma_start3A_462 : memref<64x128xf32, #tpu.memory_space<vmem_shared>>) target_semaphore(%run_scoped3A : memref<!tpu.dma_semaphore, #tpu.memory_space<semaphore_mem>>)
      %dma_wait3A_463 = arith.constant 0 : i32
      %dma_wait3A_464 = tpu.memref_slice %arg26[%add3A_46, %dma_wait3A_463] : memref<10240x128xf32, #tpu.memory_space<vmem_shared>> -> memref<64x128xf32, #tpu.memory_space<vmem_shared>>
      %dma_wait3A_465 = arith.constant 0 : i32
      %dma_wait3A_466 = tpu.memref_slice %arg26[%add3A_46, %dma_wait3A_465] : memref<10240x128xf32, #tpu.memory_space<vmem_shared>> -> memref<64x128xf32, #tpu.memory_space<vmem_shared>>
      tpu.wait_dma2 semaphore(%run_scoped3A : memref<!tpu.dma_semaphore, #tpu.memory_space<semaphore_mem>>) src(%arg22 : memref<64x128xf32, #tpu.memory_space<vmem>>) dst(%dma_wait3A_466 : memref<64x128xf32, #tpu.memory_space<vmem_shared>>)
      tpu.yield
    }) : () -> ()
    %add3A_47 = arith.constant 192 : i32
    %add3A_48 = arith.addi %mul3A_40, %add3A_47 : i32
    "tpu.region"() ({
      %run_scoped3A = tpu.sem_alloc : memref<!tpu.dma_semaphore, #tpu.memory_space<semaphore_mem>>
      %dma_start3A_459 = arith.constant 0 : i32
      %dma_start3A_460 = tpu.memref_slice %arg26[%add3A_48, %dma_start3A_459] : memref<10240x128xf32, #tpu.memory_space<vmem_shared>> -> memref<64x128xf32, #tpu.memory_space<vmem_shared>>
      %dma_start3A_461 = arith.constant 0 : i32
      %dma_start3A_462 = tpu.memref_slice %arg26[%add3A_48, %dma_start3A_461] : memref<10240x128xf32, #tpu.memory_space<vmem_shared>> -> memref<64x128xf32, #tpu.memory_space<vmem_shared>>
      tpu.enqueue_dma source(%arg22 : memref<64x128xf32, #tpu.memory_space<vmem>>) target(%dma_start3A_462 : memref<64x128xf32, #tpu.memory_space<vmem_shared>>) target_semaphore(%run_scoped3A : memref<!tpu.dma_semaphore, #tpu.memory_space<semaphore_mem>>)
      %dma_wait3A_463 = arith.constant 0 : i32
      %dma_wait3A_464 = tpu.memref_slice %arg26[%add3A_48, %dma_wait3A_463] : memref<10240x128xf32, #tpu.memory_space<vmem_shared>> -> memref<64x128xf32, #tpu.memory_space<vmem_shared>>
      %dma_wait3A_465 = arith.constant 0 : i32
      %dma_wait3A_466 = tpu.memref_slice %arg26[%add3A_48, %dma_wait3A_465] : memref<10240x128xf32, #tpu.memory_space<vmem_shared>> -> memref<64x128xf32, #tpu.memory_space<vmem_shared>>
      tpu.wait_dma2 semaphore(%run_scoped3A : memref<!tpu.dma_semaphore, #tpu.memory_space<semaphore_mem>>) src(%arg22 : memref<64x128xf32, #tpu.memory_space<vmem>>) dst(%dma_wait3A_466 : memref<64x128xf32, #tpu.memory_space<vmem_shared>>)
      tpu.yield
    }) : () -> ()
    %add3A_49 = arith.constant 256 : i32
    %add3A_50 = arith.addi %mul3A_40, %add3A_49 : i32
    "tpu.region"() ({
      %run_scoped3A = tpu.sem_alloc : memref<!tpu.dma_semaphore, #tpu.memory_space<semaphore_mem>>
      %dma_start3A_459 = arith.constant 0 : i32
      %dma_start3A_460 = tpu.memref_slice %arg26[%add3A_50, %dma_start3A_459] : memref<10240x128xf32, #tpu.memory_space<vmem_shared>> -> memref<64x128xf32, #tpu.memory_space<vmem_shared>>
      %dma_start3A_461 = arith.constant 0 : i32
      %dma_start3A_462 = tpu.memref_slice %arg26[%add3A_50, %dma_start3A_461] : memref<10240x128xf32, #tpu.memory_space<vmem_shared>> -> memref<64x128xf32, #tpu.memory_space<vmem_shared>>
      tpu.enqueue_dma source(%arg22 : memref<64x128xf32, #tpu.memory_space<vmem>>) target(%dma_start3A_462 : memref<64x128xf32, #tpu.memory_space<vmem_shared>>) target_semaphore(%run_scoped3A : memref<!tpu.dma_semaphore, #tpu.memory_space<semaphore_mem>>)
      %dma_wait3A_463 = arith.constant 0 : i32
      %dma_wait3A_464 = tpu.memref_slice %arg26[%add3A_50, %dma_wait3A_463] : memref<10240x128xf32, #tpu.memory_space<vmem_shared>> -> memref<64x128xf32, #tpu.memory_space<vmem_shared>>
      %dma_wait3A_465 = arith.constant 0 : i32
      %dma_wait3A_466 = tpu.memref_slice %arg26[%add3A_50, %dma_wait3A_465] : memref<10240x128xf32, #tpu.memory_space<vmem_shared>> -> memref<64x128xf32, #tpu.memory_space<vmem_shared>>
      tpu.wait_dma2 semaphore(%run_scoped3A : memref<!tpu.dma_semaphore, #tpu.memory_space<semaphore_mem>>) src(%arg22 : memref<64x128xf32, #tpu.memory_space<vmem>>) dst(%dma_wait3A_466 : memref<64x128xf32, #tpu.memory_space<vmem_shared>>)
      tpu.yield
    }) : () -> ()
    %add3A_51 = arith.constant 320 : i32
    %add3A_52 = arith.addi %mul3A_40, %add3A_51 : i32
    "tpu.region"() ({
      %run_scoped3A = tpu.sem_alloc : memref<!tpu.dma_semaphore, #tpu.memory_space<semaphore_mem>>
      %dma_start3A_459 = arith.constant 0 : i32
      %dma_start3A_460 = tpu.memref_slice %arg26[%add3A_52, %dma_start3A_459] : memref<10240x128xf32, #tpu.memory_space<vmem_shared>> -> memref<64x128xf32, #tpu.memory_space<vmem_shared>>
      %dma_start3A_461 = arith.constant 0 : i32
      %dma_start3A_462 = tpu.memref_slice %arg26[%add3A_52, %dma_start3A_461] : memref<10240x128xf32, #tpu.memory_space<vmem_shared>> -> memref<64x128xf32, #tpu.memory_space<vmem_shared>>
      tpu.enqueue_dma source(%arg22 : memref<64x128xf32, #tpu.memory_space<vmem>>) target(%dma_start3A_462 : memref<64x128xf32, #tpu.memory_space<vmem_shared>>) target_semaphore(%run_scoped3A : memref<!tpu.dma_semaphore, #tpu.memory_space<semaphore_mem>>)
      %dma_wait3A_463 = arith.constant 0 : i32
      %dma_wait3A_464 = tpu.memref_slice %arg26[%add3A_52, %dma_wait3A_463] : memref<10240x128xf32, #tpu.memory_space<vmem_shared>> -> memref<64x128xf32, #tpu.memory_space<vmem_shared>>
      %dma_wait3A_465 = arith.constant 0 : i32
      %dma_wait3A_466 = tpu.memref_slice %arg26[%add3A_52, %dma_wait3A_465] : memref<10240x128xf32, #tpu.memory_space<vmem_shared>> -> memref<64x128xf32, #tpu.memory_space<vmem_shared>>
      tpu.wait_dma2 semaphore(%run_scoped3A : memref<!tpu.dma_semaphore, #tpu.memory_space<semaphore_mem>>) src(%arg22 : memref<64x128xf32, #tpu.memory_space<vmem>>) dst(%dma_wait3A_466 : memref<64x128xf32, #tpu.memory_space<vmem_shared>>)
      tpu.yield
    }) : () -> ()
    %add3A_53 = arith.constant 384 : i32
    %add3A_54 = arith.addi %mul3A_40, %add3A_53 : i32
    "tpu.region"() ({
      %run_scoped3A = tpu.sem_alloc : memref<!tpu.dma_semaphore, #tpu.memory_space<semaphore_mem>>
      %dma_start3A_459 = arith.constant 0 : i32
      %dma_start3A_460 = tpu.memref_slice %arg26[%add3A_54, %dma_start3A_459] : memref<10240x128xf32, #tpu.memory_space<vmem_shared>> -> memref<64x128xf32, #tpu.memory_space<vmem_shared>>
      %dma_start3A_461 = arith.constant 0 : i32
      %dma_start3A_462 = tpu.memref_slice %arg26[%add3A_54, %dma_start3A_461] : memref<10240x128xf32, #tpu.memory_space<vmem_shared>> -> memref<64x128xf32, #tpu.memory_space<vmem_shared>>
      tpu.enqueue_dma source(%arg22 : memref<64x128xf32, #tpu.memory_space<vmem>>) target(%dma_start3A_462 : memref<64x128xf32, #tpu.memory_space<vmem_shared>>) target_semaphore(%run_scoped3A : memref<!tpu.dma_semaphore, #tpu.memory_space<semaphore_mem>>)
      %dma_wait3A_463 = arith.constant 0 : i32
      %dma_wait3A_464 = tpu.memref_slice %arg26[%add3A_54, %dma_wait3A_463] : memref<10240x128xf32, #tpu.memory_space<vmem_shared>> -> memref<64x128xf32, #tpu.memory_space<vmem_shared>>
      %dma_wait3A_465 = arith.constant 0 : i32
      %dma_wait3A_466 = tpu.memref_slice %arg26[%add3A_54, %dma_wait3A_465] : memref<10240x128xf32, #tpu.memory_space<vmem_shared>> -> memref<64x128xf32, #tpu.memory_space<vmem_shared>>
      tpu.wait_dma2 semaphore(%run_scoped3A : memref<!tpu.dma_semaphore, #tpu.memory_space<semaphore_mem>>) src(%arg22 : memref<64x128xf32, #tpu.memory_space<vmem>>) dst(%dma_wait3A_466 : memref<64x128xf32, #tpu.memory_space<vmem_shared>>)
      tpu.yield
    }) : () -> ()
    %add3A_55 = arith.constant 448 : i32
    %add3A_56 = arith.addi %mul3A_40, %add3A_55 : i32
    "tpu.region"() ({
      %run_scoped3A = tpu.sem_alloc : memref<!tpu.dma_semaphore, #tpu.memory_space<semaphore_mem>>
      %dma_start3A_459 = arith.constant 0 : i32
      %dma_start3A_460 = tpu.memref_slice %arg26[%add3A_56, %dma_start3A_459] : memref<10240x128xf32, #tpu.memory_space<vmem_shared>> -> memref<64x128xf32, #tpu.memory_space<vmem_shared>>
      %dma_start3A_461 = arith.constant 0 : i32
      %dma_start3A_462 = tpu.memref_slice %arg26[%add3A_56, %dma_start3A_461] : memref<10240x128xf32, #tpu.memory_space<vmem_shared>> -> memref<64x128xf32, #tpu.memory_space<vmem_shared>>
      tpu.enqueue_dma source(%arg22 : memref<64x128xf32, #tpu.memory_space<vmem>>) target(%dma_start3A_462 : memref<64x128xf32, #tpu.memory_space<vmem_shared>>) target_semaphore(%run_scoped3A : memref<!tpu.dma_semaphore, #tpu.memory_space<semaphore_mem>>)
      %dma_wait3A_463 = arith.constant 0 : i32
      %dma_wait3A_464 = tpu.memref_slice %arg26[%add3A_56, %dma_wait3A_463] : memref<10240x128xf32, #tpu.memory_space<vmem_shared>> -> memref<64x128xf32, #tpu.memory_space<vmem_shared>>
      %dma_wait3A_465 = arith.constant 0 : i32
      %dma_wait3A_466 = tpu.memref_slice %arg26[%add3A_56, %dma_wait3A_465] : memref<10240x128xf32, #tpu.memory_space<vmem_shared>> -> memref<64x128xf32, #tpu.memory_space<vmem_shared>>
      tpu.wait_dma2 semaphore(%run_scoped3A : memref<!tpu.dma_semaphore, #tpu.memory_space<semaphore_mem>>) src(%arg22 : memref<64x128xf32, #tpu.memory_space<vmem>>) dst(%dma_wait3A_466 : memref<64x128xf32, #tpu.memory_space<vmem_shared>>)
      tpu.yield
    }) : () -> ()
    %add3A_57 = arith.constant 512 : i32
    %add3A_58 = arith.addi %mul3A_40, %add3A_57 : i32
    "tpu.region"() ({
      %run_scoped3A = tpu.sem_alloc : memref<!tpu.dma_semaphore, #tpu.memory_space<semaphore_mem>>
      %dma_start3A_459 = arith.constant 0 : i32
      %dma_start3A_460 = tpu.memref_slice %arg26[%add3A_58, %dma_start3A_459] : memref<10240x128xf32, #tpu.memory_space<vmem_shared>> -> memref<64x128xf32, #tpu.memory_space<vmem_shared>>
      %dma_start3A_461 = arith.constant 0 : i32
      %dma_start3A_462 = tpu.memref_slice %arg26[%add3A_58, %dma_start3A_461] : memref<10240x128xf32, #tpu.memory_space<vmem_shared>> -> memref<64x128xf32, #tpu.memory_space<vmem_shared>>
      tpu.enqueue_dma source(%arg22 : memref<64x128xf32, #tpu.memory_space<vmem>>) target(%dma_start3A_462 : memref<64x128xf32, #tpu.memory_space<vmem_shared>>) target_semaphore(%run_scoped3A : memref<!tpu.dma_semaphore, #tpu.memory_space<semaphore_mem>>)
      %dma_wait3A_463 = arith.constant 0 : i32
      %dma_wait3A_464 = tpu.memref_slice %arg26[%add3A_58, %dma_wait3A_463] : memref<10240x128xf32, #tpu.memory_space<vmem_shared>> -> memref<64x128xf32, #tpu.memory_space<vmem_shared>>
      %dma_wait3A_465 = arith.constant 0 : i32
      %dma_wait3A_466 = tpu.memref_slice %arg26[%add3A_58, %dma_wait3A_465] : memref<10240x128xf32, #tpu.memory_space<vmem_shared>> -> memref<64x128xf32, #tpu.memory_space<vmem_shared>>
      tpu.wait_dma2 semaphore(%run_scoped3A : memref<!tpu.dma_semaphore, #tpu.memory_space<semaphore_mem>>) src(%arg22 : memref<64x128xf32, #tpu.memory_space<vmem>>) dst(%dma_wait3A_466 : memref<64x128xf32, #tpu.memory_space<vmem_shared>>)
      tpu.yield
    }) : () -> ()
    %add3A_59 = arith.constant 576 : i32
    %add3A_60 = arith.addi %mul3A_40, %add3A_59 : i32
    "tpu.region"() ({
      %run_scoped3A = tpu.sem_alloc : memref<!tpu.dma_semaphore, #tpu.memory_space<semaphore_mem>>
      %dma_start3A_459 = arith.constant 0 : i32
      %dma_start3A_460 = tpu.memref_slice %arg26[%add3A_60, %dma_start3A_459] : memref<10240x128xf32, #tpu.memory_space<vmem_shared>> -> memref<64x128xf32, #tpu.memory_space<vmem_shared>>
      %dma_start3A_461 = arith.constant 0 : i32
      %dma_start3A_462 = tpu.memref_slice %arg26[%add3A_60, %dma_start3A_461] : memref<10240x128xf32, #tpu.memory_space<vmem_shared>> -> memref<64x128xf32, #tpu.memory_space<vmem_shared>>
      tpu.enqueue_dma source(%arg22 : memref<64x128xf32, #tpu.memory_space<vmem>>) target(%dma_start3A_462 : memref<64x128xf32, #tpu.memory_space<vmem_shared>>) target_semaphore(%run_scoped3A : memref<!tpu.dma_semaphore, #tpu.memory_space<semaphore_mem>>)
      %dma_wait3A_463 = arith.constant 0 : i32
      %dma_wait3A_464 = tpu.memref_slice %arg26[%add3A_60, %dma_wait3A_463] : memref<10240x128xf32, #tpu.memory_space<vmem_shared>> -> memref<64x128xf32, #tpu.memory_space<vmem_shared>>
      %dma_wait3A_465 = arith.constant 0 : i32
      %dma_wait3A_466 = tpu.memref_slice %arg26[%add3A_60, %dma_wait3A_465] : memref<10240x128xf32, #tpu.memory_space<vmem_shared>> -> memref<64x128xf32, #tpu.memory_space<vmem_shared>>
      tpu.wait_dma2 semaphore(%run_scoped3A : memref<!tpu.dma_semaphore, #tpu.memory_space<semaphore_mem>>) src(%arg22 : memref<64x128xf32, #tpu.memory_space<vmem>>) dst(%dma_wait3A_466 : memref<64x128xf32, #tpu.memory_space<vmem_shared>>)
      tpu.yield
    }) : () -> ()
    %barrier3A = arith.constant 0 : index
    tpu.barrier barrier_id(%barrier3A)
    %dma_wait3A = arith.constant 0 : i32
    %dma_wait3A_61 = tpu.memref_slice %arg3[%dma_wait3A] : memref<327680xi32, #tpu.memory_space<hbm>> -> memref<64xi32, #tpu.memory_space<hbm>>
    %dma_wait3A_62 = arith.constant 0 : i32
    %dma_wait3A_63 = tpu.memref_slice %arg3[%dma_wait3A_62] : memref<327680xi32, #tpu.memory_space<hbm>> -> memref<64xi32, #tpu.memory_space<hbm>>
    tpu.wait_dma2 semaphore(%arg33 : memref<!tpu.dma_semaphore, #tpu.memory_space<semaphore_mem>>) src(%dma_wait3A_63 : memref<64xi32, #tpu.memory_space<hbm>>) dst(%arg6 : memref<64xi32, #tpu.memory_space<vmem>>)
    %dma_wait3A_64 = arith.constant 0 : i32
    %dma_wait3A_65 = tpu.memref_slice %arg4[%dma_wait3A_64] : memref<327680xi32, #tpu.memory_space<hbm>> -> memref<64xi32, #tpu.memory_space<hbm>>
    %dma_wait3A_66 = arith.constant 0 : i32
    %dma_wait3A_67 = tpu.memref_slice %arg4[%dma_wait3A_66] : memref<327680xi32, #tpu.memory_space<hbm>> -> memref<64xi32, #tpu.memory_space<hbm>>
    tpu.wait_dma2 semaphore(%arg41 : memref<!tpu.dma_semaphore, #tpu.memory_space<semaphore_mem>>) src(%dma_wait3A_67 : memref<64xi32, #tpu.memory_space<hbm>>) dst(%arg14 : memref<64xi32, #tpu.memory_space<vmem>>)
    %dma_start3A_68 = arith.constant 0 : i32
    %dma_start3A_69 = arith.constant 0 : i32
    %dma_start3A_70 = tpu.memref_slice %arg2[%dma_start3A_68, %dma_start3A_69] : memref<10000x128xf32, #tpu.memory_space<hbm>> -> memref<10000x128xf32, #tpu.memory_space<hbm>>
    tpu.enqueue_indirect_dma source(%dma_start3A_70 : memref<10000x128xf32, #tpu.memory_space<hbm>>) target(%arg22 : memref<64x128xf32, #tpu.memory_space<vmem>>) offsets(%arg6 : memref<64xi32, #tpu.memory_space<vmem>>) semaphore(%arg27 : memref<!tpu.dma_semaphore, #tpu.memory_space<semaphore_mem>>)
    %add3A_71 = arith.constant 256 : i32
    %add3A_72 = arith.addi %mul3A_2, %add3A_71 : i32
    %dma_start3A_73 = tpu.memref_slice %arg3[%add3A_72] : memref<327680xi32, #tpu.memory_space<hbm>> -> memref<64xi32, #tpu.memory_space<hbm>>
    %dma_start3A_74 = tpu.memref_slice %arg3[%add3A_72] : memref<327680xi32, #tpu.memory_space<hbm>> -> memref<64xi32, #tpu.memory_space<hbm>>
    tpu.enqueue_dma source(%dma_start3A_74 : memref<64xi32, #tpu.memory_space<hbm>>) target(%arg10 : memref<64xi32, #tpu.memory_space<vmem>>) target_semaphore(%arg37 : memref<!tpu.dma_semaphore, #tpu.memory_space<semaphore_mem>>)
    %dma_start3A_75 = tpu.memref_slice %arg4[%add3A_72] : memref<327680xi32, #tpu.memory_space<hbm>> -> memref<64xi32, #tpu.memory_space<hbm>>
    %dma_start3A_76 = tpu.memref_slice %arg4[%add3A_72] : memref<327680xi32, #tpu.memory_space<hbm>> -> memref<64xi32, #tpu.memory_space<hbm>>
    tpu.enqueue_dma source(%dma_start3A_76 : memref<64xi32, #tpu.memory_space<hbm>>) target(%arg18 : memref<64xi32, #tpu.memory_space<vmem>>) target_semaphore(%arg45 : memref<!tpu.dma_semaphore, #tpu.memory_space<semaphore_mem>>)
    %dma_wait3A_77 = arith.constant 0 : i32
    %dma_wait3A_78 = tpu.memref_slice %arg3[%dma_wait3A_77] : memref<327680xi32, #tpu.memory_space<hbm>> -> memref<64xi32, #tpu.memory_space<hbm>>
    %dma_wait3A_79 = arith.constant 0 : i32
    %dma_wait3A_80 = tpu.memref_slice %arg3[%dma_wait3A_79] : memref<327680xi32, #tpu.memory_space<hbm>> -> memref<64xi32, #tpu.memory_space<hbm>>
    tpu.wait_dma2 semaphore(%arg34 : memref<!tpu.dma_semaphore, #tpu.memory_space<semaphore_mem>>) src(%dma_wait3A_80 : memref<64xi32, #tpu.memory_space<hbm>>) dst(%arg7 : memref<64xi32, #tpu.memory_space<vmem>>)
    %dma_wait3A_81 = arith.constant 0 : i32
    %dma_wait3A_82 = tpu.memref_slice %arg4[%dma_wait3A_81] : memref<327680xi32, #tpu.memory_space<hbm>> -> memref<64xi32, #tpu.memory_space<hbm>>
    %dma_wait3A_83 = arith.constant 0 : i32
    %dma_wait3A_84 = tpu.memref_slice %arg4[%dma_wait3A_83] : memref<327680xi32, #tpu.memory_space<hbm>> -> memref<64xi32, #tpu.memory_space<hbm>>
    tpu.wait_dma2 semaphore(%arg42 : memref<!tpu.dma_semaphore, #tpu.memory_space<semaphore_mem>>) src(%dma_wait3A_84 : memref<64xi32, #tpu.memory_space<hbm>>) dst(%arg15 : memref<64xi32, #tpu.memory_space<vmem>>)
    %dma_start3A_85 = arith.constant 0 : i32
    %dma_start3A_86 = arith.constant 0 : i32
    %dma_start3A_87 = tpu.memref_slice %arg2[%dma_start3A_85, %dma_start3A_86] : memref<10000x128xf32, #tpu.memory_space<hbm>> -> memref<10000x128xf32, #tpu.memory_space<hbm>>
    tpu.enqueue_indirect_dma source(%dma_start3A_87 : memref<10000x128xf32, #tpu.memory_space<hbm>>) target(%arg23 : memref<64x128xf32, #tpu.memory_space<vmem>>) offsets(%arg7 : memref<64xi32, #tpu.memory_space<vmem>>) semaphore(%arg28 : memref<!tpu.dma_semaphore, #tpu.memory_space<semaphore_mem>>)
    %add3A_88 = arith.constant 320 : i32
    %add3A_89 = arith.addi %mul3A_2, %add3A_88 : i32
    %dma_start3A_90 = tpu.memref_slice %arg3[%add3A_89] : memref<327680xi32, #tpu.memory_space<hbm>> -> memref<64xi32, #tpu.memory_space<hbm>>
    %dma_start3A_91 = tpu.memref_slice %arg3[%add3A_89] : memref<327680xi32, #tpu.memory_space<hbm>> -> memref<64xi32, #tpu.memory_space<hbm>>
    tpu.enqueue_dma source(%dma_start3A_91 : memref<64xi32, #tpu.memory_space<hbm>>) target(%arg11 : memref<64xi32, #tpu.memory_space<vmem>>) target_semaphore(%arg38 : memref<!tpu.dma_semaphore, #tpu.memory_space<semaphore_mem>>)
    %dma_start3A_92 = tpu.memref_slice %arg4[%add3A_89] : memref<327680xi32, #tpu.memory_space<hbm>> -> memref<64xi32, #tpu.memory_space<hbm>>
    %dma_start3A_93 = tpu.memref_slice %arg4[%add3A_89] : memref<327680xi32, #tpu.memory_space<hbm>> -> memref<64xi32, #tpu.memory_space<hbm>>
    tpu.enqueue_dma source(%dma_start3A_93 : memref<64xi32, #tpu.memory_space<hbm>>) target(%arg19 : memref<64xi32, #tpu.memory_space<vmem>>) target_semaphore(%arg46 : memref<!tpu.dma_semaphore, #tpu.memory_space<semaphore_mem>>)
    %dma_wait3A_94 = arith.constant 0 : i32
    %dma_wait3A_95 = tpu.memref_slice %arg3[%dma_wait3A_94] : memref<327680xi32, #tpu.memory_space<hbm>> -> memref<64xi32, #tpu.memory_space<hbm>>
    %dma_wait3A_96 = arith.constant 0 : i32
    %dma_wait3A_97 = tpu.memref_slice %arg3[%dma_wait3A_96] : memref<327680xi32, #tpu.memory_space<hbm>> -> memref<64xi32, #tpu.memory_space<hbm>>
    tpu.wait_dma2 semaphore(%arg35 : memref<!tpu.dma_semaphore, #tpu.memory_space<semaphore_mem>>) src(%dma_wait3A_97 : memref<64xi32, #tpu.memory_space<hbm>>) dst(%arg8 : memref<64xi32, #tpu.memory_space<vmem>>)
    %dma_wait3A_98 = arith.constant 0 : i32
    %dma_wait3A_99 = tpu.memref_slice %arg4[%dma_wait3A_98] : memref<327680xi32, #tpu.memory_space<hbm>> -> memref<64xi32, #tpu.memory_space<hbm>>
    %dma_wait3A_100 = arith.constant 0 : i32
    %dma_wait3A_101 = tpu.memref_slice %arg4[%dma_wait3A_100] : memref<327680xi32, #tpu.memory_space<hbm>> -> memref<64xi32, #tpu.memory_space<hbm>>
    tpu.wait_dma2 semaphore(%arg43 : memref<!tpu.dma_semaphore, #tpu.memory_space<semaphore_mem>>) src(%dma_wait3A_101 : memref<64xi32, #tpu.memory_space<hbm>>) dst(%arg16 : memref<64xi32, #tpu.memory_space<vmem>>)
    %dma_start3A_102 = arith.constant 0 : i32
    %dma_start3A_103 = arith.constant 0 : i32
    %dma_start3A_104 = tpu.memref_slice %arg2[%dma_start3A_102, %dma_start3A_103] : memref<10000x128xf32, #tpu.memory_space<hbm>> -> memref<10000x128xf32, #tpu.memory_space<hbm>>
    tpu.enqueue_indirect_dma source(%dma_start3A_104 : memref<10000x128xf32, #tpu.memory_space<hbm>>) target(%arg24 : memref<64x128xf32, #tpu.memory_space<vmem>>) offsets(%arg8 : memref<64xi32, #tpu.memory_space<vmem>>) semaphore(%arg29 : memref<!tpu.dma_semaphore, #tpu.memory_space<semaphore_mem>>)
    %dma_wait3A_105 = arith.constant 0 : i32
    %dma_wait3A_106 = arith.constant 0 : i32
    %dma_wait3A_107 = tpu.memref_slice %arg2[%dma_wait3A_105, %dma_wait3A_106] : memref<10000x128xf32, #tpu.memory_space<hbm>> -> memref<10000x128xf32, #tpu.memory_space<hbm>>
    tpu.wait_indirect_dma semaphore(%arg27 : memref<!tpu.dma_semaphore, #tpu.memory_space<semaphore_mem>>) src(%dma_wait3A_107 : memref<10000x128xf32, #tpu.memory_space<hbm>>) dst(%arg22 : memref<64x128xf32, #tpu.memory_space<vmem>>)
    %dma_start3A_108 = arith.constant 0 : i32
    %dma_start3A_109 = arith.constant 0 : i32
    %dma_start3A_110 = tpu.memref_slice %arg26[%dma_start3A_108, %dma_start3A_109] : memref<10240x128xf32, #tpu.memory_space<vmem_shared>> -> memref<10240x128xf32, #tpu.memory_space<vmem_shared>>
    tpu.enqueue_indirect_dma source(%arg22 : memref<64x128xf32, #tpu.memory_space<vmem>>) target(%dma_start3A_110 : memref<10240x128xf32, #tpu.memory_space<vmem_shared>>) offsets(%arg14 : memref<64xi32, #tpu.memory_space<vmem>>) semaphore(%arg31 : memref<!tpu.dma_semaphore, #tpu.memory_space<semaphore_mem>>) {add = true}
    %add3A_111 = arith.constant 384 : i32
    %add3A_112 = arith.addi %mul3A_2, %add3A_111 : i32
    %dma_start3A_113 = tpu.memref_slice %arg3[%add3A_112] : memref<327680xi32, #tpu.memory_space<hbm>> -> memref<64xi32, #tpu.memory_space<hbm>>
    %dma_start3A_114 = tpu.memref_slice %arg3[%add3A_112] : memref<327680xi32, #tpu.memory_space<hbm>> -> memref<64xi32, #tpu.memory_space<hbm>>
    tpu.enqueue_dma source(%dma_start3A_114 : memref<64xi32, #tpu.memory_space<hbm>>) target(%arg12 : memref<64xi32, #tpu.memory_space<vmem>>) target_semaphore(%arg39 : memref<!tpu.dma_semaphore, #tpu.memory_space<semaphore_mem>>)
    %dma_start3A_115 = tpu.memref_slice %arg4[%add3A_112] : memref<327680xi32, #tpu.memory_space<hbm>> -> memref<64xi32, #tpu.memory_space<hbm>>
    %dma_start3A_116 = tpu.memref_slice %arg4[%add3A_112] : memref<327680xi32, #tpu.memory_space<hbm>> -> memref<64xi32, #tpu.memory_space<hbm>>
    tpu.enqueue_dma source(%dma_start3A_116 : memref<64xi32, #tpu.memory_space<hbm>>) target(%arg20 : memref<64xi32, #tpu.memory_space<vmem>>) target_semaphore(%arg47 : memref<!tpu.dma_semaphore, #tpu.memory_space<semaphore_mem>>)
    %dma_wait3A_117 = arith.constant 0 : i32
    %dma_wait3A_118 = tpu.memref_slice %arg3[%dma_wait3A_117] : memref<327680xi32, #tpu.memory_space<hbm>> -> memref<64xi32, #tpu.memory_space<hbm>>
    %dma_wait3A_119 = arith.constant 0 : i32
    %dma_wait3A_120 = tpu.memref_slice %arg3[%dma_wait3A_119] : memref<327680xi32, #tpu.memory_space<hbm>> -> memref<64xi32, #tpu.memory_space<hbm>>
    tpu.wait_dma2 semaphore(%arg36 : memref<!tpu.dma_semaphore, #tpu.memory_space<semaphore_mem>>) src(%dma_wait3A_120 : memref<64xi32, #tpu.memory_space<hbm>>) dst(%arg9 : memref<64xi32, #tpu.memory_space<vmem>>)
    %dma_wait3A_121 = arith.constant 0 : i32
    %dma_wait3A_122 = tpu.memref_slice %arg4[%dma_wait3A_121] : memref<327680xi32, #tpu.memory_space<hbm>> -> memref<64xi32, #tpu.memory_space<hbm>>
    %dma_wait3A_123 = arith.constant 0 : i32
    %dma_wait3A_124 = tpu.memref_slice %arg4[%dma_wait3A_123] : memref<327680xi32, #tpu.memory_space<hbm>> -> memref<64xi32, #tpu.memory_space<hbm>>
    tpu.wait_dma2 semaphore(%arg44 : memref<!tpu.dma_semaphore, #tpu.memory_space<semaphore_mem>>) src(%dma_wait3A_124 : memref<64xi32, #tpu.memory_space<hbm>>) dst(%arg17 : memref<64xi32, #tpu.memory_space<vmem>>)
    %dma_start3A_125 = arith.constant 0 : i32
    %dma_start3A_126 = arith.constant 0 : i32
    %dma_start3A_127 = tpu.memref_slice %arg2[%dma_start3A_125, %dma_start3A_126] : memref<10000x128xf32, #tpu.memory_space<hbm>> -> memref<10000x128xf32, #tpu.memory_space<hbm>>
    tpu.enqueue_indirect_dma source(%dma_start3A_127 : memref<10000x128xf32, #tpu.memory_space<hbm>>) target(%arg25 : memref<64x128xf32, #tpu.memory_space<vmem>>) offsets(%arg9 : memref<64xi32, #tpu.memory_space<vmem>>) semaphore(%arg30 : memref<!tpu.dma_semaphore, #tpu.memory_space<semaphore_mem>>)
    %dma_wait3A_128 = arith.constant 0 : i32
    %dma_wait3A_129 = arith.constant 0 : i32
    %dma_wait3A_130 = tpu.memref_slice %arg2[%dma_wait3A_128, %dma_wait3A_129] : memref<10000x128xf32, #tpu.memory_space<hbm>> -> memref<10000x128xf32, #tpu.memory_space<hbm>>
    tpu.wait_indirect_dma semaphore(%arg28 : memref<!tpu.dma_semaphore, #tpu.memory_space<semaphore_mem>>) src(%dma_wait3A_130 : memref<10000x128xf32, #tpu.memory_space<hbm>>) dst(%arg23 : memref<64x128xf32, #tpu.memory_space<vmem>>)
    %dma_start3A_131 = arith.constant 0 : i32
    %dma_start3A_132 = arith.constant 0 : i32
    %dma_start3A_133 = tpu.memref_slice %arg26[%dma_start3A_131, %dma_start3A_132] : memref<10240x128xf32, #tpu.memory_space<vmem_shared>> -> memref<10240x128xf32, #tpu.memory_space<vmem_shared>>
    tpu.enqueue_indirect_dma source(%arg23 : memref<64x128xf32, #tpu.memory_space<vmem>>) target(%dma_start3A_133 : memref<10240x128xf32, #tpu.memory_space<vmem_shared>>) offsets(%arg15 : memref<64xi32, #tpu.memory_space<vmem>>) semaphore(%arg32 : memref<!tpu.dma_semaphore, #tpu.memory_space<semaphore_mem>>) {add = true}
    %add3A_134 = arith.constant 448 : i32
    %add3A_135 = arith.addi %mul3A_2, %add3A_134 : i32
    %dma_start3A_136 = tpu.memref_slice %arg3[%add3A_135] : memref<327680xi32, #tpu.memory_space<hbm>> -> memref<64xi32, #tpu.memory_space<hbm>>
    %dma_start3A_137 = tpu.memref_slice %arg3[%add3A_135] : memref<327680xi32, #tpu.memory_space<hbm>> -> memref<64xi32, #tpu.memory_space<hbm>>
    tpu.enqueue_dma source(%dma_start3A_137 : memref<64xi32, #tpu.memory_space<hbm>>) target(%arg13 : memref<64xi32, #tpu.memory_space<vmem>>) target_semaphore(%arg40 : memref<!tpu.dma_semaphore, #tpu.memory_space<semaphore_mem>>)
    %dma_start3A_138 = tpu.memref_slice %arg4[%add3A_135] : memref<327680xi32, #tpu.memory_space<hbm>> -> memref<64xi32, #tpu.memory_space<hbm>>
    %dma_start3A_139 = tpu.memref_slice %arg4[%add3A_135] : memref<327680xi32, #tpu.memory_space<hbm>> -> memref<64xi32, #tpu.memory_space<hbm>>
    tpu.enqueue_dma source(%dma_start3A_139 : memref<64xi32, #tpu.memory_space<hbm>>) target(%arg21 : memref<64xi32, #tpu.memory_space<vmem>>) target_semaphore(%arg48 : memref<!tpu.dma_semaphore, #tpu.memory_space<semaphore_mem>>)
    %dma_wait3A_140 = arith.constant 0 : i32
    %dma_wait3A_141 = arith.constant 0 : i32
    %dma_wait3A_142 = tpu.memref_slice %arg26[%dma_wait3A_140, %dma_wait3A_141] : memref<10240x128xf32, #tpu.memory_space<vmem_shared>> -> memref<10240x128xf32, #tpu.memory_space<vmem_shared>>
    tpu.wait_indirect_dma semaphore(%arg31 : memref<!tpu.dma_semaphore, #tpu.memory_space<semaphore_mem>>) src(%arg22 : memref<64x128xf32, #tpu.memory_space<vmem>>) dst(%dma_wait3A_142 : memref<10240x128xf32, #tpu.memory_space<vmem_shared>>)
    %dma_wait3A_143 = arith.constant 0 : i32
    %dma_wait3A_144 = tpu.memref_slice %arg3[%dma_wait3A_143] : memref<327680xi32, #tpu.memory_space<hbm>> -> memref<64xi32, #tpu.memory_space<hbm>>
    %dma_wait3A_145 = arith.constant 0 : i32
    %dma_wait3A_146 = tpu.memref_slice %arg3[%dma_wait3A_145] : memref<327680xi32, #tpu.memory_space<hbm>> -> memref<64xi32, #tpu.memory_space<hbm>>
    tpu.wait_dma2 semaphore(%arg37 : memref<!tpu.dma_semaphore, #tpu.memory_space<semaphore_mem>>) src(%dma_wait3A_146 : memref<64xi32, #tpu.memory_space<hbm>>) dst(%arg10 : memref<64xi32, #tpu.memory_space<vmem>>)
    %dma_wait3A_147 = arith.constant 0 : i32
    %dma_wait3A_148 = tpu.memref_slice %arg4[%dma_wait3A_147] : memref<327680xi32, #tpu.memory_space<hbm>> -> memref<64xi32, #tpu.memory_space<hbm>>
    %dma_wait3A_149 = arith.constant 0 : i32
    %dma_wait3A_150 = tpu.memref_slice %arg4[%dma_wait3A_149] : memref<327680xi32, #tpu.memory_space<hbm>> -> memref<64xi32, #tpu.memory_space<hbm>>
    tpu.wait_dma2 semaphore(%arg45 : memref<!tpu.dma_semaphore, #tpu.memory_space<semaphore_mem>>) src(%dma_wait3A_150 : memref<64xi32, #tpu.memory_space<hbm>>) dst(%arg18 : memref<64xi32, #tpu.memory_space<vmem>>)
    %dma_start3A_151 = arith.constant 0 : i32
    %dma_start3A_152 = arith.constant 0 : i32
    %dma_start3A_153 = tpu.memref_slice %arg2[%dma_start3A_151, %dma_start3A_152] : memref<10000x128xf32, #tpu.memory_space<hbm>> -> memref<10000x128xf32, #tpu.memory_space<hbm>>
    tpu.enqueue_indirect_dma source(%dma_start3A_153 : memref<10000x128xf32, #tpu.memory_space<hbm>>) target(%arg22 : memref<64x128xf32, #tpu.memory_space<vmem>>) offsets(%arg10 : memref<64xi32, #tpu.memory_space<vmem>>) semaphore(%arg27 : memref<!tpu.dma_semaphore, #tpu.memory_space<semaphore_mem>>)
    %dma_wait3A_154 = arith.constant 0 : i32
    %dma_wait3A_155 = arith.constant 0 : i32
    %dma_wait3A_156 = tpu.memref_slice %arg2[%dma_wait3A_154, %dma_wait3A_155] : memref<10000x128xf32, #tpu.memory_space<hbm>> -> memref<10000x128xf32, #tpu.memory_space<hbm>>
    tpu.wait_indirect_dma semaphore(%arg29 : memref<!tpu.dma_semaphore, #tpu.memory_space<semaphore_mem>>) src(%dma_wait3A_156 : memref<10000x128xf32, #tpu.memory_space<hbm>>) dst(%arg24 : memref<64x128xf32, #tpu.memory_space<vmem>>)
    %dma_start3A_157 = arith.constant 0 : i32
    %dma_start3A_158 = arith.constant 0 : i32
    %dma_start3A_159 = tpu.memref_slice %arg26[%dma_start3A_157, %dma_start3A_158] : memref<10240x128xf32, #tpu.memory_space<vmem_shared>> -> memref<10240x128xf32, #tpu.memory_space<vmem_shared>>
    tpu.enqueue_indirect_dma source(%arg24 : memref<64x128xf32, #tpu.memory_space<vmem>>) target(%dma_start3A_159 : memref<10240x128xf32, #tpu.memory_space<vmem_shared>>) offsets(%arg16 : memref<64xi32, #tpu.memory_space<vmem>>) semaphore(%arg31 : memref<!tpu.dma_semaphore, #tpu.memory_space<semaphore_mem>>) {add = true}
    %add3A_160 = arith.constant 512 : i32
    %add3A_161 = arith.addi %mul3A_2, %add3A_160 : i32
    %dma_start3A_162 = tpu.memref_slice %arg3[%add3A_161] : memref<327680xi32, #tpu.memory_space<hbm>> -> memref<64xi32, #tpu.memory_space<hbm>>
    %dma_start3A_163 = tpu.memref_slice %arg3[%add3A_161] : memref<327680xi32, #tpu.memory_space<hbm>> -> memref<64xi32, #tpu.memory_space<hbm>>
    tpu.enqueue_dma source(%dma_start3A_163 : memref<64xi32, #tpu.memory_space<hbm>>) target(%arg6 : memref<64xi32, #tpu.memory_space<vmem>>) target_semaphore(%arg33 : memref<!tpu.dma_semaphore, #tpu.memory_space<semaphore_mem>>)
    %dma_start3A_164 = tpu.memref_slice %arg4[%add3A_161] : memref<327680xi32, #tpu.memory_space<hbm>> -> memref<64xi32, #tpu.memory_space<hbm>>
    %dma_start3A_165 = tpu.memref_slice %arg4[%add3A_161] : memref<327680xi32, #tpu.memory_space<hbm>> -> memref<64xi32, #tpu.memory_space<hbm>>
    tpu.enqueue_dma source(%dma_start3A_165 : memref<64xi32, #tpu.memory_space<hbm>>) target(%arg14 : memref<64xi32, #tpu.memory_space<vmem>>) target_semaphore(%arg41 : memref<!tpu.dma_semaphore, #tpu.memory_space<semaphore_mem>>)
    %dma_wait3A_166 = arith.constant 0 : i32
    %dma_wait3A_167 = arith.constant 0 : i32
    %dma_wait3A_168 = tpu.memref_slice %arg26[%dma_wait3A_166, %dma_wait3A_167] : memref<10240x128xf32, #tpu.memory_space<vmem_shared>> -> memref<10240x128xf32, #tpu.memory_space<vmem_shared>>
    tpu.wait_indirect_dma semaphore(%arg32 : memref<!tpu.dma_semaphore, #tpu.memory_space<semaphore_mem>>) src(%arg23 : memref<64x128xf32, #tpu.memory_space<vmem>>) dst(%dma_wait3A_168 : memref<10240x128xf32, #tpu.memory_space<vmem_shared>>)
    %dma_wait3A_169 = arith.constant 0 : i32
    %dma_wait3A_170 = tpu.memref_slice %arg3[%dma_wait3A_169] : memref<327680xi32, #tpu.memory_space<hbm>> -> memref<64xi32, #tpu.memory_space<hbm>>
    %dma_wait3A_171 = arith.constant 0 : i32
    %dma_wait3A_172 = tpu.memref_slice %arg3[%dma_wait3A_171] : memref<327680xi32, #tpu.memory_space<hbm>> -> memref<64xi32, #tpu.memory_space<hbm>>
    tpu.wait_dma2 semaphore(%arg38 : memref<!tpu.dma_semaphore, #tpu.memory_space<semaphore_mem>>) src(%dma_wait3A_172 : memref<64xi32, #tpu.memory_space<hbm>>) dst(%arg11 : memref<64xi32, #tpu.memory_space<vmem>>)
    %dma_wait3A_173 = arith.constant 0 : i32
    %dma_wait3A_174 = tpu.memref_slice %arg4[%dma_wait3A_173] : memref<327680xi32, #tpu.memory_space<hbm>> -> memref<64xi32, #tpu.memory_space<hbm>>
    %dma_wait3A_175 = arith.constant 0 : i32
    %dma_wait3A_176 = tpu.memref_slice %arg4[%dma_wait3A_175] : memref<327680xi32, #tpu.memory_space<hbm>> -> memref<64xi32, #tpu.memory_space<hbm>>
    tpu.wait_dma2 semaphore(%arg46 : memref<!tpu.dma_semaphore, #tpu.memory_space<semaphore_mem>>) src(%dma_wait3A_176 : memref<64xi32, #tpu.memory_space<hbm>>) dst(%arg19 : memref<64xi32, #tpu.memory_space<vmem>>)
    %dma_start3A_177 = arith.constant 0 : i32
    %dma_start3A_178 = arith.constant 0 : i32
    %dma_start3A_179 = tpu.memref_slice %arg2[%dma_start3A_177, %dma_start3A_178] : memref<10000x128xf32, #tpu.memory_space<hbm>> -> memref<10000x128xf32, #tpu.memory_space<hbm>>
    tpu.enqueue_indirect_dma source(%dma_start3A_179 : memref<10000x128xf32, #tpu.memory_space<hbm>>) target(%arg23 : memref<64x128xf32, #tpu.memory_space<vmem>>) offsets(%arg11 : memref<64xi32, #tpu.memory_space<vmem>>) semaphore(%arg28 : memref<!tpu.dma_semaphore, #tpu.memory_space<semaphore_mem>>)
    %dma_wait3A_180 = arith.constant 0 : i32
    %dma_wait3A_181 = arith.constant 0 : i32
    %dma_wait3A_182 = tpu.memref_slice %arg2[%dma_wait3A_180, %dma_wait3A_181] : memref<10000x128xf32, #tpu.memory_space<hbm>> -> memref<10000x128xf32, #tpu.memory_space<hbm>>
    tpu.wait_indirect_dma semaphore(%arg30 : memref<!tpu.dma_semaphore, #tpu.memory_space<semaphore_mem>>) src(%dma_wait3A_182 : memref<10000x128xf32, #tpu.memory_space<hbm>>) dst(%arg25 : memref<64x128xf32, #tpu.memory_space<vmem>>)
    %dma_start3A_183 = arith.constant 0 : i32
    %dma_start3A_184 = arith.constant 0 : i32
    %dma_start3A_185 = tpu.memref_slice %arg26[%dma_start3A_183, %dma_start3A_184] : memref<10240x128xf32, #tpu.memory_space<vmem_shared>> -> memref<10240x128xf32, #tpu.memory_space<vmem_shared>>
    tpu.enqueue_indirect_dma source(%arg25 : memref<64x128xf32, #tpu.memory_space<vmem>>) target(%dma_start3A_185 : memref<10240x128xf32, #tpu.memory_space<vmem_shared>>) offsets(%arg17 : memref<64xi32, #tpu.memory_space<vmem>>) semaphore(%arg32 : memref<!tpu.dma_semaphore, #tpu.memory_space<semaphore_mem>>) {add = true}
    %add3A_186 = arith.constant 576 : i32
    %add3A_187 = arith.addi %mul3A_2, %add3A_186 : i32
    %dma_start3A_188 = tpu.memref_slice %arg3[%add3A_187] : memref<327680xi32, #tpu.memory_space<hbm>> -> memref<64xi32, #tpu.memory_space<hbm>>
    %dma_start3A_189 = tpu.memref_slice %arg3[%add3A_187] : memref<327680xi32, #tpu.memory_space<hbm>> -> memref<64xi32, #tpu.memory_space<hbm>>
    tpu.enqueue_dma source(%dma_start3A_189 : memref<64xi32, #tpu.memory_space<hbm>>) target(%arg7 : memref<64xi32, #tpu.memory_space<vmem>>) target_semaphore(%arg34 : memref<!tpu.dma_semaphore, #tpu.memory_space<semaphore_mem>>)
    %dma_start3A_190 = tpu.memref_slice %arg4[%add3A_187] : memref<327680xi32, #tpu.memory_space<hbm>> -> memref<64xi32, #tpu.memory_space<hbm>>
    %dma_start3A_191 = tpu.memref_slice %arg4[%add3A_187] : memref<327680xi32, #tpu.memory_space<hbm>> -> memref<64xi32, #tpu.memory_space<hbm>>
    tpu.enqueue_dma source(%dma_start3A_191 : memref<64xi32, #tpu.memory_space<hbm>>) target(%arg15 : memref<64xi32, #tpu.memory_space<vmem>>) target_semaphore(%arg42 : memref<!tpu.dma_semaphore, #tpu.memory_space<semaphore_mem>>)
    %dma_wait3A_192 = arith.constant 0 : i32
    %dma_wait3A_193 = arith.constant 0 : i32
    %dma_wait3A_194 = tpu.memref_slice %arg26[%dma_wait3A_192, %dma_wait3A_193] : memref<10240x128xf32, #tpu.memory_space<vmem_shared>> -> memref<10240x128xf32, #tpu.memory_space<vmem_shared>>
    tpu.wait_indirect_dma semaphore(%arg31 : memref<!tpu.dma_semaphore, #tpu.memory_space<semaphore_mem>>) src(%arg24 : memref<64x128xf32, #tpu.memory_space<vmem>>) dst(%dma_wait3A_194 : memref<10240x128xf32, #tpu.memory_space<vmem_shared>>)
    %dma_wait3A_195 = arith.constant 0 : i32
    %dma_wait3A_196 = tpu.memref_slice %arg3[%dma_wait3A_195] : memref<327680xi32, #tpu.memory_space<hbm>> -> memref<64xi32, #tpu.memory_space<hbm>>
    %dma_wait3A_197 = arith.constant 0 : i32
    %dma_wait3A_198 = tpu.memref_slice %arg3[%dma_wait3A_197] : memref<327680xi32, #tpu.memory_space<hbm>> -> memref<64xi32, #tpu.memory_space<hbm>>
    tpu.wait_dma2 semaphore(%arg39 : memref<!tpu.dma_semaphore, #tpu.memory_space<semaphore_mem>>) src(%dma_wait3A_198 : memref<64xi32, #tpu.memory_space<hbm>>) dst(%arg12 : memref<64xi32, #tpu.memory_space<vmem>>)
    %dma_wait3A_199 = arith.constant 0 : i32
    %dma_wait3A_200 = tpu.memref_slice %arg4[%dma_wait3A_199] : memref<327680xi32, #tpu.memory_space<hbm>> -> memref<64xi32, #tpu.memory_space<hbm>>
    %dma_wait3A_201 = arith.constant 0 : i32
    %dma_wait3A_202 = tpu.memref_slice %arg4[%dma_wait3A_201] : memref<327680xi32, #tpu.memory_space<hbm>> -> memref<64xi32, #tpu.memory_space<hbm>>
    tpu.wait_dma2 semaphore(%arg47 : memref<!tpu.dma_semaphore, #tpu.memory_space<semaphore_mem>>) src(%dma_wait3A_202 : memref<64xi32, #tpu.memory_space<hbm>>) dst(%arg20 : memref<64xi32, #tpu.memory_space<vmem>>)
    %dma_start3A_203 = arith.constant 0 : i32
    %dma_start3A_204 = arith.constant 0 : i32
    %dma_start3A_205 = tpu.memref_slice %arg2[%dma_start3A_203, %dma_start3A_204] : memref<10000x128xf32, #tpu.memory_space<hbm>> -> memref<10000x128xf32, #tpu.memory_space<hbm>>
    tpu.enqueue_indirect_dma source(%dma_start3A_205 : memref<10000x128xf32, #tpu.memory_space<hbm>>) target(%arg24 : memref<64x128xf32, #tpu.memory_space<vmem>>) offsets(%arg12 : memref<64xi32, #tpu.memory_space<vmem>>) semaphore(%arg29 : memref<!tpu.dma_semaphore, #tpu.memory_space<semaphore_mem>>)
    %dma_wait3A_206 = arith.constant 0 : i32
    %dma_wait3A_207 = arith.constant 0 : i32
    %dma_wait3A_208 = tpu.memref_slice %arg2[%dma_wait3A_206, %dma_wait3A_207] : memref<10000x128xf32, #tpu.memory_space<hbm>> -> memref<10000x128xf32, #tpu.memory_space<hbm>>
    tpu.wait_indirect_dma semaphore(%arg27 : memref<!tpu.dma_semaphore, #tpu.memory_space<semaphore_mem>>) src(%dma_wait3A_208 : memref<10000x128xf32, #tpu.memory_space<hbm>>) dst(%arg22 : memref<64x128xf32, #tpu.memory_space<vmem>>)
    %dma_start3A_209 = arith.constant 0 : i32
    %dma_start3A_210 = arith.constant 0 : i32
    %dma_start3A_211 = tpu.memref_slice %arg26[%dma_start3A_209, %dma_start3A_210] : memref<10240x128xf32, #tpu.memory_space<vmem_shared>> -> memref<10240x128xf32, #tpu.memory_space<vmem_shared>>
    tpu.enqueue_indirect_dma source(%arg22 : memref<64x128xf32, #tpu.memory_space<vmem>>) target(%dma_start3A_211 : memref<10240x128xf32, #tpu.memory_space<vmem_shared>>) offsets(%arg18 : memref<64xi32, #tpu.memory_space<vmem>>) semaphore(%arg31 : memref<!tpu.dma_semaphore, #tpu.memory_space<semaphore_mem>>) {add = true}
    %add3A_212 = arith.constant 640 : i32
    %add3A_213 = arith.addi %mul3A_2, %add3A_212 : i32
    %dma_start3A_214 = tpu.memref_slice %arg3[%add3A_213] : memref<327680xi32, #tpu.memory_space<hbm>> -> memref<64xi32, #tpu.memory_space<hbm>>
    %dma_start3A_215 = tpu.memref_slice %arg3[%add3A_213] : memref<327680xi32, #tpu.memory_space<hbm>> -> memref<64xi32, #tpu.memory_space<hbm>>
    tpu.enqueue_dma source(%dma_start3A_215 : memref<64xi32, #tpu.memory_space<hbm>>) target(%arg8 : memref<64xi32, #tpu.memory_space<vmem>>) target_semaphore(%arg35 : memref<!tpu.dma_semaphore, #tpu.memory_space<semaphore_mem>>)
    %dma_start3A_216 = tpu.memref_slice %arg4[%add3A_213] : memref<327680xi32, #tpu.memory_space<hbm>> -> memref<64xi32, #tpu.memory_space<hbm>>
    %dma_start3A_217 = tpu.memref_slice %arg4[%add3A_213] : memref<327680xi32, #tpu.memory_space<hbm>> -> memref<64xi32, #tpu.memory_space<hbm>>
    tpu.enqueue_dma source(%dma_start3A_217 : memref<64xi32, #tpu.memory_space<hbm>>) target(%arg16 : memref<64xi32, #tpu.memory_space<vmem>>) target_semaphore(%arg43 : memref<!tpu.dma_semaphore, #tpu.memory_space<semaphore_mem>>)
    %dma_wait3A_218 = arith.constant 0 : i32
    %dma_wait3A_219 = arith.constant 0 : i32
    %dma_wait3A_220 = tpu.memref_slice %arg26[%dma_wait3A_218, %dma_wait3A_219] : memref<10240x128xf32, #tpu.memory_space<vmem_shared>> -> memref<10240x128xf32, #tpu.memory_space<vmem_shared>>
    tpu.wait_indirect_dma semaphore(%arg32 : memref<!tpu.dma_semaphore, #tpu.memory_space<semaphore_mem>>) src(%arg25 : memref<64x128xf32, #tpu.memory_space<vmem>>) dst(%dma_wait3A_220 : memref<10240x128xf32, #tpu.memory_space<vmem_shared>>)
    %dma_wait3A_221 = arith.constant 0 : i32
    %dma_wait3A_222 = tpu.memref_slice %arg3[%dma_wait3A_221] : memref<327680xi32, #tpu.memory_space<hbm>> -> memref<64xi32, #tpu.memory_space<hbm>>
    %dma_wait3A_223 = arith.constant 0 : i32
    %dma_wait3A_224 = tpu.memref_slice %arg3[%dma_wait3A_223] : memref<327680xi32, #tpu.memory_space<hbm>> -> memref<64xi32, #tpu.memory_space<hbm>>
    tpu.wait_dma2 semaphore(%arg40 : memref<!tpu.dma_semaphore, #tpu.memory_space<semaphore_mem>>) src(%dma_wait3A_224 : memref<64xi32, #tpu.memory_space<hbm>>) dst(%arg13 : memref<64xi32, #tpu.memory_space<vmem>>)
    %dma_wait3A_225 = arith.constant 0 : i32
    %dma_wait3A_226 = tpu.memref_slice %arg4[%dma_wait3A_225] : memref<327680xi32, #tpu.memory_space<hbm>> -> memref<64xi32, #tpu.memory_space<hbm>>
    %dma_wait3A_227 = arith.constant 0 : i32
    %dma_wait3A_228 = tpu.memref_slice %arg4[%dma_wait3A_227] : memref<327680xi32, #tpu.memory_space<hbm>> -> memref<64xi32, #tpu.memory_space<hbm>>
    tpu.wait_dma2 semaphore(%arg48 : memref<!tpu.dma_semaphore, #tpu.memory_space<semaphore_mem>>) src(%dma_wait3A_228 : memref<64xi32, #tpu.memory_space<hbm>>) dst(%arg21 : memref<64xi32, #tpu.memory_space<vmem>>)
    %dma_start3A_229 = arith.constant 0 : i32
    %dma_start3A_230 = arith.constant 0 : i32
    %dma_start3A_231 = tpu.memref_slice %arg2[%dma_start3A_229, %dma_start3A_230] : memref<10000x128xf32, #tpu.memory_space<hbm>> -> memref<10000x128xf32, #tpu.memory_space<hbm>>
    tpu.enqueue_indirect_dma source(%dma_start3A_231 : memref<10000x128xf32, #tpu.memory_space<hbm>>) target(%arg25 : memref<64x128xf32, #tpu.memory_space<vmem>>) offsets(%arg13 : memref<64xi32, #tpu.memory_space<vmem>>) semaphore(%arg30 : memref<!tpu.dma_semaphore, #tpu.memory_space<semaphore_mem>>)
    %dma_wait3A_232 = arith.constant 0 : i32
    %dma_wait3A_233 = arith.constant 0 : i32
    %dma_wait3A_234 = tpu.memref_slice %arg2[%dma_wait3A_232, %dma_wait3A_233] : memref<10000x128xf32, #tpu.memory_space<hbm>> -> memref<10000x128xf32, #tpu.memory_space<hbm>>
    tpu.wait_indirect_dma semaphore(%arg28 : memref<!tpu.dma_semaphore, #tpu.memory_space<semaphore_mem>>) src(%dma_wait3A_234 : memref<10000x128xf32, #tpu.memory_space<hbm>>) dst(%arg23 : memref<64x128xf32, #tpu.memory_space<vmem>>)
    %dma_start3A_235 = arith.constant 0 : i32
    %dma_start3A_236 = arith.constant 0 : i32
    %dma_start3A_237 = tpu.memref_slice %arg26[%dma_start3A_235, %dma_start3A_236] : memref<10240x128xf32, #tpu.memory_space<vmem_shared>> -> memref<10240x128xf32, #tpu.memory_space<vmem_shared>>
    tpu.enqueue_indirect_dma source(%arg23 : memref<64x128xf32, #tpu.memory_space<vmem>>) target(%dma_start3A_237 : memref<10240x128xf32, #tpu.memory_space<vmem_shared>>) offsets(%arg19 : memref<64xi32, #tpu.memory_space<vmem>>) semaphore(%arg32 : memref<!tpu.dma_semaphore, #tpu.memory_space<semaphore_mem>>) {add = true}
    %add3A_238 = arith.constant 704 : i32
    %add3A_239 = arith.addi %mul3A_2, %add3A_238 : i32
    %dma_start3A_240 = tpu.memref_slice %arg3[%add3A_239] : memref<327680xi32, #tpu.memory_space<hbm>> -> memref<64xi32, #tpu.memory_space<hbm>>
    %dma_start3A_241 = tpu.memref_slice %arg3[%add3A_239] : memref<327680xi32, #tpu.memory_space<hbm>> -> memref<64xi32, #tpu.memory_space<hbm>>
    tpu.enqueue_dma source(%dma_start3A_241 : memref<64xi32, #tpu.memory_space<hbm>>) target(%arg9 : memref<64xi32, #tpu.memory_space<vmem>>) target_semaphore(%arg36 : memref<!tpu.dma_semaphore, #tpu.memory_space<semaphore_mem>>)
    %dma_start3A_242 = tpu.memref_slice %arg4[%add3A_239] : memref<327680xi32, #tpu.memory_space<hbm>> -> memref<64xi32, #tpu.memory_space<hbm>>
    %dma_start3A_243 = tpu.memref_slice %arg4[%add3A_239] : memref<327680xi32, #tpu.memory_space<hbm>> -> memref<64xi32, #tpu.memory_space<hbm>>
    tpu.enqueue_dma source(%dma_start3A_243 : memref<64xi32, #tpu.memory_space<hbm>>) target(%arg17 : memref<64xi32, #tpu.memory_space<vmem>>) target_semaphore(%arg44 : memref<!tpu.dma_semaphore, #tpu.memory_space<semaphore_mem>>)
    %scan3A_244 = arith.constant 0 : i32
    %scan3A_245 = arith.constant 0 : i32
    %scan3A_246 = arith.constant 18 : i32
    %scan3A_247 = arith.addi %scan3A_245, %scan3A_246 : i32
    %scan3A_248 = arith.constant 1 : i32
    scf.for %scan3A_459 = %scan3A_245 to %scan3A_247 step %scan3A_248  : i32 {
      %mul3A_460 = arith.constant 8 : i32
      %mul3A_461 = arith.muli %scan3A_459, %mul3A_460 : i32
      %add3A_462 = arith.constant 8 : i32
      %add3A_463 = arith.addi %add3A_462, %mul3A_461 : i32
      %add3A_464 = arith.constant 0 : i32
      %add3A_465 = arith.addi %add3A_463, %add3A_464 : i32
      %dma_wait3A_466 = arith.constant 0 : i32
      %dma_wait3A_467 = arith.constant 0 : i32
      %dma_wait3A_468 = tpu.memref_slice %arg26[%dma_wait3A_466, %dma_wait3A_467] : memref<10240x128xf32, #tpu.memory_space<vmem_shared>> -> memref<10240x128xf32, #tpu.memory_space<vmem_shared>>
      tpu.wait_indirect_dma semaphore(%arg31 : memref<!tpu.dma_semaphore, #tpu.memory_space<semaphore_mem>>) src(%arg22 : memref<64x128xf32, #tpu.memory_space<vmem>>) dst(%dma_wait3A_468 : memref<10240x128xf32, #tpu.memory_space<vmem_shared>>)
      %dma_wait3A_469 = arith.constant 0 : i32
      %dma_wait3A_470 = tpu.memref_slice %arg3[%dma_wait3A_469] : memref<327680xi32, #tpu.memory_space<hbm>> -> memref<64xi32, #tpu.memory_space<hbm>>
      %dma_wait3A_471 = arith.constant 0 : i32
      %dma_wait3A_472 = tpu.memref_slice %arg3[%dma_wait3A_471] : memref<327680xi32, #tpu.memory_space<hbm>> -> memref<64xi32, #tpu.memory_space<hbm>>
      tpu.wait_dma2 semaphore(%arg33 : memref<!tpu.dma_semaphore, #tpu.memory_space<semaphore_mem>>) src(%dma_wait3A_472 : memref<64xi32, #tpu.memory_space<hbm>>) dst(%arg6 : memref<64xi32, #tpu.memory_space<vmem>>)
      %dma_wait3A_473 = arith.constant 0 : i32
      %dma_wait3A_474 = tpu.memref_slice %arg4[%dma_wait3A_473] : memref<327680xi32, #tpu.memory_space<hbm>> -> memref<64xi32, #tpu.memory_space<hbm>>
      %dma_wait3A_475 = arith.constant 0 : i32
      %dma_wait3A_476 = tpu.memref_slice %arg4[%dma_wait3A_475] : memref<327680xi32, #tpu.memory_space<hbm>> -> memref<64xi32, #tpu.memory_space<hbm>>
      tpu.wait_dma2 semaphore(%arg41 : memref<!tpu.dma_semaphore, #tpu.memory_space<semaphore_mem>>) src(%dma_wait3A_476 : memref<64xi32, #tpu.memory_space<hbm>>) dst(%arg14 : memref<64xi32, #tpu.memory_space<vmem>>)
      %dma_start3A_477 = arith.constant 0 : i32
      %dma_start3A_478 = arith.constant 0 : i32
      %dma_start3A_479 = tpu.memref_slice %arg2[%dma_start3A_477, %dma_start3A_478] : memref<10000x128xf32, #tpu.memory_space<hbm>> -> memref<10000x128xf32, #tpu.memory_space<hbm>>
      tpu.enqueue_indirect_dma source(%dma_start3A_479 : memref<10000x128xf32, #tpu.memory_space<hbm>>) target(%arg22 : memref<64x128xf32, #tpu.memory_space<vmem>>) offsets(%arg6 : memref<64xi32, #tpu.memory_space<vmem>>) semaphore(%arg27 : memref<!tpu.dma_semaphore, #tpu.memory_space<semaphore_mem>>)
      %dma_wait3A_480 = arith.constant 0 : i32
      %dma_wait3A_481 = arith.constant 0 : i32
      %dma_wait3A_482 = tpu.memref_slice %arg2[%dma_wait3A_480, %dma_wait3A_481] : memref<10000x128xf32, #tpu.memory_space<hbm>> -> memref<10000x128xf32, #tpu.memory_space<hbm>>
      tpu.wait_indirect_dma semaphore(%arg29 : memref<!tpu.dma_semaphore, #tpu.memory_space<semaphore_mem>>) src(%dma_wait3A_482 : memref<10000x128xf32, #tpu.memory_space<hbm>>) dst(%arg24 : memref<64x128xf32, #tpu.memory_space<vmem>>)
      %dma_start3A_483 = arith.constant 0 : i32
      %dma_start3A_484 = arith.constant 0 : i32
      %dma_start3A_485 = tpu.memref_slice %arg26[%dma_start3A_483, %dma_start3A_484] : memref<10240x128xf32, #tpu.memory_space<vmem_shared>> -> memref<10240x128xf32, #tpu.memory_space<vmem_shared>>
      tpu.enqueue_indirect_dma source(%arg24 : memref<64x128xf32, #tpu.memory_space<vmem>>) target(%dma_start3A_485 : memref<10240x128xf32, #tpu.memory_space<vmem_shared>>) offsets(%arg20 : memref<64xi32, #tpu.memory_space<vmem>>) semaphore(%arg31 : memref<!tpu.dma_semaphore, #tpu.memory_space<semaphore_mem>>) {add = true}
      %add3A_486 = arith.constant 4 : i32
      %add3A_487 = arith.addi %add3A_465, %add3A_486 : i32
      %mul3A_488 = arith.constant 64 : i32
      %mul3A_489 = arith.muli %add3A_487, %mul3A_488 : i32
      %add3A_490 = arith.addi %mul3A_2, %mul3A_489 : i32
      %dma_start3A_491 = tpu.memref_slice %arg3[%add3A_490] : memref<327680xi32, #tpu.memory_space<hbm>> -> memref<64xi32, #tpu.memory_space<hbm>>
      %dma_start3A_492 = tpu.memref_slice %arg3[%add3A_490] : memref<327680xi32, #tpu.memory_space<hbm>> -> memref<64xi32, #tpu.memory_space<hbm>>
      tpu.enqueue_dma source(%dma_start3A_492 : memref<64xi32, #tpu.memory_space<hbm>>) target(%arg10 : memref<64xi32, #tpu.memory_space<vmem>>) target_semaphore(%arg37 : memref<!tpu.dma_semaphore, #tpu.memory_space<semaphore_mem>>)
      %dma_start3A_493 = tpu.memref_slice %arg4[%add3A_490] : memref<327680xi32, #tpu.memory_space<hbm>> -> memref<64xi32, #tpu.memory_space<hbm>>
      %dma_start3A_494 = tpu.memref_slice %arg4[%add3A_490] : memref<327680xi32, #tpu.memory_space<hbm>> -> memref<64xi32, #tpu.memory_space<hbm>>
      tpu.enqueue_dma source(%dma_start3A_494 : memref<64xi32, #tpu.memory_space<hbm>>) target(%arg18 : memref<64xi32, #tpu.memory_space<vmem>>) target_semaphore(%arg45 : memref<!tpu.dma_semaphore, #tpu.memory_space<semaphore_mem>>)
      %add3A_495 = arith.constant 1 : i32
      %add3A_496 = arith.addi %add3A_463, %add3A_495 : i32
      %dma_wait3A_497 = arith.constant 0 : i32
      %dma_wait3A_498 = arith.constant 0 : i32
      %dma_wait3A_499 = tpu.memref_slice %arg26[%dma_wait3A_497, %dma_wait3A_498] : memref<10240x128xf32, #tpu.memory_space<vmem_shared>> -> memref<10240x128xf32, #tpu.memory_space<vmem_shared>>
      tpu.wait_indirect_dma semaphore(%arg32 : memref<!tpu.dma_semaphore, #tpu.memory_space<semaphore_mem>>) src(%arg23 : memref<64x128xf32, #tpu.memory_space<vmem>>) dst(%dma_wait3A_499 : memref<10240x128xf32, #tpu.memory_space<vmem_shared>>)
      %dma_wait3A_500 = arith.constant 0 : i32
      %dma_wait3A_501 = tpu.memref_slice %arg3[%dma_wait3A_500] : memref<327680xi32, #tpu.memory_space<hbm>> -> memref<64xi32, #tpu.memory_space<hbm>>
      %dma_wait3A_502 = arith.constant 0 : i32
      %dma_wait3A_503 = tpu.memref_slice %arg3[%dma_wait3A_502] : memref<327680xi32, #tpu.memory_space<hbm>> -> memref<64xi32, #tpu.memory_space<hbm>>
      tpu.wait_dma2 semaphore(%arg34 : memref<!tpu.dma_semaphore, #tpu.memory_space<semaphore_mem>>) src(%dma_wait3A_503 : memref<64xi32, #tpu.memory_space<hbm>>) dst(%arg7 : memref<64xi32, #tpu.memory_space<vmem>>)
      %dma_wait3A_504 = arith.constant 0 : i32
      %dma_wait3A_505 = tpu.memref_slice %arg4[%dma_wait3A_504] : memref<327680xi32, #tpu.memory_space<hbm>> -> memref<64xi32, #tpu.memory_space<hbm>>
      %dma_wait3A_506 = arith.constant 0 : i32
      %dma_wait3A_507 = tpu.memref_slice %arg4[%dma_wait3A_506] : memref<327680xi32, #tpu.memory_space<hbm>> -> memref<64xi32, #tpu.memory_space<hbm>>
      tpu.wait_dma2 semaphore(%arg42 : memref<!tpu.dma_semaphore, #tpu.memory_space<semaphore_mem>>) src(%dma_wait3A_507 : memref<64xi32, #tpu.memory_space<hbm>>) dst(%arg15 : memref<64xi32, #tpu.memory_space<vmem>>)
      %dma_start3A_508 = arith.constant 0 : i32
      %dma_start3A_509 = arith.constant 0 : i32
      %dma_start3A_510 = tpu.memref_slice %arg2[%dma_start3A_508, %dma_start3A_509] : memref<10000x128xf32, #tpu.memory_space<hbm>> -> memref<10000x128xf32, #tpu.memory_space<hbm>>
      tpu.enqueue_indirect_dma source(%dma_start3A_510 : memref<10000x128xf32, #tpu.memory_space<hbm>>) target(%arg23 : memref<64x128xf32, #tpu.memory_space<vmem>>) offsets(%arg7 : memref<64xi32, #tpu.memory_space<vmem>>) semaphore(%arg28 : memref<!tpu.dma_semaphore, #tpu.memory_space<semaphore_mem>>)
      %dma_wait3A_511 = arith.constant 0 : i32
      %dma_wait3A_512 = arith.constant 0 : i32
      %dma_wait3A_513 = tpu.memref_slice %arg2[%dma_wait3A_511, %dma_wait3A_512] : memref<10000x128xf32, #tpu.memory_space<hbm>> -> memref<10000x128xf32, #tpu.memory_space<hbm>>
      tpu.wait_indirect_dma semaphore(%arg30 : memref<!tpu.dma_semaphore, #tpu.memory_space<semaphore_mem>>) src(%dma_wait3A_513 : memref<10000x128xf32, #tpu.memory_space<hbm>>) dst(%arg25 : memref<64x128xf32, #tpu.memory_space<vmem>>)
      %dma_start3A_514 = arith.constant 0 : i32
      %dma_start3A_515 = arith.constant 0 : i32
      %dma_start3A_516 = tpu.memref_slice %arg26[%dma_start3A_514, %dma_start3A_515] : memref<10240x128xf32, #tpu.memory_space<vmem_shared>> -> memref<10240x128xf32, #tpu.memory_space<vmem_shared>>
      tpu.enqueue_indirect_dma source(%arg25 : memref<64x128xf32, #tpu.memory_space<vmem>>) target(%dma_start3A_516 : memref<10240x128xf32, #tpu.memory_space<vmem_shared>>) offsets(%arg21 : memref<64xi32, #tpu.memory_space<vmem>>) semaphore(%arg32 : memref<!tpu.dma_semaphore, #tpu.memory_space<semaphore_mem>>) {add = true}
      %add3A_517 = arith.constant 4 : i32
      %add3A_518 = arith.addi %add3A_496, %add3A_517 : i32
      %mul3A_519 = arith.constant 64 : i32
      %mul3A_520 = arith.muli %add3A_518, %mul3A_519 : i32
      %add3A_521 = arith.addi %mul3A_2, %mul3A_520 : i32
      %dma_start3A_522 = tpu.memref_slice %arg3[%add3A_521] : memref<327680xi32, #tpu.memory_space<hbm>> -> memref<64xi32, #tpu.memory_space<hbm>>
      %dma_start3A_523 = tpu.memref_slice %arg3[%add3A_521] : memref<327680xi32, #tpu.memory_space<hbm>> -> memref<64xi32, #tpu.memory_space<hbm>>
      tpu.enqueue_dma source(%dma_start3A_523 : memref<64xi32, #tpu.memory_space<hbm>>) target(%arg11 : memref<64xi32, #tpu.memory_space<vmem>>) target_semaphore(%arg38 : memref<!tpu.dma_semaphore, #tpu.memory_space<semaphore_mem>>)
      %dma_start3A_524 = tpu.memref_slice %arg4[%add3A_521] : memref<327680xi32, #tpu.memory_space<hbm>> -> memref<64xi32, #tpu.memory_space<hbm>>
      %dma_start3A_525 = tpu.memref_slice %arg4[%add3A_521] : memref<327680xi32, #tpu.memory_space<hbm>> -> memref<64xi32, #tpu.memory_space<hbm>>
      tpu.enqueue_dma source(%dma_start3A_525 : memref<64xi32, #tpu.memory_space<hbm>>) target(%arg19 : memref<64xi32, #tpu.memory_space<vmem>>) target_semaphore(%arg46 : memref<!tpu.dma_semaphore, #tpu.memory_space<semaphore_mem>>)
      %add3A_526 = arith.constant 2 : i32
      %add3A_527 = arith.addi %add3A_463, %add3A_526 : i32
      %dma_wait3A_528 = arith.constant 0 : i32
      %dma_wait3A_529 = arith.constant 0 : i32
      %dma_wait3A_530 = tpu.memref_slice %arg26[%dma_wait3A_528, %dma_wait3A_529] : memref<10240x128xf32, #tpu.memory_space<vmem_shared>> -> memref<10240x128xf32, #tpu.memory_space<vmem_shared>>
      tpu.wait_indirect_dma semaphore(%arg31 : memref<!tpu.dma_semaphore, #tpu.memory_space<semaphore_mem>>) src(%arg24 : memref<64x128xf32, #tpu.memory_space<vmem>>) dst(%dma_wait3A_530 : memref<10240x128xf32, #tpu.memory_space<vmem_shared>>)
      %dma_wait3A_531 = arith.constant 0 : i32
      %dma_wait3A_532 = tpu.memref_slice %arg3[%dma_wait3A_531] : memref<327680xi32, #tpu.memory_space<hbm>> -> memref<64xi32, #tpu.memory_space<hbm>>
      %dma_wait3A_533 = arith.constant 0 : i32
      %dma_wait3A_534 = tpu.memref_slice %arg3[%dma_wait3A_533] : memref<327680xi32, #tpu.memory_space<hbm>> -> memref<64xi32, #tpu.memory_space<hbm>>
      tpu.wait_dma2 semaphore(%arg35 : memref<!tpu.dma_semaphore, #tpu.memory_space<semaphore_mem>>) src(%dma_wait3A_534 : memref<64xi32, #tpu.memory_space<hbm>>) dst(%arg8 : memref<64xi32, #tpu.memory_space<vmem>>)
      %dma_wait3A_535 = arith.constant 0 : i32
      %dma_wait3A_536 = tpu.memref_slice %arg4[%dma_wait3A_535] : memref<327680xi32, #tpu.memory_space<hbm>> -> memref<64xi32, #tpu.memory_space<hbm>>
      %dma_wait3A_537 = arith.constant 0 : i32
      %dma_wait3A_538 = tpu.memref_slice %arg4[%dma_wait3A_537] : memref<327680xi32, #tpu.memory_space<hbm>> -> memref<64xi32, #tpu.memory_space<hbm>>
      tpu.wait_dma2 semaphore(%arg43 : memref<!tpu.dma_semaphore, #tpu.memory_space<semaphore_mem>>) src(%dma_wait3A_538 : memref<64xi32, #tpu.memory_space<hbm>>) dst(%arg16 : memref<64xi32, #tpu.memory_space<vmem>>)
      %dma_start3A_539 = arith.constant 0 : i32
      %dma_start3A_540 = arith.constant 0 : i32
      %dma_start3A_541 = tpu.memref_slice %arg2[%dma_start3A_539, %dma_start3A_540] : memref<10000x128xf32, #tpu.memory_space<hbm>> -> memref<10000x128xf32, #tpu.memory_space<hbm>>
      tpu.enqueue_indirect_dma source(%dma_start3A_541 : memref<10000x128xf32, #tpu.memory_space<hbm>>) target(%arg24 : memref<64x128xf32, #tpu.memory_space<vmem>>) offsets(%arg8 : memref<64xi32, #tpu.memory_space<vmem>>) semaphore(%arg29 : memref<!tpu.dma_semaphore, #tpu.memory_space<semaphore_mem>>)
      %dma_wait3A_542 = arith.constant 0 : i32
      %dma_wait3A_543 = arith.constant 0 : i32
      %dma_wait3A_544 = tpu.memref_slice %arg2[%dma_wait3A_542, %dma_wait3A_543] : memref<10000x128xf32, #tpu.memory_space<hbm>> -> memref<10000x128xf32, #tpu.memory_space<hbm>>
      tpu.wait_indirect_dma semaphore(%arg27 : memref<!tpu.dma_semaphore, #tpu.memory_space<semaphore_mem>>) src(%dma_wait3A_544 : memref<10000x128xf32, #tpu.memory_space<hbm>>) dst(%arg22 : memref<64x128xf32, #tpu.memory_space<vmem>>)
      %dma_start3A_545 = arith.constant 0 : i32
      %dma_start3A_546 = arith.constant 0 : i32
      %dma_start3A_547 = tpu.memref_slice %arg26[%dma_start3A_545, %dma_start3A_546] : memref<10240x128xf32, #tpu.memory_space<vmem_shared>> -> memref<10240x128xf32, #tpu.memory_space<vmem_shared>>
      tpu.enqueue_indirect_dma source(%arg22 : memref<64x128xf32, #tpu.memory_space<vmem>>) target(%dma_start3A_547 : memref<10240x128xf32, #tpu.memory_space<vmem_shared>>) offsets(%arg14 : memref<64xi32, #tpu.memory_space<vmem>>) semaphore(%arg31 : memref<!tpu.dma_semaphore, #tpu.memory_space<semaphore_mem>>) {add = true}
      %add3A_548 = arith.constant 4 : i32
      %add3A_549 = arith.addi %add3A_527, %add3A_548 : i32
      %mul3A_550 = arith.constant 64 : i32
      %mul3A_551 = arith.muli %add3A_549, %mul3A_550 : i32
      %add3A_552 = arith.addi %mul3A_2, %mul3A_551 : i32
      %dma_start3A_553 = tpu.memref_slice %arg3[%add3A_552] : memref<327680xi32, #tpu.memory_space<hbm>> -> memref<64xi32, #tpu.memory_space<hbm>>
      %dma_start3A_554 = tpu.memref_slice %arg3[%add3A_552] : memref<327680xi32, #tpu.memory_space<hbm>> -> memref<64xi32, #tpu.memory_space<hbm>>
      tpu.enqueue_dma source(%dma_start3A_554 : memref<64xi32, #tpu.memory_space<hbm>>) target(%arg12 : memref<64xi32, #tpu.memory_space<vmem>>) target_semaphore(%arg39 : memref<!tpu.dma_semaphore, #tpu.memory_space<semaphore_mem>>)
      %dma_start3A_555 = tpu.memref_slice %arg4[%add3A_552] : memref<327680xi32, #tpu.memory_space<hbm>> -> memref<64xi32, #tpu.memory_space<hbm>>
      %dma_start3A_556 = tpu.memref_slice %arg4[%add3A_552] : memref<327680xi32, #tpu.memory_space<hbm>> -> memref<64xi32, #tpu.memory_space<hbm>>
      tpu.enqueue_dma source(%dma_start3A_556 : memref<64xi32, #tpu.memory_space<hbm>>) target(%arg20 : memref<64xi32, #tpu.memory_space<vmem>>) target_semaphore(%arg47 : memref<!tpu.dma_semaphore, #tpu.memory_space<semaphore_mem>>)
      %add3A_557 = arith.constant 3 : i32
      %add3A_558 = arith.addi %add3A_463, %add3A_557 : i32
      %dma_wait3A_559 = arith.constant 0 : i32
      %dma_wait3A_560 = arith.constant 0 : i32
      %dma_wait3A_561 = tpu.memref_slice %arg26[%dma_wait3A_559, %dma_wait3A_560] : memref<10240x128xf32, #tpu.memory_space<vmem_shared>> -> memref<10240x128xf32, #tpu.memory_space<vmem_shared>>
      tpu.wait_indirect_dma semaphore(%arg32 : memref<!tpu.dma_semaphore, #tpu.memory_space<semaphore_mem>>) src(%arg25 : memref<64x128xf32, #tpu.memory_space<vmem>>) dst(%dma_wait3A_561 : memref<10240x128xf32, #tpu.memory_space<vmem_shared>>)
      %dma_wait3A_562 = arith.constant 0 : i32
      %dma_wait3A_563 = tpu.memref_slice %arg3[%dma_wait3A_562] : memref<327680xi32, #tpu.memory_space<hbm>> -> memref<64xi32, #tpu.memory_space<hbm>>
      %dma_wait3A_564 = arith.constant 0 : i32
      %dma_wait3A_565 = tpu.memref_slice %arg3[%dma_wait3A_564] : memref<327680xi32, #tpu.memory_space<hbm>> -> memref<64xi32, #tpu.memory_space<hbm>>
      tpu.wait_dma2 semaphore(%arg36 : memref<!tpu.dma_semaphore, #tpu.memory_space<semaphore_mem>>) src(%dma_wait3A_565 : memref<64xi32, #tpu.memory_space<hbm>>) dst(%arg9 : memref<64xi32, #tpu.memory_space<vmem>>)
      %dma_wait3A_566 = arith.constant 0 : i32
      %dma_wait3A_567 = tpu.memref_slice %arg4[%dma_wait3A_566] : memref<327680xi32, #tpu.memory_space<hbm>> -> memref<64xi32, #tpu.memory_space<hbm>>
      %dma_wait3A_568 = arith.constant 0 : i32
      %dma_wait3A_569 = tpu.memref_slice %arg4[%dma_wait3A_568] : memref<327680xi32, #tpu.memory_space<hbm>> -> memref<64xi32, #tpu.memory_space<hbm>>
      tpu.wait_dma2 semaphore(%arg44 : memref<!tpu.dma_semaphore, #tpu.memory_space<semaphore_mem>>) src(%dma_wait3A_569 : memref<64xi32, #tpu.memory_space<hbm>>) dst(%arg17 : memref<64xi32, #tpu.memory_space<vmem>>)
      %dma_start3A_570 = arith.constant 0 : i32
      %dma_start3A_571 = arith.constant 0 : i32
      %dma_start3A_572 = tpu.memref_slice %arg2[%dma_start3A_570, %dma_start3A_571] : memref<10000x128xf32, #tpu.memory_space<hbm>> -> memref<10000x128xf32, #tpu.memory_space<hbm>>
      tpu.enqueue_indirect_dma source(%dma_start3A_572 : memref<10000x128xf32, #tpu.memory_space<hbm>>) target(%arg25 : memref<64x128xf32, #tpu.memory_space<vmem>>) offsets(%arg9 : memref<64xi32, #tpu.memory_space<vmem>>) semaphore(%arg30 : memref<!tpu.dma_semaphore, #tpu.memory_space<semaphore_mem>>)
      %dma_wait3A_573 = arith.constant 0 : i32
      %dma_wait3A_574 = arith.constant 0 : i32
      %dma_wait3A_575 = tpu.memref_slice %arg2[%dma_wait3A_573, %dma_wait3A_574] : memref<10000x128xf32, #tpu.memory_space<hbm>> -> memref<10000x128xf32, #tpu.memory_space<hbm>>
      tpu.wait_indirect_dma semaphore(%arg28 : memref<!tpu.dma_semaphore, #tpu.memory_space<semaphore_mem>>) src(%dma_wait3A_575 : memref<10000x128xf32, #tpu.memory_space<hbm>>) dst(%arg23 : memref<64x128xf32, #tpu.memory_space<vmem>>)
      %dma_start3A_576 = arith.constant 0 : i32
      %dma_start3A_577 = arith.constant 0 : i32
      %dma_start3A_578 = tpu.memref_slice %arg26[%dma_start3A_576, %dma_start3A_577] : memref<10240x128xf32, #tpu.memory_space<vmem_shared>> -> memref<10240x128xf32, #tpu.memory_space<vmem_shared>>
      tpu.enqueue_indirect_dma source(%arg23 : memref<64x128xf32, #tpu.memory_space<vmem>>) target(%dma_start3A_578 : memref<10240x128xf32, #tpu.memory_space<vmem_shared>>) offsets(%arg15 : memref<64xi32, #tpu.memory_space<vmem>>) semaphore(%arg32 : memref<!tpu.dma_semaphore, #tpu.memory_space<semaphore_mem>>) {add = true}
      %add3A_579 = arith.constant 4 : i32
      %add3A_580 = arith.addi %add3A_558, %add3A_579 : i32
      %mul3A_581 = arith.constant 64 : i32
      %mul3A_582 = arith.muli %add3A_580, %mul3A_581 : i32
      %add3A_583 = arith.addi %mul3A_2, %mul3A_582 : i32
      %dma_start3A_584 = tpu.memref_slice %arg3[%add3A_583] : memref<327680xi32, #tpu.memory_space<hbm>> -> memref<64xi32, #tpu.memory_space<hbm>>
      %dma_start3A_585 = tpu.memref_slice %arg3[%add3A_583] : memref<327680xi32, #tpu.memory_space<hbm>> -> memref<64xi32, #tpu.memory_space<hbm>>
      tpu.enqueue_dma source(%dma_start3A_585 : memref<64xi32, #tpu.memory_space<hbm>>) target(%arg13 : memref<64xi32, #tpu.memory_space<vmem>>) target_semaphore(%arg40 : memref<!tpu.dma_semaphore, #tpu.memory_space<semaphore_mem>>)
      %dma_start3A_586 = tpu.memref_slice %arg4[%add3A_583] : memref<327680xi32, #tpu.memory_space<hbm>> -> memref<64xi32, #tpu.memory_space<hbm>>
      %dma_start3A_587 = tpu.memref_slice %arg4[%add3A_583] : memref<327680xi32, #tpu.memory_space<hbm>> -> memref<64xi32, #tpu.memory_space<hbm>>
      tpu.enqueue_dma source(%dma_start3A_587 : memref<64xi32, #tpu.memory_space<hbm>>) target(%arg21 : memref<64xi32, #tpu.memory_space<vmem>>) target_semaphore(%arg48 : memref<!tpu.dma_semaphore, #tpu.memory_space<semaphore_mem>>)
      %add3A_588 = arith.constant 4 : i32
      %add3A_589 = arith.addi %add3A_463, %add3A_588 : i32
      %dma_wait3A_590 = arith.constant 0 : i32
      %dma_wait3A_591 = arith.constant 0 : i32
      %dma_wait3A_592 = tpu.memref_slice %arg26[%dma_wait3A_590, %dma_wait3A_591] : memref<10240x128xf32, #tpu.memory_space<vmem_shared>> -> memref<10240x128xf32, #tpu.memory_space<vmem_shared>>
      tpu.wait_indirect_dma semaphore(%arg31 : memref<!tpu.dma_semaphore, #tpu.memory_space<semaphore_mem>>) src(%arg22 : memref<64x128xf32, #tpu.memory_space<vmem>>) dst(%dma_wait3A_592 : memref<10240x128xf32, #tpu.memory_space<vmem_shared>>)
      %dma_wait3A_593 = arith.constant 0 : i32
      %dma_wait3A_594 = tpu.memref_slice %arg3[%dma_wait3A_593] : memref<327680xi32, #tpu.memory_space<hbm>> -> memref<64xi32, #tpu.memory_space<hbm>>
      %dma_wait3A_595 = arith.constant 0 : i32
      %dma_wait3A_596 = tpu.memref_slice %arg3[%dma_wait3A_595] : memref<327680xi32, #tpu.memory_space<hbm>> -> memref<64xi32, #tpu.memory_space<hbm>>
      tpu.wait_dma2 semaphore(%arg37 : memref<!tpu.dma_semaphore, #tpu.memory_space<semaphore_mem>>) src(%dma_wait3A_596 : memref<64xi32, #tpu.memory_space<hbm>>) dst(%arg10 : memref<64xi32, #tpu.memory_space<vmem>>)
      %dma_wait3A_597 = arith.constant 0 : i32
      %dma_wait3A_598 = tpu.memref_slice %arg4[%dma_wait3A_597] : memref<327680xi32, #tpu.memory_space<hbm>> -> memref<64xi32, #tpu.memory_space<hbm>>
      %dma_wait3A_599 = arith.constant 0 : i32
      %dma_wait3A_600 = tpu.memref_slice %arg4[%dma_wait3A_599] : memref<327680xi32, #tpu.memory_space<hbm>> -> memref<64xi32, #tpu.memory_space<hbm>>
      tpu.wait_dma2 semaphore(%arg45 : memref<!tpu.dma_semaphore, #tpu.memory_space<semaphore_mem>>) src(%dma_wait3A_600 : memref<64xi32, #tpu.memory_space<hbm>>) dst(%arg18 : memref<64xi32, #tpu.memory_space<vmem>>)
      %dma_start3A_601 = arith.constant 0 : i32
      %dma_start3A_602 = arith.constant 0 : i32
      %dma_start3A_603 = tpu.memref_slice %arg2[%dma_start3A_601, %dma_start3A_602] : memref<10000x128xf32, #tpu.memory_space<hbm>> -> memref<10000x128xf32, #tpu.memory_space<hbm>>
      tpu.enqueue_indirect_dma source(%dma_start3A_603 : memref<10000x128xf32, #tpu.memory_space<hbm>>) target(%arg22 : memref<64x128xf32, #tpu.memory_space<vmem>>) offsets(%arg10 : memref<64xi32, #tpu.memory_space<vmem>>) semaphore(%arg27 : memref<!tpu.dma_semaphore, #tpu.memory_space<semaphore_mem>>)
      %dma_wait3A_604 = arith.constant 0 : i32
      %dma_wait3A_605 = arith.constant 0 : i32
      %dma_wait3A_606 = tpu.memref_slice %arg2[%dma_wait3A_604, %dma_wait3A_605] : memref<10000x128xf32, #tpu.memory_space<hbm>> -> memref<10000x128xf32, #tpu.memory_space<hbm>>
      tpu.wait_indirect_dma semaphore(%arg29 : memref<!tpu.dma_semaphore, #tpu.memory_space<semaphore_mem>>) src(%dma_wait3A_606 : memref<10000x128xf32, #tpu.memory_space<hbm>>) dst(%arg24 : memref<64x128xf32, #tpu.memory_space<vmem>>)
      %dma_start3A_607 = arith.constant 0 : i32
      %dma_start3A_608 = arith.constant 0 : i32
      %dma_start3A_609 = tpu.memref_slice %arg26[%dma_start3A_607, %dma_start3A_608] : memref<10240x128xf32, #tpu.memory_space<vmem_shared>> -> memref<10240x128xf32, #tpu.memory_space<vmem_shared>>
      tpu.enqueue_indirect_dma source(%arg24 : memref<64x128xf32, #tpu.memory_space<vmem>>) target(%dma_start3A_609 : memref<10240x128xf32, #tpu.memory_space<vmem_shared>>) offsets(%arg16 : memref<64xi32, #tpu.memory_space<vmem>>) semaphore(%arg31 : memref<!tpu.dma_semaphore, #tpu.memory_space<semaphore_mem>>) {add = true}
      %add3A_610 = arith.constant 4 : i32
      %add3A_611 = arith.addi %add3A_589, %add3A_610 : i32
      %mul3A_612 = arith.constant 64 : i32
      %mul3A_613 = arith.muli %add3A_611, %mul3A_612 : i32
      %add3A_614 = arith.addi %mul3A_2, %mul3A_613 : i32
      %dma_start3A_615 = tpu.memref_slice %arg3[%add3A_614] : memref<327680xi32, #tpu.memory_space<hbm>> -> memref<64xi32, #tpu.memory_space<hbm>>
      %dma_start3A_616 = tpu.memref_slice %arg3[%add3A_614] : memref<327680xi32, #tpu.memory_space<hbm>> -> memref<64xi32, #tpu.memory_space<hbm>>
      tpu.enqueue_dma source(%dma_start3A_616 : memref<64xi32, #tpu.memory_space<hbm>>) target(%arg6 : memref<64xi32, #tpu.memory_space<vmem>>) target_semaphore(%arg33 : memref<!tpu.dma_semaphore, #tpu.memory_space<semaphore_mem>>)
      %dma_start3A_617 = tpu.memref_slice %arg4[%add3A_614] : memref<327680xi32, #tpu.memory_space<hbm>> -> memref<64xi32, #tpu.memory_space<hbm>>
      %dma_start3A_618 = tpu.memref_slice %arg4[%add3A_614] : memref<327680xi32, #tpu.memory_space<hbm>> -> memref<64xi32, #tpu.memory_space<hbm>>
      tpu.enqueue_dma source(%dma_start3A_618 : memref<64xi32, #tpu.memory_space<hbm>>) target(%arg14 : memref<64xi32, #tpu.memory_space<vmem>>) target_semaphore(%arg41 : memref<!tpu.dma_semaphore, #tpu.memory_space<semaphore_mem>>)
      %add3A_619 = arith.constant 5 : i32
      %add3A_620 = arith.addi %add3A_463, %add3A_619 : i32
      %dma_wait3A_621 = arith.constant 0 : i32
      %dma_wait3A_622 = arith.constant 0 : i32
      %dma_wait3A_623 = tpu.memref_slice %arg26[%dma_wait3A_621, %dma_wait3A_622] : memref<10240x128xf32, #tpu.memory_space<vmem_shared>> -> memref<10240x128xf32, #tpu.memory_space<vmem_shared>>
      tpu.wait_indirect_dma semaphore(%arg32 : memref<!tpu.dma_semaphore, #tpu.memory_space<semaphore_mem>>) src(%arg23 : memref<64x128xf32, #tpu.memory_space<vmem>>) dst(%dma_wait3A_623 : memref<10240x128xf32, #tpu.memory_space<vmem_shared>>)
      %dma_wait3A_624 = arith.constant 0 : i32
      %dma_wait3A_625 = tpu.memref_slice %arg3[%dma_wait3A_624] : memref<327680xi32, #tpu.memory_space<hbm>> -> memref<64xi32, #tpu.memory_space<hbm>>
      %dma_wait3A_626 = arith.constant 0 : i32
      %dma_wait3A_627 = tpu.memref_slice %arg3[%dma_wait3A_626] : memref<327680xi32, #tpu.memory_space<hbm>> -> memref<64xi32, #tpu.memory_space<hbm>>
      tpu.wait_dma2 semaphore(%arg38 : memref<!tpu.dma_semaphore, #tpu.memory_space<semaphore_mem>>) src(%dma_wait3A_627 : memref<64xi32, #tpu.memory_space<hbm>>) dst(%arg11 : memref<64xi32, #tpu.memory_space<vmem>>)
      %dma_wait3A_628 = arith.constant 0 : i32
      %dma_wait3A_629 = tpu.memref_slice %arg4[%dma_wait3A_628] : memref<327680xi32, #tpu.memory_space<hbm>> -> memref<64xi32, #tpu.memory_space<hbm>>
      %dma_wait3A_630 = arith.constant 0 : i32
      %dma_wait3A_631 = tpu.memref_slice %arg4[%dma_wait3A_630] : memref<327680xi32, #tpu.memory_space<hbm>> -> memref<64xi32, #tpu.memory_space<hbm>>
      tpu.wait_dma2 semaphore(%arg46 : memref<!tpu.dma_semaphore, #tpu.memory_space<semaphore_mem>>) src(%dma_wait3A_631 : memref<64xi32, #tpu.memory_space<hbm>>) dst(%arg19 : memref<64xi32, #tpu.memory_space<vmem>>)
      %dma_start3A_632 = arith.constant 0 : i32
      %dma_start3A_633 = arith.constant 0 : i32
      %dma_start3A_634 = tpu.memref_slice %arg2[%dma_start3A_632, %dma_start3A_633] : memref<10000x128xf32, #tpu.memory_space<hbm>> -> memref<10000x128xf32, #tpu.memory_space<hbm>>
      tpu.enqueue_indirect_dma source(%dma_start3A_634 : memref<10000x128xf32, #tpu.memory_space<hbm>>) target(%arg23 : memref<64x128xf32, #tpu.memory_space<vmem>>) offsets(%arg11 : memref<64xi32, #tpu.memory_space<vmem>>) semaphore(%arg28 : memref<!tpu.dma_semaphore, #tpu.memory_space<semaphore_mem>>)
      %dma_wait3A_635 = arith.constant 0 : i32
      %dma_wait3A_636 = arith.constant 0 : i32
      %dma_wait3A_637 = tpu.memref_slice %arg2[%dma_wait3A_635, %dma_wait3A_636] : memref<10000x128xf32, #tpu.memory_space<hbm>> -> memref<10000x128xf32, #tpu.memory_space<hbm>>
      tpu.wait_indirect_dma semaphore(%arg30 : memref<!tpu.dma_semaphore, #tpu.memory_space<semaphore_mem>>) src(%dma_wait3A_637 : memref<10000x128xf32, #tpu.memory_space<hbm>>) dst(%arg25 : memref<64x128xf32, #tpu.memory_space<vmem>>)
      %dma_start3A_638 = arith.constant 0 : i32
      %dma_start3A_639 = arith.constant 0 : i32
      %dma_start3A_640 = tpu.memref_slice %arg26[%dma_start3A_638, %dma_start3A_639] : memref<10240x128xf32, #tpu.memory_space<vmem_shared>> -> memref<10240x128xf32, #tpu.memory_space<vmem_shared>>
      tpu.enqueue_indirect_dma source(%arg25 : memref<64x128xf32, #tpu.memory_space<vmem>>) target(%dma_start3A_640 : memref<10240x128xf32, #tpu.memory_space<vmem_shared>>) offsets(%arg17 : memref<64xi32, #tpu.memory_space<vmem>>) semaphore(%arg32 : memref<!tpu.dma_semaphore, #tpu.memory_space<semaphore_mem>>) {add = true}
      %add3A_641 = arith.constant 4 : i32
      %add3A_642 = arith.addi %add3A_620, %add3A_641 : i32
      %mul3A_643 = arith.constant 64 : i32
      %mul3A_644 = arith.muli %add3A_642, %mul3A_643 : i32
      %add3A_645 = arith.addi %mul3A_2, %mul3A_644 : i32
      %dma_start3A_646 = tpu.memref_slice %arg3[%add3A_645] : memref<327680xi32, #tpu.memory_space<hbm>> -> memref<64xi32, #tpu.memory_space<hbm>>
      %dma_start3A_647 = tpu.memref_slice %arg3[%add3A_645] : memref<327680xi32, #tpu.memory_space<hbm>> -> memref<64xi32, #tpu.memory_space<hbm>>
      tpu.enqueue_dma source(%dma_start3A_647 : memref<64xi32, #tpu.memory_space<hbm>>) target(%arg7 : memref<64xi32, #tpu.memory_space<vmem>>) target_semaphore(%arg34 : memref<!tpu.dma_semaphore, #tpu.memory_space<semaphore_mem>>)
      %dma_start3A_648 = tpu.memref_slice %arg4[%add3A_645] : memref<327680xi32, #tpu.memory_space<hbm>> -> memref<64xi32, #tpu.memory_space<hbm>>
      %dma_start3A_649 = tpu.memref_slice %arg4[%add3A_645] : memref<327680xi32, #tpu.memory_space<hbm>> -> memref<64xi32, #tpu.memory_space<hbm>>
      tpu.enqueue_dma source(%dma_start3A_649 : memref<64xi32, #tpu.memory_space<hbm>>) target(%arg15 : memref<64xi32, #tpu.memory_space<vmem>>) target_semaphore(%arg42 : memref<!tpu.dma_semaphore, #tpu.memory_space<semaphore_mem>>)
      %add3A_650 = arith.constant 6 : i32
      %add3A_651 = arith.addi %add3A_463, %add3A_650 : i32
      %dma_wait3A_652 = arith.constant 0 : i32
      %dma_wait3A_653 = arith.constant 0 : i32
      %dma_wait3A_654 = tpu.memref_slice %arg26[%dma_wait3A_652, %dma_wait3A_653] : memref<10240x128xf32, #tpu.memory_space<vmem_shared>> -> memref<10240x128xf32, #tpu.memory_space<vmem_shared>>
      tpu.wait_indirect_dma semaphore(%arg31 : memref<!tpu.dma_semaphore, #tpu.memory_space<semaphore_mem>>) src(%arg24 : memref<64x128xf32, #tpu.memory_space<vmem>>) dst(%dma_wait3A_654 : memref<10240x128xf32, #tpu.memory_space<vmem_shared>>)
      %dma_wait3A_655 = arith.constant 0 : i32
      %dma_wait3A_656 = tpu.memref_slice %arg3[%dma_wait3A_655] : memref<327680xi32, #tpu.memory_space<hbm>> -> memref<64xi32, #tpu.memory_space<hbm>>
      %dma_wait3A_657 = arith.constant 0 : i32
      %dma_wait3A_658 = tpu.memref_slice %arg3[%dma_wait3A_657] : memref<327680xi32, #tpu.memory_space<hbm>> -> memref<64xi32, #tpu.memory_space<hbm>>
      tpu.wait_dma2 semaphore(%arg39 : memref<!tpu.dma_semaphore, #tpu.memory_space<semaphore_mem>>) src(%dma_wait3A_658 : memref<64xi32, #tpu.memory_space<hbm>>) dst(%arg12 : memref<64xi32, #tpu.memory_space<vmem>>)
      %dma_wait3A_659 = arith.constant 0 : i32
      %dma_wait3A_660 = tpu.memref_slice %arg4[%dma_wait3A_659] : memref<327680xi32, #tpu.memory_space<hbm>> -> memref<64xi32, #tpu.memory_space<hbm>>
      %dma_wait3A_661 = arith.constant 0 : i32
      %dma_wait3A_662 = tpu.memref_slice %arg4[%dma_wait3A_661] : memref<327680xi32, #tpu.memory_space<hbm>> -> memref<64xi32, #tpu.memory_space<hbm>>
      tpu.wait_dma2 semaphore(%arg47 : memref<!tpu.dma_semaphore, #tpu.memory_space<semaphore_mem>>) src(%dma_wait3A_662 : memref<64xi32, #tpu.memory_space<hbm>>) dst(%arg20 : memref<64xi32, #tpu.memory_space<vmem>>)
      %dma_start3A_663 = arith.constant 0 : i32
      %dma_start3A_664 = arith.constant 0 : i32
      %dma_start3A_665 = tpu.memref_slice %arg2[%dma_start3A_663, %dma_start3A_664] : memref<10000x128xf32, #tpu.memory_space<hbm>> -> memref<10000x128xf32, #tpu.memory_space<hbm>>
      tpu.enqueue_indirect_dma source(%dma_start3A_665 : memref<10000x128xf32, #tpu.memory_space<hbm>>) target(%arg24 : memref<64x128xf32, #tpu.memory_space<vmem>>) offsets(%arg12 : memref<64xi32, #tpu.memory_space<vmem>>) semaphore(%arg29 : memref<!tpu.dma_semaphore, #tpu.memory_space<semaphore_mem>>)
      %dma_wait3A_666 = arith.constant 0 : i32
      %dma_wait3A_667 = arith.constant 0 : i32
      %dma_wait3A_668 = tpu.memref_slice %arg2[%dma_wait3A_666, %dma_wait3A_667] : memref<10000x128xf32, #tpu.memory_space<hbm>> -> memref<10000x128xf32, #tpu.memory_space<hbm>>
      tpu.wait_indirect_dma semaphore(%arg27 : memref<!tpu.dma_semaphore, #tpu.memory_space<semaphore_mem>>) src(%dma_wait3A_668 : memref<10000x128xf32, #tpu.memory_space<hbm>>) dst(%arg22 : memref<64x128xf32, #tpu.memory_space<vmem>>)
      %dma_start3A_669 = arith.constant 0 : i32
      %dma_start3A_670 = arith.constant 0 : i32
      %dma_start3A_671 = tpu.memref_slice %arg26[%dma_start3A_669, %dma_start3A_670] : memref<10240x128xf32, #tpu.memory_space<vmem_shared>> -> memref<10240x128xf32, #tpu.memory_space<vmem_shared>>
      tpu.enqueue_indirect_dma source(%arg22 : memref<64x128xf32, #tpu.memory_space<vmem>>) target(%dma_start3A_671 : memref<10240x128xf32, #tpu.memory_space<vmem_shared>>) offsets(%arg18 : memref<64xi32, #tpu.memory_space<vmem>>) semaphore(%arg31 : memref<!tpu.dma_semaphore, #tpu.memory_space<semaphore_mem>>) {add = true}
      %add3A_672 = arith.constant 4 : i32
      %add3A_673 = arith.addi %add3A_651, %add3A_672 : i32
      %mul3A_674 = arith.constant 64 : i32
      %mul3A_675 = arith.muli %add3A_673, %mul3A_674 : i32
      %add3A_676 = arith.addi %mul3A_2, %mul3A_675 : i32
      %dma_start3A_677 = tpu.memref_slice %arg3[%add3A_676] : memref<327680xi32, #tpu.memory_space<hbm>> -> memref<64xi32, #tpu.memory_space<hbm>>
      %dma_start3A_678 = tpu.memref_slice %arg3[%add3A_676] : memref<327680xi32, #tpu.memory_space<hbm>> -> memref<64xi32, #tpu.memory_space<hbm>>
      tpu.enqueue_dma source(%dma_start3A_678 : memref<64xi32, #tpu.memory_space<hbm>>) target(%arg8 : memref<64xi32, #tpu.memory_space<vmem>>) target_semaphore(%arg35 : memref<!tpu.dma_semaphore, #tpu.memory_space<semaphore_mem>>)
      %dma_start3A_679 = tpu.memref_slice %arg4[%add3A_676] : memref<327680xi32, #tpu.memory_space<hbm>> -> memref<64xi32, #tpu.memory_space<hbm>>
      %dma_start3A_680 = tpu.memref_slice %arg4[%add3A_676] : memref<327680xi32, #tpu.memory_space<hbm>> -> memref<64xi32, #tpu.memory_space<hbm>>
      tpu.enqueue_dma source(%dma_start3A_680 : memref<64xi32, #tpu.memory_space<hbm>>) target(%arg16 : memref<64xi32, #tpu.memory_space<vmem>>) target_semaphore(%arg43 : memref<!tpu.dma_semaphore, #tpu.memory_space<semaphore_mem>>)
      %add3A_681 = arith.constant 7 : i32
      %add3A_682 = arith.addi %add3A_463, %add3A_681 : i32
      %dma_wait3A_683 = arith.constant 0 : i32
      %dma_wait3A_684 = arith.constant 0 : i32
      %dma_wait3A_685 = tpu.memref_slice %arg26[%dma_wait3A_683, %dma_wait3A_684] : memref<10240x128xf32, #tpu.memory_space<vmem_shared>> -> memref<10240x128xf32, #tpu.memory_space<vmem_shared>>
      tpu.wait_indirect_dma semaphore(%arg32 : memref<!tpu.dma_semaphore, #tpu.memory_space<semaphore_mem>>) src(%arg25 : memref<64x128xf32, #tpu.memory_space<vmem>>) dst(%dma_wait3A_685 : memref<10240x128xf32, #tpu.memory_space<vmem_shared>>)
      %dma_wait3A_686 = arith.constant 0 : i32
      %dma_wait3A_687 = tpu.memref_slice %arg3[%dma_wait3A_686] : memref<327680xi32, #tpu.memory_space<hbm>> -> memref<64xi32, #tpu.memory_space<hbm>>
      %dma_wait3A_688 = arith.constant 0 : i32
      %dma_wait3A_689 = tpu.memref_slice %arg3[%dma_wait3A_688] : memref<327680xi32, #tpu.memory_space<hbm>> -> memref<64xi32, #tpu.memory_space<hbm>>
      tpu.wait_dma2 semaphore(%arg40 : memref<!tpu.dma_semaphore, #tpu.memory_space<semaphore_mem>>) src(%dma_wait3A_689 : memref<64xi32, #tpu.memory_space<hbm>>) dst(%arg13 : memref<64xi32, #tpu.memory_space<vmem>>)
      %dma_wait3A_690 = arith.constant 0 : i32
      %dma_wait3A_691 = tpu.memref_slice %arg4[%dma_wait3A_690] : memref<327680xi32, #tpu.memory_space<hbm>> -> memref<64xi32, #tpu.memory_space<hbm>>
      %dma_wait3A_692 = arith.constant 0 : i32
      %dma_wait3A_693 = tpu.memref_slice %arg4[%dma_wait3A_692] : memref<327680xi32, #tpu.memory_space<hbm>> -> memref<64xi32, #tpu.memory_space<hbm>>
      tpu.wait_dma2 semaphore(%arg48 : memref<!tpu.dma_semaphore, #tpu.memory_space<semaphore_mem>>) src(%dma_wait3A_693 : memref<64xi32, #tpu.memory_space<hbm>>) dst(%arg21 : memref<64xi32, #tpu.memory_space<vmem>>)
      %dma_start3A_694 = arith.constant 0 : i32
      %dma_start3A_695 = arith.constant 0 : i32
      %dma_start3A_696 = tpu.memref_slice %arg2[%dma_start3A_694, %dma_start3A_695] : memref<10000x128xf32, #tpu.memory_space<hbm>> -> memref<10000x128xf32, #tpu.memory_space<hbm>>
      tpu.enqueue_indirect_dma source(%dma_start3A_696 : memref<10000x128xf32, #tpu.memory_space<hbm>>) target(%arg25 : memref<64x128xf32, #tpu.memory_space<vmem>>) offsets(%arg13 : memref<64xi32, #tpu.memory_space<vmem>>) semaphore(%arg30 : memref<!tpu.dma_semaphore, #tpu.memory_space<semaphore_mem>>)
      %dma_wait3A_697 = arith.constant 0 : i32
      %dma_wait3A_698 = arith.constant 0 : i32
      %dma_wait3A_699 = tpu.memref_slice %arg2[%dma_wait3A_697, %dma_wait3A_698] : memref<10000x128xf32, #tpu.memory_space<hbm>> -> memref<10000x128xf32, #tpu.memory_space<hbm>>
      tpu.wait_indirect_dma semaphore(%arg28 : memref<!tpu.dma_semaphore, #tpu.memory_space<semaphore_mem>>) src(%dma_wait3A_699 : memref<10000x128xf32, #tpu.memory_space<hbm>>) dst(%arg23 : memref<64x128xf32, #tpu.memory_space<vmem>>)
      %dma_start3A_700 = arith.constant 0 : i32
      %dma_start3A_701 = arith.constant 0 : i32
      %dma_start3A_702 = tpu.memref_slice %arg26[%dma_start3A_700, %dma_start3A_701] : memref<10240x128xf32, #tpu.memory_space<vmem_shared>> -> memref<10240x128xf32, #tpu.memory_space<vmem_shared>>
      tpu.enqueue_indirect_dma source(%arg23 : memref<64x128xf32, #tpu.memory_space<vmem>>) target(%dma_start3A_702 : memref<10240x128xf32, #tpu.memory_space<vmem_shared>>) offsets(%arg19 : memref<64xi32, #tpu.memory_space<vmem>>) semaphore(%arg32 : memref<!tpu.dma_semaphore, #tpu.memory_space<semaphore_mem>>) {add = true}
      %add3A_703 = arith.constant 4 : i32
      %add3A_704 = arith.addi %add3A_682, %add3A_703 : i32
      %mul3A_705 = arith.constant 64 : i32
      %mul3A_706 = arith.muli %add3A_704, %mul3A_705 : i32
      %add3A_707 = arith.addi %mul3A_2, %mul3A_706 : i32
      %dma_start3A_708 = tpu.memref_slice %arg3[%add3A_707] : memref<327680xi32, #tpu.memory_space<hbm>> -> memref<64xi32, #tpu.memory_space<hbm>>
      %dma_start3A_709 = tpu.memref_slice %arg3[%add3A_707] : memref<327680xi32, #tpu.memory_space<hbm>> -> memref<64xi32, #tpu.memory_space<hbm>>
      tpu.enqueue_dma source(%dma_start3A_709 : memref<64xi32, #tpu.memory_space<hbm>>) target(%arg9 : memref<64xi32, #tpu.memory_space<vmem>>) target_semaphore(%arg36 : memref<!tpu.dma_semaphore, #tpu.memory_space<semaphore_mem>>)
      %dma_start3A_710 = tpu.memref_slice %arg4[%add3A_707] : memref<327680xi32, #tpu.memory_space<hbm>> -> memref<64xi32, #tpu.memory_space<hbm>>
      %dma_start3A_711 = tpu.memref_slice %arg4[%add3A_707] : memref<327680xi32, #tpu.memory_space<hbm>> -> memref<64xi32, #tpu.memory_space<hbm>>
      tpu.enqueue_dma source(%dma_start3A_711 : memref<64xi32, #tpu.memory_space<hbm>>) target(%arg17 : memref<64xi32, #tpu.memory_space<vmem>>) target_semaphore(%arg44 : memref<!tpu.dma_semaphore, #tpu.memory_space<semaphore_mem>>)
    }
    %scan3A_249 = arith.constant 18 : i32
    %dma_wait3A_250 = arith.constant 0 : i32
    %dma_wait3A_251 = arith.constant 0 : i32
    %dma_wait3A_252 = tpu.memref_slice %arg26[%dma_wait3A_250, %dma_wait3A_251] : memref<10240x128xf32, #tpu.memory_space<vmem_shared>> -> memref<10240x128xf32, #tpu.memory_space<vmem_shared>>
    tpu.wait_indirect_dma semaphore(%arg31 : memref<!tpu.dma_semaphore, #tpu.memory_space<semaphore_mem>>) src(%arg22 : memref<64x128xf32, #tpu.memory_space<vmem>>) dst(%dma_wait3A_252 : memref<10240x128xf32, #tpu.memory_space<vmem_shared>>)
    %dma_wait3A_253 = arith.constant 0 : i32
    %dma_wait3A_254 = tpu.memref_slice %arg3[%dma_wait3A_253] : memref<327680xi32, #tpu.memory_space<hbm>> -> memref<64xi32, #tpu.memory_space<hbm>>
    %dma_wait3A_255 = arith.constant 0 : i32
    %dma_wait3A_256 = tpu.memref_slice %arg3[%dma_wait3A_255] : memref<327680xi32, #tpu.memory_space<hbm>> -> memref<64xi32, #tpu.memory_space<hbm>>
    tpu.wait_dma2 semaphore(%arg33 : memref<!tpu.dma_semaphore, #tpu.memory_space<semaphore_mem>>) src(%dma_wait3A_256 : memref<64xi32, #tpu.memory_space<hbm>>) dst(%arg6 : memref<64xi32, #tpu.memory_space<vmem>>)
    %dma_wait3A_257 = arith.constant 0 : i32
    %dma_wait3A_258 = tpu.memref_slice %arg4[%dma_wait3A_257] : memref<327680xi32, #tpu.memory_space<hbm>> -> memref<64xi32, #tpu.memory_space<hbm>>
    %dma_wait3A_259 = arith.constant 0 : i32
    %dma_wait3A_260 = tpu.memref_slice %arg4[%dma_wait3A_259] : memref<327680xi32, #tpu.memory_space<hbm>> -> memref<64xi32, #tpu.memory_space<hbm>>
    tpu.wait_dma2 semaphore(%arg41 : memref<!tpu.dma_semaphore, #tpu.memory_space<semaphore_mem>>) src(%dma_wait3A_260 : memref<64xi32, #tpu.memory_space<hbm>>) dst(%arg14 : memref<64xi32, #tpu.memory_space<vmem>>)
    %dma_start3A_261 = arith.constant 0 : i32
    %dma_start3A_262 = arith.constant 0 : i32
    %dma_start3A_263 = tpu.memref_slice %arg2[%dma_start3A_261, %dma_start3A_262] : memref<10000x128xf32, #tpu.memory_space<hbm>> -> memref<10000x128xf32, #tpu.memory_space<hbm>>
    tpu.enqueue_indirect_dma source(%dma_start3A_263 : memref<10000x128xf32, #tpu.memory_space<hbm>>) target(%arg22 : memref<64x128xf32, #tpu.memory_space<vmem>>) offsets(%arg6 : memref<64xi32, #tpu.memory_space<vmem>>) semaphore(%arg27 : memref<!tpu.dma_semaphore, #tpu.memory_space<semaphore_mem>>)
    %dma_wait3A_264 = arith.constant 0 : i32
    %dma_wait3A_265 = arith.constant 0 : i32
    %dma_wait3A_266 = tpu.memref_slice %arg2[%dma_wait3A_264, %dma_wait3A_265] : memref<10000x128xf32, #tpu.memory_space<hbm>> -> memref<10000x128xf32, #tpu.memory_space<hbm>>
    tpu.wait_indirect_dma semaphore(%arg29 : memref<!tpu.dma_semaphore, #tpu.memory_space<semaphore_mem>>) src(%dma_wait3A_266 : memref<10000x128xf32, #tpu.memory_space<hbm>>) dst(%arg24 : memref<64x128xf32, #tpu.memory_space<vmem>>)
    %dma_start3A_267 = arith.constant 0 : i32
    %dma_start3A_268 = arith.constant 0 : i32
    %dma_start3A_269 = tpu.memref_slice %arg26[%dma_start3A_267, %dma_start3A_268] : memref<10240x128xf32, #tpu.memory_space<vmem_shared>> -> memref<10240x128xf32, #tpu.memory_space<vmem_shared>>
    tpu.enqueue_indirect_dma source(%arg24 : memref<64x128xf32, #tpu.memory_space<vmem>>) target(%dma_start3A_269 : memref<10240x128xf32, #tpu.memory_space<vmem_shared>>) offsets(%arg20 : memref<64xi32, #tpu.memory_space<vmem>>) semaphore(%arg31 : memref<!tpu.dma_semaphore, #tpu.memory_space<semaphore_mem>>) {add = true}
    %add3A_270 = arith.constant 9984 : i32
    %add3A_271 = arith.addi %mul3A_2, %add3A_270 : i32
    %dma_start3A_272 = tpu.memref_slice %arg3[%add3A_271] : memref<327680xi32, #tpu.memory_space<hbm>> -> memref<64xi32, #tpu.memory_space<hbm>>
    %dma_start3A_273 = tpu.memref_slice %arg3[%add3A_271] : memref<327680xi32, #tpu.memory_space<hbm>> -> memref<64xi32, #tpu.memory_space<hbm>>
    tpu.enqueue_dma source(%dma_start3A_273 : memref<64xi32, #tpu.memory_space<hbm>>) target(%arg10 : memref<64xi32, #tpu.memory_space<vmem>>) target_semaphore(%arg37 : memref<!tpu.dma_semaphore, #tpu.memory_space<semaphore_mem>>)
    %dma_start3A_274 = tpu.memref_slice %arg4[%add3A_271] : memref<327680xi32, #tpu.memory_space<hbm>> -> memref<64xi32, #tpu.memory_space<hbm>>
    %dma_start3A_275 = tpu.memref_slice %arg4[%add3A_271] : memref<327680xi32, #tpu.memory_space<hbm>> -> memref<64xi32, #tpu.memory_space<hbm>>
    tpu.enqueue_dma source(%dma_start3A_275 : memref<64xi32, #tpu.memory_space<hbm>>) target(%arg18 : memref<64xi32, #tpu.memory_space<vmem>>) target_semaphore(%arg45 : memref<!tpu.dma_semaphore, #tpu.memory_space<semaphore_mem>>)
    %dma_wait3A_276 = arith.constant 0 : i32
    %dma_wait3A_277 = arith.constant 0 : i32
    %dma_wait3A_278 = tpu.memref_slice %arg26[%dma_wait3A_276, %dma_wait3A_277] : memref<10240x128xf32, #tpu.memory_space<vmem_shared>> -> memref<10240x128xf32, #tpu.memory_space<vmem_shared>>
    tpu.wait_indirect_dma semaphore(%arg32 : memref<!tpu.dma_semaphore, #tpu.memory_space<semaphore_mem>>) src(%arg23 : memref<64x128xf32, #tpu.memory_space<vmem>>) dst(%dma_wait3A_278 : memref<10240x128xf32, #tpu.memory_space<vmem_shared>>)
    %dma_wait3A_279 = arith.constant 0 : i32
    %dma_wait3A_280 = tpu.memref_slice %arg3[%dma_wait3A_279] : memref<327680xi32, #tpu.memory_space<hbm>> -> memref<64xi32, #tpu.memory_space<hbm>>
    %dma_wait3A_281 = arith.constant 0 : i32
    %dma_wait3A_282 = tpu.memref_slice %arg3[%dma_wait3A_281] : memref<327680xi32, #tpu.memory_space<hbm>> -> memref<64xi32, #tpu.memory_space<hbm>>
    tpu.wait_dma2 semaphore(%arg34 : memref<!tpu.dma_semaphore, #tpu.memory_space<semaphore_mem>>) src(%dma_wait3A_282 : memref<64xi32, #tpu.memory_space<hbm>>) dst(%arg7 : memref<64xi32, #tpu.memory_space<vmem>>)
    %dma_wait3A_283 = arith.constant 0 : i32
    %dma_wait3A_284 = tpu.memref_slice %arg4[%dma_wait3A_283] : memref<327680xi32, #tpu.memory_space<hbm>> -> memref<64xi32, #tpu.memory_space<hbm>>
    %dma_wait3A_285 = arith.constant 0 : i32
    %dma_wait3A_286 = tpu.memref_slice %arg4[%dma_wait3A_285] : memref<327680xi32, #tpu.memory_space<hbm>> -> memref<64xi32, #tpu.memory_space<hbm>>
    tpu.wait_dma2 semaphore(%arg42 : memref<!tpu.dma_semaphore, #tpu.memory_space<semaphore_mem>>) src(%dma_wait3A_286 : memref<64xi32, #tpu.memory_space<hbm>>) dst(%arg15 : memref<64xi32, #tpu.memory_space<vmem>>)
    %dma_start3A_287 = arith.constant 0 : i32
    %dma_start3A_288 = arith.constant 0 : i32
    %dma_start3A_289 = tpu.memref_slice %arg2[%dma_start3A_287, %dma_start3A_288] : memref<10000x128xf32, #tpu.memory_space<hbm>> -> memref<10000x128xf32, #tpu.memory_space<hbm>>
    tpu.enqueue_indirect_dma source(%dma_start3A_289 : memref<10000x128xf32, #tpu.memory_space<hbm>>) target(%arg23 : memref<64x128xf32, #tpu.memory_space<vmem>>) offsets(%arg7 : memref<64xi32, #tpu.memory_space<vmem>>) semaphore(%arg28 : memref<!tpu.dma_semaphore, #tpu.memory_space<semaphore_mem>>)
    %dma_wait3A_290 = arith.constant 0 : i32
    %dma_wait3A_291 = arith.constant 0 : i32
    %dma_wait3A_292 = tpu.memref_slice %arg2[%dma_wait3A_290, %dma_wait3A_291] : memref<10000x128xf32, #tpu.memory_space<hbm>> -> memref<10000x128xf32, #tpu.memory_space<hbm>>
    tpu.wait_indirect_dma semaphore(%arg30 : memref<!tpu.dma_semaphore, #tpu.memory_space<semaphore_mem>>) src(%dma_wait3A_292 : memref<10000x128xf32, #tpu.memory_space<hbm>>) dst(%arg25 : memref<64x128xf32, #tpu.memory_space<vmem>>)
    %dma_start3A_293 = arith.constant 0 : i32
    %dma_start3A_294 = arith.constant 0 : i32
    %dma_start3A_295 = tpu.memref_slice %arg26[%dma_start3A_293, %dma_start3A_294] : memref<10240x128xf32, #tpu.memory_space<vmem_shared>> -> memref<10240x128xf32, #tpu.memory_space<vmem_shared>>
    tpu.enqueue_indirect_dma source(%arg25 : memref<64x128xf32, #tpu.memory_space<vmem>>) target(%dma_start3A_295 : memref<10240x128xf32, #tpu.memory_space<vmem_shared>>) offsets(%arg21 : memref<64xi32, #tpu.memory_space<vmem>>) semaphore(%arg32 : memref<!tpu.dma_semaphore, #tpu.memory_space<semaphore_mem>>) {add = true}
    %add3A_296 = arith.constant 10048 : i32
    %add3A_297 = arith.addi %mul3A_2, %add3A_296 : i32
    %dma_start3A_298 = tpu.memref_slice %arg3[%add3A_297] : memref<327680xi32, #tpu.memory_space<hbm>> -> memref<64xi32, #tpu.memory_space<hbm>>
    %dma_start3A_299 = tpu.memref_slice %arg3[%add3A_297] : memref<327680xi32, #tpu.memory_space<hbm>> -> memref<64xi32, #tpu.memory_space<hbm>>
    tpu.enqueue_dma source(%dma_start3A_299 : memref<64xi32, #tpu.memory_space<hbm>>) target(%arg11 : memref<64xi32, #tpu.memory_space<vmem>>) target_semaphore(%arg38 : memref<!tpu.dma_semaphore, #tpu.memory_space<semaphore_mem>>)
    %dma_start3A_300 = tpu.memref_slice %arg4[%add3A_297] : memref<327680xi32, #tpu.memory_space<hbm>> -> memref<64xi32, #tpu.memory_space<hbm>>
    %dma_start3A_301 = tpu.memref_slice %arg4[%add3A_297] : memref<327680xi32, #tpu.memory_space<hbm>> -> memref<64xi32, #tpu.memory_space<hbm>>
    tpu.enqueue_dma source(%dma_start3A_301 : memref<64xi32, #tpu.memory_space<hbm>>) target(%arg19 : memref<64xi32, #tpu.memory_space<vmem>>) target_semaphore(%arg46 : memref<!tpu.dma_semaphore, #tpu.memory_space<semaphore_mem>>)
    %dma_wait3A_302 = arith.constant 0 : i32
    %dma_wait3A_303 = arith.constant 0 : i32
    %dma_wait3A_304 = tpu.memref_slice %arg26[%dma_wait3A_302, %dma_wait3A_303] : memref<10240x128xf32, #tpu.memory_space<vmem_shared>> -> memref<10240x128xf32, #tpu.memory_space<vmem_shared>>
    tpu.wait_indirect_dma semaphore(%arg31 : memref<!tpu.dma_semaphore, #tpu.memory_space<semaphore_mem>>) src(%arg24 : memref<64x128xf32, #tpu.memory_space<vmem>>) dst(%dma_wait3A_304 : memref<10240x128xf32, #tpu.memory_space<vmem_shared>>)
    %dma_wait3A_305 = arith.constant 0 : i32
    %dma_wait3A_306 = tpu.memref_slice %arg3[%dma_wait3A_305] : memref<327680xi32, #tpu.memory_space<hbm>> -> memref<64xi32, #tpu.memory_space<hbm>>
    %dma_wait3A_307 = arith.constant 0 : i32
    %dma_wait3A_308 = tpu.memref_slice %arg3[%dma_wait3A_307] : memref<327680xi32, #tpu.memory_space<hbm>> -> memref<64xi32, #tpu.memory_space<hbm>>
    tpu.wait_dma2 semaphore(%arg35 : memref<!tpu.dma_semaphore, #tpu.memory_space<semaphore_mem>>) src(%dma_wait3A_308 : memref<64xi32, #tpu.memory_space<hbm>>) dst(%arg8 : memref<64xi32, #tpu.memory_space<vmem>>)
    %dma_wait3A_309 = arith.constant 0 : i32
    %dma_wait3A_310 = tpu.memref_slice %arg4[%dma_wait3A_309] : memref<327680xi32, #tpu.memory_space<hbm>> -> memref<64xi32, #tpu.memory_space<hbm>>
    %dma_wait3A_311 = arith.constant 0 : i32
    %dma_wait3A_312 = tpu.memref_slice %arg4[%dma_wait3A_311] : memref<327680xi32, #tpu.memory_space<hbm>> -> memref<64xi32, #tpu.memory_space<hbm>>
    tpu.wait_dma2 semaphore(%arg43 : memref<!tpu.dma_semaphore, #tpu.memory_space<semaphore_mem>>) src(%dma_wait3A_312 : memref<64xi32, #tpu.memory_space<hbm>>) dst(%arg16 : memref<64xi32, #tpu.memory_space<vmem>>)
    %dma_start3A_313 = arith.constant 0 : i32
    %dma_start3A_314 = arith.constant 0 : i32
    %dma_start3A_315 = tpu.memref_slice %arg2[%dma_start3A_313, %dma_start3A_314] : memref<10000x128xf32, #tpu.memory_space<hbm>> -> memref<10000x128xf32, #tpu.memory_space<hbm>>
    tpu.enqueue_indirect_dma source(%dma_start3A_315 : memref<10000x128xf32, #tpu.memory_space<hbm>>) target(%arg24 : memref<64x128xf32, #tpu.memory_space<vmem>>) offsets(%arg8 : memref<64xi32, #tpu.memory_space<vmem>>) semaphore(%arg29 : memref<!tpu.dma_semaphore, #tpu.memory_space<semaphore_mem>>)
    %dma_wait3A_316 = arith.constant 0 : i32
    %dma_wait3A_317 = arith.constant 0 : i32
    %dma_wait3A_318 = tpu.memref_slice %arg2[%dma_wait3A_316, %dma_wait3A_317] : memref<10000x128xf32, #tpu.memory_space<hbm>> -> memref<10000x128xf32, #tpu.memory_space<hbm>>
    tpu.wait_indirect_dma semaphore(%arg27 : memref<!tpu.dma_semaphore, #tpu.memory_space<semaphore_mem>>) src(%dma_wait3A_318 : memref<10000x128xf32, #tpu.memory_space<hbm>>) dst(%arg22 : memref<64x128xf32, #tpu.memory_space<vmem>>)
    %dma_start3A_319 = arith.constant 0 : i32
    %dma_start3A_320 = arith.constant 0 : i32
    %dma_start3A_321 = tpu.memref_slice %arg26[%dma_start3A_319, %dma_start3A_320] : memref<10240x128xf32, #tpu.memory_space<vmem_shared>> -> memref<10240x128xf32, #tpu.memory_space<vmem_shared>>
    tpu.enqueue_indirect_dma source(%arg22 : memref<64x128xf32, #tpu.memory_space<vmem>>) target(%dma_start3A_321 : memref<10240x128xf32, #tpu.memory_space<vmem_shared>>) offsets(%arg14 : memref<64xi32, #tpu.memory_space<vmem>>) semaphore(%arg31 : memref<!tpu.dma_semaphore, #tpu.memory_space<semaphore_mem>>) {add = true}
    %add3A_322 = arith.constant 10112 : i32
    %add3A_323 = arith.addi %mul3A_2, %add3A_322 : i32
    %dma_start3A_324 = tpu.memref_slice %arg3[%add3A_323] : memref<327680xi32, #tpu.memory_space<hbm>> -> memref<64xi32, #tpu.memory_space<hbm>>
    %dma_start3A_325 = tpu.memref_slice %arg3[%add3A_323] : memref<327680xi32, #tpu.memory_space<hbm>> -> memref<64xi32, #tpu.memory_space<hbm>>
    tpu.enqueue_dma source(%dma_start3A_325 : memref<64xi32, #tpu.memory_space<hbm>>) target(%arg12 : memref<64xi32, #tpu.memory_space<vmem>>) target_semaphore(%arg39 : memref<!tpu.dma_semaphore, #tpu.memory_space<semaphore_mem>>)
    %dma_start3A_326 = tpu.memref_slice %arg4[%add3A_323] : memref<327680xi32, #tpu.memory_space<hbm>> -> memref<64xi32, #tpu.memory_space<hbm>>
    %dma_start3A_327 = tpu.memref_slice %arg4[%add3A_323] : memref<327680xi32, #tpu.memory_space<hbm>> -> memref<64xi32, #tpu.memory_space<hbm>>
    tpu.enqueue_dma source(%dma_start3A_327 : memref<64xi32, #tpu.memory_space<hbm>>) target(%arg20 : memref<64xi32, #tpu.memory_space<vmem>>) target_semaphore(%arg47 : memref<!tpu.dma_semaphore, #tpu.memory_space<semaphore_mem>>)
    %dma_wait3A_328 = arith.constant 0 : i32
    %dma_wait3A_329 = arith.constant 0 : i32
    %dma_wait3A_330 = tpu.memref_slice %arg26[%dma_wait3A_328, %dma_wait3A_329] : memref<10240x128xf32, #tpu.memory_space<vmem_shared>> -> memref<10240x128xf32, #tpu.memory_space<vmem_shared>>
    tpu.wait_indirect_dma semaphore(%arg32 : memref<!tpu.dma_semaphore, #tpu.memory_space<semaphore_mem>>) src(%arg25 : memref<64x128xf32, #tpu.memory_space<vmem>>) dst(%dma_wait3A_330 : memref<10240x128xf32, #tpu.memory_space<vmem_shared>>)
    %dma_wait3A_331 = arith.constant 0 : i32
    %dma_wait3A_332 = tpu.memref_slice %arg3[%dma_wait3A_331] : memref<327680xi32, #tpu.memory_space<hbm>> -> memref<64xi32, #tpu.memory_space<hbm>>
    %dma_wait3A_333 = arith.constant 0 : i32
    %dma_wait3A_334 = tpu.memref_slice %arg3[%dma_wait3A_333] : memref<327680xi32, #tpu.memory_space<hbm>> -> memref<64xi32, #tpu.memory_space<hbm>>
    tpu.wait_dma2 semaphore(%arg36 : memref<!tpu.dma_semaphore, #tpu.memory_space<semaphore_mem>>) src(%dma_wait3A_334 : memref<64xi32, #tpu.memory_space<hbm>>) dst(%arg9 : memref<64xi32, #tpu.memory_space<vmem>>)
    %dma_wait3A_335 = arith.constant 0 : i32
    %dma_wait3A_336 = tpu.memref_slice %arg4[%dma_wait3A_335] : memref<327680xi32, #tpu.memory_space<hbm>> -> memref<64xi32, #tpu.memory_space<hbm>>
    %dma_wait3A_337 = arith.constant 0 : i32
    %dma_wait3A_338 = tpu.memref_slice %arg4[%dma_wait3A_337] : memref<327680xi32, #tpu.memory_space<hbm>> -> memref<64xi32, #tpu.memory_space<hbm>>
    tpu.wait_dma2 semaphore(%arg44 : memref<!tpu.dma_semaphore, #tpu.memory_space<semaphore_mem>>) src(%dma_wait3A_338 : memref<64xi32, #tpu.memory_space<hbm>>) dst(%arg17 : memref<64xi32, #tpu.memory_space<vmem>>)
    %dma_start3A_339 = arith.constant 0 : i32
    %dma_start3A_340 = arith.constant 0 : i32
    %dma_start3A_341 = tpu.memref_slice %arg2[%dma_start3A_339, %dma_start3A_340] : memref<10000x128xf32, #tpu.memory_space<hbm>> -> memref<10000x128xf32, #tpu.memory_space<hbm>>
    tpu.enqueue_indirect_dma source(%dma_start3A_341 : memref<10000x128xf32, #tpu.memory_space<hbm>>) target(%arg25 : memref<64x128xf32, #tpu.memory_space<vmem>>) offsets(%arg9 : memref<64xi32, #tpu.memory_space<vmem>>) semaphore(%arg30 : memref<!tpu.dma_semaphore, #tpu.memory_space<semaphore_mem>>)
    %dma_wait3A_342 = arith.constant 0 : i32
    %dma_wait3A_343 = arith.constant 0 : i32
    %dma_wait3A_344 = tpu.memref_slice %arg2[%dma_wait3A_342, %dma_wait3A_343] : memref<10000x128xf32, #tpu.memory_space<hbm>> -> memref<10000x128xf32, #tpu.memory_space<hbm>>
    tpu.wait_indirect_dma semaphore(%arg28 : memref<!tpu.dma_semaphore, #tpu.memory_space<semaphore_mem>>) src(%dma_wait3A_344 : memref<10000x128xf32, #tpu.memory_space<hbm>>) dst(%arg23 : memref<64x128xf32, #tpu.memory_space<vmem>>)
    %dma_start3A_345 = arith.constant 0 : i32
    %dma_start3A_346 = arith.constant 0 : i32
    %dma_start3A_347 = tpu.memref_slice %arg26[%dma_start3A_345, %dma_start3A_346] : memref<10240x128xf32, #tpu.memory_space<vmem_shared>> -> memref<10240x128xf32, #tpu.memory_space<vmem_shared>>
    tpu.enqueue_indirect_dma source(%arg23 : memref<64x128xf32, #tpu.memory_space<vmem>>) target(%dma_start3A_347 : memref<10240x128xf32, #tpu.memory_space<vmem_shared>>) offsets(%arg15 : memref<64xi32, #tpu.memory_space<vmem>>) semaphore(%arg32 : memref<!tpu.dma_semaphore, #tpu.memory_space<semaphore_mem>>) {add = true}
    %add3A_348 = arith.constant 10176 : i32
    %add3A_349 = arith.addi %mul3A_2, %add3A_348 : i32
    %dma_start3A_350 = tpu.memref_slice %arg3[%add3A_349] : memref<327680xi32, #tpu.memory_space<hbm>> -> memref<64xi32, #tpu.memory_space<hbm>>
    %dma_start3A_351 = tpu.memref_slice %arg3[%add3A_349] : memref<327680xi32, #tpu.memory_space<hbm>> -> memref<64xi32, #tpu.memory_space<hbm>>
    tpu.enqueue_dma source(%dma_start3A_351 : memref<64xi32, #tpu.memory_space<hbm>>) target(%arg13 : memref<64xi32, #tpu.memory_space<vmem>>) target_semaphore(%arg40 : memref<!tpu.dma_semaphore, #tpu.memory_space<semaphore_mem>>)
    %dma_start3A_352 = tpu.memref_slice %arg4[%add3A_349] : memref<327680xi32, #tpu.memory_space<hbm>> -> memref<64xi32, #tpu.memory_space<hbm>>
    %dma_start3A_353 = tpu.memref_slice %arg4[%add3A_349] : memref<327680xi32, #tpu.memory_space<hbm>> -> memref<64xi32, #tpu.memory_space<hbm>>
    tpu.enqueue_dma source(%dma_start3A_353 : memref<64xi32, #tpu.memory_space<hbm>>) target(%arg21 : memref<64xi32, #tpu.memory_space<vmem>>) target_semaphore(%arg48 : memref<!tpu.dma_semaphore, #tpu.memory_space<semaphore_mem>>)
    %dma_wait3A_354 = arith.constant 0 : i32
    %dma_wait3A_355 = arith.constant 0 : i32
    %dma_wait3A_356 = tpu.memref_slice %arg26[%dma_wait3A_354, %dma_wait3A_355] : memref<10240x128xf32, #tpu.memory_space<vmem_shared>> -> memref<10240x128xf32, #tpu.memory_space<vmem_shared>>
    tpu.wait_indirect_dma semaphore(%arg31 : memref<!tpu.dma_semaphore, #tpu.memory_space<semaphore_mem>>) src(%arg22 : memref<64x128xf32, #tpu.memory_space<vmem>>) dst(%dma_wait3A_356 : memref<10240x128xf32, #tpu.memory_space<vmem_shared>>)
    %dma_wait3A_357 = arith.constant 0 : i32
    %dma_wait3A_358 = tpu.memref_slice %arg3[%dma_wait3A_357] : memref<327680xi32, #tpu.memory_space<hbm>> -> memref<64xi32, #tpu.memory_space<hbm>>
    %dma_wait3A_359 = arith.constant 0 : i32
    %dma_wait3A_360 = tpu.memref_slice %arg3[%dma_wait3A_359] : memref<327680xi32, #tpu.memory_space<hbm>> -> memref<64xi32, #tpu.memory_space<hbm>>
    tpu.wait_dma2 semaphore(%arg37 : memref<!tpu.dma_semaphore, #tpu.memory_space<semaphore_mem>>) src(%dma_wait3A_360 : memref<64xi32, #tpu.memory_space<hbm>>) dst(%arg10 : memref<64xi32, #tpu.memory_space<vmem>>)
    %dma_wait3A_361 = arith.constant 0 : i32
    %dma_wait3A_362 = tpu.memref_slice %arg4[%dma_wait3A_361] : memref<327680xi32, #tpu.memory_space<hbm>> -> memref<64xi32, #tpu.memory_space<hbm>>
    %dma_wait3A_363 = arith.constant 0 : i32
    %dma_wait3A_364 = tpu.memref_slice %arg4[%dma_wait3A_363] : memref<327680xi32, #tpu.memory_space<hbm>> -> memref<64xi32, #tpu.memory_space<hbm>>
    tpu.wait_dma2 semaphore(%arg45 : memref<!tpu.dma_semaphore, #tpu.memory_space<semaphore_mem>>) src(%dma_wait3A_364 : memref<64xi32, #tpu.memory_space<hbm>>) dst(%arg18 : memref<64xi32, #tpu.memory_space<vmem>>)
    %dma_start3A_365 = arith.constant 0 : i32
    %dma_start3A_366 = arith.constant 0 : i32
    %dma_start3A_367 = tpu.memref_slice %arg2[%dma_start3A_365, %dma_start3A_366] : memref<10000x128xf32, #tpu.memory_space<hbm>> -> memref<10000x128xf32, #tpu.memory_space<hbm>>
    tpu.enqueue_indirect_dma source(%dma_start3A_367 : memref<10000x128xf32, #tpu.memory_space<hbm>>) target(%arg22 : memref<64x128xf32, #tpu.memory_space<vmem>>) offsets(%arg10 : memref<64xi32, #tpu.memory_space<vmem>>) semaphore(%arg27 : memref<!tpu.dma_semaphore, #tpu.memory_space<semaphore_mem>>)
    %dma_wait3A_368 = arith.constant 0 : i32
    %dma_wait3A_369 = arith.constant 0 : i32
    %dma_wait3A_370 = tpu.memref_slice %arg2[%dma_wait3A_368, %dma_wait3A_369] : memref<10000x128xf32, #tpu.memory_space<hbm>> -> memref<10000x128xf32, #tpu.memory_space<hbm>>
    tpu.wait_indirect_dma semaphore(%arg29 : memref<!tpu.dma_semaphore, #tpu.memory_space<semaphore_mem>>) src(%dma_wait3A_370 : memref<10000x128xf32, #tpu.memory_space<hbm>>) dst(%arg24 : memref<64x128xf32, #tpu.memory_space<vmem>>)
    %dma_start3A_371 = arith.constant 0 : i32
    %dma_start3A_372 = arith.constant 0 : i32
    %dma_start3A_373 = tpu.memref_slice %arg26[%dma_start3A_371, %dma_start3A_372] : memref<10240x128xf32, #tpu.memory_space<vmem_shared>> -> memref<10240x128xf32, #tpu.memory_space<vmem_shared>>
    tpu.enqueue_indirect_dma source(%arg24 : memref<64x128xf32, #tpu.memory_space<vmem>>) target(%dma_start3A_373 : memref<10240x128xf32, #tpu.memory_space<vmem_shared>>) offsets(%arg16 : memref<64xi32, #tpu.memory_space<vmem>>) semaphore(%arg31 : memref<!tpu.dma_semaphore, #tpu.memory_space<semaphore_mem>>) {add = true}
    %dma_wait3A_374 = arith.constant 0 : i32
    %dma_wait3A_375 = arith.constant 0 : i32
    %dma_wait3A_376 = tpu.memref_slice %arg26[%dma_wait3A_374, %dma_wait3A_375] : memref<10240x128xf32, #tpu.memory_space<vmem_shared>> -> memref<10240x128xf32, #tpu.memory_space<vmem_shared>>
    tpu.wait_indirect_dma semaphore(%arg32 : memref<!tpu.dma_semaphore, #tpu.memory_space<semaphore_mem>>) src(%arg23 : memref<64x128xf32, #tpu.memory_space<vmem>>) dst(%dma_wait3A_376 : memref<10240x128xf32, #tpu.memory_space<vmem_shared>>)
    %dma_wait3A_377 = arith.constant 0 : i32
    %dma_wait3A_378 = tpu.memref_slice %arg3[%dma_wait3A_377] : memref<327680xi32, #tpu.memory_space<hbm>> -> memref<64xi32, #tpu.memory_space<hbm>>
    %dma_wait3A_379 = arith.constant 0 : i32
    %dma_wait3A_380 = tpu.memref_slice %arg3[%dma_wait3A_379] : memref<327680xi32, #tpu.memory_space<hbm>> -> memref<64xi32, #tpu.memory_space<hbm>>
    tpu.wait_dma2 semaphore(%arg38 : memref<!tpu.dma_semaphore, #tpu.memory_space<semaphore_mem>>) src(%dma_wait3A_380 : memref<64xi32, #tpu.memory_space<hbm>>) dst(%arg11 : memref<64xi32, #tpu.memory_space<vmem>>)
    %dma_wait3A_381 = arith.constant 0 : i32
    %dma_wait3A_382 = tpu.memref_slice %arg4[%dma_wait3A_381] : memref<327680xi32, #tpu.memory_space<hbm>> -> memref<64xi32, #tpu.memory_space<hbm>>
    %dma_wait3A_383 = arith.constant 0 : i32
    %dma_wait3A_384 = tpu.memref_slice %arg4[%dma_wait3A_383] : memref<327680xi32, #tpu.memory_space<hbm>> -> memref<64xi32, #tpu.memory_space<hbm>>
    tpu.wait_dma2 semaphore(%arg46 : memref<!tpu.dma_semaphore, #tpu.memory_space<semaphore_mem>>) src(%dma_wait3A_384 : memref<64xi32, #tpu.memory_space<hbm>>) dst(%arg19 : memref<64xi32, #tpu.memory_space<vmem>>)
    %dma_start3A_385 = arith.constant 0 : i32
    %dma_start3A_386 = arith.constant 0 : i32
    %dma_start3A_387 = tpu.memref_slice %arg2[%dma_start3A_385, %dma_start3A_386] : memref<10000x128xf32, #tpu.memory_space<hbm>> -> memref<10000x128xf32, #tpu.memory_space<hbm>>
    tpu.enqueue_indirect_dma source(%dma_start3A_387 : memref<10000x128xf32, #tpu.memory_space<hbm>>) target(%arg23 : memref<64x128xf32, #tpu.memory_space<vmem>>) offsets(%arg11 : memref<64xi32, #tpu.memory_space<vmem>>) semaphore(%arg28 : memref<!tpu.dma_semaphore, #tpu.memory_space<semaphore_mem>>)
    %dma_wait3A_388 = arith.constant 0 : i32
    %dma_wait3A_389 = arith.constant 0 : i32
    %dma_wait3A_390 = tpu.memref_slice %arg2[%dma_wait3A_388, %dma_wait3A_389] : memref<10000x128xf32, #tpu.memory_space<hbm>> -> memref<10000x128xf32, #tpu.memory_space<hbm>>
    tpu.wait_indirect_dma semaphore(%arg30 : memref<!tpu.dma_semaphore, #tpu.memory_space<semaphore_mem>>) src(%dma_wait3A_390 : memref<10000x128xf32, #tpu.memory_space<hbm>>) dst(%arg25 : memref<64x128xf32, #tpu.memory_space<vmem>>)
    %dma_start3A_391 = arith.constant 0 : i32
    %dma_start3A_392 = arith.constant 0 : i32
    %dma_start3A_393 = tpu.memref_slice %arg26[%dma_start3A_391, %dma_start3A_392] : memref<10240x128xf32, #tpu.memory_space<vmem_shared>> -> memref<10240x128xf32, #tpu.memory_space<vmem_shared>>
    tpu.enqueue_indirect_dma source(%arg25 : memref<64x128xf32, #tpu.memory_space<vmem>>) target(%dma_start3A_393 : memref<10240x128xf32, #tpu.memory_space<vmem_shared>>) offsets(%arg17 : memref<64xi32, #tpu.memory_space<vmem>>) semaphore(%arg32 : memref<!tpu.dma_semaphore, #tpu.memory_space<semaphore_mem>>) {add = true}
    %dma_wait3A_394 = arith.constant 0 : i32
    %dma_wait3A_395 = arith.constant 0 : i32
    %dma_wait3A_396 = tpu.memref_slice %arg26[%dma_wait3A_394, %dma_wait3A_395] : memref<10240x128xf32, #tpu.memory_space<vmem_shared>> -> memref<10240x128xf32, #tpu.memory_space<vmem_shared>>
    tpu.wait_indirect_dma semaphore(%arg31 : memref<!tpu.dma_semaphore, #tpu.memory_space<semaphore_mem>>) src(%arg24 : memref<64x128xf32, #tpu.memory_space<vmem>>) dst(%dma_wait3A_396 : memref<10240x128xf32, #tpu.memory_space<vmem_shared>>)
    %dma_wait3A_397 = arith.constant 0 : i32
    %dma_wait3A_398 = tpu.memref_slice %arg3[%dma_wait3A_397] : memref<327680xi32, #tpu.memory_space<hbm>> -> memref<64xi32, #tpu.memory_space<hbm>>
    %dma_wait3A_399 = arith.constant 0 : i32
    %dma_wait3A_400 = tpu.memref_slice %arg3[%dma_wait3A_399] : memref<327680xi32, #tpu.memory_space<hbm>> -> memref<64xi32, #tpu.memory_space<hbm>>
    tpu.wait_dma2 semaphore(%arg39 : memref<!tpu.dma_semaphore, #tpu.memory_space<semaphore_mem>>) src(%dma_wait3A_400 : memref<64xi32, #tpu.memory_space<hbm>>) dst(%arg12 : memref<64xi32, #tpu.memory_space<vmem>>)
    %dma_wait3A_401 = arith.constant 0 : i32
    %dma_wait3A_402 = tpu.memref_slice %arg4[%dma_wait3A_401] : memref<327680xi32, #tpu.memory_space<hbm>> -> memref<64xi32, #tpu.memory_space<hbm>>
    %dma_wait3A_403 = arith.constant 0 : i32
    %dma_wait3A_404 = tpu.memref_slice %arg4[%dma_wait3A_403] : memref<327680xi32, #tpu.memory_space<hbm>> -> memref<64xi32, #tpu.memory_space<hbm>>
    tpu.wait_dma2 semaphore(%arg47 : memref<!tpu.dma_semaphore, #tpu.memory_space<semaphore_mem>>) src(%dma_wait3A_404 : memref<64xi32, #tpu.memory_space<hbm>>) dst(%arg20 : memref<64xi32, #tpu.memory_space<vmem>>)
    %dma_start3A_405 = arith.constant 0 : i32
    %dma_start3A_406 = arith.constant 0 : i32
    %dma_start3A_407 = tpu.memref_slice %arg2[%dma_start3A_405, %dma_start3A_406] : memref<10000x128xf32, #tpu.memory_space<hbm>> -> memref<10000x128xf32, #tpu.memory_space<hbm>>
    tpu.enqueue_indirect_dma source(%dma_start3A_407 : memref<10000x128xf32, #tpu.memory_space<hbm>>) target(%arg24 : memref<64x128xf32, #tpu.memory_space<vmem>>) offsets(%arg12 : memref<64xi32, #tpu.memory_space<vmem>>) semaphore(%arg29 : memref<!tpu.dma_semaphore, #tpu.memory_space<semaphore_mem>>)
    %dma_wait3A_408 = arith.constant 0 : i32
    %dma_wait3A_409 = arith.constant 0 : i32
    %dma_wait3A_410 = tpu.memref_slice %arg2[%dma_wait3A_408, %dma_wait3A_409] : memref<10000x128xf32, #tpu.memory_space<hbm>> -> memref<10000x128xf32, #tpu.memory_space<hbm>>
    tpu.wait_indirect_dma semaphore(%arg27 : memref<!tpu.dma_semaphore, #tpu.memory_space<semaphore_mem>>) src(%dma_wait3A_410 : memref<10000x128xf32, #tpu.memory_space<hbm>>) dst(%arg22 : memref<64x128xf32, #tpu.memory_space<vmem>>)
    %dma_start3A_411 = arith.constant 0 : i32
    %dma_start3A_412 = arith.constant 0 : i32
    %dma_start3A_413 = tpu.memref_slice %arg26[%dma_start3A_411, %dma_start3A_412] : memref<10240x128xf32, #tpu.memory_space<vmem_shared>> -> memref<10240x128xf32, #tpu.memory_space<vmem_shared>>
    tpu.enqueue_indirect_dma source(%arg22 : memref<64x128xf32, #tpu.memory_space<vmem>>) target(%dma_start3A_413 : memref<10240x128xf32, #tpu.memory_space<vmem_shared>>) offsets(%arg18 : memref<64xi32, #tpu.memory_space<vmem>>) semaphore(%arg31 : memref<!tpu.dma_semaphore, #tpu.memory_space<semaphore_mem>>) {add = true}
    %dma_wait3A_414 = arith.constant 0 : i32
    %dma_wait3A_415 = arith.constant 0 : i32
    %dma_wait3A_416 = tpu.memref_slice %arg26[%dma_wait3A_414, %dma_wait3A_415] : memref<10240x128xf32, #tpu.memory_space<vmem_shared>> -> memref<10240x128xf32, #tpu.memory_space<vmem_shared>>
    tpu.wait_indirect_dma semaphore(%arg32 : memref<!tpu.dma_semaphore, #tpu.memory_space<semaphore_mem>>) src(%arg25 : memref<64x128xf32, #tpu.memory_space<vmem>>) dst(%dma_wait3A_416 : memref<10240x128xf32, #tpu.memory_space<vmem_shared>>)
    %dma_wait3A_417 = arith.constant 0 : i32
    %dma_wait3A_418 = tpu.memref_slice %arg3[%dma_wait3A_417] : memref<327680xi32, #tpu.memory_space<hbm>> -> memref<64xi32, #tpu.memory_space<hbm>>
    %dma_wait3A_419 = arith.constant 0 : i32
    %dma_wait3A_420 = tpu.memref_slice %arg3[%dma_wait3A_419] : memref<327680xi32, #tpu.memory_space<hbm>> -> memref<64xi32, #tpu.memory_space<hbm>>
    tpu.wait_dma2 semaphore(%arg40 : memref<!tpu.dma_semaphore, #tpu.memory_space<semaphore_mem>>) src(%dma_wait3A_420 : memref<64xi32, #tpu.memory_space<hbm>>) dst(%arg13 : memref<64xi32, #tpu.memory_space<vmem>>)
    %dma_wait3A_421 = arith.constant 0 : i32
    %dma_wait3A_422 = tpu.memref_slice %arg4[%dma_wait3A_421] : memref<327680xi32, #tpu.memory_space<hbm>> -> memref<64xi32, #tpu.memory_space<hbm>>
    %dma_wait3A_423 = arith.constant 0 : i32
    %dma_wait3A_424 = tpu.memref_slice %arg4[%dma_wait3A_423] : memref<327680xi32, #tpu.memory_space<hbm>> -> memref<64xi32, #tpu.memory_space<hbm>>
    tpu.wait_dma2 semaphore(%arg48 : memref<!tpu.dma_semaphore, #tpu.memory_space<semaphore_mem>>) src(%dma_wait3A_424 : memref<64xi32, #tpu.memory_space<hbm>>) dst(%arg21 : memref<64xi32, #tpu.memory_space<vmem>>)
    %dma_start3A_425 = arith.constant 0 : i32
    %dma_start3A_426 = arith.constant 0 : i32
    %dma_start3A_427 = tpu.memref_slice %arg2[%dma_start3A_425, %dma_start3A_426] : memref<10000x128xf32, #tpu.memory_space<hbm>> -> memref<10000x128xf32, #tpu.memory_space<hbm>>
    tpu.enqueue_indirect_dma source(%dma_start3A_427 : memref<10000x128xf32, #tpu.memory_space<hbm>>) target(%arg25 : memref<64x128xf32, #tpu.memory_space<vmem>>) offsets(%arg13 : memref<64xi32, #tpu.memory_space<vmem>>) semaphore(%arg30 : memref<!tpu.dma_semaphore, #tpu.memory_space<semaphore_mem>>)
    %dma_wait3A_428 = arith.constant 0 : i32
    %dma_wait3A_429 = arith.constant 0 : i32
    %dma_wait3A_430 = tpu.memref_slice %arg2[%dma_wait3A_428, %dma_wait3A_429] : memref<10000x128xf32, #tpu.memory_space<hbm>> -> memref<10000x128xf32, #tpu.memory_space<hbm>>
    tpu.wait_indirect_dma semaphore(%arg28 : memref<!tpu.dma_semaphore, #tpu.memory_space<semaphore_mem>>) src(%dma_wait3A_430 : memref<10000x128xf32, #tpu.memory_space<hbm>>) dst(%arg23 : memref<64x128xf32, #tpu.memory_space<vmem>>)
    %dma_start3A_431 = arith.constant 0 : i32
    %dma_start3A_432 = arith.constant 0 : i32
    %dma_start3A_433 = tpu.memref_slice %arg26[%dma_start3A_431, %dma_start3A_432] : memref<10240x128xf32, #tpu.memory_space<vmem_shared>> -> memref<10240x128xf32, #tpu.memory_space<vmem_shared>>
    tpu.enqueue_indirect_dma source(%arg23 : memref<64x128xf32, #tpu.memory_space<vmem>>) target(%dma_start3A_433 : memref<10240x128xf32, #tpu.memory_space<vmem_shared>>) offsets(%arg19 : memref<64xi32, #tpu.memory_space<vmem>>) semaphore(%arg32 : memref<!tpu.dma_semaphore, #tpu.memory_space<semaphore_mem>>) {add = true}
    %dma_wait3A_434 = arith.constant 0 : i32
    %dma_wait3A_435 = arith.constant 0 : i32
    %dma_wait3A_436 = tpu.memref_slice %arg2[%dma_wait3A_434, %dma_wait3A_435] : memref<10000x128xf32, #tpu.memory_space<hbm>> -> memref<10000x128xf32, #tpu.memory_space<hbm>>
    tpu.wait_indirect_dma semaphore(%arg29 : memref<!tpu.dma_semaphore, #tpu.memory_space<semaphore_mem>>) src(%dma_wait3A_436 : memref<10000x128xf32, #tpu.memory_space<hbm>>) dst(%arg24 : memref<64x128xf32, #tpu.memory_space<vmem>>)
    %dma_start3A_437 = arith.constant 0 : i32
    %dma_start3A_438 = arith.constant 0 : i32
    %dma_start3A_439 = tpu.memref_slice %arg26[%dma_start3A_437, %dma_start3A_438] : memref<10240x128xf32, #tpu.memory_space<vmem_shared>> -> memref<10240x128xf32, #tpu.memory_space<vmem_shared>>
    tpu.enqueue_indirect_dma source(%arg24 : memref<64x128xf32, #tpu.memory_space<vmem>>) target(%dma_start3A_439 : memref<10240x128xf32, #tpu.memory_space<vmem_shared>>) offsets(%arg20 : memref<64xi32, #tpu.memory_space<vmem>>) semaphore(%arg31 : memref<!tpu.dma_semaphore, #tpu.memory_space<semaphore_mem>>) {add = true}
    %dma_wait3A_440 = arith.constant 0 : i32
    %dma_wait3A_441 = arith.constant 0 : i32
    %dma_wait3A_442 = tpu.memref_slice %arg2[%dma_wait3A_440, %dma_wait3A_441] : memref<10000x128xf32, #tpu.memory_space<hbm>> -> memref<10000x128xf32, #tpu.memory_space<hbm>>
    tpu.wait_indirect_dma semaphore(%arg30 : memref<!tpu.dma_semaphore, #tpu.memory_space<semaphore_mem>>) src(%dma_wait3A_442 : memref<10000x128xf32, #tpu.memory_space<hbm>>) dst(%arg25 : memref<64x128xf32, #tpu.memory_space<vmem>>)
    %dma_start3A_443 = arith.constant 0 : i32
    %dma_start3A_444 = arith.constant 0 : i32
    %dma_start3A_445 = tpu.memref_slice %arg26[%dma_start3A_443, %dma_start3A_444] : memref<10240x128xf32, #tpu.memory_space<vmem_shared>> -> memref<10240x128xf32, #tpu.memory_space<vmem_shared>>
    tpu.enqueue_indirect_dma source(%arg25 : memref<64x128xf32, #tpu.memory_space<vmem>>) target(%dma_start3A_445 : memref<10240x128xf32, #tpu.memory_space<vmem_shared>>) offsets(%arg21 : memref<64xi32, #tpu.memory_space<vmem>>) semaphore(%arg32 : memref<!tpu.dma_semaphore, #tpu.memory_space<semaphore_mem>>) {add = true}
    %dma_wait3A_446 = arith.constant 0 : i32
    %dma_wait3A_447 = arith.constant 0 : i32
    %dma_wait3A_448 = tpu.memref_slice %arg26[%dma_wait3A_446, %dma_wait3A_447] : memref<10240x128xf32, #tpu.memory_space<vmem_shared>> -> memref<10240x128xf32, #tpu.memory_space<vmem_shared>>
    tpu.wait_indirect_dma semaphore(%arg31 : memref<!tpu.dma_semaphore, #tpu.memory_space<semaphore_mem>>) src(%arg22 : memref<64x128xf32, #tpu.memory_space<vmem>>) dst(%dma_wait3A_448 : memref<10240x128xf32, #tpu.memory_space<vmem_shared>>)
    %dma_wait3A_449 = arith.constant 0 : i32
    %dma_wait3A_450 = arith.constant 0 : i32
    %dma_wait3A_451 = tpu.memref_slice %arg26[%dma_wait3A_449, %dma_wait3A_450] : memref<10240x128xf32, #tpu.memory_space<vmem_shared>> -> memref<10240x128xf32, #tpu.memory_space<vmem_shared>>
    tpu.wait_indirect_dma semaphore(%arg32 : memref<!tpu.dma_semaphore, #tpu.memory_space<semaphore_mem>>) src(%arg23 : memref<64x128xf32, #tpu.memory_space<vmem>>) dst(%dma_wait3A_451 : memref<10240x128xf32, #tpu.memory_space<vmem_shared>>)
    %dma_wait3A_452 = arith.constant 0 : i32
    %dma_wait3A_453 = arith.constant 0 : i32
    %dma_wait3A_454 = tpu.memref_slice %arg26[%dma_wait3A_452, %dma_wait3A_453] : memref<10240x128xf32, #tpu.memory_space<vmem_shared>> -> memref<10240x128xf32, #tpu.memory_space<vmem_shared>>
    tpu.wait_indirect_dma semaphore(%arg31 : memref<!tpu.dma_semaphore, #tpu.memory_space<semaphore_mem>>) src(%arg24 : memref<64x128xf32, #tpu.memory_space<vmem>>) dst(%dma_wait3A_454 : memref<10240x128xf32, #tpu.memory_space<vmem_shared>>)
    %dma_wait3A_455 = arith.constant 0 : i32
    %dma_wait3A_456 = arith.constant 0 : i32
    %dma_wait3A_457 = tpu.memref_slice %arg26[%dma_wait3A_455, %dma_wait3A_456] : memref<10240x128xf32, #tpu.memory_space<vmem_shared>> -> memref<10240x128xf32, #tpu.memory_space<vmem_shared>>
    tpu.wait_indirect_dma semaphore(%arg32 : memref<!tpu.dma_semaphore, #tpu.memory_space<semaphore_mem>>) src(%arg25 : memref<64x128xf32, #tpu.memory_space<vmem>>) dst(%dma_wait3A_457 : memref<10240x128xf32, #tpu.memory_space<vmem_shared>>)
    %barrier3A_458 = arith.constant 0 : index
    tpu.barrier barrier_id(%barrier3A_458)
    "tpu.region"() ({
      %run_scoped3A = tpu.sem_alloc : memref<!tpu.dma_semaphore, #tpu.memory_space<semaphore_mem>>
      %dma_start3A_459 = arith.constant 0 : i32
      %dma_start3A_460 = tpu.memref_slice %arg5[%arg0, %mul3A_40, %dma_start3A_459] : memref<2x10240x128xf32, #tpu.memory_space<hbm>> -> memref<1x640x128xf32, #tpu.memory_space<hbm>>
      %dma_start3A_461 = tpu.memref_squeeze %dma_start3A_460 : memref<1x640x128xf32, #tpu.memory_space<hbm>> -> memref<640x128xf32, #tpu.memory_space<hbm>>
      %dma_start3A_462 = arith.constant 0 : i32
      %dma_start3A_463 = tpu.memref_slice %arg26[%mul3A_40, %dma_start3A_462] : memref<10240x128xf32, #tpu.memory_space<vmem_shared>> -> memref<640x128xf32, #tpu.memory_space<vmem_shared>>
      tpu.enqueue_dma source(%dma_start3A_463 : memref<640x128xf32, #tpu.memory_space<vmem_shared>>) target(%dma_start3A_461 : memref<640x128xf32, #tpu.memory_space<hbm>>) target_semaphore(%run_scoped3A : memref<!tpu.dma_semaphore, #tpu.memory_space<semaphore_mem>>)
      %dma_wait3A_464 = arith.constant 0 : i32
      %dma_wait3A_465 = tpu.memref_slice %arg5[%arg0, %mul3A_40, %dma_wait3A_464] : memref<2x10240x128xf32, #tpu.memory_space<hbm>> -> memref<1x640x128xf32, #tpu.memory_space<hbm>>
      %dma_wait3A_466 = tpu.memref_squeeze %dma_wait3A_465 : memref<1x640x128xf32, #tpu.memory_space<hbm>> -> memref<640x128xf32, #tpu.memory_space<hbm>>
      %dma_wait3A_467 = arith.constant 0 : i32
      %dma_wait3A_468 = tpu.memref_slice %arg26[%mul3A_40, %dma_wait3A_467] : memref<10240x128xf32, #tpu.memory_space<vmem_shared>> -> memref<640x128xf32, #tpu.memory_space<vmem_shared>>
      tpu.wait_dma2 semaphore(%run_scoped3A : memref<!tpu.dma_semaphore, #tpu.memory_space<semaphore_mem>>) src(%dma_wait3A_468 : memref<640x128xf32, #tpu.memory_space<vmem_shared>>) dst(%dma_wait3A_466 : memref<640x128xf32, #tpu.memory_space<hbm>>)
      tpu.yield
    }) : () -> ()
    return
  }
}

module attributes {stable_mosaic.version = 14 : i64} {
  func.func @_x0_body(%arg0: i32, %arg1: memref<2000x128xf32, #tpu.memory_space<vmem>>, %arg2: memref<128x128xf32, #tpu.memory_space<vmem>>, %arg3: memref<1x128xf32, #tpu.memory_space<vmem>>, %arg4: memref<2000x128xf32, #tpu.memory_space<vmem>>) attributes {dimension_semantics = [#tpu.dimension_semantics<arbitrary>], iteration_bounds = array<i64: 5>, scalar_prefetch = 0 : i64, scratch_operands = 0 : i64, tpu.core_type = #tpu.core_type<tc>, window_params = [{transform_indices = @transform_0, window_bounds = array<i64: 2000, 128>}, {pipeline_mode = #tpu.pipeline_mode<synchronous>, transform_indices = @transform_1, window_bounds = array<i64: 128, 128>}, {pipeline_mode = #tpu.pipeline_mode<synchronous>, transform_indices = @transform_2, window_bounds = array<i64: 1, 128>}, {transform_indices = @transform_3, window_bounds = array<i64: 2000, 128>}]} {
    %get3A = arith.constant 0 : index
    %get3A_0 = arith.constant 0 : index
    %get3A_1 = vector.load %arg1[%get3A, %get3A_0] : memref<2000x128xf32, #tpu.memory_space<vmem>>, vector<2000x128xf32>
    %get3A_2 = arith.constant 0 : index
    %get3A_3 = arith.constant 0 : index
    %get3A_4 = vector.load %arg2[%get3A_2, %get3A_3] : memref<128x128xf32, #tpu.memory_space<vmem>>, vector<128x128xf32>
    %dot_general3A = arith.constant dense<0.000000e+00> : vector<2000x128xf32>
    %dot_general3A_5 = tpu.matmul %get3A_1, %get3A_4, %dot_general3A {dimension_numbers = #tpu.dot_dimension_numbers<[1], [1], [0], [0], [0, 0, 1, 0], [], []>, transpose_lhs_hint = false} : vector<2000x128xf32>, vector<128x128xf32>, vector<2000x128xf32> -> vector<2000x128xf32>
    %get3A_6 = arith.constant 0 : index
    %get3A_7 = arith.constant 0 : index
    %get3A_8 = vector.load %arg3[%get3A_6, %get3A_7] : memref<1x128xf32, #tpu.memory_space<vmem>>, vector<1x128xf32>
    %add3A = vector.broadcast %get3A_8 : vector<1x128xf32> to vector<2000x128xf32>
    %add3A_9 = arith.addf %dot_general3A_5, %add3A : vector<2000x128xf32>
    %max3A = arith.constant 0.000000e+00 : f32
    %max3A_10 = vector.broadcast %max3A : f32 to vector<2000x128xf32>
    %max3A_11 = arith.maximumf %add3A_9, %max3A_10 : vector<2000x128xf32>
    %swap3A = arith.constant 0 : index
    %swap3A_12 = arith.constant 0 : index
    %swap3A_13 = vector.load %arg4[%swap3A, %swap3A_12] : memref<2000x128xf32, #tpu.memory_space<vmem>>, vector<2000x128xf32>
    tpu.vector_store %arg4[%swap3A, %swap3A_12], %max3A_11 {strides = array<i32>} : memref<2000x128xf32, #tpu.memory_space<vmem>>, vector<2000x128xf32>,
    return
  }
  func.func @transform_0(%arg0: i32) -> (i32, i32) {
    %c0_i32 = arith.constant 0 : i32
    %c0_i32_0 = arith.constant 0 : i32
    return %arg0, %c0_i32 : i32, i32
  }
  func.func @transform_1(%arg0: i32) -> (i32, i32) {
    %c0_i32 = arith.constant 0 : i32
    %c0_i32_0 = arith.constant 0 : i32
    %c0_i32_1 = arith.constant 0 : i32
    return %c0_i32, %c0_i32_0 : i32, i32
  }
  func.func @transform_2(%arg0: i32) -> (i32, i32) {
    %c0_i32 = arith.constant 0 : i32
    %c0_i32_0 = arith.constant 0 : i32
    %c0_i32_1 = arith.constant 0 : i32
    return %c0_i32, %c0_i32_0 : i32, i32
  }
  func.func @transform_3(%arg0: i32) -> (i32, i32) {
    %c0_i32 = arith.constant 0 : i32
    %c0_i32_0 = arith.constant 0 : i32
    return %arg0, %c0_i32 : i32, i32
  }
}

module attributes {stable_mosaic.version = 14 : i64} {
  func.func @_layer_body(%arg0: i32, %arg1: i32, %arg2: memref<2x2000x128xf32, #tpu.memory_space<vmem>>, %arg3: memref<2000x128xf32, #tpu.memory_space<vmem>>, %arg4: memref<128x128xf32, #tpu.memory_space<vmem>>, %arg5: memref<1x128xf32, #tpu.memory_space<vmem>>, %arg6: memref<1x128xf32, #tpu.memory_space<vmem>>, %arg7: memref<2000x128xf32, #tpu.memory_space<vmem>>, %arg8: memref<10000x128xf32, #tpu.memory_space<vmem>>, %arg9: memref<8x128xf32, #tpu.memory_space<vmem>>) attributes {dimension_semantics = [#tpu.dimension_semantics<arbitrary>, #tpu.dimension_semantics<arbitrary>], iteration_bounds = array<i64: 2, 5>, scalar_prefetch = 0 : i64, scratch_operands = 2 : i64, tpu.core_type = #tpu.core_type<tc>, window_params = [{transform_indices = @transform_0, window_bounds = array<i64: 2, 2000, 128>}, {transform_indices = @transform_1, window_bounds = array<i64: 2000, 128>}, {pipeline_mode = #tpu.pipeline_mode<synchronous>, transform_indices = @transform_2, window_bounds = array<i64: 128, 128>}, {pipeline_mode = #tpu.pipeline_mode<synchronous>, transform_indices = @transform_3, window_bounds = array<i64: 1, 128>}, {pipeline_mode = #tpu.pipeline_mode<synchronous>, transform_indices = @transform_4, window_bounds = array<i64: 1, 128>}, {transform_indices = @transform_5, window_bounds = array<i64: 2000, 128>}]} {
    %eq3A = arith.constant 0 : i32
    %eq3A_0 = arith.cmpi eq, %arg0, %eq3A : i32
    %convert_element_type3A = arith.extui %eq3A_0 : i1 to i32
    %cond3A = arith.constant 0 : i32
    %cond3A_1 = arith.cmpi ne, %convert_element_type3A, %cond3A : i32
    scf.if %cond3A_1 {
      %get3A = arith.constant 0 : index
      %get3A_7 = arith.constant 0 : index
      %get3A_8 = arith.constant 0 : index
      %get3A_9 = vector.load %arg2[%get3A, %get3A_7, %get3A_8] : memref<2x2000x128xf32, #tpu.memory_space<vmem>>, vector<1x2000x128xf32>
      %get3A_10 = vector.shape_cast %get3A_9 : vector<1x2000x128xf32> to vector<2000x128xf32>
      %get3A_11 = arith.constant 1 : index
      %get3A_12 = arith.constant 0 : index
      %get3A_13 = arith.constant 0 : index
      %get3A_14 = vector.load %arg2[%get3A_11, %get3A_12, %get3A_13] : memref<2x2000x128xf32, #tpu.memory_space<vmem>>, vector<1x2000x128xf32>
      %get3A_15 = vector.shape_cast %get3A_14 : vector<1x2000x128xf32> to vector<2000x128xf32>
      %add3A = arith.addf %get3A_10, %get3A_15 : vector<2000x128xf32>
      %mul3A = arith.constant 0.899999976 : f32
      %mul3A_16 = vector.broadcast %mul3A : f32 to vector<2000x128xf32>
      %mul3A_17 = arith.mulf %mul3A_16, %add3A : vector<2000x128xf32>
      %get3A_18 = arith.constant 0 : index
      %get3A_19 = arith.constant 0 : index
      %get3A_20 = vector.load %arg3[%get3A_18, %get3A_19] : memref<2000x128xf32, #tpu.memory_space<vmem>>, vector<2000x128xf32>
      %mul3A_21 = arith.constant 1.000000e-01 : f32
      %mul3A_22 = vector.broadcast %mul3A_21 : f32 to vector<2000x128xf32>
      %mul3A_23 = arith.mulf %mul3A_22, %get3A_20 : vector<2000x128xf32>
      %add3A_24 = arith.addf %mul3A_17, %mul3A_23 : vector<2000x128xf32>
      %mul3A_25 = arith.constant 0.594534874 : f32
      %mul3A_26 = vector.broadcast %mul3A_25 : f32 to vector<2000x128xf32>
      %mul3A_27 = arith.mulf %mul3A_26, %add3A_24 : vector<2000x128xf32>
      %get3A_28 = arith.constant 0 : index
      %get3A_29 = arith.constant 0 : index
      %get3A_30 = vector.load %arg4[%get3A_28, %get3A_29] : memref<128x128xf32, #tpu.memory_space<vmem>>, vector<128x128xf32>
      %dot_general3A = arith.constant dense<0.000000e+00> : vector<2000x128xf32>
      %dot_general3A_31 = tpu.matmul %add3A_24, %get3A_30, %dot_general3A {dimension_numbers = #tpu.dot_dimension_numbers<[1], [0], [0], [1], [0, 0, 1, 1], [], []>, transpose_lhs_hint = false} : vector<2000x128xf32>, vector<128x128xf32>, vector<2000x128xf32> -> vector<2000x128xf32>
      %mul3A_32 = arith.constant 0.405465096 : f32
      %mul3A_33 = vector.broadcast %mul3A_32 : f32 to vector<2000x128xf32>
      %mul3A_34 = arith.mulf %mul3A_33, %dot_general3A_31 : vector<2000x128xf32>
      %add3A_35 = arith.addf %mul3A_27, %mul3A_34 : vector<2000x128xf32>
      %mul3A_36 = arith.constant 2000 : i32
      %mul3A_37 = arith.muli %arg1, %mul3A_36 : i32
      %swap3A = arith.index_cast %mul3A_37 : i32 to index
      %swap3A_38 = arith.constant 0 : index
      %swap3A_39 = vector.load %arg8[%swap3A, %swap3A_38] : memref<10000x128xf32, #tpu.memory_space<vmem>>, vector<2000x128xf32>
      tpu.vector_store %arg8[%swap3A, %swap3A_38], %add3A_35 {strides = array<i32>} : memref<10000x128xf32, #tpu.memory_space<vmem>>, vector<2000x128xf32>,
      %eq3A_40 = arith.constant 0 : i32
      %eq3A_41 = arith.cmpi eq, %arg1, %eq3A_40 : i32
      %convert_element_type3A_42 = arith.extui %eq3A_41 : i1 to i32
      %cond3A_43 = arith.constant 0 : i32
      %cond3A_44 = arith.cmpi ne, %convert_element_type3A_42, %cond3A_43 : i32
      scf.if %cond3A_44 {
        %broadcast_in_dim3A_64 = arith.constant 0.000000e+00 : f32
        %broadcast_in_dim3A_65 = vector.broadcast %broadcast_in_dim3A_64 : f32 to vector<8x128xf32>
        %swap3A_66 = arith.constant 0 : index
        %swap3A_67 = arith.constant 0 : index
        %swap3A_68 = vector.load %arg9[%swap3A_66, %swap3A_67] : memref<8x128xf32, #tpu.memory_space<vmem>>, vector<8x128xf32>
        tpu.vector_store %arg9[%swap3A_66, %swap3A_67], %broadcast_in_dim3A_65 {strides = array<i32>} : memref<8x128xf32, #tpu.memory_space<vmem>>, vector<8x128xf32>,
      } else {
      }
      %get3A_45 = arith.constant 0 : index
      %get3A_46 = arith.constant 0 : index
      %get3A_47 = vector.load %arg9[%get3A_45, %get3A_46] : memref<8x128xf32, #tpu.memory_space<vmem>>, vector<1x128xf32>
      %reduce_sum3A = arith.constant dense<0.000000e+00> : vector<128xf32>
      %reduce_sum3A_48 = vector.multi_reduction <add>, %add3A_35, %reduce_sum3A [0] : vector<2000x128xf32> to vector<128xf32>
      %broadcast_in_dim3A = vector.shape_cast %reduce_sum3A_48 : vector<128xf32> to vector<1x128xf32>
      %add3A_49 = arith.addf %get3A_47, %broadcast_in_dim3A : vector<1x128xf32>
      %swap3A_50 = arith.constant 0 : index
      %swap3A_51 = arith.constant 0 : index
      %swap3A_52 = vector.load %arg9[%swap3A_50, %swap3A_51] : memref<8x128xf32, #tpu.memory_space<vmem>>, vector<1x128xf32>
      tpu.vector_store %arg9[%swap3A_50, %swap3A_51], %add3A_49 {strides = array<i32>} : memref<8x128xf32, #tpu.memory_space<vmem>>, vector<1x128xf32>,
      %get3A_53 = arith.constant 1 : index
      %get3A_54 = arith.constant 0 : index
      %get3A_55 = vector.load %arg9[%get3A_53, %get3A_54] : memref<8x128xf32, #tpu.memory_space<vmem>>, vector<1x128xf32>
      %mul3A_56 = arith.mulf %add3A_35, %add3A_35 : vector<2000x128xf32>
      %reduce_sum3A_57 = arith.constant dense<0.000000e+00> : vector<128xf32>
      %reduce_sum3A_58 = vector.multi_reduction <add>, %mul3A_56, %reduce_sum3A_57 [0] : vector<2000x128xf32> to vector<128xf32>
      %broadcast_in_dim3A_59 = vector.shape_cast %reduce_sum3A_58 : vector<128xf32> to vector<1x128xf32>
      %add3A_60 = arith.addf %get3A_55, %broadcast_in_dim3A_59 : vector<1x128xf32>
      %swap3A_61 = arith.constant 1 : index
      %swap3A_62 = arith.constant 0 : index
      %swap3A_63 = vector.load %arg9[%swap3A_61, %swap3A_62] : memref<8x128xf32, #tpu.memory_space<vmem>>, vector<1x128xf32>
      tpu.vector_store %arg9[%swap3A_61, %swap3A_62], %add3A_60 {strides = array<i32>} : memref<8x128xf32, #tpu.memory_space<vmem>>, vector<1x128xf32>,
    } else {
    }
    %eq3A_2 = arith.constant 1 : i32
    %eq3A_3 = arith.cmpi eq, %arg0, %eq3A_2 : i32
    %convert_element_type3A_4 = arith.extui %eq3A_3 : i1 to i32
    %cond3A_5 = arith.constant 0 : i32
    %cond3A_6 = arith.cmpi ne, %convert_element_type3A_4, %cond3A_5 : i32
    scf.if %cond3A_6 {
      %mul3A = arith.constant 2000 : i32
      %mul3A_7 = arith.muli %arg1, %mul3A : i32
      %get3A = arith.index_cast %mul3A_7 : i32 to index
      %get3A_8 = arith.constant 0 : index
      %get3A_9 = vector.load %arg8[%get3A, %get3A_8] : memref<10000x128xf32, #tpu.memory_space<vmem>>, vector<2000x128xf32>
      %get3A_10 = arith.constant 0 : index
      %get3A_11 = arith.constant 0 : index
      %get3A_12 = vector.load %arg9[%get3A_10, %get3A_11] : memref<8x128xf32, #tpu.memory_space<vmem>>, vector<1x128xf32>
      %mul3A_13 = arith.constant 9.99999974E-5 : f32
      %mul3A_14 = vector.broadcast %mul3A_13 : f32 to vector<1x128xf32>
      %mul3A_15 = arith.mulf %get3A_12, %mul3A_14 : vector<1x128xf32>
      %get3A_16 = arith.constant 1 : index
      %get3A_17 = arith.constant 0 : index
      %get3A_18 = vector.load %arg9[%get3A_16, %get3A_17] : memref<8x128xf32, #tpu.memory_space<vmem>>, vector<1x128xf32>
      %mul3A_19 = arith.constant 9.99999974E-5 : f32
      %mul3A_20 = vector.broadcast %mul3A_19 : f32 to vector<1x128xf32>
      %mul3A_21 = arith.mulf %get3A_18, %mul3A_20 : vector<1x128xf32>
      %mul3A_22 = arith.mulf %mul3A_15, %mul3A_15 : vector<1x128xf32>
      %sub3A = arith.subf %mul3A_21, %mul3A_22 : vector<1x128xf32>
      %add3A = arith.constant 9.99999974E-6 : f32
      %add3A_23 = vector.broadcast %add3A : f32 to vector<1x128xf32>
      %add3A_24 = arith.addf %sub3A, %add3A_23 : vector<1x128xf32>
      %rsqrt3A = math.rsqrt %add3A_24 : vector<1x128xf32>
      %sub3A_25 = vector.broadcast %mul3A_15 : vector<1x128xf32> to vector<2000x128xf32>
      %sub3A_26 = arith.subf %get3A_9, %sub3A_25 : vector<2000x128xf32>
      %mul3A_27 = vector.broadcast %rsqrt3A : vector<1x128xf32> to vector<2000x128xf32>
      %mul3A_28 = arith.mulf %sub3A_26, %mul3A_27 : vector<2000x128xf32>
      %get3A_29 = arith.constant 0 : index
      %get3A_30 = arith.constant 0 : index
      %get3A_31 = vector.load %arg5[%get3A_29, %get3A_30] : memref<1x128xf32, #tpu.memory_space<vmem>>, vector<1x128xf32>
      %mul3A_32 = vector.broadcast %get3A_31 : vector<1x128xf32> to vector<2000x128xf32>
      %mul3A_33 = arith.mulf %mul3A_28, %mul3A_32 : vector<2000x128xf32>
      %get3A_34 = arith.constant 0 : index
      %get3A_35 = arith.constant 0 : index
      %get3A_36 = vector.load %arg6[%get3A_34, %get3A_35] : memref<1x128xf32, #tpu.memory_space<vmem>>, vector<1x128xf32>
      %add3A_37 = vector.broadcast %get3A_36 : vector<1x128xf32> to vector<2000x128xf32>
      %add3A_38 = arith.addf %mul3A_33, %add3A_37 : vector<2000x128xf32>
      %max3A = arith.constant 0.000000e+00 : f32
      %max3A_39 = vector.broadcast %max3A : f32 to vector<2000x128xf32>
      %max3A_40 = arith.maximumf %add3A_38, %max3A_39 : vector<2000x128xf32>
      %swap3A = arith.constant 0 : index
      %swap3A_41 = arith.constant 0 : index
      %swap3A_42 = vector.load %arg7[%swap3A, %swap3A_41] : memref<2000x128xf32, #tpu.memory_space<vmem>>, vector<2000x128xf32>
      tpu.vector_store %arg7[%swap3A, %swap3A_41], %max3A_40 {strides = array<i32>} : memref<2000x128xf32, #tpu.memory_space<vmem>>, vector<2000x128xf32>,
    } else {
    }
    return
  }
  func.func @transform_0(%arg0: i32, %arg1: i32) -> (i32, i32, i32) {
    %eq3A = arith.constant 0 : i32
    %eq3A_0 = arith.cmpi eq, %arg0, %eq3A : i32
    %jit3A = arith.constant 4 : i32
    %select_n3A = arith.select %eq3A_0, %arg1, %jit3A : i32
    %c0_i32 = arith.constant 0 : i32
    %c0_i32_1 = arith.constant 0 : i32
    %c0_i32_2 = arith.constant 0 : i32
    return %c0_i32, %select_n3A, %c0_i32_1 : i32, i32, i32
  }
  func.func @transform_1(%arg0: i32, %arg1: i32) -> (i32, i32) {
    %eq3A = arith.constant 0 : i32
    %eq3A_0 = arith.cmpi eq, %arg0, %eq3A : i32
    %jit3A = arith.constant 4 : i32
    %select_n3A = arith.select %eq3A_0, %arg1, %jit3A : i32
    %c0_i32 = arith.constant 0 : i32
    %c0_i32_1 = arith.constant 0 : i32
    return %select_n3A, %c0_i32 : i32, i32
  }
  func.func @transform_2(%arg0: i32, %arg1: i32) -> (i32, i32) {
    %c0_i32 = arith.constant 0 : i32
    %c0_i32_0 = arith.constant 0 : i32
    %c0_i32_1 = arith.constant 0 : i32
    return %c0_i32, %c0_i32_0 : i32, i32
  }
  func.func @transform_3(%arg0: i32, %arg1: i32) -> (i32, i32) {
    %c0_i32 = arith.constant 0 : i32
    %c0_i32_0 = arith.constant 0 : i32
    %c0_i32_1 = arith.constant 0 : i32
    return %c0_i32, %c0_i32_0 : i32, i32
  }
  func.func @transform_4(%arg0: i32, %arg1: i32) -> (i32, i32) {
    %c0_i32 = arith.constant 0 : i32
    %c0_i32_0 = arith.constant 0 : i32
    %c0_i32_1 = arith.constant 0 : i32
    return %c0_i32, %c0_i32_0 : i32, i32
  }
  func.func @transform_5(%arg0: i32, %arg1: i32) -> (i32, i32) {
    %eq3A = arith.constant 0 : i32
    %eq3A_0 = arith.cmpi eq, %arg0, %eq3A : i32
    %jit3A = arith.constant 0 : i32
    %select_n3A = arith.select %eq3A_0, %jit3A, %arg1 : i32
    %c0_i32 = arith.constant 0 : i32
    %c0_i32_1 = arith.constant 0 : i32
    return %select_n3A, %c0_i32 : i32, i32
  }
}

module attributes {stable_mosaic.version = 14 : i64} {
  func.func @_layer_body(%arg0: i32, %arg1: i32, %arg2: memref<2x2000x128xf32, #tpu.memory_space<vmem>>, %arg3: memref<2000x128xf32, #tpu.memory_space<vmem>>, %arg4: memref<128x128xf32, #tpu.memory_space<vmem>>, %arg5: memref<1x128xf32, #tpu.memory_space<vmem>>, %arg6: memref<1x128xf32, #tpu.memory_space<vmem>>, %arg7: memref<2000x128xf32, #tpu.memory_space<vmem>>, %arg8: memref<10000x128xf32, #tpu.memory_space<vmem>>, %arg9: memref<8x128xf32, #tpu.memory_space<vmem>>) attributes {dimension_semantics = [#tpu.dimension_semantics<arbitrary>, #tpu.dimension_semantics<arbitrary>], iteration_bounds = array<i64: 2, 5>, scalar_prefetch = 0 : i64, scratch_operands = 2 : i64, tpu.core_type = #tpu.core_type<tc>, window_params = [{transform_indices = @transform_0, window_bounds = array<i64: 2, 2000, 128>}, {transform_indices = @transform_1, window_bounds = array<i64: 2000, 128>}, {pipeline_mode = #tpu.pipeline_mode<synchronous>, transform_indices = @transform_2, window_bounds = array<i64: 128, 128>}, {pipeline_mode = #tpu.pipeline_mode<synchronous>, transform_indices = @transform_3, window_bounds = array<i64: 1, 128>}, {pipeline_mode = #tpu.pipeline_mode<synchronous>, transform_indices = @transform_4, window_bounds = array<i64: 1, 128>}, {transform_indices = @transform_5, window_bounds = array<i64: 2000, 128>}]} {
    %eq3A = arith.constant 0 : i32
    %eq3A_0 = arith.cmpi eq, %arg0, %eq3A : i32
    %convert_element_type3A = arith.extui %eq3A_0 : i1 to i32
    %cond3A = arith.constant 0 : i32
    %cond3A_1 = arith.cmpi ne, %convert_element_type3A, %cond3A : i32
    scf.if %cond3A_1 {
      %get3A = arith.constant 0 : index
      %get3A_7 = arith.constant 0 : index
      %get3A_8 = arith.constant 0 : index
      %get3A_9 = vector.load %arg2[%get3A, %get3A_7, %get3A_8] : memref<2x2000x128xf32, #tpu.memory_space<vmem>>, vector<1x2000x128xf32>
      %get3A_10 = vector.shape_cast %get3A_9 : vector<1x2000x128xf32> to vector<2000x128xf32>
      %get3A_11 = arith.constant 1 : index
      %get3A_12 = arith.constant 0 : index
      %get3A_13 = arith.constant 0 : index
      %get3A_14 = vector.load %arg2[%get3A_11, %get3A_12, %get3A_13] : memref<2x2000x128xf32, #tpu.memory_space<vmem>>, vector<1x2000x128xf32>
      %get3A_15 = vector.shape_cast %get3A_14 : vector<1x2000x128xf32> to vector<2000x128xf32>
      %add3A = arith.addf %get3A_10, %get3A_15 : vector<2000x128xf32>
      %mul3A = arith.constant 0.899999976 : f32
      %mul3A_16 = vector.broadcast %mul3A : f32 to vector<2000x128xf32>
      %mul3A_17 = arith.mulf %mul3A_16, %add3A : vector<2000x128xf32>
      %get3A_18 = arith.constant 0 : index
      %get3A_19 = arith.constant 0 : index
      %get3A_20 = vector.load %arg3[%get3A_18, %get3A_19] : memref<2000x128xf32, #tpu.memory_space<vmem>>, vector<2000x128xf32>
      %mul3A_21 = arith.constant 1.000000e-01 : f32
      %mul3A_22 = vector.broadcast %mul3A_21 : f32 to vector<2000x128xf32>
      %mul3A_23 = arith.mulf %mul3A_22, %get3A_20 : vector<2000x128xf32>
      %add3A_24 = arith.addf %mul3A_17, %mul3A_23 : vector<2000x128xf32>
      %mul3A_25 = arith.constant 0.776856422 : f32
      %mul3A_26 = vector.broadcast %mul3A_25 : f32 to vector<2000x128xf32>
      %mul3A_27 = arith.mulf %mul3A_26, %add3A_24 : vector<2000x128xf32>
      %get3A_28 = arith.constant 0 : index
      %get3A_29 = arith.constant 0 : index
      %get3A_30 = vector.load %arg4[%get3A_28, %get3A_29] : memref<128x128xf32, #tpu.memory_space<vmem>>, vector<128x128xf32>
      %dot_general3A = arith.constant dense<0.000000e+00> : vector<2000x128xf32>
      %dot_general3A_31 = tpu.matmul %add3A_24, %get3A_30, %dot_general3A {dimension_numbers = #tpu.dot_dimension_numbers<[1], [0], [0], [1], [0, 0, 1, 1], [], []>, transpose_lhs_hint = false} : vector<2000x128xf32>, vector<128x128xf32>, vector<2000x128xf32> -> vector<2000x128xf32>
      %mul3A_32 = arith.constant 0.223143548 : f32
      %mul3A_33 = vector.broadcast %mul3A_32 : f32 to vector<2000x128xf32>
      %mul3A_34 = arith.mulf %mul3A_33, %dot_general3A_31 : vector<2000x128xf32>
      %add3A_35 = arith.addf %mul3A_27, %mul3A_34 : vector<2000x128xf32>
      %mul3A_36 = arith.constant 2000 : i32
      %mul3A_37 = arith.muli %arg1, %mul3A_36 : i32
      %swap3A = arith.index_cast %mul3A_37 : i32 to index
      %swap3A_38 = arith.constant 0 : index
      %swap3A_39 = vector.load %arg8[%swap3A, %swap3A_38] : memref<10000x128xf32, #tpu.memory_space<vmem>>, vector<2000x128xf32>
      tpu.vector_store %arg8[%swap3A, %swap3A_38], %add3A_35 {strides = array<i32>} : memref<10000x128xf32, #tpu.memory_space<vmem>>, vector<2000x128xf32>,
      %eq3A_40 = arith.constant 0 : i32
      %eq3A_41 = arith.cmpi eq, %arg1, %eq3A_40 : i32
      %convert_element_type3A_42 = arith.extui %eq3A_41 : i1 to i32
      %cond3A_43 = arith.constant 0 : i32
      %cond3A_44 = arith.cmpi ne, %convert_element_type3A_42, %cond3A_43 : i32
      scf.if %cond3A_44 {
        %broadcast_in_dim3A_64 = arith.constant 0.000000e+00 : f32
        %broadcast_in_dim3A_65 = vector.broadcast %broadcast_in_dim3A_64 : f32 to vector<8x128xf32>
        %swap3A_66 = arith.constant 0 : index
        %swap3A_67 = arith.constant 0 : index
        %swap3A_68 = vector.load %arg9[%swap3A_66, %swap3A_67] : memref<8x128xf32, #tpu.memory_space<vmem>>, vector<8x128xf32>
        tpu.vector_store %arg9[%swap3A_66, %swap3A_67], %broadcast_in_dim3A_65 {strides = array<i32>} : memref<8x128xf32, #tpu.memory_space<vmem>>, vector<8x128xf32>,
      } else {
      }
      %get3A_45 = arith.constant 0 : index
      %get3A_46 = arith.constant 0 : index
      %get3A_47 = vector.load %arg9[%get3A_45, %get3A_46] : memref<8x128xf32, #tpu.memory_space<vmem>>, vector<1x128xf32>
      %reduce_sum3A = arith.constant dense<0.000000e+00> : vector<128xf32>
      %reduce_sum3A_48 = vector.multi_reduction <add>, %add3A_35, %reduce_sum3A [0] : vector<2000x128xf32> to vector<128xf32>
      %broadcast_in_dim3A = vector.shape_cast %reduce_sum3A_48 : vector<128xf32> to vector<1x128xf32>
      %add3A_49 = arith.addf %get3A_47, %broadcast_in_dim3A : vector<1x128xf32>
      %swap3A_50 = arith.constant 0 : index
      %swap3A_51 = arith.constant 0 : index
      %swap3A_52 = vector.load %arg9[%swap3A_50, %swap3A_51] : memref<8x128xf32, #tpu.memory_space<vmem>>, vector<1x128xf32>
      tpu.vector_store %arg9[%swap3A_50, %swap3A_51], %add3A_49 {strides = array<i32>} : memref<8x128xf32, #tpu.memory_space<vmem>>, vector<1x128xf32>,
      %get3A_53 = arith.constant 1 : index
      %get3A_54 = arith.constant 0 : index
      %get3A_55 = vector.load %arg9[%get3A_53, %get3A_54] : memref<8x128xf32, #tpu.memory_space<vmem>>, vector<1x128xf32>
      %mul3A_56 = arith.mulf %add3A_35, %add3A_35 : vector<2000x128xf32>
      %reduce_sum3A_57 = arith.constant dense<0.000000e+00> : vector<128xf32>
      %reduce_sum3A_58 = vector.multi_reduction <add>, %mul3A_56, %reduce_sum3A_57 [0] : vector<2000x128xf32> to vector<128xf32>
      %broadcast_in_dim3A_59 = vector.shape_cast %reduce_sum3A_58 : vector<128xf32> to vector<1x128xf32>
      %add3A_60 = arith.addf %get3A_55, %broadcast_in_dim3A_59 : vector<1x128xf32>
      %swap3A_61 = arith.constant 1 : index
      %swap3A_62 = arith.constant 0 : index
      %swap3A_63 = vector.load %arg9[%swap3A_61, %swap3A_62] : memref<8x128xf32, #tpu.memory_space<vmem>>, vector<1x128xf32>
      tpu.vector_store %arg9[%swap3A_61, %swap3A_62], %add3A_60 {strides = array<i32>} : memref<8x128xf32, #tpu.memory_space<vmem>>, vector<1x128xf32>,
    } else {
    }
    %eq3A_2 = arith.constant 1 : i32
    %eq3A_3 = arith.cmpi eq, %arg0, %eq3A_2 : i32
    %convert_element_type3A_4 = arith.extui %eq3A_3 : i1 to i32
    %cond3A_5 = arith.constant 0 : i32
    %cond3A_6 = arith.cmpi ne, %convert_element_type3A_4, %cond3A_5 : i32
    scf.if %cond3A_6 {
      %mul3A = arith.constant 2000 : i32
      %mul3A_7 = arith.muli %arg1, %mul3A : i32
      %get3A = arith.index_cast %mul3A_7 : i32 to index
      %get3A_8 = arith.constant 0 : index
      %get3A_9 = vector.load %arg8[%get3A, %get3A_8] : memref<10000x128xf32, #tpu.memory_space<vmem>>, vector<2000x128xf32>
      %get3A_10 = arith.constant 0 : index
      %get3A_11 = arith.constant 0 : index
      %get3A_12 = vector.load %arg9[%get3A_10, %get3A_11] : memref<8x128xf32, #tpu.memory_space<vmem>>, vector<1x128xf32>
      %mul3A_13 = arith.constant 9.99999974E-5 : f32
      %mul3A_14 = vector.broadcast %mul3A_13 : f32 to vector<1x128xf32>
      %mul3A_15 = arith.mulf %get3A_12, %mul3A_14 : vector<1x128xf32>
      %get3A_16 = arith.constant 1 : index
      %get3A_17 = arith.constant 0 : index
      %get3A_18 = vector.load %arg9[%get3A_16, %get3A_17] : memref<8x128xf32, #tpu.memory_space<vmem>>, vector<1x128xf32>
      %mul3A_19 = arith.constant 9.99999974E-5 : f32
      %mul3A_20 = vector.broadcast %mul3A_19 : f32 to vector<1x128xf32>
      %mul3A_21 = arith.mulf %get3A_18, %mul3A_20 : vector<1x128xf32>
      %mul3A_22 = arith.mulf %mul3A_15, %mul3A_15 : vector<1x128xf32>
      %sub3A = arith.subf %mul3A_21, %mul3A_22 : vector<1x128xf32>
      %add3A = arith.constant 9.99999974E-6 : f32
      %add3A_23 = vector.broadcast %add3A : f32 to vector<1x128xf32>
      %add3A_24 = arith.addf %sub3A, %add3A_23 : vector<1x128xf32>
      %rsqrt3A = math.rsqrt %add3A_24 : vector<1x128xf32>
      %sub3A_25 = vector.broadcast %mul3A_15 : vector<1x128xf32> to vector<2000x128xf32>
      %sub3A_26 = arith.subf %get3A_9, %sub3A_25 : vector<2000x128xf32>
      %mul3A_27 = vector.broadcast %rsqrt3A : vector<1x128xf32> to vector<2000x128xf32>
      %mul3A_28 = arith.mulf %sub3A_26, %mul3A_27 : vector<2000x128xf32>
      %get3A_29 = arith.constant 0 : index
      %get3A_30 = arith.constant 0 : index
      %get3A_31 = vector.load %arg5[%get3A_29, %get3A_30] : memref<1x128xf32, #tpu.memory_space<vmem>>, vector<1x128xf32>
      %mul3A_32 = vector.broadcast %get3A_31 : vector<1x128xf32> to vector<2000x128xf32>
      %mul3A_33 = arith.mulf %mul3A_28, %mul3A_32 : vector<2000x128xf32>
      %get3A_34 = arith.constant 0 : index
      %get3A_35 = arith.constant 0 : index
      %get3A_36 = vector.load %arg6[%get3A_34, %get3A_35] : memref<1x128xf32, #tpu.memory_space<vmem>>, vector<1x128xf32>
      %add3A_37 = vector.broadcast %get3A_36 : vector<1x128xf32> to vector<2000x128xf32>
      %add3A_38 = arith.addf %mul3A_33, %add3A_37 : vector<2000x128xf32>
      %max3A = arith.constant 0.000000e+00 : f32
      %max3A_39 = vector.broadcast %max3A : f32 to vector<2000x128xf32>
      %max3A_40 = arith.maximumf %add3A_38, %max3A_39 : vector<2000x128xf32>
      %swap3A = arith.constant 0 : index
      %swap3A_41 = arith.constant 0 : index
      %swap3A_42 = vector.load %arg7[%swap3A, %swap3A_41] : memref<2000x128xf32, #tpu.memory_space<vmem>>, vector<2000x128xf32>
      tpu.vector_store %arg7[%swap3A, %swap3A_41], %max3A_40 {strides = array<i32>} : memref<2000x128xf32, #tpu.memory_space<vmem>>, vector<2000x128xf32>,
    } else {
    }
    return
  }
  func.func @transform_0(%arg0: i32, %arg1: i32) -> (i32, i32, i32) {
    %eq3A = arith.constant 0 : i32
    %eq3A_0 = arith.cmpi eq, %arg0, %eq3A : i32
    %jit3A = arith.constant 4 : i32
    %select_n3A = arith.select %eq3A_0, %arg1, %jit3A : i32
    %c0_i32 = arith.constant 0 : i32
    %c0_i32_1 = arith.constant 0 : i32
    %c0_i32_2 = arith.constant 0 : i32
    return %c0_i32, %select_n3A, %c0_i32_1 : i32, i32, i32
  }
  func.func @transform_1(%arg0: i32, %arg1: i32) -> (i32, i32) {
    %eq3A = arith.constant 0 : i32
    %eq3A_0 = arith.cmpi eq, %arg0, %eq3A : i32
    %jit3A = arith.constant 4 : i32
    %select_n3A = arith.select %eq3A_0, %arg1, %jit3A : i32
    %c0_i32 = arith.constant 0 : i32
    %c0_i32_1 = arith.constant 0 : i32
    return %select_n3A, %c0_i32 : i32, i32
  }
  func.func @transform_2(%arg0: i32, %arg1: i32) -> (i32, i32) {
    %c0_i32 = arith.constant 0 : i32
    %c0_i32_0 = arith.constant 0 : i32
    %c0_i32_1 = arith.constant 0 : i32
    return %c0_i32, %c0_i32_0 : i32, i32
  }
  func.func @transform_3(%arg0: i32, %arg1: i32) -> (i32, i32) {
    %c0_i32 = arith.constant 0 : i32
    %c0_i32_0 = arith.constant 0 : i32
    %c0_i32_1 = arith.constant 0 : i32
    return %c0_i32, %c0_i32_0 : i32, i32
  }
  func.func @transform_4(%arg0: i32, %arg1: i32) -> (i32, i32) {
    %c0_i32 = arith.constant 0 : i32
    %c0_i32_0 = arith.constant 0 : i32
    %c0_i32_1 = arith.constant 0 : i32
    return %c0_i32, %c0_i32_0 : i32, i32
  }
  func.func @transform_5(%arg0: i32, %arg1: i32) -> (i32, i32) {
    %eq3A = arith.constant 0 : i32
    %eq3A_0 = arith.cmpi eq, %arg0, %eq3A : i32
    %jit3A = arith.constant 0 : i32
    %select_n3A = arith.select %eq3A_0, %jit3A, %arg1 : i32
    %c0_i32 = arith.constant 0 : i32
    %c0_i32_1 = arith.constant 0 : i32
    return %select_n3A, %c0_i32 : i32, i32
  }
}

</mosaic_0001>

<sc_bundles>
// kernel: kernel.10.cloned.1.call-start
scs
__scs_entry_jumppad:
0x0: {  	(pc) =	sbr.rel $0x88, $3  }
0x1: {  	(tag) =	ssettag $0x0;
	lr =	simm.s32 $0x1  }
0x2: {  	[smem:$0x3F99] =	sst lr;
	_ =	strace $0xD0000000  }
0x3: {  	_ = 	snop  }
0x4: {  	_ = 	snop  }
0x5: {  	_ = 	snop  }
0x6: {  	_ = 	snop  }
0x7: {  	_ = 	snop  }
__scs_overlays_trampoline_lowered:
0x8: {  	[smem:$0x3FA8] =	sst s0  }
0x9: {  	[smem:$0x3FA9] =	sst s1  }
0xa: {  	[smem:$0x3FAA] =	sst s2  }
0xb: {  	[smem:$0x3FAB] =	sst s3  }
0xc: {  	[smem:$0x3FAC] =	sst s4  }
0xd: {  	[smem:$0x3FAD] =	sst s5  }
0xe: {  	[smem:$0x3FAE] =	sst s6  }
0xf: {  	[smem:$0x3FAF] =	sst s7  }
0x10: {  	[smem:$0x3FB0] =	sst s8  }
0x11: {  	[smem:$0x3FB1] =	sst s9;
	s0 =	simm.s32 @!p0 $0x0  }
0x12: {  	s1 =	sld [smem:$0x3F97];
	s0 =	simm.s32 @p0 $0x1  }
0x13: {  	[smem:$0x3FB2] =	sst s0;
	s0 =	simm.s32 @!p1 $0x0  }
0x14: {  	s2 =	sld [smem:$0x3F96];
	s0 =	simm.s32 @p1 $0x1  }
0x15: {  	[smem:$0x3FB3] =	sst s0;
	s0 =	simm.s32 @!p2 $0x0  }
0x16: {  	s3 =	sld [smem:$0x3FDB];
	s0 =	simm.s32 @p2 $0x1  }
0x17: {  	s4 =	simm.s32 $0x1BF5;
	[smem:$0x3FB5] =	sst s0  }
0x18: {  	s0 =	sld [smem:$0x3F98];
	_ =	swait.ge [sflag:s4], $0x0  }
0x19: {  	s7 =	sld [smem:$0x3F99]  }
0x1a: {  	s8 =	sadd.s32 $0xFFFFE003, lr  }
0x1b: {  	s9 =	sadd.s32 $0xFFFFFEF7, lr;
	s5 =	simm.s32 $0xFFFFFFFF;
	p2 =	slt.u32 s8, $0xFFFFF086  }
0x1c: {  	p1 =	slt.u32 s9, $0xF7A;
	s5 =	simm.s32 @!p2 $0x0  }
0x1d: {  	s5 =	simm.s32 @p1 $0x1;
	p0 =	seq.s32 s7, s2  }
0x1e: {  	s7 =	smul.u32 @!p0 $0xF7A, s2;
	p2 =	seq.s32 @!p0 s5, $0x0  }
0x1f: {  	s9 =	smul.u32 $0xF7A, s1;
	s8 =	simm.s32 @!p0 $0x1BF5;
	p2 =	por !p2, p0  }
0x20: {  	[sflag:s8] =	ssyncset.s32 @!p0 $0xFFFFF086;
	s6 =	sadd.s32 @!p0 s3, s7;
	s7 =	simm.s32 @!p0 $0x108  }
0x21: {  	s3 =	sadd.s32 s3, s9;
	s6 =	sadd.s32 @!p0 $0x88, s6;
	s7 =	simm.s32 @p2 $0x1082  }
0x22: {  	[simem:s7], [sflag:s8] =	dma.local @!p0 [hbm:s6], $0xF7A  }
0x23: {  	s9 =	sor.u32 $0xD0000000, s2;
	s6 =	simm.s32 $0x108;
	_ =	swait.ge @!p0 [sflag:s8], $0x0  }
0x24: {  	s3 =	sadd.s32 $0x88, s3;
	s6 =	simm.s32 @!p1 $0x1082;
	[sflag:s4] =	ssyncset.s32 $0xFFFFF086  }
0x25: {  	[simem:s6], [sflag:s4] =	dma.local [hbm:s3], $0xF7A  }
0x26: {  	[smem:$0x3F99] =	sst s1;
	(tag) =	ssettag s2;
	_ =	strace s9  }
0x27: {  	s1 =	sld [smem:$0x3FA9]  }
0x28: {  	s2 =	sld [smem:$0x3FAA]  }
0x29: {  	s4 =	sld [smem:$0x3FAC]  }
0x2a: {  	p0 =	seq.s32 s5, $0x0;
	s5 =	sld [smem:$0x3FAD]  }
0x2b: {  	s6 =	sld [smem:$0x3FAE]  }
0x2c: {  	s7 =	sld [smem:$0x3FAF]  }
0x2d: {  	s3 =	simm.s32 $0x108;
	s8 =	sld [smem:$0x3FB0]  }
0x2e: {  	s3 =	simm.s32 @!p0 $0x1082;
	s9 =	sld [smem:$0x3FB1]  }
0x2f: {  	lr =	sadd.s32 s0, s3;
	s0 =	sld [smem:$0x3FA8]  }
0x30: {  	s3 =	sld [smem:$0x3FAB]  }
0x31: {  	[smem:$0x3FB4] =	sst s10  }
0x32: {  	s10 =	sld [smem:$0x3FB2];
	_ =	sdelay $0x3  }
0x33: {  	p0 =	seq.s32 s10, $0x1;
	s10 =	sld [smem:$0x3FB4];
	_ =	sdelay $0x3  }
0x34: {  	[smem:$0x3FB4] =	sst s10  }
0x35: {  	s10 =	sld [smem:$0x3FB3];
	_ =	sdelay $0x3  }
0x36: {  	p1 =	seq.s32 s10, $0x1;
	s10 =	sld [smem:$0x3FB4];
	_ =	sdelay $0x3  }
0x37: {  	[smem:$0x3FB4] =	sst s10  }
0x38: {  	s10 =	sld [smem:$0x3FB5]  }
0x39: {  	_ = 	snop;
	(pc) =	sbr.ind lr, $3  }
0x3a: {  	_ = 	snop  }
0x3b: {  	_ = 	snop  }
0x3c: {  	p2 =	seq.s32 s10, $0x1;
	s10 =	sld [smem:$0x3FB4]  }
0x3d: {  	_ =	shalt  }
0x3e: {  	_ =	shalt  }
0x3f: {  	_ =	shalt  }
0x40: {  	_ =	shalt  }
0x41: {  	_ =	shalt  }
0x42: {  	_ =	shalt  }
0x43: {  	_ =	shalt  }
0x44: {  	_ =	shalt  }
0x45: {  	_ =	shalt  }
0x46: {  	_ =	shalt  }
0x47: {  	_ =	shalt  }
0x48: {  	_ =	shalt  }
0x49: {  	_ =	shalt  }
0x4a: {  	_ =	shalt  }
0x4b: {  	_ =	shalt  }
0x4c: {  	_ =	shalt  }
0x4d: {  	_ =	shalt  }
0x4e: {  	_ =	shalt  }
0x4f: {  	_ =	shalt  }
0x50: {  	_ =	shalt  }
0x51: {  	_ =	shalt  }
0x52: {  	_ =	shalt  }
0x53: {  	_ =	shalt  }
0x54: {  	_ =	shalt  }
0x55: {  	_ =	shalt  }
0x56: {  	_ =	shalt  }
0x57: {  	_ =	shalt  }
0x58: {  	_ =	shalt  }
0x59: {  	_ =	shalt  }
0x5a: {  	_ =	shalt  }
0x5b: {  	_ =	shalt  }
0x5c: {  	_ =	shalt  }
0x5d: {  	_ =	shalt  }
0x5e: {  	_ =	shalt  }
0x5f: {  	_ =	shalt  }
0x60: {  	_ =	shalt  }
0x61: {  	_ =	shalt  }
0x62: {  	_ =	shalt  }
0x63: {  	_ =	shalt  }
0x64: {  	_ =	shalt  }
0x65: {  	_ =	shalt  }
0x66: {  	_ =	shalt  }
0x67: {  	_ =	shalt  }
0x68: {  	_ =	shalt  }
0x69: {  	_ =	shalt  }
0x6a: {  	_ =	shalt  }
0x6b: {  	_ =	shalt  }
0x6c: {  	_ =	shalt  }
0x6d: {  	_ =	shalt  }
0x6e: {  	_ =	shalt  }
0x6f: {  	_ =	shalt  }
0x70: {  	_ =	shalt  }
0x71: {  	_ =	shalt  }
0x72: {  	_ =	shalt  }
0x73: {  	_ =	shalt  }
0x74: {  	_ =	shalt  }
0x75: {  	_ =	shalt  }
0x76: {  	_ =	shalt  }
0x77: {  	_ =	shalt  }
0x78: {  	_ =	shalt  }
0x79: {  	_ =	shalt  }
0x7a: {  	_ =	shalt  }
0x7b: {  	_ =	shalt  }
0x7c: {  	_ =	shalt  }
0x7d: {  	_ =	shalt  }
0x7e: {  	_ =	shalt  }
0x7f: {  	_ =	shalt  }
0x80: {  	_ =	shalt  }
0x81: {  	_ =	shalt  }
0x82: {  	_ =	shalt  }
0x83: {  	_ =	shalt  }
0x84: {  	_ =	shalt  }
0x85: {  	_ =	shalt  }
0x86: {  	_ =	shalt  }
0x87: {  	_ =	shalt  }
.Lfunc_end0:
.L_simem_size_0:
called_computation.1_lowered:
.L_overlay_start_0:
0x88: {  	s2 =	sld [smem:$0x3FD9]  }
0x89: {  	s3 =	sld [smem:$0x3FFE];
	_ =	sdelay $0x1  }
0x8a: {  	s1 =	srdreg.scid  }
0x8b: {  	s0 =	sand.u32 $0x1, s1  }
0x8c: {  	s17 =	sshll.u32 s0, $0xA;
	s2 =	sadd.s32 s3, s2  }
0x8d: {  	s2 =	sadd.s32 s2, s17  }
0x8e: {  	[smem:$0x3FC0] =	sst s2  }
0x8f: {  	_ = 	snop  }
0x90: {  	s2 =	sld [smem:$0x3FD0];
	(tm) =	ssettm $0x1  }
0x91: {  	s18 =	sld [smem:$0x3FFB];
	_ =	sdelay $0x3  }
0x92: {  	_ =	strace s18  }
0x93: {  	s3 =	sld [smem:$0x3FFC];
	_ =	sdelay $0x3  }
0x94: {  	_ =	strace s3  }
0x95: {  	s3 =	sld [smem:$0x3FFD];
	_ =	sdelay $0x3  }
0x96: {  	_ =	strace s3  }
0x97: {  	_ =	strace $0x8FFFFFFF  }
0x98: {  	s19 =	sld [smem:$0x3FDB];
	_ =	sdelay $0x1  }
0x99: {  	s4 =	simm.s32 $_scs_section_size  }
0x9a: {  	s5 =	simm.s32 $_size__tile_overlayer_lowered;
	s6 =	simm.s32 $_tile_overlayer_lowered  }
0x9b: {  	s22 =	simm.s32 $0x1BFF;
	s21 =	sshll.u32 s6, $0x1;
	s3 =	sadd.s32 s4, s19  }
0x9c: {  	s7 =	simm.s32 $0x0;
	s20 =	sshll.u32 s5, $0x1;
	s5 =	sadd.s32 s21, s3  }
0x9d: {  	[timem:s7], [sflag:s22] =	dma.local [hbm:s5], s20  }
0x9e: {  	_ =	swait.ge [sflag:s22], s20  }
0x9f: {  	s4 =	ssub.s32 $0x0, s20;
	[sflag:s22] =	ssyncset.done $0x0  }
0xa0: {  	[sflag:s22] =	ssyncadd.s32 s4;
	_ =	sdelay $0x1  }
0xa1: {  	s23 =	simm.s32 $0x1B8B  }
0xa2: {  	_ =	swait.ge [sflag:s23], $0x1  }
0xa3: {  	[sflag:s23] =	ssyncset.done $0x0  }
0xa4: {  	s25 =	simm.s32 $0x1B8E;
	s24 =	sld [smem:$0x3FFE];
	[sflag:s23] =	ssyncadd.s32 $0xFFFFFFFF  }
0xa5: {  	s26 =	simm.s32 $execute0_lowered;
	[smem:$0x3FD2] =	sst s25  }
0xa6: {  	s5 =	sshll.u32 s26, $0x1;
	_ =	strace $0x80000049;
	[dreg:$0x1] =	wrdreg $0xFFFFFFFF  }
0xa7: {  	s28 =	simm.s32 $_size_execute0_lowered;
	s3 =	sadd.s32 s3, s5;
	[dreg:$0x0] =	wrdreg $0x0  }
0xa8: {  	s5 =	sshll.u32 s28, $0x1;
	[dreg:$0x2] =	wrdreg s3  }
0xa9: {  	[dreg:$0x3] =	wrdreg s5  }
0xaa: {  	[dreg:$0x4] =	wrdreg $0xC0  }
0xab: {  	_ =	task [dreg:s7], $0x5FFFF  }
0xac: {  	[dreg:$0x1] =	wrdreg $0xFFFFFFFF  }
0xad: {  	[dreg:$0x0] =	wrdreg $0x60  }
0xae: {  	[dreg:$0x2] =	wrdreg s2  }
0xaf: {  	[dreg:$0x3] =	wrdreg s24  }
0xb0: {  	[dreg:$0x4] =	wrdreg $0x88000  }
0xb1: {  	[dreg:$0x5] =	wrdreg $0x9  }
0xb2: {  	_ =	task.clear_ibuf [dreg:s7], $0x6FFFF;
	_ =	strace $0x90000049  }
0xb3: {  	s29 =	simm.s32 $0x9;
	_ =	strace $0x8000004B  }
0xb4: {  	_ =	swait.ge [sflag:s29], $0x1  }
0xb5: {  	[sflag:s29] =	ssyncadd.s32 $0xFFFFFFFF  }
0xb6: {  	_ =	strace $0x9000004B  }
0xb7: {  	_ =	sfence  }
0xb8: {  	s30 =	sld [smem:$0x0];
	_ =	sdelay $0x2  }
0xb9: {  	s31 =	sshll.u32 s1, $0xD;
	s1 =	sshrl.u32 s1, $0x2  }
0xba: {  	s3 =	sand.u32 $0x4000, s31;
	s1 =	sadd.s32 s1, s30  }
0xbb: {  	s0 =	sor.u32 s3, s0;
	s1 =	sshll.u32 s1, $0x11  }
0xbc: {  	s0 =	sor.u32 s1, s0  }
0xbd: {  	s0 =	sadd.s32 $0x8F2B, s0  }
0xbe: {  	[sflag:s0] =	ssyncadd.remote.s32 $0x1  }
0xbf: {  	_ =	sfence.sel $0xFFFF  }
0xc0: {  	[dreg:$0x0] =	wrdreg $0xFFFFFFFF;
	(pc) =	sbr.abs _section_cstart, $3  }
0xc1: {  	[dreg:$0x1] =	wrdreg $0xFFFFFFFF  }
0xc2: {  	_ =	task.clear_ibuf [dreg:s7], $0x2FFFF;
	_ =	strace $0x9FFFFFFF  }
0xc3: {  	(tm) =	ssettm $0x7FFFFFFF  }
tec
execute0_lowered:
.L_overlay_start_1:
0x0: {  	(tag) =	ssettag $0x1  }
0x1: {  	s21 =	rddreg [dreg:$0x0]  }
0x2: {  	s2 =	rddreg [dreg:$0x1]  }
0x3: {  	s17 =	rddreg [dreg:$0x2]  }
0x4: {  	s0 =	srdreg.scid;
	s13 =	stileid.u32  }
0x5: {  	s8 =	sand.u32 $0x1, s0;
	s24 =	sshll.u32 s13, $0x1;
	s7 =	smul.u32 $0x14000, s13  }
0x6: {  	s4 =	simm.s32 $0x0;
	s6 =	smul.u32 $0x140000, s8;
	s0 =	sor.u32 s8, s24  }
0x7: {  	[smem:$0x7FF] =	sst s4;
	s9 =	smul.u32 $0x2800, s0  }
0x8: {  	s5 =	sadd.s32 $0x2E00, s2;
	s1 =	smul.u32 $0x5000, s13;
	_ =	strace $0x8000004A  }
0x9: {  	s10 =	ssub.s32 $0x2, s8;
	s6 =	sadd.s32 s7, s6;
	s7 =	sshrl.u32 s9, $0x3  }
0xa: {  	s0 =	sadd.s32 $0xCE00, s2;
	s6 =	sshrl.u32 s6, $0x3;
	s9 =	sor.u32 $0x8, s7  }
0xb: {  	s25 =	sshrl.u32 s10, $0x1;
	s2 =	sadd.s32 s6, s2;
	s26 =	sadd.s32 s0, s9  }
0xc: {  	s29 =	sor.u32 $0x10, s7;
	s9 =	sadd.s32 s5, s9;
	[dreg:$0x14] =	wrdreg s26  }
0xd: {  	s6 =	ssub.s32 s10, s25;
	s30 =	sadd.s32 s0, s29;
	[dreg:$0x15] =	wrdreg s9  }
0xe: {  	s3 =	sor.u32 $0x18, s7;
	s10 =	sadd.s32 s5, s29;
	[dreg:$0x16] =	wrdreg s30  }
0xf: {  	s12 =	sor.u32 $0x20, s7;
	s11 =	sadd.s32 s0, s3;
	[dreg:$0x17] =	wrdreg s10  }
0x10: {  	s8 =	smul.u32 $0x2800, s8;
	s14 =	sadd.s32 s0, s12;
	[dreg:$0x18] =	wrdreg s11  }
0x11: {  	s15 =	sor.u32 $0x28, s7;
	s16 =	sadd.s32 s5, s12;
	[dreg:$0x1a] =	wrdreg s14  }
0x12: {  	s8 =	sadd.s32 s8, s1;
	s18 =	sadd.s32 s0, s15;
	[dreg:$0x1b] =	wrdreg s16  }
0x13: {  	s19 =	sor.u32 $0x4C0, s8;
	s20 =	sadd.s32 s5, s15;
	[dreg:$0x1c] =	wrdreg s18  }
0x14: {  	s12 =	sor.u32 $0x480, s8;
	s2 =	sadd.s32 $0x16E00, s2;
	[dreg:$0x1d] =	wrdreg s20  }
0x15: {  	s10 =	sadd.s32 s5, s3;
	s9 =	sshrl.u32 s19, $0x3;
	[smem:$0x7F2] =	sst s2  }
0x16: {  	s15 =	sor.u32 $0x3C0, s8;
	[dreg:$0x19] =	wrdreg s10;
	s23 =	sadd.s32 s9, s5  }
0x17: {  	s24 =	sshrl.u32 s12, $0x3;
	s9 =	sadd.s32 s9, s0;
	[dreg:$0x4] =	wrdreg s23  }
0x18: {  	s26 =	sor.u32 $0x440, s8;
	s25 =	sadd.s32 s24, s5;
	[dreg:$0x5] =	wrdreg s9  }
0x19: {  	s18 =	sshrl.u32 s15, $0x3;
	s29 =	sadd.s32 s24, s0;
	[dreg:$0x6] =	wrdreg s25  }
0x1a: {  	s10 =	sor.u32 $0x30, s7;
	s19 =	sadd.s32 s18, s5;
	[dreg:$0x7] =	wrdreg s29  }
0x1b: {  	s30 =	sshrl.u32 s26, $0x3;
	s22 =	sadd.s32 s0, s10;
	[dreg:$0xc] =	wrdreg s19  }
0x1c: {  	s3 =	sor.u32 $0x400, s8;
	s1 =	sadd.s32 s30, s5;
	[dreg:$0x1e] =	wrdreg s22  }
0x1d: {  	s12 =	sshrl.u32 s3, $0x3;
	s11 =	sadd.s32 s30, s0;
	[dreg:$0x8] =	wrdreg s1  }
0x1e: {  	s14 =	sadd.s32 s12, s5;
	[dreg:$0x9] =	wrdreg s11  }
0x1f: {  	s16 =	sadd.s32 s12, s0;
	[dreg:$0xa] =	wrdreg s14  }
0x20: {  	s15 =	sor.u32 $0x48, s7;
	s10 =	sadd.s32 s5, s10;
	[dreg:$0xb] =	wrdreg s16  }
0x21: {  	s20 =	sor.u32 $0x380, s8;
	s19 =	sadd.s32 s5, s15;
	[dreg:$0x1f] =	wrdreg s10  }
0x22: {  	s23 =	sshrl.u32 s20, $0x3;
	s22 =	sadd.s32 s18, s0;
	[smem:$0x7E3] =	sst s19  }
0x23: {  	s24 =	sadd.s32 s23, s5;
	[dreg:$0xd] =	wrdreg s22  }
0x24: {  	s26 =	sadd.s32 s23, s0;
	[dreg:$0xe] =	wrdreg s24  }
0x25: {  	s20 =	sor.u32 $0x50, s7;
	s18 =	sadd.s32 s0, s15;
	[dreg:$0xf] =	wrdreg s26  }
0x26: {  	s25 =	sor.u32 $0x340, s8;
	s23 =	sadd.s32 s0, s20;
	[smem:$0x7E2] =	sst s18  }
0x27: {  	s29 =	sshrl.u32 s25, $0x3;
	s19 =	smax.u32 s6, $0x1;
	[smem:$0x7E4] =	sst s23  }
0x28: {  	s1 =	sor.u32 $0x38, s7;
	s30 =	sadd.s32 s29, s5;
	[smem:$0x7F3] =	sst s19  }
0x29: {  	s3 =	sadd.s32 s0, s1;
	[dreg:$0x10] =	wrdreg s30  }
0x2a: {  	s8 =	sor.u32 $0x300, s8;
	s10 =	sadd.s32 s5, s1;
	[smem:$0x7DE] =	sst s3  }
0x2b: {  	s8 =	sshrl.u32 s8, $0x3;
	s11 =	sadd.s32 s29, s0;
	[smem:$0x7DF] =	sst s10  }
0x2c: {  	s14 =	sor.u32 $0x40, s7;
	s12 =	sadd.s32 s8, s5;
	[dreg:$0x11] =	wrdreg s11  }
0x2d: {  	s16 =	sadd.s32 s0, s14;
	[dreg:$0x12] =	wrdreg s12  }
0x2e: {  	s9 =	sadd.s32 s5, s14;
	[smem:$0x7E0] =	sst s16  }
0x2f: {  	s22 =	sor.u32 $0x58, s7;
	[smem:$0x7E1] =	sst s9;
	s9 =	sadd.s32 s5, s20  }
0x30: {  	s24 =	sadd.s32 s0, s22;
	[smem:$0x7E5] =	sst s9  }
0x31: {  	s26 =	sadd.s32 $0x4E0, s7;
	s25 =	sadd.s32 s5, s22;
	[smem:$0x7E6] =	sst s24  }
0x32: {  	s29 =	sadd.s32 $0x4E8, s7;
	s30 =	sadd.s32 s0, s26;
	[smem:$0x7E7] =	sst s25  }
0x33: {  	s1 =	sadd.s32 s0, s29;
	[smem:$0x7E8] =	sst s30  }
0x34: {  	s3 =	sadd.s32 s5, s29;
	[smem:$0x7EA] =	sst s1  }
0x35: {  	s10 =	sadd.s32 s0, s7;
	[smem:$0x7EB] =	sst s3  }
0x36: {  	s13 =	smul.u32 $0x50000, s13;
	s11 =	sadd.s32 s5, s7;
	[smem:$0x7EC] =	sst s10  }
0x37: {  	s12 =	sadd.s32 $0x4F0, s7;
	s9 =	sadd.s32 s5, s26;
	[smem:$0x7ED] =	sst s11  }
0x38: {  	s7 =	sadd.s32 $0x4F8, s7;
	s14 =	sadd.s32 s0, s12;
	[smem:$0x7E9] =	sst s9  }
0x39: {  	s15 =	sadd.s32 s0, s7;
	[smem:$0x7EE] =	sst s14  }
0x3a: {  	s16 =	sshrl.u32 s13, $0x2;
	s0 =	sadd.s32 s8, s0;
	[smem:$0x7F1] =	sst s15  }
0x3b: {  	s18 =	sadd.s32 s16, s17;
	[dreg:$0x13] =	wrdreg s0  }
0x3c: {  	s9 =	sadd.s32 s5, s12;
	[smem:$0x7FC] =	sst s18  }
0x3d: {  	s31 =	simm.s32 $0x480;
	s5 =	sadd.s32 s5, s7;
	[smem:$0x7EF] =	sst s9  }
0x3e: {  	s28 =	simm.s32 $0x6;
	s20 =	sadd.s32 $0x2000, s18;
	[smem:$0x7F0] =	sst s5  }
0x3f: {  	s2 =	simm.s32 $0x40;
	s22 =	sadd.s32 $0x4000, s18;
	[smem:$0x7F4] =	sst s20  }
0x40: {  	s19 =	simm.s32 $0x580;
	s23 =	sadd.s32 $0x6000, s18;
	[smem:$0x7F5] =	sst s22  }
0x41: {  	s8 =	simm.s32 $0x100;
	s24 =	sadd.s32 $0x8000, s18;
	[smem:$0x7F6] =	sst s23  }
0x42: {  	s16 =	simm.s32 $0x1;
	s25 =	sadd.s32 $0xA000, s18;
	[smem:$0x7F7] =	sst s24  }
0x43: {  	s11 =	simm.s32 $0x3;
	s26 =	sadd.s32 $0xC000, s18;
	[smem:$0x7F8] =	sst s25  }
0x44: {  	s1 =	simm.s32 $0x4;
	s29 =	sadd.s32 $0xE000, s18;
	[smem:$0x7F9] =	sst s26  }
0x45: {  	s10 =	simm.s32 $0x0;
	s30 =	sadd.s32 $0x10000, s18;
	[smem:$0x7FA] =	sst s29  }
0x46: {  	s0 =	sadd.s32 $0x12000, s18;
	s7 =	simm.s32 $0x400;
	[smem:$0x7FB] =	sst s30  }
0x47: {  	s14 =	simm.s32 $0x180;
	s15 =	simm.s32 $0x2800;
	[smem:$0x7FD] =	sst s0  }
0x48: {  	s22 =	simm.s32 $0x80;
	s24 =	simm.s32 $0x500;
	s5 =	simm.s32 $0x800  }
0x49: {  	v0 =	vimm.f32 $0.0e+00;
	s9 =	simm.s32 $0x4800;
	s26 =	simm.s32 $0x2;
	s23 =	simm.s32 $0x5  }
.LBB2_1:
0x4a: {  	s0 =	sld [smem:$0x7EC]  }
0x4b: {  	[smem:$0x7DD] =	sst s10  }
0x4c: {  	s12 =	sld [smem:$0x7ED]  }
0x4d: {  	[tilespmem:s4], [sflag:$0x7] =	stream.linear.gather [hbm4b:s0+s4], $0x40, $0x38;
	[tilespmem:$0x1C800] =	vst v63  }
0x4e: {  	s13 =	rddreg [dreg:$0x14]  }
0x4f: {  	[tilespmem:s7], [sflag:$0xF] =	stream.linear.gather [hbm4b:s12+s4], $0x40, $0x38;
	[tilespmem:$0x1C800] =	vst v63  }
0x50: {  	s18 =	rddreg [dreg:$0x15]  }
0x51: {  	[tilespmem:s22], [sflag:$0x8] =	stream.linear.gather [hbm4b:s13+s4], $0x40, $0x38;
	[tilespmem:$0x1C800] =	vst v63  }
0x52: {  	s20 =	rddreg [dreg:$0x16]  }
0x53: {  	[tilespmem:s31], [sflag:$0x10] =	stream.linear.gather [hbm4b:s18+s4], $0x40, $0x38;
	[tilespmem:$0x1C800] =	vst v63  }
0x54: {  	s25 =	rddreg [dreg:$0x18];
	s30 =	sand.u32 $0x7E00, s4  }
0x55: {  	[tilespmem:s8], [sflag:$0x9] =	stream.linear.gather [hbm4b:s20+s4], $0x40, $0x38;
	[tilespmem:$0x1C800] =	vst v63  }
0x56: {  	s0 =	sshrl.u32 s30, $0x2;
	s22 =	rddreg [dreg:$0x17];
	s31 =	sand.u32 $0x70, s4  }
0x57: {  	[tilespmem:s24], [sflag:$0x11] =	stream.linear.gather [hbm4b:s22+s4], $0x40, $0x38;
	[tilespmem:$0x1C800] =	vst v63  }
0x58: {  	s29 =	rddreg [dreg:$0x19];
	s0 =	sor.u32 s31, s0  }
0x59: {  	[tilespmem:s14], [sflag:$0xA] =	stream.linear.gather [hbm4b:s25+s4], $0x40, $0x38;
	[tilespmem:$0x1C800] =	vst v63  }
0x5a: {  	s31 =	simm.s32 $0x0;
	s20 =	simm.s32 $0x180;
	s22 =	simm.s32 $0x40  }
0x5b: {  	[tilespmem:s19], [sflag:$0x12] =	stream.linear.gather [hbm4b:s29+s4], $0x40, $0x38;
	[tilespmem:$0x1C800] =	vst v63  }
.LBB2_2:
0x5c: {  	p0 =	sne.s32 s22, $0x7FC0  }
0x5d: {  	[tilespmem:s0+$0x800] =	vst v0;
	s31 =	sadd.s32 $0x10, s31;
	s0 =	smov.u32 s22;
	s22 =	sadd.s32 $0x40, s22  }
.Ltmp0:
0x5e: {  	(pc) =	sbr.rel @p0 .LBB2_2-.Ltmp0, $4  }
0x5f: {  	_ = 	snop  }
0x60: {  	s0 =	sand.u32 $0x7E00, s0  }
0x61: {  	s7 =	sand.u32 $0x70, s31;
	s0 =	sshrl.u32 s0, $0x2  }
0x62: {  	s0 =	sor.u32 s7, s0  }
0x63: {  	s13 =	sld [smem:$0x7FC];
	_ =	sdelay $0x1  }
0x64: {  	[tilespmem:s0+$0x800] =	vst v0;
	s7 =	simm.s32 $0x17  }
0x65: {  	[spmem:s13] =	stream.linear.scatter [tilespmem:s5], [sflag:$0x17], $0x2000, $0x38;
	[tilespmem:$0x1C800] =	vst v63  }
0x66: {  	_ =	swait.ge [sflag:s7], $0x2000  }
0x67: {  	s14 =	sld [smem:$0x7F4]  }
0x68: {  	[sflag:s7] =	ssyncset.done $0x0  }
0x69: {  	[sflag:s7] =	ssyncadd.s32 $0xFFFFE000  }
0x6a: {  	[spmem:s14] =	stream.linear.scatter [tilespmem:s5], [sflag:$0x17], $0x2000, $0x38;
	[tilespmem:$0x1C800] =	vst v63  }
0x6b: {  	_ =	swait.ge [sflag:s7], $0x2000  }
0x6c: {  	s18 =	sld [smem:$0x7F5]  }
0x6d: {  	[sflag:s7] =	ssyncset.done $0x0  }
0x6e: {  	[sflag:s7] =	ssyncadd.s32 $0xFFFFE000  }
0x6f: {  	[spmem:s18] =	stream.linear.scatter [tilespmem:s5], [sflag:$0x17], $0x2000, $0x38;
	[tilespmem:$0x1C800] =	vst v63  }
0x70: {  	_ =	swait.ge [sflag:s7], $0x2000  }
0x71: {  	s19 =	sld [smem:$0x7F6]  }
0x72: {  	[sflag:s7] =	ssyncset.done $0x0  }
0x73: {  	[sflag:s7] =	ssyncadd.s32 $0xFFFFE000  }
0x74: {  	[spmem:s19] =	stream.linear.scatter [tilespmem:s5], [sflag:$0x17], $0x2000, $0x38;
	[tilespmem:$0x1C800] =	vst v63  }
0x75: {  	_ =	swait.ge [sflag:s7], $0x2000  }
0x76: {  	s22 =	sld [smem:$0x7F7]  }
0x77: {  	[sflag:s7] =	ssyncset.done $0x0  }
0x78: {  	[sflag:s7] =	ssyncadd.s32 $0xFFFFE000  }
0x79: {  	[spmem:s22] =	stream.linear.scatter [tilespmem:s5], [sflag:$0x17], $0x2000, $0x38;
	[tilespmem:$0x1C800] =	vst v63  }
0x7a: {  	_ =	swait.ge [sflag:s7], $0x2000  }
0x7b: {  	s24 =	sld [smem:$0x7F8]  }
0x7c: {  	[sflag:s7] =	ssyncset.done $0x0  }
0x7d: {  	[sflag:s7] =	ssyncadd.s32 $0xFFFFE000  }
0x7e: {  	[spmem:s24] =	stream.linear.scatter [tilespmem:s5], [sflag:$0x17], $0x2000, $0x38;
	[tilespmem:$0x1C800] =	vst v63  }
0x7f: {  	_ =	swait.ge [sflag:s7], $0x2000  }
0x80: {  	s25 =	sld [smem:$0x7F9]  }
0x81: {  	[sflag:s7] =	ssyncset.done $0x0  }
0x82: {  	[sflag:s7] =	ssyncadd.s32 $0xFFFFE000  }
0x83: {  	[spmem:s25] =	stream.linear.scatter [tilespmem:s5], [sflag:$0x17], $0x2000, $0x38;
	[tilespmem:$0x1C800] =	vst v63  }
0x84: {  	_ =	swait.ge [sflag:s7], $0x2000  }
0x85: {  	s29 =	sld [smem:$0x7FA]  }
0x86: {  	[sflag:s7] =	ssyncset.done $0x0  }
0x87: {  	[sflag:s7] =	ssyncadd.s32 $0xFFFFE000  }
0x88: {  	[spmem:s29] =	stream.linear.scatter [tilespmem:s5], [sflag:$0x17], $0x2000, $0x38;
	[tilespmem:$0x1C800] =	vst v63  }
0x89: {  	_ =	swait.ge [sflag:s7], $0x2000  }
0x8a: {  	s3 =	sld [smem:$0x7FB]  }
0x8b: {  	[sflag:s7] =	ssyncset.done $0x0  }
0x8c: {  	[sflag:s7] =	ssyncadd.s32 $0xFFFFE000  }
0x8d: {  	[spmem:s3] =	stream.linear.scatter [tilespmem:s5], [sflag:$0x17], $0x2000, $0x38;
	[tilespmem:$0x1C800] =	vst v63  }
0x8e: {  	_ =	swait.ge [sflag:s7], $0x2000  }
0x8f: {  	s6 =	sld [smem:$0x7FD]  }
0x90: {  	[sflag:s7] =	ssyncset.done $0x0  }
0x91: {  	[sflag:s7] =	ssyncadd.s32 $0xFFFFE000  }
0x92: {  	[spmem:s6] =	stream.linear.scatter [tilespmem:s5], [sflag:$0x17], $0x2000, $0x38;
	[tilespmem:$0x1C800] =	vst v63  }
0x93: {  	_ =	swait.ge [sflag:s7], $0x2000  }
0x94: {  	[sflag:s7] =	ssyncset.done $0x0  }
0x95: {  	[sflag:s7] =	ssyncadd.s32 $0xFFFFE000  }
0x96: {  	s7 =	simm.s32 $0x7;
	[bflag:$0x0] =	sbarrier.arrive $0xFFFF  }
0x97: {  	_ =	swait.ge [sflag:s7], $0x40  }
0x98: {  	[sflag:s7] =	ssyncset.done $0x0  }
0x99: {  	s3 =	simm.s32 $0xF;
	[sflag:s7] =	ssyncadd.s32 $0xFFFFFFC0  }
0x9a: {  	_ =	swait.ge [sflag:s3], $0x40  }
0x9b: {  	[sflag:s3] =	ssyncset.done $0x0  }
0x9c: {  	s30 =	simm.s32 $0x800;
	s22 =	simm.s32 $0x0;
	[sflag:s3] =	ssyncadd.s32 $0xFFFFFFC0  }
0x9d: {  	[tilespmem:s30], [sflag:$0x1] =	stream.indirect.gather [hbm4b:s21+s2], $0x80, s22, s2, $0xb8;
	[tilespmem:$0x1C800] =	vst v63  }
0x9e: {  	s10 =	simm.s32 $0x200;
	s8 =	rddreg [dreg:$0x1a]  }
0x9f: {  	[tilespmem:s10], [sflag:$0xB] =	stream.linear.gather [hbm4b:s8+s22], $0x40, $0x38;
	[tilespmem:$0x1C800] =	vst v63  }
0xa0: {  	s13 =	simm.s32 $0x600;
	s12 =	rddreg [dreg:$0x1b];
	s8 =	simm.s32 $0x8  }
0xa1: {  	[tilespmem:s13], [sflag:$0x13] =	stream.linear.gather [hbm4b:s12+s22], $0x40, $0x38;
	[tilespmem:$0x1C800] =	vst v63  }
0xa2: {  	_ =	swait.ge [sflag:s8], $0x40  }
0xa3: {  	[sflag:s8] =	ssyncset.done $0x0  }
0xa4: {  	s12 =	simm.s32 $0x10;
	[sflag:s8] =	ssyncadd.s32 $0xFFFFFFC0  }
0xa5: {  	_ =	swait.ge [sflag:s12], $0x40  }
0xa6: {  	[sflag:s12] =	ssyncset.done $0x0  }
0xa7: {  	s14 =	simm.s32 $0x80;
	[sflag:s12] =	ssyncadd.s32 $0xFFFFFFC0  }
0xa8: {  	[tilespmem:s15], [sflag:$0x2] =	stream.indirect.gather [hbm4b:s21+s2], $0x80, s14, s2, $0xb8;
	[tilespmem:$0x1C800] =	vst v63  }
0xa9: {  	s18 =	simm.s32 $0x280;
	s15 =	rddreg [dreg:$0x1c]  }
0xaa: {  	[tilespmem:s18], [sflag:$0xC] =	stream.linear.gather [hbm4b:s15+s22], $0x40, $0x38;
	[tilespmem:$0x1C800] =	vst v63  }
0xab: {  	s6 =	simm.s32 $0x680;
	s19 =	rddreg [dreg:$0x1d];
	s18 =	simm.s32 $0x9  }
0xac: {  	[tilespmem:s6], [sflag:$0x14] =	stream.linear.gather [hbm4b:s19+s22], $0x40, $0x38;
	[tilespmem:$0x1C800] =	vst v63  }
0xad: {  	_ =	swait.ge [sflag:s18], $0x40  }
0xae: {  	[sflag:s18] =	ssyncset.done $0x0  }
0xaf: {  	s14 =	simm.s32 $0x11;
	[sflag:s18] =	ssyncadd.s32 $0xFFFFFFC0  }
0xb0: {  	_ =	swait.ge [sflag:s14], $0x40  }
0xb1: {  	[sflag:s14] =	ssyncset.done $0x0  }
0xb2: {  	s25 =	simm.s32 $0x100;
	[sflag:s14] =	ssyncadd.s32 $0xFFFFFFC0  }
0xb3: {  	[tilespmem:s9], [sflag:$0x3] =	stream.indirect.gather [hbm4b:s21+s2], $0x80, s25, s2, $0xb8;
	[tilespmem:$0x1C800] =	vst v63  }
0xb4: {  	_ =	swait.ge [sflag:s16], $0x2000  }
0xb5: {  	[sflag:s16] =	ssyncset.done $0x0  }
0xb6: {  	s29 =	simm.s32 $0x400;
	[sflag:s16] =	ssyncadd.s32 $0xFFFFE000  }
0xb7: {  	[spmem:s17] =	stream.indirect.scatter.add.f32 [tilespmem:s30], [sflag:$0x5], $0x80, s29, s2, $0xb8;
	[tilespmem:$0x1C800] =	vst v63  }
0xb8: {  	s9 =	simm.s32 $0x300;
	s6 =	rddreg [dreg:$0x1e]  }
0xb9: {  	[tilespmem:s9], [sflag:$0xD] =	stream.linear.gather [hbm4b:s6+s22], $0x40, $0x38;
	[tilespmem:$0x1C800] =	vst v63  }
0xba: {  	s13 =	simm.s32 $0x700;
	s25 =	simm.s32 $0xA;
	s10 =	rddreg [dreg:$0x1f]  }
0xbb: {  	[tilespmem:s13], [sflag:$0x15] =	stream.linear.gather [hbm4b:s10+s22], $0x40, $0x38;
	[tilespmem:$0x1C800] =	vst v63  }
0xbc: {  	_ =	swait.ge [sflag:s25], $0x40  }
0xbd: {  	[sflag:s25] =	ssyncset.done $0x0  }
0xbe: {  	s19 =	simm.s32 $0x12;
	[sflag:s25] =	ssyncadd.s32 $0xFFFFFFC0  }
0xbf: {  	_ =	swait.ge [sflag:s19], $0x40  }
0xc0: {  	[sflag:s19] =	ssyncset.done $0x0  }
0xc1: {  	s15 =	simm.s32 $0x6800;
	[sflag:s19] =	ssyncadd.s32 $0xFFFFFFC0  }
0xc2: {  	[tilespmem:s15], [sflag:$0x4] =	stream.indirect.gather [hbm4b:s21+s2], $0x80, s20, s2, $0xb8;
	[tilespmem:$0x1C800] =	vst v63  }
0xc3: {  	_ =	swait.ge [sflag:s26], $0x2000  }
0xc4: {  	s5 =	simm.s32 $0x2800;
	s6 =	smov.u32 s17;
	[sflag:s26] =	ssyncset.done $0x0  }
0xc5: {  	s17 =	smov.u32 s21;
	s21 =	simm.s32 $0x480;
	[sflag:s26] =	ssyncadd.s32 $0xFFFFE000  }
0xc6: {  	[spmem:s6] =	stream.indirect.scatter.add.f32 [tilespmem:s5], [sflag:$0x6], $0x80, s21, s2, $0xb8;
	[tilespmem:$0x1C800] =	vst v63  }
0xc7: {  	s5 =	sld [smem:$0x7DE];
	_ =	sdelay $0x1  }
0xc8: {  	s15 =	simm.s32 $0x380;
	s20 =	sld [smem:$0x7DF]  }
0xc9: {  	[tilespmem:s15], [sflag:$0xE] =	stream.linear.gather [hbm4b:s5+s22], $0x40, $0x38;
	[tilespmem:$0x1C800] =	vst v63  }
0xca: {  	s21 =	simm.s32 $0x780  }
0xcb: {  	[tilespmem:s21], [sflag:$0x16] =	stream.linear.gather [hbm4b:s20+s22], $0x40, $0x38;
	[tilespmem:$0x1C800] =	vst v63  }
0xcc: {  	_ =	swait.ge [sflag:s23], $0x2000  }
0xcd: {  	[sflag:s23] =	ssyncset.done $0x0  }
0xce: {  	s21 =	simm.s32 $0xB;
	[sflag:s23] =	ssyncadd.s32 $0xFFFFE000  }
0xcf: {  	_ =	swait.ge [sflag:s21], $0x40  }
0xd0: {  	[sflag:s21] =	ssyncset.done $0x0  }
0xd1: {  	s20 =	simm.s32 $0x13;
	[sflag:s21] =	ssyncadd.s32 $0xFFFFFFC0  }
0xd2: {  	_ =	swait.ge [sflag:s20], $0x40  }
0xd3: {  	[sflag:s20] =	ssyncset.done $0x0  }
0xd4: {  	s24 =	simm.s32 $0x200;
	[sflag:s20] =	ssyncadd.s32 $0xFFFFFFC0  }
0xd5: {  	[tilespmem:s30], [sflag:$0x1] =	stream.indirect.gather [hbm4b:s17+s2], $0x80, s24, s2, $0xb8;
	[tilespmem:$0x1C800] =	vst v63  }
0xd6: {  	_ =	swait.ge [sflag:s11], $0x2000  }
0xd7: {  	s15 =	simm.s32 $0x500;
	[sflag:s11] =	ssyncset.done $0x0  }
0xd8: {  	s5 =	simm.s32 $0x4800;
	s24 =	sld [smem:$0x7E0];
	[sflag:s11] =	ssyncadd.s32 $0xFFFFE000  }
0xd9: {  	[spmem:s6] =	stream.indirect.scatter.add.f32 [tilespmem:s5], [sflag:$0x5], $0x80, s15, s2, $0xb8;
	[tilespmem:$0x1C800] =	vst v63  }
0xda: {  	_ = 	snop  }
0xdb: {  	[tilespmem:s22], [sflag:$0x7] =	stream.linear.gather [hbm4b:s24+s22], $0x40, $0x38;
	[tilespmem:$0x1C800] =	vst v63  }
0xdc: {  	s24 =	sld [smem:$0x7E1];
	_ =	sdelay $0x1  }
0xdd: {  	s29 =	simm.s32 $0x400  }
0xde: {  	[tilespmem:s29], [sflag:$0xF] =	stream.linear.gather [hbm4b:s24+s22], $0x40, $0x38;
	[tilespmem:$0x1C800] =	vst v63  }
0xdf: {  	_ =	swait.ge [sflag:s28], $0x2000  }
0xe0: {  	[sflag:s28] =	ssyncset.done $0x0  }
0xe1: {  	s29 =	simm.s32 $0xC;
	[sflag:s28] =	ssyncadd.s32 $0xFFFFE000  }
0xe2: {  	_ =	swait.ge [sflag:s29], $0x40  }
0xe3: {  	[sflag:s29] =	ssyncset.done $0x0  }
0xe4: {  	s24 =	simm.s32 $0x14;
	[sflag:s29] =	ssyncadd.s32 $0xFFFFFFC0  }
0xe5: {  	_ =	swait.ge [sflag:s24], $0x40  }
0xe6: {  	[sflag:s24] =	ssyncset.done $0x0  }
0xe7: {  	s31 =	simm.s32 $0x280;
	s10 =	simm.s32 $0x2800;
	[sflag:s24] =	ssyncadd.s32 $0xFFFFFFC0  }
0xe8: {  	[tilespmem:s10], [sflag:$0x2] =	stream.indirect.gather [hbm4b:s17+s2], $0x80, s31, s2, $0xb8;
	[tilespmem:$0x1C800] =	vst v63  }
0xe9: {  	_ =	swait.ge [sflag:s1], $0x2000  }
0xea: {  	s13 =	simm.s32 $0x6800;
	[sflag:s1] =	ssyncset.done $0x0  }
0xeb: {  	s31 =	simm.s32 $0x580;
	s0 =	sld [smem:$0x7E2];
	[sflag:s1] =	ssyncadd.s32 $0xFFFFE000  }
0xec: {  	[spmem:s6] =	stream.indirect.scatter.add.f32 [tilespmem:s13], [sflag:$0x6], $0x80, s31, s2, $0xb8;
	[tilespmem:$0x1C800] =	vst v63  }
0xed: {  	s10 =	simm.s32 $0x80  }
0xee: {  	[tilespmem:s10], [sflag:$0x8] =	stream.linear.gather [hbm4b:s0+s22], $0x40, $0x38;
	[tilespmem:$0x1C800] =	vst v63  }
0xef: {  	s0 =	sld [smem:$0x7E3];
	_ =	sdelay $0x1  }
0xf0: {  	s9 =	simm.s32 $0x480  }
0xf1: {  	[tilespmem:s9], [sflag:$0x10] =	stream.linear.gather [hbm4b:s0+s22], $0x40, $0x38;
	[tilespmem:$0x1C800] =	vst v63  }
0xf2: {  	_ =	swait.ge [sflag:s23], $0x2000  }
0xf3: {  	[sflag:s23] =	ssyncset.done $0x0  }
0xf4: {  	s9 =	simm.s32 $0xD;
	[sflag:s23] =	ssyncadd.s32 $0xFFFFE000  }
0xf5: {  	_ =	swait.ge [sflag:s9], $0x40  }
0xf6: {  	[sflag:s9] =	ssyncset.done $0x0  }
0xf7: {  	[sflag:s9] =	ssyncadd.s32 $0xFFFFFFC0;
	s9 =	simm.s32 $0x15  }
0xf8: {  	_ =	swait.ge [sflag:s9], $0x40  }
0xf9: {  	[sflag:s9] =	ssyncset.done $0x0  }
0xfa: {  	[sflag:s9] =	ssyncadd.s32 $0xFFFFFFC0;
	s9 =	simm.s32 $0x300  }
0xfb: {  	[tilespmem:s5], [sflag:$0x3] =	stream.indirect.gather [hbm4b:s17+s2], $0x80, s9, s2, $0xb8;
	[tilespmem:$0x1C800] =	vst v63  }
0xfc: {  	_ =	swait.ge [sflag:s16], $0x2000  }
0xfd: {  	[sflag:s16] =	ssyncset.done $0x0  }
0xfe: {  	s5 =	simm.s32 $0x600;
	s0 =	sld [smem:$0x7E4];
	[sflag:s16] =	ssyncadd.s32 $0xFFFFE000  }
0xff: {  	[spmem:s6] =	stream.indirect.scatter.add.f32 [tilespmem:s30], [sflag:$0x5], $0x80, s5, s2, $0xb8;
	[tilespmem:$0x1C800] =	vst v63  }
0x100: {  	s9 =	simm.s32 $0x100  }
0x101: {  	[tilespmem:s9], [sflag:$0x9] =	stream.linear.gather [hbm4b:s0+s22], $0x40, $0x38;
	[tilespmem:$0x1C800] =	vst v63  }
0x102: {  	s9 =	sld [smem:$0x7E5];
	_ =	sdelay $0x1  }
0x103: {  	s15 =	simm.s32 $0x500  }
0x104: {  	[tilespmem:s15], [sflag:$0x11] =	stream.linear.gather [hbm4b:s9+s22], $0x40, $0x38;
	[tilespmem:$0x1C800] =	vst v63  }
0x105: {  	_ =	swait.ge [sflag:s28], $0x2000  }
0x106: {  	[sflag:s28] =	ssyncset.done $0x0  }
0x107: {  	s9 =	simm.s32 $0xE;
	[sflag:s28] =	ssyncadd.s32 $0xFFFFE000  }
0x108: {  	_ =	swait.ge [sflag:s9], $0x40  }
0x109: {  	[sflag:s9] =	ssyncset.done $0x0  }
0x10a: {  	s15 =	simm.s32 $0x16;
	[sflag:s9] =	ssyncadd.s32 $0xFFFFFFC0  }
0x10b: {  	_ =	swait.ge [sflag:s15], $0x40  }
0x10c: {  	[sflag:s15] =	ssyncset.done $0x0  }
0x10d: {  	s9 =	simm.s32 $0x380;
	[sflag:s15] =	ssyncadd.s32 $0xFFFFFFC0  }
0x10e: {  	[tilespmem:s13], [sflag:$0x4] =	stream.indirect.gather [hbm4b:s17+s2], $0x80, s9, s2, $0xb8;
	[tilespmem:$0x1C800] =	vst v63  }
0x10f: {  	_ =	swait.ge [sflag:s26], $0x2000  }
0x110: {  	s15 =	simm.s32 $0x2800;
	[sflag:s26] =	ssyncset.done $0x0  }
0x111: {  	s9 =	simm.s32 $0x680;
	s13 =	sld [smem:$0x7E6];
	[sflag:s26] =	ssyncadd.s32 $0xFFFFE000  }
0x112: {  	[spmem:s6] =	stream.indirect.scatter.add.f32 [tilespmem:s15], [sflag:$0x6], $0x80, s9, s2, $0xb8;
	[tilespmem:$0x1C800] =	vst v63  }
0x113: {  	s15 =	simm.s32 $0x180  }
0x114: {  	[tilespmem:s15], [sflag:$0xA] =	stream.linear.gather [hbm4b:s13+s22], $0x40, $0x38;
	[tilespmem:$0x1C800] =	vst v63  }
0x115: {  	s15 =	sld [smem:$0x7E7];
	_ =	sdelay $0x2  }
0x116: {  	[tilespmem:s31], [sflag:$0x12] =	stream.linear.gather [hbm4b:s15+s22], $0x40, $0x38;
	[tilespmem:$0x1C800] =	vst v63  }
0x117: {  	_ =	swait.ge [sflag:s23], $0x2000  }
0x118: {  	[sflag:s23] =	ssyncset.done $0x0  }
0x119: {  	[sflag:s23] =	ssyncadd.s32 $0xFFFFE000  }
0x11a: {  	_ =	swait.ge [sflag:s7], $0x40  }
0x11b: {  	[sflag:s7] =	ssyncset.done $0x0  }
0x11c: {  	[sflag:s7] =	ssyncadd.s32 $0xFFFFFFC0  }
0x11d: {  	_ =	swait.ge [sflag:s3], $0x40  }
0x11e: {  	[sflag:s3] =	ssyncset.done $0x0  }
0x11f: {  	[sflag:s3] =	ssyncadd.s32 $0xFFFFFFC0  }
0x120: {  	[tilespmem:s30], [sflag:$0x1] =	stream.indirect.gather [hbm4b:s17+s2], $0x80, s4, s2, $0xb8;
	[tilespmem:$0x1C800] =	vst v63  }
0x121: {  	_ =	swait.ge [sflag:s11], $0x2000  }
0x122: {  	s13 =	simm.s32 $0x700;
	[sflag:s11] =	ssyncset.done $0x0  }
0x123: {  	s3 =	simm.s32 $0x4800;
	s7 =	rddreg [dreg:$0x13];
	[sflag:s11] =	ssyncadd.s32 $0xFFFFE000  }
0x124: {  	[spmem:s6] =	stream.indirect.scatter.add.f32 [tilespmem:s3], [sflag:$0x5], $0x80, s13, s2, $0xb8;
	[tilespmem:$0x1C800] =	vst v63  }
0x125: {  	s22 =	simm.s32 $0x200;
	s15 =	rddreg [dreg:$0x12];
	s0 =	sadd.s32 $0x0, s7  }
0x126: {  	[tilespmem:s22], [sflag:$0xB] =	stream.linear.gather [hbm4b:s0+s4], $0x40, $0x38;
	[tilespmem:$0x1C800] =	vst v63  }
0x127: {  	s7 =	sadd.s32 $0x0, s15  }
0x128: {  	[tilespmem:s5], [sflag:$0x13] =	stream.linear.gather [hbm4b:s7+s4], $0x40, $0x38;
	[tilespmem:$0x1C800] =	vst v63  }
0x129: {  	_ =	swait.ge [sflag:s28], $0x2000  }
0x12a: {  	[sflag:s28] =	ssyncset.done $0x0  }
0x12b: {  	[sflag:s28] =	ssyncadd.s32 $0xFFFFE000  }
0x12c: {  	_ =	swait.ge [sflag:s8], $0x40  }
0x12d: {  	[sflag:s8] =	ssyncset.done $0x0  }
0x12e: {  	[sflag:s8] =	ssyncadd.s32 $0xFFFFFFC0  }
0x12f: {  	_ =	swait.ge [sflag:s12], $0x40  }
0x130: {  	[sflag:s12] =	ssyncset.done $0x0  }
0x131: {  	s15 =	simm.s32 $0x2800;
	[sflag:s12] =	ssyncadd.s32 $0xFFFFFFC0  }
0x132: {  	[tilespmem:s15], [sflag:$0x2] =	stream.indirect.gather [hbm4b:s17+s2], $0x80, s10, s2, $0xb8;
	[tilespmem:$0x1C800] =	vst v63  }
0x133: {  	_ =	swait.ge [sflag:s1], $0x2000  }
0x134: {  	s5 =	simm.s32 $0x780;
	[sflag:s1] =	ssyncset.done $0x0  }
0x135: {  	s10 =	simm.s32 $0x6800;
	s8 =	rddreg [dreg:$0x11];
	[sflag:s1] =	ssyncadd.s32 $0xFFFFE000  }
0x136: {  	[spmem:s6] =	stream.indirect.scatter.add.f32 [tilespmem:s10], [sflag:$0x6], $0x80, s5, s2, $0xb8;
	[tilespmem:$0x1C800] =	vst v63  }
0x137: {  	s12 =	rddreg [dreg:$0x10];
	s0 =	sadd.s32 $0x0, s8;
	s8 =	simm.s32 $0x280  }
0x138: {  	[tilespmem:s8], [sflag:$0xC] =	stream.linear.gather [hbm4b:s0+s4], $0x40, $0x38;
	[tilespmem:$0x1C800] =	vst v63  }
0x139: {  	s12 =	sadd.s32 $0x0, s12  }
0x13a: {  	[tilespmem:s9], [sflag:$0x14] =	stream.linear.gather [hbm4b:s12+s4], $0x40, $0x38;
	[tilespmem:$0x1C800] =	vst v63  }
0x13b: {  	_ =	swait.ge [sflag:s23], $0x2000  }
0x13c: {  	[sflag:s23] =	ssyncset.done $0x0  }
0x13d: {  	[sflag:s23] =	ssyncadd.s32 $0xFFFFE000  }
0x13e: {  	_ =	swait.ge [sflag:s18], $0x40  }
0x13f: {  	[sflag:s18] =	ssyncset.done $0x0  }
0x140: {  	[sflag:s18] =	ssyncadd.s32 $0xFFFFFFC0  }
0x141: {  	_ =	swait.ge [sflag:s14], $0x40  }
0x142: {  	[sflag:s14] =	ssyncset.done $0x0  }
0x143: {  	s18 =	simm.s32 $0x100;
	[sflag:s14] =	ssyncadd.s32 $0xFFFFFFC0  }
0x144: {  	[tilespmem:s3], [sflag:$0x3] =	stream.indirect.gather [hbm4b:s17+s2], $0x80, s18, s2, $0xb8;
	[tilespmem:$0x1C800] =	vst v63  }
0x145: {  	_ =	swait.ge [sflag:s16], $0x2000  }
0x146: {  	[sflag:s16] =	ssyncset.done $0x0  }
0x147: {  	s3 =	simm.s32 $0x400;
	s7 =	rddreg [dreg:$0xf];
	[sflag:s16] =	ssyncadd.s32 $0xFFFFE000  }
0x148: {  	[spmem:s6] =	stream.indirect.scatter.add.f32 [tilespmem:s30], [sflag:$0x5], $0x80, s3, s2, $0xb8;
	[tilespmem:$0x1C800] =	vst v63  }
0x149: {  	s14 =	simm.s32 $0x300;
	s9 =	rddreg [dreg:$0xe];
	s0 =	sadd.s32 $0x0, s7  }
0x14a: {  	[tilespmem:s14], [sflag:$0xD] =	stream.linear.gather [hbm4b:s0+s4], $0x40, $0x38;
	[tilespmem:$0x1C800] =	vst v63  }
0x14b: {  	s12 =	sadd.s32 $0x0, s9  }
0x14c: {  	[tilespmem:s13], [sflag:$0x15] =	stream.linear.gather [hbm4b:s12+s4], $0x40, $0x38;
	[tilespmem:$0x1C800] =	vst v63  }
0x14d: {  	_ =	swait.ge [sflag:s28], $0x2000  }
0x14e: {  	[sflag:s28] =	ssyncset.done $0x0  }
0x14f: {  	[sflag:s28] =	ssyncadd.s32 $0xFFFFE000  }
0x150: {  	_ =	swait.ge [sflag:s25], $0x40  }
0x151: {  	[sflag:s25] =	ssyncset.done $0x0  }
0x152: {  	[sflag:s25] =	ssyncadd.s32 $0xFFFFFFC0  }
0x153: {  	_ =	swait.ge [sflag:s19], $0x40  }
0x154: {  	[sflag:s19] =	ssyncset.done $0x0  }
0x155: {  	s7 =	simm.s32 $0x180;
	[sflag:s19] =	ssyncadd.s32 $0xFFFFFFC0  }
0x156: {  	[tilespmem:s10], [sflag:$0x4] =	stream.indirect.gather [hbm4b:s17+s2], $0x80, s7, s2, $0xb8;
	[tilespmem:$0x1C800] =	vst v63  }
0x157: {  	_ =	swait.ge [sflag:s26], $0x2000  }
0x158: {  	[sflag:s26] =	ssyncset.done $0x0  }
0x159: {  	s12 =	simm.s32 $0x480;
	s9 =	rddreg [dreg:$0xd];
	[sflag:s26] =	ssyncadd.s32 $0xFFFFE000  }
0x15a: {  	[spmem:s6] =	stream.indirect.scatter.add.f32 [tilespmem:s15], [sflag:$0x6], $0x80, s12, s2, $0xb8;
	[tilespmem:$0x1C800] =	vst v63  }
0x15b: {  	s10 =	rddreg [dreg:$0xc];
	s0 =	sadd.s32 $0x0, s9;
	s9 =	simm.s32 $0x380  }
0x15c: {  	[tilespmem:s9], [sflag:$0xE] =	stream.linear.gather [hbm4b:s0+s4], $0x40, $0x38;
	[tilespmem:$0x1C800] =	vst v63  }
0x15d: {  	s13 =	sadd.s32 $0x0, s10  }
0x15e: {  	[tilespmem:s5], [sflag:$0x16] =	stream.linear.gather [hbm4b:s13+s4], $0x40, $0x38;
	[tilespmem:$0x1C800] =	vst v63  }
0x15f: {  	_ =	swait.ge [sflag:s23], $0x2000  }
0x160: {  	[sflag:s23] =	ssyncset.done $0x0  }
0x161: {  	[sflag:s23] =	ssyncadd.s32 $0xFFFFE000  }
0x162: {  	_ =	swait.ge [sflag:s21], $0x40  }
0x163: {  	[sflag:s21] =	ssyncset.done $0x0  }
0x164: {  	[sflag:s21] =	ssyncadd.s32 $0xFFFFFFC0  }
0x165: {  	_ =	swait.ge [sflag:s20], $0x40  }
0x166: {  	[sflag:s20] =	ssyncset.done $0x0  }
0x167: {  	[sflag:s20] =	ssyncadd.s32 $0xFFFFFFC0  }
0x168: {  	[tilespmem:s30], [sflag:$0x1] =	stream.indirect.gather [hbm4b:s17+s2], $0x80, s22, s2, $0xb8;
	[tilespmem:$0x1C800] =	vst v63  }
0x169: {  	_ =	swait.ge [sflag:s11], $0x2000  }
0x16a: {  	s18 =	simm.s32 $0x4800;
	[sflag:s11] =	ssyncset.done $0x0  }
0x16b: {  	s10 =	simm.s32 $0x500;
	s20 =	rddreg [dreg:$0xb];
	[sflag:s11] =	ssyncadd.s32 $0xFFFFE000  }
0x16c: {  	[spmem:s6] =	stream.indirect.scatter.add.f32 [tilespmem:s18], [sflag:$0x5], $0x80, s10, s2, $0xb8;
	[tilespmem:$0x1C800] =	vst v63  }
0x16d: {  	s21 =	rddreg [dreg:$0xa];
	s0 =	sadd.s32 $0x0, s20  }
0x16e: {  	[tilespmem:s4], [sflag:$0x7] =	stream.linear.gather [hbm4b:s0+s4], $0x40, $0x38;
	[tilespmem:$0x1C800] =	vst v63  }
0x16f: {  	s22 =	sadd.s32 $0x0, s21  }
0x170: {  	[tilespmem:s3], [sflag:$0xF] =	stream.linear.gather [hbm4b:s22+s4], $0x40, $0x38;
	[tilespmem:$0x1C800] =	vst v63  }
0x171: {  	_ =	swait.ge [sflag:s28], $0x2000  }
0x172: {  	[sflag:s28] =	ssyncset.done $0x0  }
0x173: {  	[sflag:s28] =	ssyncadd.s32 $0xFFFFE000  }
0x174: {  	_ =	swait.ge [sflag:s29], $0x40  }
0x175: {  	[sflag:s29] =	ssyncset.done $0x0  }
0x176: {  	[sflag:s29] =	ssyncadd.s32 $0xFFFFFFC0  }
0x177: {  	_ =	swait.ge [sflag:s24], $0x40  }
0x178: {  	[sflag:s24] =	ssyncset.done $0x0  }
0x179: {  	s15 =	simm.s32 $0x2800;
	[sflag:s24] =	ssyncadd.s32 $0xFFFFFFC0  }
0x17a: {  	[tilespmem:s15], [sflag:$0x2] =	stream.indirect.gather [hbm4b:s17+s2], $0x80, s8, s2, $0xb8;
	[tilespmem:$0x1C800] =	vst v63  }
0x17b: {  	_ =	swait.ge [sflag:s1], $0x2000  }
0x17c: {  	[sflag:s1] =	ssyncset.done $0x0  }
0x17d: {  	s25 =	simm.s32 $0x6800;
	s3 =	rddreg [dreg:$0x9];
	[sflag:s1] =	ssyncadd.s32 $0xFFFFE000  }
0x17e: {  	[spmem:s6] =	stream.indirect.scatter.add.f32 [tilespmem:s25], [sflag:$0x6], $0x80, s31, s2, $0xb8;
	[tilespmem:$0x1C800] =	vst v63  }
0x17f: {  	s8 =	simm.s32 $0x80;
	s5 =	rddreg [dreg:$0x8];
	s0 =	sadd.s32 $0x0, s3  }
0x180: {  	[tilespmem:s8], [sflag:$0x8] =	stream.linear.gather [hbm4b:s0+s4], $0x40, $0x38;
	[tilespmem:$0x1C800] =	vst v63  }
0x181: {  	s11 =	sadd.s32 $0x0, s5  }
0x182: {  	[tilespmem:s12], [sflag:$0x10] =	stream.linear.gather [hbm4b:s11+s4], $0x40, $0x38;
	[tilespmem:$0x1C800] =	vst v63  }
0x183: {  	_ =	swait.ge [sflag:s23], $0x2000  }
0x184: {  	[sflag:s23] =	ssyncset.done $0x0  }
0x185: {  	s12 =	simm.s32 $0xD;
	[sflag:s23] =	ssyncadd.s32 $0xFFFFE000  }
0x186: {  	_ =	swait.ge [sflag:s12], $0x40  }
0x187: {  	[sflag:s12] =	ssyncset.done $0x0  }
0x188: {  	s13 =	simm.s32 $0x15;
	[sflag:s12] =	ssyncadd.s32 $0xFFFFFFC0  }
0x189: {  	_ =	swait.ge [sflag:s13], $0x40  }
0x18a: {  	[sflag:s13] =	ssyncset.done $0x0  }
0x18b: {  	[sflag:s13] =	ssyncadd.s32 $0xFFFFFFC0  }
0x18c: {  	[tilespmem:s18], [sflag:$0x3] =	stream.indirect.gather [hbm4b:s17+s2], $0x80, s14, s2, $0xb8;
	[tilespmem:$0x1C800] =	vst v63  }
0x18d: {  	_ =	swait.ge [sflag:s16], $0x2000  }
0x18e: {  	[sflag:s16] =	ssyncset.done $0x0  }
0x18f: {  	s18 =	simm.s32 $0x600;
	s14 =	rddreg [dreg:$0x7];
	[sflag:s16] =	ssyncadd.s32 $0xFFFFE000  }
0x190: {  	[spmem:s6] =	stream.indirect.scatter.add.f32 [tilespmem:s30], [sflag:$0x5], $0x80, s18, s2, $0xb8;
	[tilespmem:$0x1C800] =	vst v63  }
0x191: {  	s20 =	simm.s32 $0x100;
	s16 =	rddreg [dreg:$0x6];
	s0 =	sadd.s32 $0x0, s14  }
0x192: {  	[tilespmem:s20], [sflag:$0x9] =	stream.linear.gather [hbm4b:s0+s4], $0x40, $0x38;
	[tilespmem:$0x1C800] =	vst v63  }
0x193: {  	s21 =	sadd.s32 $0x0, s16  }
0x194: {  	[tilespmem:s10], [sflag:$0x11] =	stream.linear.gather [hbm4b:s21+s4], $0x40, $0x38;
	[tilespmem:$0x1C800] =	vst v63  }
0x195: {  	_ =	swait.ge [sflag:s28], $0x2000  }
0x196: {  	[sflag:s28] =	ssyncset.done $0x0  }
0x197: {  	s22 =	simm.s32 $0xE;
	[sflag:s28] =	ssyncadd.s32 $0xFFFFE000  }
0x198: {  	_ =	swait.ge [sflag:s22], $0x40  }
0x199: {  	[sflag:s22] =	ssyncset.done $0x0  }
0x19a: {  	s24 =	simm.s32 $0x16;
	[sflag:s22] =	ssyncadd.s32 $0xFFFFFFC0  }
0x19b: {  	_ =	swait.ge [sflag:s24], $0x40  }
0x19c: {  	[sflag:s24] =	ssyncset.done $0x0  }
0x19d: {  	[sflag:s24] =	ssyncadd.s32 $0xFFFFFFC0  }
0x19e: {  	[tilespmem:s25], [sflag:$0x4] =	stream.indirect.gather [hbm4b:s17+s2], $0x80, s9, s2, $0xb8;
	[tilespmem:$0x1C800] =	vst v63  }
0x19f: {  	s19 =	simm.s32 $0x180;
	s1 =	simm.s32 $0x4;
	_ =	swait.ge [sflag:s26], $0x2000  }
0x1a0: {  	s11 =	simm.s32 $0x3;
	s30 =	simm.s32 $0x1;
	[sflag:s26] =	ssyncset.done $0x0  }
0x1a1: {  	s25 =	rddreg [dreg:$0x5];
	[sflag:s26] =	ssyncadd.s32 $0xFFFFE000;
	s26 =	simm.s32 $0x680  }
0x1a2: {  	[spmem:s6] =	stream.indirect.scatter.add.f32 [tilespmem:s15], [sflag:$0x6], $0x80, s26, s2, $0xb8;
	[tilespmem:$0x1C800] =	vst v63  }
0x1a3: {  	s21 =	smov.u32 s17;
	s29 =	rddreg [dreg:$0x4];
	s0 =	sadd.s32 $0x0, s25  }
0x1a4: {  	[tilespmem:s19], [sflag:$0xA] =	stream.linear.gather [hbm4b:s0+s4], $0x40, $0x38;
	[tilespmem:$0x1C800] =	vst v63  }
0x1a5: {  	s22 =	simm.s32 $0x40;
	s26 =	simm.s32 $0x2;
	s0 =	sadd.s32 $0x0, s29  }
.LBB2_4:
0x1a6: {  	[tilespmem:s31], [sflag:$0x12] =	stream.linear.gather [hbm4b:s0+s4], $0x40, $0x38;
	[tilespmem:$0x1C800] =	vst v63  }
0x1a7: {  	_ =	swait.ge [sflag:s23], $0x2000  }
0x1a8: {  	[sflag:s23] =	ssyncset.done $0x0  }
0x1a9: {  	s29 =	simm.s32 $0x7;
	[sflag:s23] =	ssyncadd.s32 $0xFFFFE000  }
0x1aa: {  	_ =	swait.ge [sflag:s29], $0x40  }
0x1ab: {  	[sflag:s29] =	ssyncset.done $0x0  }
0x1ac: {  	s3 =	simm.s32 $0xF;
	[sflag:s29] =	ssyncadd.s32 $0xFFFFFFC0  }
0x1ad: {  	_ =	swait.ge [sflag:s3], $0x40  }
0x1ae: {  	[sflag:s3] =	ssyncset.done $0x0  }
0x1af: {  	s15 =	simm.s32 $0x800;
	[sflag:s3] =	ssyncadd.s32 $0xFFFFFFC0  }
0x1b0: {  	[tilespmem:s15], [sflag:$0x1] =	stream.indirect.gather [hbm4b:s21+s2], $0x80, s4, s2, $0xb8;
	[tilespmem:$0x1C800] =	vst v63  }
0x1b1: {  	_ =	swait.ge [sflag:s11], $0x2000  }
0x1b2: {  	s31 =	smov.u32 s22;
	s29 =	simm.s32 $0x700;
	[sflag:s11] =	ssyncset.done $0x0  }
0x1b3: {  	s3 =	simm.s32 $0x4800;
	s5 =	rddreg [dreg:$0x13];
	[sflag:s11] =	ssyncadd.s32 $0xFFFFE000  }
0x1b4: {  	[spmem:s6] =	stream.indirect.scatter.add.f32 [tilespmem:s3], [sflag:$0x5], $0x80, s29, s2, $0xb8;
	[tilespmem:$0x1C800] =	vst v63  }
0x1b5: {  	s25 =	simm.s32 $0x200;
	s7 =	rddreg [dreg:$0x12];
	s0 =	sadd.s32 s31, s5  }
0x1b6: {  	[tilespmem:s25], [sflag:$0xB] =	stream.linear.gather [hbm4b:s0+s4], $0x40, $0x38;
	[tilespmem:$0x1C800] =	vst v63  }
0x1b7: {  	s12 =	simm.s32 $0x600;
	s7 =	sadd.s32 s31, s7  }
0x1b8: {  	[tilespmem:s12], [sflag:$0x13] =	stream.linear.gather [hbm4b:s7+s4], $0x40, $0x38;
	[tilespmem:$0x1C800] =	vst v63  }
0x1b9: {  	_ =	swait.ge [sflag:s28], $0x2000  }
0x1ba: {  	[sflag:s28] =	ssyncset.done $0x0  }
0x1bb: {  	s8 =	simm.s32 $0x8;
	[sflag:s28] =	ssyncadd.s32 $0xFFFFE000  }
0x1bc: {  	_ =	swait.ge [sflag:s8], $0x40  }
0x1bd: {  	[sflag:s8] =	ssyncset.done $0x0  }
0x1be: {  	s9 =	simm.s32 $0x10;
	[sflag:s8] =	ssyncadd.s32 $0xFFFFFFC0  }
0x1bf: {  	_ =	swait.ge [sflag:s9], $0x40  }
0x1c0: {  	[sflag:s9] =	ssyncset.done $0x0  }
0x1c1: {  	s8 =	simm.s32 $0x80;
	[sflag:s9] =	ssyncadd.s32 $0xFFFFFFC0;
	s9 =	simm.s32 $0x2800  }
0x1c2: {  	[tilespmem:s9], [sflag:$0x2] =	stream.indirect.gather [hbm4b:s17+s2], $0x80, s8, s2, $0xb8;
	[tilespmem:$0x1C800] =	vst v63  }
0x1c3: {  	_ =	swait.ge [sflag:s1], $0x2000  }
0x1c4: {  	s18 =	simm.s32 $0x780;
	[sflag:s1] =	ssyncset.done $0x0  }
0x1c5: {  	s16 =	simm.s32 $0x6800;
	s10 =	rddreg [dreg:$0x11];
	[sflag:s1] =	ssyncadd.s32 $0xFFFFE000  }
0x1c6: {  	[spmem:s6] =	stream.indirect.scatter.add.f32 [tilespmem:s16], [sflag:$0x6], $0x80, s18, s2, $0xb8;
	[tilespmem:$0x1C800] =	vst v63  }
0x1c7: {  	s5 =	simm.s32 $0x280;
	s13 =	rddreg [dreg:$0x10];
	s0 =	sadd.s32 s31, s10  }
0x1c8: {  	[tilespmem:s5], [sflag:$0xC] =	stream.linear.gather [hbm4b:s0+s4], $0x40, $0x38;
	[tilespmem:$0x1C800] =	vst v63  }
0x1c9: {  	s20 =	simm.s32 $0x680;
	s14 =	sadd.s32 s31, s13  }
0x1ca: {  	[tilespmem:s20], [sflag:$0x14] =	stream.linear.gather [hbm4b:s14+s4], $0x40, $0x38;
	[tilespmem:$0x1C800] =	vst v63  }
0x1cb: {  	_ =	swait.ge [sflag:s23], $0x2000  }
0x1cc: {  	[sflag:s23] =	ssyncset.done $0x0  }
0x1cd: {  	s21 =	simm.s32 $0x9;
	[sflag:s23] =	ssyncadd.s32 $0xFFFFE000  }
0x1ce: {  	_ =	swait.ge [sflag:s21], $0x40  }
0x1cf: {  	[sflag:s21] =	ssyncset.done $0x0  }
0x1d0: {  	s24 =	simm.s32 $0x11;
	[sflag:s21] =	ssyncadd.s32 $0xFFFFFFC0  }
0x1d1: {  	_ =	swait.ge [sflag:s24], $0x40  }
0x1d2: {  	[sflag:s24] =	ssyncset.done $0x0  }
0x1d3: {  	s14 =	simm.s32 $0x100;
	[sflag:s24] =	ssyncadd.s32 $0xFFFFFFC0  }
0x1d4: {  	[tilespmem:s3], [sflag:$0x3] =	stream.indirect.gather [hbm4b:s17+s2], $0x80, s14, s2, $0xb8;
	[tilespmem:$0x1C800] =	vst v63  }
0x1d5: {  	_ =	swait.ge [sflag:s30], $0x2000  }
0x1d6: {  	[sflag:s30] =	ssyncset.done $0x0  }
0x1d7: {  	s24 =	simm.s32 $0x400;
	s7 =	rddreg [dreg:$0xf];
	[sflag:s30] =	ssyncadd.s32 $0xFFFFE000  }
0x1d8: {  	[spmem:s6] =	stream.indirect.scatter.add.f32 [tilespmem:s15], [sflag:$0x5], $0x80, s24, s2, $0xb8;
	[tilespmem:$0x1C800] =	vst v63  }
0x1d9: {  	s21 =	simm.s32 $0x300;
	s10 =	rddreg [dreg:$0xe];
	s0 =	sadd.s32 s31, s7  }
0x1da: {  	[tilespmem:s21], [sflag:$0xD] =	stream.linear.gather [hbm4b:s0+s4], $0x40, $0x38;
	[tilespmem:$0x1C800] =	vst v63  }
0x1db: {  	s13 =	sadd.s32 s31, s10  }
0x1dc: {  	[tilespmem:s29], [sflag:$0x15] =	stream.linear.gather [hbm4b:s13+s4], $0x40, $0x38;
	[tilespmem:$0x1C800] =	vst v63  }
0x1dd: {  	_ =	swait.ge [sflag:s28], $0x2000  }
0x1de: {  	[sflag:s28] =	ssyncset.done $0x0  }
0x1df: {  	s20 =	simm.s32 $0xA;
	[sflag:s28] =	ssyncadd.s32 $0xFFFFE000  }
0x1e0: {  	_ =	swait.ge [sflag:s20], $0x40  }
0x1e1: {  	[sflag:s20] =	ssyncset.done $0x0  }
0x1e2: {  	s29 =	simm.s32 $0x12;
	[sflag:s20] =	ssyncadd.s32 $0xFFFFFFC0  }
0x1e3: {  	_ =	swait.ge [sflag:s29], $0x40  }
0x1e4: {  	[sflag:s29] =	ssyncset.done $0x0  }
0x1e5: {  	s13 =	simm.s32 $0x180;
	[sflag:s29] =	ssyncadd.s32 $0xFFFFFFC0  }
0x1e6: {  	[tilespmem:s16], [sflag:$0x4] =	stream.indirect.gather [hbm4b:s17+s2], $0x80, s13, s2, $0xb8;
	[tilespmem:$0x1C800] =	vst v63  }
0x1e7: {  	_ =	swait.ge [sflag:s26], $0x2000  }
0x1e8: {  	[sflag:s26] =	ssyncset.done $0x0  }
0x1e9: {  	s20 =	simm.s32 $0x480;
	s7 =	rddreg [dreg:$0xd];
	[sflag:s26] =	ssyncadd.s32 $0xFFFFE000  }
0x1ea: {  	[spmem:s6] =	stream.indirect.scatter.add.f32 [tilespmem:s9], [sflag:$0x6], $0x80, s20, s2, $0xb8;
	[tilespmem:$0x1C800] =	vst v63  }
0x1eb: {  	s29 =	simm.s32 $0x380;
	s10 =	rddreg [dreg:$0xc];
	s0 =	sadd.s32 s31, s7  }
0x1ec: {  	[tilespmem:s29], [sflag:$0xE] =	stream.linear.gather [hbm4b:s0+s4], $0x40, $0x38;
	[tilespmem:$0x1C800] =	vst v63  }
0x1ed: {  	s10 =	sadd.s32 s31, s10  }
0x1ee: {  	[tilespmem:s18], [sflag:$0x16] =	stream.linear.gather [hbm4b:s10+s4], $0x40, $0x38;
	[tilespmem:$0x1C800] =	vst v63  }
0x1ef: {  	_ =	swait.ge [sflag:s23], $0x2000  }
0x1f0: {  	[sflag:s23] =	ssyncset.done $0x0  }
0x1f1: {  	s7 =	simm.s32 $0xB;
	[sflag:s23] =	ssyncadd.s32 $0xFFFFE000  }
0x1f2: {  	_ =	swait.ge [sflag:s7], $0x40  }
0x1f3: {  	[sflag:s7] =	ssyncset.done $0x0  }
0x1f4: {  	s10 =	simm.s32 $0x13;
	[sflag:s7] =	ssyncadd.s32 $0xFFFFFFC0  }
0x1f5: {  	_ =	swait.ge [sflag:s10], $0x40  }
0x1f6: {  	[sflag:s10] =	ssyncset.done $0x0  }
0x1f7: {  	[sflag:s10] =	ssyncadd.s32 $0xFFFFFFC0  }
0x1f8: {  	[tilespmem:s15], [sflag:$0x1] =	stream.indirect.gather [hbm4b:s17+s2], $0x80, s25, s2, $0xb8;
	[tilespmem:$0x1C800] =	vst v63  }
0x1f9: {  	_ =	swait.ge [sflag:s11], $0x2000  }
0x1fa: {  	[sflag:s11] =	ssyncset.done $0x0  }
0x1fb: {  	s10 =	simm.s32 $0x500;
	s18 =	rddreg [dreg:$0xb];
	[sflag:s11] =	ssyncadd.s32 $0xFFFFE000  }
0x1fc: {  	[spmem:s6] =	stream.indirect.scatter.add.f32 [tilespmem:s3], [sflag:$0x5], $0x80, s10, s2, $0xb8;
	[tilespmem:$0x1C800] =	vst v63  }
0x1fd: {  	s25 =	rddreg [dreg:$0xa];
	s0 =	sadd.s32 s31, s18  }
0x1fe: {  	[tilespmem:s4], [sflag:$0x7] =	stream.linear.gather [hbm4b:s0+s4], $0x40, $0x38;
	[tilespmem:$0x1C800] =	vst v63  }
0x1ff: {  	s18 =	sadd.s32 s31, s25  }
0x200: {  	[tilespmem:s24], [sflag:$0xF] =	stream.linear.gather [hbm4b:s18+s4], $0x40, $0x38;
	[tilespmem:$0x1C800] =	vst v63  }
0x201: {  	_ =	swait.ge [sflag:s28], $0x2000  }
0x202: {  	[sflag:s28] =	ssyncset.done $0x0  }
0x203: {  	s24 =	simm.s32 $0xC;
	[sflag:s28] =	ssyncadd.s32 $0xFFFFE000  }
0x204: {  	_ =	swait.ge [sflag:s24], $0x40  }
0x205: {  	[sflag:s24] =	ssyncset.done $0x0  }
0x206: {  	s7 =	simm.s32 $0x14;
	[sflag:s24] =	ssyncadd.s32 $0xFFFFFFC0  }
0x207: {  	_ =	swait.ge [sflag:s7], $0x40  }
0x208: {  	[sflag:s7] =	ssyncset.done $0x0  }
0x209: {  	[sflag:s7] =	ssyncadd.s32 $0xFFFFFFC0  }
0x20a: {  	[tilespmem:s9], [sflag:$0x2] =	stream.indirect.gather [hbm4b:s17+s2], $0x80, s5, s2, $0xb8;
	[tilespmem:$0x1C800] =	vst v63  }
0x20b: {  	_ =	swait.ge [sflag:s1], $0x2000  }
0x20c: {  	[sflag:s1] =	ssyncset.done $0x0  }
0x20d: {  	s19 =	simm.s32 $0x580;
	s18 =	rddreg [dreg:$0x9];
	[sflag:s1] =	ssyncadd.s32 $0xFFFFE000  }
0x20e: {  	[spmem:s6] =	stream.indirect.scatter.add.f32 [tilespmem:s16], [sflag:$0x6], $0x80, s19, s2, $0xb8;
	[tilespmem:$0x1C800] =	vst v63  }
0x20f: {  	s24 =	rddreg [dreg:$0x8];
	s0 =	sadd.s32 s31, s18  }
0x210: {  	[tilespmem:s8], [sflag:$0x8] =	stream.linear.gather [hbm4b:s0+s4], $0x40, $0x38;
	[tilespmem:$0x1C800] =	vst v63  }
0x211: {  	s8 =	sadd.s32 s31, s24  }
0x212: {  	[tilespmem:s20], [sflag:$0x10] =	stream.linear.gather [hbm4b:s8+s4], $0x40, $0x38;
	[tilespmem:$0x1C800] =	vst v63  }
0x213: {  	_ =	swait.ge [sflag:s23], $0x2000  }
0x214: {  	[sflag:s23] =	ssyncset.done $0x0  }
0x215: {  	s20 =	simm.s32 $0xD;
	[sflag:s23] =	ssyncadd.s32 $0xFFFFE000  }
0x216: {  	_ =	swait.ge [sflag:s20], $0x40  }
0x217: {  	[sflag:s20] =	ssyncset.done $0x0  }
0x218: {  	s19 =	simm.s32 $0x15;
	[sflag:s20] =	ssyncadd.s32 $0xFFFFFFC0  }
0x219: {  	_ =	swait.ge [sflag:s19], $0x40  }
0x21a: {  	[sflag:s19] =	ssyncset.done $0x0  }
0x21b: {  	[sflag:s19] =	ssyncadd.s32 $0xFFFFFFC0  }
0x21c: {  	[tilespmem:s3], [sflag:$0x3] =	stream.indirect.gather [hbm4b:s17+s2], $0x80, s21, s2, $0xb8;
	[tilespmem:$0x1C800] =	vst v63  }
0x21d: {  	_ =	swait.ge [sflag:s30], $0x2000  }
0x21e: {  	[sflag:s30] =	ssyncset.done $0x0  }
0x21f: {  	s24 =	rddreg [dreg:$0x7];
	[sflag:s30] =	ssyncadd.s32 $0xFFFFE000  }
0x220: {  	[spmem:s6] =	stream.indirect.scatter.add.f32 [tilespmem:s15], [sflag:$0x5], $0x80, s12, s2, $0xb8;
	[tilespmem:$0x1C800] =	vst v63  }
0x221: {  	s3 =	rddreg [dreg:$0x6];
	s0 =	sadd.s32 s31, s24  }
0x222: {  	[tilespmem:s14], [sflag:$0x9] =	stream.linear.gather [hbm4b:s0+s4], $0x40, $0x38;
	[tilespmem:$0x1C800] =	vst v63  }
0x223: {  	s12 =	sadd.s32 s31, s3  }
0x224: {  	[tilespmem:s10], [sflag:$0x11] =	stream.linear.gather [hbm4b:s12+s4], $0x40, $0x38;
	[tilespmem:$0x1C800] =	vst v63  }
0x225: {  	_ =	swait.ge [sflag:s28], $0x2000  }
0x226: {  	[sflag:s28] =	ssyncset.done $0x0  }
0x227: {  	s14 =	simm.s32 $0xE;
	[sflag:s28] =	ssyncadd.s32 $0xFFFFE000  }
0x228: {  	_ =	swait.ge [sflag:s14], $0x40  }
0x229: {  	[sflag:s14] =	ssyncset.done $0x0  }
0x22a: {  	s15 =	simm.s32 $0x16;
	[sflag:s14] =	ssyncadd.s32 $0xFFFFFFC0  }
0x22b: {  	_ =	swait.ge [sflag:s15], $0x40  }
0x22c: {  	p0 =	sne.s32 s22, $0x440;
	s22 =	sadd.s32 $0x40, s22;
	[sflag:s15] =	ssyncset.done $0x0  }
0x22d: {  	s25 =	simm.s32 $0x400;
	s5 =	simm.s32 $0x80;
	[sflag:s15] =	ssyncadd.s32 $0xFFFFFFC0  }
0x22e: {  	[tilespmem:s16], [sflag:$0x4] =	stream.indirect.gather [hbm4b:s17+s2], $0x80, s29, s2, $0xb8;
	[tilespmem:$0x1C800] =	vst v63  }
0x22f: {  	s18 =	simm.s32 $0x480;
	s8 =	simm.s32 $0x100;
	_ =	swait.ge [sflag:s26], $0x2000  }
0x230: {  	s21 =	smov.u32 s17;
	s29 =	simm.s32 $0x680;
	[sflag:s26] =	ssyncset.done $0x0  }
.Ltmp1:
0x231: {  	s16 =	rddreg [dreg:$0x5];
	[sflag:s26] =	ssyncadd.s32 $0xFFFFE000;
	(pc) =	sbr.rel @p0 .LBB2_4-.Ltmp1, $4  }
0x232: {  	[spmem:s6] =	stream.indirect.scatter.add.f32 [tilespmem:s9], [sflag:$0x6], $0x80, s29, s2, $0xb8;
	[tilespmem:$0x1C800] =	vst v63  }
0x233: {  	s24 =	simm.s32 $0x500;
	s20 =	rddreg [dreg:$0x4];
	s0 =	sadd.s32 s31, s16  }
0x234: {  	[tilespmem:s13], [sflag:$0xA] =	stream.linear.gather [hbm4b:s0+s4], $0x40, $0x38;
	[tilespmem:$0x1C800] =	vst v63  }
0x235: {  	s14 =	simm.s32 $0x180;
	s0 =	sadd.s32 s31, s20;
	s31 =	simm.s32 $0x580  }
0x236: {  	[tilespmem:s31], [sflag:$0x12] =	stream.linear.gather [hbm4b:s0+s4], $0x40, $0x38;
	[tilespmem:$0x1C800] =	vst v63  }
0x237: {  	_ =	swait.ge [sflag:s23], $0x2000  }
0x238: {  	[sflag:s23] =	ssyncset.done $0x0  }
0x239: {  	s3 =	simm.s32 $0x7;
	[sflag:s23] =	ssyncadd.s32 $0xFFFFE000  }
0x23a: {  	_ =	swait.ge [sflag:s3], $0x40  }
0x23b: {  	[sflag:s3] =	ssyncset.done $0x0  }
0x23c: {  	s7 =	simm.s32 $0xF;
	[sflag:s3] =	ssyncadd.s32 $0xFFFFFFC0  }
0x23d: {  	_ =	swait.ge [sflag:s7], $0x40  }
0x23e: {  	[sflag:s7] =	ssyncset.done $0x0  }
0x23f: {  	s10 =	simm.s32 $0x800;
	[sflag:s7] =	ssyncadd.s32 $0xFFFFFFC0  }
0x240: {  	[tilespmem:s10], [sflag:$0x1] =	stream.indirect.gather [hbm4b:s21+s2], $0x80, s4, s2, $0xb8;
	[tilespmem:$0x1C800] =	vst v63  }
0x241: {  	_ =	swait.ge [sflag:s11], $0x2000  }
0x242: {  	s13 =	simm.s32 $0x4800;
	[sflag:s11] =	ssyncset.done $0x0  }
0x243: {  	s7 =	simm.s32 $0x700;
	s9 =	sld [smem:$0x7E8];
	[sflag:s11] =	ssyncadd.s32 $0xFFFFE000  }
0x244: {  	[spmem:s6] =	stream.indirect.scatter.add.f32 [tilespmem:s13], [sflag:$0x5], $0x80, s7, s2, $0xb8;
	[tilespmem:$0x1C800] =	vst v63  }
0x245: {  	s22 =	simm.s32 $0x200;
	s12 =	sld [smem:$0x7E9]  }
0x246: {  	[tilespmem:s22], [sflag:$0xB] =	stream.linear.gather [hbm4b:s9+s4], $0x40, $0x38;
	[tilespmem:$0x1C800] =	vst v63  }
0x247: {  	s16 =	simm.s32 $0x600  }
0x248: {  	[tilespmem:s16], [sflag:$0x13] =	stream.linear.gather [hbm4b:s12+s4], $0x40, $0x38;
	[tilespmem:$0x1C800] =	vst v63  }
0x249: {  	_ =	swait.ge [sflag:s28], $0x2000  }
0x24a: {  	[sflag:s28] =	ssyncset.done $0x0  }
0x24b: {  	s15 =	simm.s32 $0x8;
	[sflag:s28] =	ssyncadd.s32 $0xFFFFE000  }
0x24c: {  	_ =	swait.ge [sflag:s15], $0x40  }
0x24d: {  	[sflag:s15] =	ssyncset.done $0x0  }
0x24e: {  	s17 =	simm.s32 $0x10;
	[sflag:s15] =	ssyncadd.s32 $0xFFFFFFC0  }
0x24f: {  	_ =	swait.ge [sflag:s17], $0x40  }
0x250: {  	[sflag:s17] =	ssyncset.done $0x0  }
0x251: {  	s9 =	simm.s32 $0x2800;
	[sflag:s17] =	ssyncadd.s32 $0xFFFFFFC0  }
0x252: {  	[tilespmem:s9], [sflag:$0x2] =	stream.indirect.gather [hbm4b:s21+s2], $0x80, s5, s2, $0xb8;
	[tilespmem:$0x1C800] =	vst v63  }
0x253: {  	_ =	swait.ge [sflag:s1], $0x2000  }
0x254: {  	s12 =	simm.s32 $0x780;
	[sflag:s1] =	ssyncset.done $0x0  }
0x255: {  	s15 =	simm.s32 $0x6800;
	s20 =	sld [smem:$0x7EA];
	[sflag:s1] =	ssyncadd.s32 $0xFFFFE000  }
0x256: {  	[spmem:s6] =	stream.indirect.scatter.add.f32 [tilespmem:s15], [sflag:$0x6], $0x80, s12, s2, $0xb8;
	[tilespmem:$0x1C800] =	vst v63  }
0x257: {  	s3 =	simm.s32 $0x280;
	s29 =	sld [smem:$0x7EB]  }
0x258: {  	[tilespmem:s3], [sflag:$0xC] =	stream.linear.gather [hbm4b:s20+s4], $0x40, $0x38;
	[tilespmem:$0x1C800] =	vst v63  }
0x259: {  	s5 =	simm.s32 $0x680  }
0x25a: {  	[tilespmem:s5], [sflag:$0x14] =	stream.linear.gather [hbm4b:s29+s4], $0x40, $0x38;
	[tilespmem:$0x1C800] =	vst v63  }
0x25b: {  	_ =	swait.ge [sflag:s23], $0x2000  }
0x25c: {  	[sflag:s23] =	ssyncset.done $0x0  }
0x25d: {  	s17 =	simm.s32 $0x9;
	[sflag:s23] =	ssyncadd.s32 $0xFFFFE000  }
0x25e: {  	_ =	swait.ge [sflag:s17], $0x40  }
0x25f: {  	[sflag:s17] =	ssyncset.done $0x0  }
0x260: {  	s20 =	simm.s32 $0x11;
	[sflag:s17] =	ssyncadd.s32 $0xFFFFFFC0  }
0x261: {  	_ =	swait.ge [sflag:s20], $0x40  }
0x262: {  	[sflag:s20] =	ssyncset.done $0x0  }
0x263: {  	[sflag:s20] =	ssyncadd.s32 $0xFFFFFFC0  }
0x264: {  	[tilespmem:s13], [sflag:$0x3] =	stream.indirect.gather [hbm4b:s21+s2], $0x80, s8, s2, $0xb8;
	[tilespmem:$0x1C800] =	vst v63  }
0x265: {  	_ =	swait.ge [sflag:s30], $0x2000  }
0x266: {  	[sflag:s30] =	ssyncset.done $0x0  }
0x267: {  	s29 =	sld [smem:$0x7EE];
	[sflag:s30] =	ssyncadd.s32 $0xFFFFE000  }
0x268: {  	[spmem:s6] =	stream.indirect.scatter.add.f32 [tilespmem:s10], [sflag:$0x5], $0x80, s25, s2, $0xb8;
	[tilespmem:$0x1C800] =	vst v63  }
0x269: {  	s20 =	simm.s32 $0x300;
	s17 =	sld [smem:$0x7EF]  }
0x26a: {  	[tilespmem:s20], [sflag:$0xD] =	stream.linear.gather [hbm4b:s29+s4], $0x40, $0x38;
	[tilespmem:$0x1C800] =	vst v63  }
0x26b: {  	_ = 	snop  }
0x26c: {  	[tilespmem:s7], [sflag:$0x15] =	stream.linear.gather [hbm4b:s17+s4], $0x40, $0x38;
	[tilespmem:$0x1C800] =	vst v63  }
0x26d: {  	_ =	swait.ge [sflag:s28], $0x2000  }
0x26e: {  	[sflag:s28] =	ssyncset.done $0x0  }
0x26f: {  	s25 =	simm.s32 $0xA;
	[sflag:s28] =	ssyncadd.s32 $0xFFFFE000  }
0x270: {  	_ =	swait.ge [sflag:s25], $0x40  }
0x271: {  	[sflag:s25] =	ssyncset.done $0x0  }
0x272: {  	s29 =	simm.s32 $0x12;
	[sflag:s25] =	ssyncadd.s32 $0xFFFFFFC0  }
0x273: {  	_ =	swait.ge [sflag:s29], $0x40  }
0x274: {  	[sflag:s29] =	ssyncset.done $0x0  }
0x275: {  	[sflag:s29] =	ssyncadd.s32 $0xFFFFFFC0  }
0x276: {  	[tilespmem:s15], [sflag:$0x4] =	stream.indirect.gather [hbm4b:s21+s2], $0x80, s14, s2, $0xb8;
	[tilespmem:$0x1C800] =	vst v63  }
0x277: {  	_ =	swait.ge [sflag:s26], $0x2000  }
0x278: {  	[sflag:s26] =	ssyncset.done $0x0  }
0x279: {  	s17 =	sld [smem:$0x7F1];
	[sflag:s26] =	ssyncadd.s32 $0xFFFFE000  }
0x27a: {  	[spmem:s6] =	stream.indirect.scatter.add.f32 [tilespmem:s9], [sflag:$0x6], $0x80, s18, s2, $0xb8;
	[tilespmem:$0x1C800] =	vst v63  }
0x27b: {  	s25 =	sld [smem:$0x7F0];
	s18 =	simm.s32 $0x380  }
0x27c: {  	[tilespmem:s18], [sflag:$0xE] =	stream.linear.gather [hbm4b:s17+s4], $0x40, $0x38;
	[tilespmem:$0x1C800] =	vst v63  }
0x27d: {  	_ = 	snop  }
0x27e: {  	[tilespmem:s12], [sflag:$0x16] =	stream.linear.gather [hbm4b:s25+s4], $0x40, $0x38;
	[tilespmem:$0x1C800] =	vst v63  }
0x27f: {  	_ =	swait.ge [sflag:s23], $0x2000  }
0x280: {  	[sflag:s23] =	ssyncset.done $0x0  }
0x281: {  	s29 =	simm.s32 $0xB;
	[sflag:s23] =	ssyncadd.s32 $0xFFFFE000  }
0x282: {  	_ =	swait.ge [sflag:s29], $0x40  }
0x283: {  	[sflag:s29] =	ssyncset.done $0x0  }
0x284: {  	s17 =	simm.s32 $0x13;
	[sflag:s29] =	ssyncadd.s32 $0xFFFFFFC0  }
0x285: {  	_ =	swait.ge [sflag:s17], $0x40  }
0x286: {  	[sflag:s17] =	ssyncset.done $0x0  }
0x287: {  	[sflag:s17] =	ssyncadd.s32 $0xFFFFFFC0  }
0x288: {  	[tilespmem:s10], [sflag:$0x1] =	stream.indirect.gather [hbm4b:s21+s2], $0x80, s22, s2, $0xb8;
	[tilespmem:$0x1C800] =	vst v63  }
0x289: {  	_ =	swait.ge [sflag:s11], $0x2000  }
0x28a: {  	[sflag:s11] =	ssyncset.done $0x0  }
0x28b: {  	[sflag:s11] =	ssyncadd.s32 $0xFFFFE000  }
0x28c: {  	[spmem:s6] =	stream.indirect.scatter.add.f32 [tilespmem:s13], [sflag:$0x5], $0x80, s24, s2, $0xb8;
	[tilespmem:$0x1C800] =	vst v63  }
0x28d: {  	_ =	swait.ge [sflag:s28], $0x2000  }
0x28e: {  	[sflag:s28] =	ssyncset.done $0x0  }
0x28f: {  	s25 =	simm.s32 $0xC;
	[sflag:s28] =	ssyncadd.s32 $0xFFFFE000  }
0x290: {  	_ =	swait.ge [sflag:s25], $0x40  }
0x291: {  	[sflag:s25] =	ssyncset.done $0x0  }
0x292: {  	s29 =	simm.s32 $0x14;
	[sflag:s25] =	ssyncadd.s32 $0xFFFFFFC0  }
0x293: {  	_ =	swait.ge [sflag:s29], $0x40  }
0x294: {  	[sflag:s29] =	ssyncset.done $0x0  }
0x295: {  	[sflag:s29] =	ssyncadd.s32 $0xFFFFFFC0  }
0x296: {  	[tilespmem:s9], [sflag:$0x2] =	stream.indirect.gather [hbm4b:s21+s2], $0x80, s3, s2, $0xb8;
	[tilespmem:$0x1C800] =	vst v63  }
0x297: {  	_ =	swait.ge [sflag:s1], $0x2000  }
0x298: {  	[sflag:s1] =	ssyncset.done $0x0  }
0x299: {  	[sflag:s1] =	ssyncadd.s32 $0xFFFFE000  }
0x29a: {  	[spmem:s6] =	stream.indirect.scatter.add.f32 [tilespmem:s15], [sflag:$0x6], $0x80, s31, s2, $0xb8;
	[tilespmem:$0x1C800] =	vst v63  }
0x29b: {  	_ =	swait.ge [sflag:s23], $0x2000  }
0x29c: {  	[sflag:s23] =	ssyncset.done $0x0  }
0x29d: {  	s3 =	simm.s32 $0xD;
	[sflag:s23] =	ssyncadd.s32 $0xFFFFE000  }
0x29e: {  	_ =	swait.ge [sflag:s3], $0x40  }
0x29f: {  	[sflag:s3] =	ssyncset.done $0x0  }
0x2a0: {  	[sflag:s3] =	ssyncadd.s32 $0xFFFFFFC0  }
0x2a1: {  	_ =	swait.ge [sflag:s19], $0x40  }
0x2a2: {  	[sflag:s19] =	ssyncset.done $0x0  }
0x2a3: {  	[sflag:s19] =	ssyncadd.s32 $0xFFFFFFC0  }
0x2a4: {  	[tilespmem:s13], [sflag:$0x3] =	stream.indirect.gather [hbm4b:s21+s2], $0x80, s20, s2, $0xb8;
	[tilespmem:$0x1C800] =	vst v63  }
0x2a5: {  	_ =	swait.ge [sflag:s30], $0x2000  }
0x2a6: {  	[sflag:s30] =	ssyncset.done $0x0  }
0x2a7: {  	[sflag:s30] =	ssyncadd.s32 $0xFFFFE000  }
0x2a8: {  	[spmem:s6] =	stream.indirect.scatter.add.f32 [tilespmem:s10], [sflag:$0x5], $0x80, s16, s2, $0xb8;
	[tilespmem:$0x1C800] =	vst v63  }
0x2a9: {  	_ =	swait.ge [sflag:s28], $0x2000  }
0x2aa: {  	[sflag:s28] =	ssyncset.done $0x0  }
0x2ab: {  	s17 =	simm.s32 $0xE;
	[sflag:s28] =	ssyncadd.s32 $0xFFFFE000  }
0x2ac: {  	_ =	swait.ge [sflag:s17], $0x40  }
0x2ad: {  	[sflag:s17] =	ssyncset.done $0x0  }
0x2ae: {  	s19 =	simm.s32 $0x16;
	[sflag:s17] =	ssyncadd.s32 $0xFFFFFFC0  }
0x2af: {  	_ =	swait.ge [sflag:s19], $0x40  }
0x2b0: {  	[sflag:s19] =	ssyncset.done $0x0  }
0x2b1: {  	[sflag:s19] =	ssyncadd.s32 $0xFFFFFFC0  }
0x2b2: {  	[tilespmem:s15], [sflag:$0x4] =	stream.indirect.gather [hbm4b:s21+s2], $0x80, s18, s2, $0xb8;
	[tilespmem:$0x1C800] =	vst v63  }
0x2b3: {  	_ =	swait.ge [sflag:s26], $0x2000  }
0x2b4: {  	[sflag:s26] =	ssyncset.done $0x0  }
0x2b5: {  	[sflag:s26] =	ssyncadd.s32 $0xFFFFE000  }
0x2b6: {  	[spmem:s6] =	stream.indirect.scatter.add.f32 [tilespmem:s9], [sflag:$0x6], $0x80, s5, s2, $0xb8;
	[tilespmem:$0x1C800] =	vst v63  }
0x2b7: {  	_ =	swait.ge [sflag:s11], $0x2000  }
0x2b8: {  	[sflag:s11] =	ssyncset.done $0x0  }
0x2b9: {  	[sflag:s11] =	ssyncadd.s32 $0xFFFFE000  }
0x2ba: {  	[spmem:s6] =	stream.indirect.scatter.add.f32 [tilespmem:s13], [sflag:$0x5], $0x80, s7, s2, $0xb8;
	[tilespmem:$0x1C800] =	vst v63  }
0x2bb: {  	_ =	swait.ge [sflag:s1], $0x2000  }
0x2bc: {  	[sflag:s1] =	ssyncset.done $0x0  }
0x2bd: {  	[sflag:s1] =	ssyncadd.s32 $0xFFFFE000  }
0x2be: {  	[spmem:s6] =	stream.indirect.scatter.add.f32 [tilespmem:s15], [sflag:$0x6], $0x80, s12, s2, $0xb8;
	[tilespmem:$0x1C800] =	vst v63  }
0x2bf: {  	_ =	swait.ge [sflag:s23], $0x2000  }
0x2c0: {  	[sflag:s23] =	ssyncset.done $0x0  }
0x2c1: {  	[sflag:s23] =	ssyncadd.s32 $0xFFFFE000  }
0x2c2: {  	_ =	swait.ge [sflag:s28], $0x2000  }
0x2c3: {  	[sflag:s28] =	ssyncset.done $0x0  }
0x2c4: {  	[sflag:s28] =	ssyncadd.s32 $0xFFFFE000  }
0x2c5: {  	_ =	swait.ge [sflag:s23], $0x2000  }
0x2c6: {  	[sflag:s23] =	ssyncset.done $0x0  }
0x2c7: {  	[sflag:s23] =	ssyncadd.s32 $0xFFFFE000  }
0x2c8: {  	_ =	swait.ge [sflag:s28], $0x2000  }
0x2c9: {  	[sflag:s28] =	ssyncset.done $0x0  }
0x2ca: {  	[sflag:s28] =	ssyncadd.s32 $0xFFFFE000  }
0x2cb: {  	[bflag:$0x0] =	sbarrier.arrive $0xFFFF  }
0x2cc: {  	s22 =	sld [smem:$0x7FC]  }
0x2cd: {  	s20 =	stileid.u32;
	s25 =	sld [smem:$0x7F2]  }
0x2ce: {  	s0 =	sshll.u32 s20, $0x6  }
0x2cf: {  	s0 =	sor.u32 $0x1C17, s0;
	s26 =	simm.s32 $0x17;
	s7 =	sshrl.u32 s22, $0x3  }
0x2d0: {  	[hbm:s25], [sflag:s0] =	dma.local [spmem:s7], $0x2800  }
0x2d1: {  	_ =	swait.ge [sflag:s26], $0x2800  }
0x2d2: {  	s29 =	sld [smem:$0x7DD]  }
0x2d3: {  	s30 =	sld [smem:$0x7F3];
	_ =	sdelay $0x1  }
0x2d4: {  	s10 =	sadd.s32 $0x1, s29  }
0x2d5: {  	p0 =	sne.s32 s10, s30  }
.Ltmp2:
0x2d6: {  	s31 =	simm.s32 $0x480;
	s16 =	simm.s32 $0x1;
	(pc) =	sbr.rel @p0 .LBB2_1-.Ltmp2, $4  }
0x2d7: {  	s17 =	smov.u32 s6;
	s19 =	simm.s32 $0x580;
	s5 =	simm.s32 $0x800  }
0x2d8: {  	s9 =	simm.s32 $0x4800;
	s11 =	simm.s32 $0x3;
	s1 =	simm.s32 $0x4  }
0x2d9: {  	s15 =	simm.s32 $0x2800;
	s22 =	simm.s32 $0x80;
	[sflag:s26] =	ssyncset.done $0x0  }
0x2da: {  	s7 =	simm.s32 $0x400;
	[sflag:s26] =	ssyncadd.s32 $0xFFFFD800;
	s26 =	simm.s32 $0x2  }
0x2db: {  	_ =	sfence.sel $0x180000  }
0x2dc: {  	[bflag:$0x0] =	sbarrier.arrive $0xFFFF  }
0x2dd: {  	_ =	strace $0x9000004A  }
0x2de: {  	s0 =	stileid.u32;
	[bflag:$0x2] =	sbarrier.arrive $0xFFFF  }
0x2df: {  	p0 =	sne.s32 s0, $0x0;
	s0 =	rddreg [dreg:$0x3]  }
0x2e0: {  	s0 =	sadd.s32 @!p0 $0x100000, s0  }
0x2e1: {  	[sflag:s0] =	ssyncadd.tile.s32 @!p0 $0x1;
	_ =	shalt  }
.Lfunc_end2:
_tile_overlayer_lowered:
.L_overlay_start_2:
0x2e2: {  	(tag) =	ssettag $0x2  }
0x2e3: {  	s0 =	rddreg [dreg:$0x0];
	s2 =	stileid.u32  }
0x2e4: {  	s1 =	rddreg [dreg:$0x1];
	p0 =	sne.s32 s2, $0x0  }
0x2e5: {  	s3 =	rddreg [dreg:$0x2];
	[bflag:$0x3] =	sbarrier.arrive $0xFFFF;
	s2 =	simm.s32 @!p0 $0x1C17  }
0x2e6: {  	[timem:s3], [sflag:s2] =	dma.local @!p0 [hbm:s0], s1  }
0x2e7: {  	s0 =	simm.s32 @!p0 $0x17  }
0x2e8: {  	_ =	swait.ge @!p0 [sflag:s0], s1  }
0x2e9: {  	s1 =	ssub.s32 @!p0 $0x0, s1;
	[sflag:s0] =	ssyncset.done @!p0 $0x0  }
0x2ea: {  	[sflag:s0] =	ssyncadd.s32 @!p0 s1  }
0x2eb: {  	[bflag:$0x3] =	sbarrier.arrive $0xFFFF  }
0x2ec: {  	_ =	shalt  }

// kernel: kernel.7.cloned.1.call-start
scs
__scs_entry_jumppad:
0x0: {  	(pc) =	sbr.rel $0x88, $3  }
0x1: {  	(tag) =	ssettag $0x0;
	lr =	simm.s32 $0x1  }
0x2: {  	[smem:$0x3F99] =	sst lr;
	_ =	strace $0xD0000000  }
0x3: {  	_ = 	snop  }
0x4: {  	_ = 	snop  }
0x5: {  	_ = 	snop  }
0x6: {  	_ = 	snop  }
0x7: {  	_ = 	snop  }
__scs_overlays_trampoline_lowered:
0x8: {  	[smem:$0x3FA8] =	sst s0  }
0x9: {  	[smem:$0x3FA9] =	sst s1  }
0xa: {  	[smem:$0x3FAA] =	sst s2  }
0xb: {  	[smem:$0x3FAB] =	sst s3  }
0xc: {  	[smem:$0x3FAC] =	sst s4  }
0xd: {  	[smem:$0x3FAD] =	sst s5  }
0xe: {  	[smem:$0x3FAE] =	sst s6  }
0xf: {  	[smem:$0x3FAF] =	sst s7  }
0x10: {  	[smem:$0x3FB0] =	sst s8  }
0x11: {  	[smem:$0x3FB1] =	sst s9;
	s0 =	simm.s32 @!p0 $0x0  }
0x12: {  	s1 =	sld [smem:$0x3F97];
	s0 =	simm.s32 @p0 $0x1  }
0x13: {  	[smem:$0x3FB2] =	sst s0;
	s0 =	simm.s32 @!p1 $0x0  }
0x14: {  	s2 =	sld [smem:$0x3F96];
	s0 =	simm.s32 @p1 $0x1  }
0x15: {  	[smem:$0x3FB3] =	sst s0;
	s0 =	simm.s32 @!p2 $0x0  }
0x16: {  	s3 =	sld [smem:$0x3FDB];
	s0 =	simm.s32 @p2 $0x1  }
0x17: {  	s4 =	simm.s32 $0x1BF5;
	[smem:$0x3FB5] =	sst s0  }
0x18: {  	s0 =	sld [smem:$0x3F98];
	_ =	swait.ge [sflag:s4], $0x0  }
0x19: {  	s7 =	sld [smem:$0x3F99]  }
0x1a: {  	s8 =	sadd.s32 $0xFFFFE003, lr  }
0x1b: {  	s9 =	sadd.s32 $0xFFFFFEF7, lr;
	s5 =	simm.s32 $0xFFFFFFFF;
	p2 =	slt.u32 s8, $0xFFFFF086  }
0x1c: {  	p1 =	slt.u32 s9, $0xF7A;
	s5 =	simm.s32 @!p2 $0x0  }
0x1d: {  	s5 =	simm.s32 @p1 $0x1;
	p0 =	seq.s32 s7, s2  }
0x1e: {  	s7 =	smul.u32 @!p0 $0xF7A, s2;
	p2 =	seq.s32 @!p0 s5, $0x0  }
0x1f: {  	s9 =	smul.u32 $0xF7A, s1;
	s8 =	simm.s32 @!p0 $0x1BF5;
	p2 =	por !p2, p0  }
0x20: {  	[sflag:s8] =	ssyncset.s32 @!p0 $0xFFFFF086;
	s6 =	sadd.s32 @!p0 s3, s7;
	s7 =	simm.s32 @!p0 $0x108  }
0x21: {  	s3 =	sadd.s32 s3, s9;
	s6 =	sadd.s32 @!p0 $0x88, s6;
	s7 =	simm.s32 @p2 $0x1082  }
0x22: {  	[simem:s7], [sflag:s8] =	dma.local @!p0 [hbm:s6], $0xF7A  }
0x23: {  	s9 =	sor.u32 $0xD0000000, s2;
	s6 =	simm.s32 $0x108;
	_ =	swait.ge @!p0 [sflag:s8], $0x0  }
0x24: {  	s3 =	sadd.s32 $0x88, s3;
	s6 =	simm.s32 @!p1 $0x1082;
	[sflag:s4] =	ssyncset.s32 $0xFFFFF086  }
0x25: {  	[simem:s6], [sflag:s4] =	dma.local [hbm:s3], $0xF7A  }
0x26: {  	[smem:$0x3F99] =	sst s1;
	(tag) =	ssettag s2;
	_ =	strace s9  }
0x27: {  	s1 =	sld [smem:$0x3FA9]  }
0x28: {  	s2 =	sld [smem:$0x3FAA]  }
0x29: {  	s4 =	sld [smem:$0x3FAC]  }
0x2a: {  	p0 =	seq.s32 s5, $0x0;
	s5 =	sld [smem:$0x3FAD]  }
0x2b: {  	s6 =	sld [smem:$0x3FAE]  }
0x2c: {  	s7 =	sld [smem:$0x3FAF]  }
0x2d: {  	s3 =	simm.s32 $0x108;
	s8 =	sld [smem:$0x3FB0]  }
0x2e: {  	s3 =	simm.s32 @!p0 $0x1082;
	s9 =	sld [smem:$0x3FB1]  }
0x2f: {  	lr =	sadd.s32 s0, s3;
	s0 =	sld [smem:$0x3FA8]  }
0x30: {  	s3 =	sld [smem:$0x3FAB]  }
0x31: {  	[smem:$0x3FB4] =	sst s10  }
0x32: {  	s10 =	sld [smem:$0x3FB2];
	_ =	sdelay $0x3  }
0x33: {  	p0 =	seq.s32 s10, $0x1;
	s10 =	sld [smem:$0x3FB4];
	_ =	sdelay $0x3  }
0x34: {  	[smem:$0x3FB4] =	sst s10  }
0x35: {  	s10 =	sld [smem:$0x3FB3];
	_ =	sdelay $0x3  }
0x36: {  	p1 =	seq.s32 s10, $0x1;
	s10 =	sld [smem:$0x3FB4];
	_ =	sdelay $0x3  }
0x37: {  	[smem:$0x3FB4] =	sst s10  }
0x38: {  	s10 =	sld [smem:$0x3FB5]  }
0x39: {  	_ = 	snop;
	(pc) =	sbr.ind lr, $3  }
0x3a: {  	_ = 	snop  }
0x3b: {  	_ = 	snop  }
0x3c: {  	p2 =	seq.s32 s10, $0x1;
	s10 =	sld [smem:$0x3FB4]  }
0x3d: {  	_ =	shalt  }
0x3e: {  	_ =	shalt  }
0x3f: {  	_ =	shalt  }
0x40: {  	_ =	shalt  }
0x41: {  	_ =	shalt  }
0x42: {  	_ =	shalt  }
0x43: {  	_ =	shalt  }
0x44: {  	_ =	shalt  }
0x45: {  	_ =	shalt  }
0x46: {  	_ =	shalt  }
0x47: {  	_ =	shalt  }
0x48: {  	_ =	shalt  }
0x49: {  	_ =	shalt  }
0x4a: {  	_ =	shalt  }
0x4b: {  	_ =	shalt  }
0x4c: {  	_ =	shalt  }
0x4d: {  	_ =	shalt  }
0x4e: {  	_ =	shalt  }
0x4f: {  	_ =	shalt  }
0x50: {  	_ =	shalt  }
0x51: {  	_ =	shalt  }
0x52: {  	_ =	shalt  }
0x53: {  	_ =	shalt  }
0x54: {  	_ =	shalt  }
0x55: {  	_ =	shalt  }
0x56: {  	_ =	shalt  }
0x57: {  	_ =	shalt  }
0x58: {  	_ =	shalt  }
0x59: {  	_ =	shalt  }
0x5a: {  	_ =	shalt  }
0x5b: {  	_ =	shalt  }
0x5c: {  	_ =	shalt  }
0x5d: {  	_ =	shalt  }
0x5e: {  	_ =	shalt  }
0x5f: {  	_ =	shalt  }
0x60: {  	_ =	shalt  }
0x61: {  	_ =	shalt  }
0x62: {  	_ =	shalt  }
0x63: {  	_ =	shalt  }
0x64: {  	_ =	shalt  }
0x65: {  	_ =	shalt  }
0x66: {  	_ =	shalt  }
0x67: {  	_ =	shalt  }
0x68: {  	_ =	shalt  }
0x69: {  	_ =	shalt  }
0x6a: {  	_ =	shalt  }
0x6b: {  	_ =	shalt  }
0x6c: {  	_ =	shalt  }
0x6d: {  	_ =	shalt  }
0x6e: {  	_ =	shalt  }
0x6f: {  	_ =	shalt  }
0x70: {  	_ =	shalt  }
0x71: {  	_ =	shalt  }
0x72: {  	_ =	shalt  }
0x73: {  	_ =	shalt  }
0x74: {  	_ =	shalt  }
0x75: {  	_ =	shalt  }
0x76: {  	_ =	shalt  }
0x77: {  	_ =	shalt  }
0x78: {  	_ =	shalt  }
0x79: {  	_ =	shalt  }
0x7a: {  	_ =	shalt  }
0x7b: {  	_ =	shalt  }
0x7c: {  	_ =	shalt  }
0x7d: {  	_ =	shalt  }
0x7e: {  	_ =	shalt  }
0x7f: {  	_ =	shalt  }
0x80: {  	_ =	shalt  }
0x81: {  	_ =	shalt  }
0x82: {  	_ =	shalt  }
0x83: {  	_ =	shalt  }
0x84: {  	_ =	shalt  }
0x85: {  	_ =	shalt  }
0x86: {  	_ =	shalt  }
0x87: {  	_ =	shalt  }
.Lfunc_end0:
.L_simem_size_0:
called_computation_lowered:
.L_overlay_start_0:
0x88: {  	s2 =	sld [smem:$0x3FD9]  }
0x89: {  	s3 =	sld [smem:$0x3FFE];
	_ =	sdelay $0x1  }
0x8a: {  	s1 =	srdreg.scid  }
0x8b: {  	s0 =	sand.u32 $0x1, s1  }
0x8c: {  	s17 =	sshll.u32 s0, $0xA;
	s2 =	sadd.s32 s3, s2  }
0x8d: {  	s2 =	sadd.s32 s2, s17  }
0x8e: {  	[smem:$0x3FC0] =	sst s2  }
0x8f: {  	_ = 	snop  }
0x90: {  	s2 =	sld [smem:$0x3FD0];
	(tm) =	ssettm $0x1  }
0x91: {  	s18 =	sld [smem:$0x3FFB];
	_ =	sdelay $0x3  }
0x92: {  	_ =	strace s18  }
0x93: {  	s3 =	sld [smem:$0x3FFC];
	_ =	sdelay $0x3  }
0x94: {  	_ =	strace s3  }
0x95: {  	s3 =	sld [smem:$0x3FFD];
	_ =	sdelay $0x3  }
0x96: {  	_ =	strace s3  }
0x97: {  	_ =	strace $0x8FFFFFFF  }
0x98: {  	s19 =	sld [smem:$0x3FDB];
	_ =	sdelay $0x1  }
0x99: {  	s4 =	simm.s32 $_scs_section_size  }
0x9a: {  	s5 =	simm.s32 $_size__tile_overlayer_lowered;
	s6 =	simm.s32 $_tile_overlayer_lowered  }
0x9b: {  	s22 =	simm.s32 $0x1BFF;
	s21 =	sshll.u32 s6, $0x1;
	s3 =	sadd.s32 s4, s19  }
0x9c: {  	s7 =	simm.s32 $0x0;
	s20 =	sshll.u32 s5, $0x1;
	s5 =	sadd.s32 s21, s3  }
0x9d: {  	[timem:s7], [sflag:s22] =	dma.local [hbm:s5], s20  }
0x9e: {  	_ =	swait.ge [sflag:s22], s20  }
0x9f: {  	s4 =	ssub.s32 $0x0, s20;
	[sflag:s22] =	ssyncset.done $0x0  }
0xa0: {  	[sflag:s22] =	ssyncadd.s32 s4;
	_ =	sdelay $0x1  }
0xa1: {  	s23 =	simm.s32 $0x1B8B  }
0xa2: {  	_ =	swait.ge [sflag:s23], $0x1  }
0xa3: {  	[sflag:s23] =	ssyncset.done $0x0  }
0xa4: {  	s25 =	simm.s32 $0x1B8E;
	s24 =	sld [smem:$0x3FFE];
	[sflag:s23] =	ssyncadd.s32 $0xFFFFFFFF  }
0xa5: {  	s26 =	simm.s32 $execute0_lowered;
	[smem:$0x3FD2] =	sst s25  }
0xa6: {  	s5 =	sshll.u32 s26, $0x1;
	_ =	strace $0x80000046;
	[dreg:$0x1] =	wrdreg $0xFFFFFFFF  }
0xa7: {  	s28 =	simm.s32 $_size_execute0_lowered;
	s3 =	sadd.s32 s3, s5;
	[dreg:$0x0] =	wrdreg $0x0  }
0xa8: {  	s5 =	sshll.u32 s28, $0x1;
	[dreg:$0x2] =	wrdreg s3  }
0xa9: {  	[dreg:$0x3] =	wrdreg s5  }
0xaa: {  	[dreg:$0x4] =	wrdreg $0xC0  }
0xab: {  	_ =	task [dreg:s7], $0x5FFFF  }
0xac: {  	[dreg:$0x1] =	wrdreg $0xFFFFFFFF  }
0xad: {  	[dreg:$0x0] =	wrdreg $0x60  }
0xae: {  	[dreg:$0x2] =	wrdreg s2  }
0xaf: {  	[dreg:$0x3] =	wrdreg s24  }
0xb0: {  	[dreg:$0x4] =	wrdreg $0x88000  }
0xb1: {  	[dreg:$0x5] =	wrdreg $0x9  }
0xb2: {  	_ =	task.clear_ibuf [dreg:s7], $0x6FFFF;
	_ =	strace $0x90000046  }
0xb3: {  	s29 =	simm.s32 $0x9;
	_ =	strace $0x80000048  }
0xb4: {  	_ =	swait.ge [sflag:s29], $0x1  }
0xb5: {  	[sflag:s29] =	ssyncadd.s32 $0xFFFFFFFF  }
0xb6: {  	_ =	strace $0x90000048  }
0xb7: {  	_ =	sfence  }
0xb8: {  	s30 =	sld [smem:$0x0];
	_ =	sdelay $0x2  }
0xb9: {  	s31 =	sshll.u32 s1, $0xD;
	s1 =	sshrl.u32 s1, $0x2  }
0xba: {  	s3 =	sand.u32 $0x4000, s31;
	s1 =	sadd.s32 s1, s30  }
0xbb: {  	s0 =	sor.u32 s3, s0;
	s1 =	sshll.u32 s1, $0x11  }
0xbc: {  	s0 =	sor.u32 s1, s0  }
0xbd: {  	s0 =	sadd.s32 $0x8F2B, s0  }
0xbe: {  	[sflag:s0] =	ssyncadd.remote.s32 $0x1  }
0xbf: {  	_ =	sfence.sel $0xFFFF  }
0xc0: {  	[dreg:$0x0] =	wrdreg $0xFFFFFFFF;
	(pc) =	sbr.abs _section_cstart, $3  }
0xc1: {  	[dreg:$0x1] =	wrdreg $0xFFFFFFFF  }
0xc2: {  	_ =	task.clear_ibuf [dreg:s7], $0x2FFFF;
	_ =	strace $0x9FFFFFFF  }
0xc3: {  	(tm) =	ssettm $0x7FFFFFFF  }
tec
execute0_lowered:
.L_overlay_start_1:
0x0: {  	(tag) =	ssettag $0x1  }
0x1: {  	s21 =	rddreg [dreg:$0x0]  }
0x2: {  	s2 =	rddreg [dreg:$0x1]  }
0x3: {  	s17 =	rddreg [dreg:$0x2]  }
0x4: {  	s0 =	srdreg.scid;
	s13 =	stileid.u32  }
0x5: {  	s8 =	sand.u32 $0x1, s0;
	s24 =	sshll.u32 s13, $0x1;
	s7 =	smul.u32 $0x14000, s13  }
0x6: {  	s4 =	simm.s32 $0x0;
	s6 =	smul.u32 $0x140000, s8;
	s0 =	sor.u32 s8, s24  }
0x7: {  	[smem:$0x7FF] =	sst s4;
	s9 =	smul.u32 $0x2800, s0  }
0x8: {  	s5 =	sadd.s32 $0x2E00, s2;
	s1 =	smul.u32 $0x5000, s13;
	_ =	strace $0x80000047  }
0x9: {  	s10 =	ssub.s32 $0x2, s8;
	s6 =	sadd.s32 s7, s6;
	s7 =	sshrl.u32 s9, $0x3  }
0xa: {  	s0 =	sadd.s32 $0xCE00, s2;
	s6 =	sshrl.u32 s6, $0x3;
	s9 =	sor.u32 $0x8, s7  }
0xb: {  	s25 =	sshrl.u32 s10, $0x1;
	s2 =	sadd.s32 s6, s2;
	s26 =	sadd.s32 s0, s9  }
0xc: {  	s29 =	sor.u32 $0x10, s7;
	s9 =	sadd.s32 s5, s9;
	[dreg:$0x14] =	wrdreg s26  }
0xd: {  	s6 =	ssub.s32 s10, s25;
	s30 =	sadd.s32 s0, s29;
	[dreg:$0x15] =	wrdreg s9  }
0xe: {  	s3 =	sor.u32 $0x18, s7;
	s10 =	sadd.s32 s5, s29;
	[dreg:$0x16] =	wrdreg s30  }
0xf: {  	s12 =	sor.u32 $0x20, s7;
	s11 =	sadd.s32 s0, s3;
	[dreg:$0x17] =	wrdreg s10  }
0x10: {  	s8 =	smul.u32 $0x2800, s8;
	s14 =	sadd.s32 s0, s12;
	[dreg:$0x18] =	wrdreg s11  }
0x11: {  	s15 =	sor.u32 $0x28, s7;
	s16 =	sadd.s32 s5, s12;
	[dreg:$0x1a] =	wrdreg s14  }
0x12: {  	s8 =	sadd.s32 s8, s1;
	s18 =	sadd.s32 s0, s15;
	[dreg:$0x1b] =	wrdreg s16  }
0x13: {  	s19 =	sor.u32 $0x4C0, s8;
	s20 =	sadd.s32 s5, s15;
	[dreg:$0x1c] =	wrdreg s18  }
0x14: {  	s12 =	sor.u32 $0x480, s8;
	s2 =	sadd.s32 $0x16E00, s2;
	[dreg:$0x1d] =	wrdreg s20  }
0x15: {  	s10 =	sadd.s32 s5, s3;
	s9 =	sshrl.u32 s19, $0x3;
	[smem:$0x7F2] =	sst s2  }
0x16: {  	s15 =	sor.u32 $0x3C0, s8;
	[dreg:$0x19] =	wrdreg s10;
	s23 =	sadd.s32 s9, s5  }
0x17: {  	s24 =	sshrl.u32 s12, $0x3;
	s9 =	sadd.s32 s9, s0;
	[dreg:$0x4] =	wrdreg s23  }
0x18: {  	s26 =	sor.u32 $0x440, s8;
	s25 =	sadd.s32 s24, s5;
	[dreg:$0x5] =	wrdreg s9  }
0x19: {  	s18 =	sshrl.u32 s15, $0x3;
	s29 =	sadd.s32 s24, s0;
	[dreg:$0x6] =	wrdreg s25  }
0x1a: {  	s10 =	sor.u32 $0x30, s7;
	s19 =	sadd.s32 s18, s5;
	[dreg:$0x7] =	wrdreg s29  }
0x1b: {  	s30 =	sshrl.u32 s26, $0x3;
	s22 =	sadd.s32 s0, s10;
	[dreg:$0xc] =	wrdreg s19  }
0x1c: {  	s3 =	sor.u32 $0x400, s8;
	s1 =	sadd.s32 s30, s5;
	[dreg:$0x1e] =	wrdreg s22  }
0x1d: {  	s12 =	sshrl.u32 s3, $0x3;
	s11 =	sadd.s32 s30, s0;
	[dreg:$0x8] =	wrdreg s1  }
0x1e: {  	s14 =	sadd.s32 s12, s5;
	[dreg:$0x9] =	wrdreg s11  }
0x1f: {  	s16 =	sadd.s32 s12, s0;
	[dreg:$0xa] =	wrdreg s14  }
0x20: {  	s15 =	sor.u32 $0x48, s7;
	s10 =	sadd.s32 s5, s10;
	[dreg:$0xb] =	wrdreg s16  }
0x21: {  	s20 =	sor.u32 $0x380, s8;
	s19 =	sadd.s32 s5, s15;
	[dreg:$0x1f] =	wrdreg s10  }
0x22: {  	s23 =	sshrl.u32 s20, $0x3;
	s22 =	sadd.s32 s18, s0;
	[smem:$0x7E3] =	sst s19  }
0x23: {  	s24 =	sadd.s32 s23, s5;
	[dreg:$0xd] =	wrdreg s22  }
0x24: {  	s26 =	sadd.s32 s23, s0;
	[dreg:$0xe] =	wrdreg s24  }
0x25: {  	s20 =	sor.u32 $0x50, s7;
	s18 =	sadd.s32 s0, s15;
	[dreg:$0xf] =	wrdreg s26  }
0x26: {  	s25 =	sor.u32 $0x340, s8;
	s23 =	sadd.s32 s0, s20;
	[smem:$0x7E2] =	sst s18  }
0x27: {  	s29 =	sshrl.u32 s25, $0x3;
	s19 =	smax.u32 s6, $0x1;
	[smem:$0x7E4] =	sst s23  }
0x28: {  	s1 =	sor.u32 $0x38, s7;
	s30 =	sadd.s32 s29, s5;
	[smem:$0x7F3] =	sst s19  }
0x29: {  	s3 =	sadd.s32 s0, s1;
	[dreg:$0x10] =	wrdreg s30  }
0x2a: {  	s8 =	sor.u32 $0x300, s8;
	s10 =	sadd.s32 s5, s1;
	[smem:$0x7DE] =	sst s3  }
0x2b: {  	s8 =	sshrl.u32 s8, $0x3;
	s11 =	sadd.s32 s29, s0;
	[smem:$0x7DF] =	sst s10  }
0x2c: {  	s14 =	sor.u32 $0x40, s7;
	s12 =	sadd.s32 s8, s5;
	[dreg:$0x11] =	wrdreg s11  }
0x2d: {  	s16 =	sadd.s32 s0, s14;
	[dreg:$0x12] =	wrdreg s12  }
0x2e: {  	s9 =	sadd.s32 s5, s14;
	[smem:$0x7E0] =	sst s16  }
0x2f: {  	s22 =	sor.u32 $0x58, s7;
	[smem:$0x7E1] =	sst s9;
	s9 =	sadd.s32 s5, s20  }
0x30: {  	s24 =	sadd.s32 s0, s22;
	[smem:$0x7E5] =	sst s9  }
0x31: {  	s26 =	sadd.s32 $0x4E0, s7;
	s25 =	sadd.s32 s5, s22;
	[smem:$0x7E6] =	sst s24  }
0x32: {  	s29 =	sadd.s32 $0x4E8, s7;
	s30 =	sadd.s32 s0, s26;
	[smem:$0x7E7] =	sst s25  }
0x33: {  	s1 =	sadd.s32 s0, s29;
	[smem:$0x7E8] =	sst s30  }
0x34: {  	s3 =	sadd.s32 s5, s29;
	[smem:$0x7EA] =	sst s1  }
0x35: {  	s10 =	sadd.s32 s0, s7;
	[smem:$0x7EB] =	sst s3  }
0x36: {  	s13 =	smul.u32 $0x50000, s13;
	s11 =	sadd.s32 s5, s7;
	[smem:$0x7EC] =	sst s10  }
0x37: {  	s12 =	sadd.s32 $0x4F0, s7;
	s9 =	sadd.s32 s5, s26;
	[smem:$0x7ED] =	sst s11  }
0x38: {  	s7 =	sadd.s32 $0x4F8, s7;
	s14 =	sadd.s32 s0, s12;
	[smem:$0x7E9] =	sst s9  }
0x39: {  	s15 =	sadd.s32 s0, s7;
	[smem:$0x7EE] =	sst s14  }
0x3a: {  	s16 =	sshrl.u32 s13, $0x2;
	s0 =	sadd.s32 s8, s0;
	[smem:$0x7F1] =	sst s15  }
0x3b: {  	s18 =	sadd.s32 s16, s17;
	[dreg:$0x13] =	wrdreg s0  }
0x3c: {  	s9 =	sadd.s32 s5, s12;
	[smem:$0x7FC] =	sst s18  }
0x3d: {  	s31 =	simm.s32 $0x480;
	s5 =	sadd.s32 s5, s7;
	[smem:$0x7EF] =	sst s9  }
0x3e: {  	s28 =	simm.s32 $0x6;
	s20 =	sadd.s32 $0x2000, s18;
	[smem:$0x7F0] =	sst s5  }
0x3f: {  	s2 =	simm.s32 $0x40;
	s22 =	sadd.s32 $0x4000, s18;
	[smem:$0x7F4] =	sst s20  }
0x40: {  	s19 =	simm.s32 $0x580;
	s23 =	sadd.s32 $0x6000, s18;
	[smem:$0x7F5] =	sst s22  }
0x41: {  	s8 =	simm.s32 $0x100;
	s24 =	sadd.s32 $0x8000, s18;
	[smem:$0x7F6] =	sst s23  }
0x42: {  	s16 =	simm.s32 $0x1;
	s25 =	sadd.s32 $0xA000, s18;
	[smem:$0x7F7] =	sst s24  }
0x43: {  	s11 =	simm.s32 $0x3;
	s26 =	sadd.s32 $0xC000, s18;
	[smem:$0x7F8] =	sst s25  }
0x44: {  	s1 =	simm.s32 $0x4;
	s29 =	sadd.s32 $0xE000, s18;
	[smem:$0x7F9] =	sst s26  }
0x45: {  	s10 =	simm.s32 $0x0;
	s30 =	sadd.s32 $0x10000, s18;
	[smem:$0x7FA] =	sst s29  }
0x46: {  	s0 =	sadd.s32 $0x12000, s18;
	s7 =	simm.s32 $0x400;
	[smem:$0x7FB] =	sst s30  }
0x47: {  	s14 =	simm.s32 $0x180;
	s15 =	simm.s32 $0x2800;
	[smem:$0x7FD] =	sst s0  }
0x48: {  	s22 =	simm.s32 $0x80;
	s24 =	simm.s32 $0x500;
	s5 =	simm.s32 $0x800  }
0x49: {  	v0 =	vimm.f32 $0.0e+00;
	s9 =	simm.s32 $0x4800;
	s26 =	simm.s32 $0x2;
	s23 =	simm.s32 $0x5  }
.LBB2_1:
0x4a: {  	s0 =	sld [smem:$0x7EC]  }
0x4b: {  	[smem:$0x7DD] =	sst s10  }
0x4c: {  	s12 =	sld [smem:$0x7ED]  }
0x4d: {  	[tilespmem:s4], [sflag:$0x7] =	stream.linear.gather [hbm4b:s0+s4], $0x40, $0x38;
	[tilespmem:$0x1C800] =	vst v63  }
0x4e: {  	s13 =	rddreg [dreg:$0x14]  }
0x4f: {  	[tilespmem:s7], [sflag:$0xF] =	stream.linear.gather [hbm4b:s12+s4], $0x40, $0x38;
	[tilespmem:$0x1C800] =	vst v63  }
0x50: {  	s18 =	rddreg [dreg:$0x15]  }
0x51: {  	[tilespmem:s22], [sflag:$0x8] =	stream.linear.gather [hbm4b:s13+s4], $0x40, $0x38;
	[tilespmem:$0x1C800] =	vst v63  }
0x52: {  	s20 =	rddreg [dreg:$0x16]  }
0x53: {  	[tilespmem:s31], [sflag:$0x10] =	stream.linear.gather [hbm4b:s18+s4], $0x40, $0x38;
	[tilespmem:$0x1C800] =	vst v63  }
0x54: {  	s25 =	rddreg [dreg:$0x18];
	s30 =	sand.u32 $0x7E00, s4  }
0x55: {  	[tilespmem:s8], [sflag:$0x9] =	stream.linear.gather [hbm4b:s20+s4], $0x40, $0x38;
	[tilespmem:$0x1C800] =	vst v63  }
0x56: {  	s0 =	sshrl.u32 s30, $0x2;
	s22 =	rddreg [dreg:$0x17];
	s31 =	sand.u32 $0x70, s4  }
0x57: {  	[tilespmem:s24], [sflag:$0x11] =	stream.linear.gather [hbm4b:s22+s4], $0x40, $0x38;
	[tilespmem:$0x1C800] =	vst v63  }
0x58: {  	s29 =	rddreg [dreg:$0x19];
	s0 =	sor.u32 s31, s0  }
0x59: {  	[tilespmem:s14], [sflag:$0xA] =	stream.linear.gather [hbm4b:s25+s4], $0x40, $0x38;
	[tilespmem:$0x1C800] =	vst v63  }
0x5a: {  	s31 =	simm.s32 $0x0;
	s20 =	simm.s32 $0x180;
	s22 =	simm.s32 $0x40  }
0x5b: {  	[tilespmem:s19], [sflag:$0x12] =	stream.linear.gather [hbm4b:s29+s4], $0x40, $0x38;
	[tilespmem:$0x1C800] =	vst v63  }
.LBB2_2:
0x5c: {  	p0 =	sne.s32 s22, $0x7FC0  }
0x5d: {  	[tilespmem:s0+$0x800] =	vst v0;
	s31 =	sadd.s32 $0x10, s31;
	s0 =	smov.u32 s22;
	s22 =	sadd.s32 $0x40, s22  }
.Ltmp0:
0x5e: {  	(pc) =	sbr.rel @p0 .LBB2_2-.Ltmp0, $4  }
0x5f: {  	_ = 	snop  }
0x60: {  	s0 =	sand.u32 $0x7E00, s0  }
0x61: {  	s7 =	sand.u32 $0x70, s31;
	s0 =	sshrl.u32 s0, $0x2  }
0x62: {  	s0 =	sor.u32 s7, s0  }
0x63: {  	s13 =	sld [smem:$0x7FC];
	_ =	sdelay $0x1  }
0x64: {  	[tilespmem:s0+$0x800] =	vst v0;
	s7 =	simm.s32 $0x17  }
0x65: {  	[spmem:s13] =	stream.linear.scatter [tilespmem:s5], [sflag:$0x17], $0x2000, $0x38;
	[tilespmem:$0x1C800] =	vst v63  }
0x66: {  	_ =	swait.ge [sflag:s7], $0x2000  }
0x67: {  	s14 =	sld [smem:$0x7F4]  }
0x68: {  	[sflag:s7] =	ssyncset.done $0x0  }
0x69: {  	[sflag:s7] =	ssyncadd.s32 $0xFFFFE000  }
0x6a: {  	[spmem:s14] =	stream.linear.scatter [tilespmem:s5], [sflag:$0x17], $0x2000, $0x38;
	[tilespmem:$0x1C800] =	vst v63  }
0x6b: {  	_ =	swait.ge [sflag:s7], $0x2000  }
0x6c: {  	s18 =	sld [smem:$0x7F5]  }
0x6d: {  	[sflag:s7] =	ssyncset.done $0x0  }
0x6e: {  	[sflag:s7] =	ssyncadd.s32 $0xFFFFE000  }
0x6f: {  	[spmem:s18] =	stream.linear.scatter [tilespmem:s5], [sflag:$0x17], $0x2000, $0x38;
	[tilespmem:$0x1C800] =	vst v63  }
0x70: {  	_ =	swait.ge [sflag:s7], $0x2000  }
0x71: {  	s19 =	sld [smem:$0x7F6]  }
0x72: {  	[sflag:s7] =	ssyncset.done $0x0  }
0x73: {  	[sflag:s7] =	ssyncadd.s32 $0xFFFFE000  }
0x74: {  	[spmem:s19] =	stream.linear.scatter [tilespmem:s5], [sflag:$0x17], $0x2000, $0x38;
	[tilespmem:$0x1C800] =	vst v63  }
0x75: {  	_ =	swait.ge [sflag:s7], $0x2000  }
0x76: {  	s22 =	sld [smem:$0x7F7]  }
0x77: {  	[sflag:s7] =	ssyncset.done $0x0  }
0x78: {  	[sflag:s7] =	ssyncadd.s32 $0xFFFFE000  }
0x79: {  	[spmem:s22] =	stream.linear.scatter [tilespmem:s5], [sflag:$0x17], $0x2000, $0x38;
	[tilespmem:$0x1C800] =	vst v63  }
0x7a: {  	_ =	swait.ge [sflag:s7], $0x2000  }
0x7b: {  	s24 =	sld [smem:$0x7F8]  }
0x7c: {  	[sflag:s7] =	ssyncset.done $0x0  }
0x7d: {  	[sflag:s7] =	ssyncadd.s32 $0xFFFFE000  }
0x7e: {  	[spmem:s24] =	stream.linear.scatter [tilespmem:s5], [sflag:$0x17], $0x2000, $0x38;
	[tilespmem:$0x1C800] =	vst v63  }
0x7f: {  	_ =	swait.ge [sflag:s7], $0x2000  }
0x80: {  	s25 =	sld [smem:$0x7F9]  }
0x81: {  	[sflag:s7] =	ssyncset.done $0x0  }
0x82: {  	[sflag:s7] =	ssyncadd.s32 $0xFFFFE000  }
0x83: {  	[spmem:s25] =	stream.linear.scatter [tilespmem:s5], [sflag:$0x17], $0x2000, $0x38;
	[tilespmem:$0x1C800] =	vst v63  }
0x84: {  	_ =	swait.ge [sflag:s7], $0x2000  }
0x85: {  	s29 =	sld [smem:$0x7FA]  }
0x86: {  	[sflag:s7] =	ssyncset.done $0x0  }
0x87: {  	[sflag:s7] =	ssyncadd.s32 $0xFFFFE000  }
0x88: {  	[spmem:s29] =	stream.linear.scatter [tilespmem:s5], [sflag:$0x17], $0x2000, $0x38;
	[tilespmem:$0x1C800] =	vst v63  }
0x89: {  	_ =	swait.ge [sflag:s7], $0x2000  }
0x8a: {  	s3 =	sld [smem:$0x7FB]  }
0x8b: {  	[sflag:s7] =	ssyncset.done $0x0  }
0x8c: {  	[sflag:s7] =	ssyncadd.s32 $0xFFFFE000  }
0x8d: {  	[spmem:s3] =	stream.linear.scatter [tilespmem:s5], [sflag:$0x17], $0x2000, $0x38;
	[tilespmem:$0x1C800] =	vst v63  }
0x8e: {  	_ =	swait.ge [sflag:s7], $0x2000  }
0x8f: {  	s6 =	sld [smem:$0x7FD]  }
0x90: {  	[sflag:s7] =	ssyncset.done $0x0  }
0x91: {  	[sflag:s7] =	ssyncadd.s32 $0xFFFFE000  }
0x92: {  	[spmem:s6] =	stream.linear.scatter [tilespmem:s5], [sflag:$0x17], $0x2000, $0x38;
	[tilespmem:$0x1C800] =	vst v63  }
0x93: {  	_ =	swait.ge [sflag:s7], $0x2000  }
0x94: {  	[sflag:s7] =	ssyncset.done $0x0  }
0x95: {  	[sflag:s7] =	ssyncadd.s32 $0xFFFFE000  }
0x96: {  	s7 =	simm.s32 $0x7;
	[bflag:$0x0] =	sbarrier.arrive $0xFFFF  }
0x97: {  	_ =	swait.ge [sflag:s7], $0x40  }
0x98: {  	[sflag:s7] =	ssyncset.done $0x0  }
0x99: {  	s3 =	simm.s32 $0xF;
	[sflag:s7] =	ssyncadd.s32 $0xFFFFFFC0  }
0x9a: {  	_ =	swait.ge [sflag:s3], $0x40  }
0x9b: {  	[sflag:s3] =	ssyncset.done $0x0  }
0x9c: {  	s30 =	simm.s32 $0x800;
	s22 =	simm.s32 $0x0;
	[sflag:s3] =	ssyncadd.s32 $0xFFFFFFC0  }
0x9d: {  	[tilespmem:s30], [sflag:$0x1] =	stream.indirect.gather [hbm4b:s21+s2], $0x80, s22, s2, $0xb8;
	[tilespmem:$0x1C800] =	vst v63  }
0x9e: {  	s10 =	simm.s32 $0x200;
	s8 =	rddreg [dreg:$0x1a]  }
0x9f: {  	[tilespmem:s10], [sflag:$0xB] =	stream.linear.gather [hbm4b:s8+s22], $0x40, $0x38;
	[tilespmem:$0x1C800] =	vst v63  }
0xa0: {  	s13 =	simm.s32 $0x600;
	s12 =	rddreg [dreg:$0x1b];
	s8 =	simm.s32 $0x8  }
0xa1: {  	[tilespmem:s13], [sflag:$0x13] =	stream.linear.gather [hbm4b:s12+s22], $0x40, $0x38;
	[tilespmem:$0x1C800] =	vst v63  }
0xa2: {  	_ =	swait.ge [sflag:s8], $0x40  }
0xa3: {  	[sflag:s8] =	ssyncset.done $0x0  }
0xa4: {  	s12 =	simm.s32 $0x10;
	[sflag:s8] =	ssyncadd.s32 $0xFFFFFFC0  }
0xa5: {  	_ =	swait.ge [sflag:s12], $0x40  }
0xa6: {  	[sflag:s12] =	ssyncset.done $0x0  }
0xa7: {  	s14 =	simm.s32 $0x80;
	[sflag:s12] =	ssyncadd.s32 $0xFFFFFFC0  }
0xa8: {  	[tilespmem:s15], [sflag:$0x2] =	stream.indirect.gather [hbm4b:s21+s2], $0x80, s14, s2, $0xb8;
	[tilespmem:$0x1C800] =	vst v63  }
0xa9: {  	s18 =	simm.s32 $0x280;
	s15 =	rddreg [dreg:$0x1c]  }
0xaa: {  	[tilespmem:s18], [sflag:$0xC] =	stream.linear.gather [hbm4b:s15+s22], $0x40, $0x38;
	[tilespmem:$0x1C800] =	vst v63  }
0xab: {  	s6 =	simm.s32 $0x680;
	s19 =	rddreg [dreg:$0x1d];
	s18 =	simm.s32 $0x9  }
0xac: {  	[tilespmem:s6], [sflag:$0x14] =	stream.linear.gather [hbm4b:s19+s22], $0x40, $0x38;
	[tilespmem:$0x1C800] =	vst v63  }
0xad: {  	_ =	swait.ge [sflag:s18], $0x40  }
0xae: {  	[sflag:s18] =	ssyncset.done $0x0  }
0xaf: {  	s14 =	simm.s32 $0x11;
	[sflag:s18] =	ssyncadd.s32 $0xFFFFFFC0  }
0xb0: {  	_ =	swait.ge [sflag:s14], $0x40  }
0xb1: {  	[sflag:s14] =	ssyncset.done $0x0  }
0xb2: {  	s25 =	simm.s32 $0x100;
	[sflag:s14] =	ssyncadd.s32 $0xFFFFFFC0  }
0xb3: {  	[tilespmem:s9], [sflag:$0x3] =	stream.indirect.gather [hbm4b:s21+s2], $0x80, s25, s2, $0xb8;
	[tilespmem:$0x1C800] =	vst v63  }
0xb4: {  	_ =	swait.ge [sflag:s16], $0x2000  }
0xb5: {  	[sflag:s16] =	ssyncset.done $0x0  }
0xb6: {  	s29 =	simm.s32 $0x400;
	[sflag:s16] =	ssyncadd.s32 $0xFFFFE000  }
0xb7: {  	[spmem:s17] =	stream.indirect.scatter.add.f32 [tilespmem:s30], [sflag:$0x5], $0x80, s29, s2, $0xb8;
	[tilespmem:$0x1C800] =	vst v63  }
0xb8: {  	s9 =	simm.s32 $0x300;
	s6 =	rddreg [dreg:$0x1e]  }
0xb9: {  	[tilespmem:s9], [sflag:$0xD] =	stream.linear.gather [hbm4b:s6+s22], $0x40, $0x38;
	[tilespmem:$0x1C800] =	vst v63  }
0xba: {  	s13 =	simm.s32 $0x700;
	s25 =	simm.s32 $0xA;
	s10 =	rddreg [dreg:$0x1f]  }
0xbb: {  	[tilespmem:s13], [sflag:$0x15] =	stream.linear.gather [hbm4b:s10+s22], $0x40, $0x38;
	[tilespmem:$0x1C800] =	vst v63  }
0xbc: {  	_ =	swait.ge [sflag:s25], $0x40  }
0xbd: {  	[sflag:s25] =	ssyncset.done $0x0  }
0xbe: {  	s19 =	simm.s32 $0x12;
	[sflag:s25] =	ssyncadd.s32 $0xFFFFFFC0  }
0xbf: {  	_ =	swait.ge [sflag:s19], $0x40  }
0xc0: {  	[sflag:s19] =	ssyncset.done $0x0  }
0xc1: {  	s15 =	simm.s32 $0x6800;
	[sflag:s19] =	ssyncadd.s32 $0xFFFFFFC0  }
0xc2: {  	[tilespmem:s15], [sflag:$0x4] =	stream.indirect.gather [hbm4b:s21+s2], $0x80, s20, s2, $0xb8;
	[tilespmem:$0x1C800] =	vst v63  }
0xc3: {  	_ =	swait.ge [sflag:s26], $0x2000  }
0xc4: {  	s5 =	simm.s32 $0x2800;
	s6 =	smov.u32 s17;
	[sflag:s26] =	ssyncset.done $0x0  }
0xc5: {  	s17 =	smov.u32 s21;
	s21 =	simm.s32 $0x480;
	[sflag:s26] =	ssyncadd.s32 $0xFFFFE000  }
0xc6: {  	[spmem:s6] =	stream.indirect.scatter.add.f32 [tilespmem:s5], [sflag:$0x6], $0x80, s21, s2, $0xb8;
	[tilespmem:$0x1C800] =	vst v63  }
0xc7: {  	s5 =	sld [smem:$0x7DE];
	_ =	sdelay $0x1  }
0xc8: {  	s15 =	simm.s32 $0x380;
	s20 =	sld [smem:$0x7DF]  }
0xc9: {  	[tilespmem:s15], [sflag:$0xE] =	stream.linear.gather [hbm4b:s5+s22], $0x40, $0x38;
	[tilespmem:$0x1C800] =	vst v63  }
0xca: {  	s21 =	simm.s32 $0x780  }
0xcb: {  	[tilespmem:s21], [sflag:$0x16] =	stream.linear.gather [hbm4b:s20+s22], $0x40, $0x38;
	[tilespmem:$0x1C800] =	vst v63  }
0xcc: {  	_ =	swait.ge [sflag:s23], $0x2000  }
0xcd: {  	[sflag:s23] =	ssyncset.done $0x0  }
0xce: {  	s21 =	simm.s32 $0xB;
	[sflag:s23] =	ssyncadd.s32 $0xFFFFE000  }
0xcf: {  	_ =	swait.ge [sflag:s21], $0x40  }
0xd0: {  	[sflag:s21] =	ssyncset.done $0x0  }
0xd1: {  	s20 =	simm.s32 $0x13;
	[sflag:s21] =	ssyncadd.s32 $0xFFFFFFC0  }
0xd2: {  	_ =	swait.ge [sflag:s20], $0x40  }
0xd3: {  	[sflag:s20] =	ssyncset.done $0x0  }
0xd4: {  	s24 =	simm.s32 $0x200;
	[sflag:s20] =	ssyncadd.s32 $0xFFFFFFC0  }
0xd5: {  	[tilespmem:s30], [sflag:$0x1] =	stream.indirect.gather [hbm4b:s17+s2], $0x80, s24, s2, $0xb8;
	[tilespmem:$0x1C800] =	vst v63  }
0xd6: {  	_ =	swait.ge [sflag:s11], $0x2000  }
0xd7: {  	s15 =	simm.s32 $0x500;
	[sflag:s11] =	ssyncset.done $0x0  }
0xd8: {  	s5 =	simm.s32 $0x4800;
	s24 =	sld [smem:$0x7E0];
	[sflag:s11] =	ssyncadd.s32 $0xFFFFE000  }
0xd9: {  	[spmem:s6] =	stream.indirect.scatter.add.f32 [tilespmem:s5], [sflag:$0x5], $0x80, s15, s2, $0xb8;
	[tilespmem:$0x1C800] =	vst v63  }
0xda: {  	_ = 	snop  }
0xdb: {  	[tilespmem:s22], [sflag:$0x7] =	stream.linear.gather [hbm4b:s24+s22], $0x40, $0x38;
	[tilespmem:$0x1C800] =	vst v63  }
0xdc: {  	s24 =	sld [smem:$0x7E1];
	_ =	sdelay $0x1  }
0xdd: {  	s29 =	simm.s32 $0x400  }
0xde: {  	[tilespmem:s29], [sflag:$0xF] =	stream.linear.gather [hbm4b:s24+s22], $0x40, $0x38;
	[tilespmem:$0x1C800] =	vst v63  }
0xdf: {  	_ =	swait.ge [sflag:s28], $0x2000  }
0xe0: {  	[sflag:s28] =	ssyncset.done $0x0  }
0xe1: {  	s29 =	simm.s32 $0xC;
	[sflag:s28] =	ssyncadd.s32 $0xFFFFE000  }
0xe2: {  	_ =	swait.ge [sflag:s29], $0x40  }
0xe3: {  	[sflag:s29] =	ssyncset.done $0x0  }
0xe4: {  	s24 =	simm.s32 $0x14;
	[sflag:s29] =	ssyncadd.s32 $0xFFFFFFC0  }
0xe5: {  	_ =	swait.ge [sflag:s24], $0x40  }
0xe6: {  	[sflag:s24] =	ssyncset.done $0x0  }
0xe7: {  	s31 =	simm.s32 $0x280;
	s10 =	simm.s32 $0x2800;
	[sflag:s24] =	ssyncadd.s32 $0xFFFFFFC0  }
0xe8: {  	[tilespmem:s10], [sflag:$0x2] =	stream.indirect.gather [hbm4b:s17+s2], $0x80, s31, s2, $0xb8;
	[tilespmem:$0x1C800] =	vst v63  }
0xe9: {  	_ =	swait.ge [sflag:s1], $0x2000  }
0xea: {  	s13 =	simm.s32 $0x6800;
	[sflag:s1] =	ssyncset.done $0x0  }
0xeb: {  	s31 =	simm.s32 $0x580;
	s0 =	sld [smem:$0x7E2];
	[sflag:s1] =	ssyncadd.s32 $0xFFFFE000  }
0xec: {  	[spmem:s6] =	stream.indirect.scatter.add.f32 [tilespmem:s13], [sflag:$0x6], $0x80, s31, s2, $0xb8;
	[tilespmem:$0x1C800] =	vst v63  }
0xed: {  	s10 =	simm.s32 $0x80  }
0xee: {  	[tilespmem:s10], [sflag:$0x8] =	stream.linear.gather [hbm4b:s0+s22], $0x40, $0x38;
	[tilespmem:$0x1C800] =	vst v63  }
0xef: {  	s0 =	sld [smem:$0x7E3];
	_ =	sdelay $0x1  }
0xf0: {  	s9 =	simm.s32 $0x480  }
0xf1: {  	[tilespmem:s9], [sflag:$0x10] =	stream.linear.gather [hbm4b:s0+s22], $0x40, $0x38;
	[tilespmem:$0x1C800] =	vst v63  }
0xf2: {  	_ =	swait.ge [sflag:s23], $0x2000  }
0xf3: {  	[sflag:s23] =	ssyncset.done $0x0  }
0xf4: {  	s9 =	simm.s32 $0xD;
	[sflag:s23] =	ssyncadd.s32 $0xFFFFE000  }
0xf5: {  	_ =	swait.ge [sflag:s9], $0x40  }
0xf6: {  	[sflag:s9] =	ssyncset.done $0x0  }
0xf7: {  	[sflag:s9] =	ssyncadd.s32 $0xFFFFFFC0;
	s9 =	simm.s32 $0x15  }
0xf8: {  	_ =	swait.ge [sflag:s9], $0x40  }
0xf9: {  	[sflag:s9] =	ssyncset.done $0x0  }
0xfa: {  	[sflag:s9] =	ssyncadd.s32 $0xFFFFFFC0;
	s9 =	simm.s32 $0x300  }
0xfb: {  	[tilespmem:s5], [sflag:$0x3] =	stream.indirect.gather [hbm4b:s17+s2], $0x80, s9, s2, $0xb8;
	[tilespmem:$0x1C800] =	vst v63  }
0xfc: {  	_ =	swait.ge [sflag:s16], $0x2000  }
0xfd: {  	[sflag:s16] =	ssyncset.done $0x0  }
0xfe: {  	s5 =	simm.s32 $0x600;
	s0 =	sld [smem:$0x7E4];
	[sflag:s16] =	ssyncadd.s32 $0xFFFFE000  }
0xff: {  	[spmem:s6] =	stream.indirect.scatter.add.f32 [tilespmem:s30], [sflag:$0x5], $0x80, s5, s2, $0xb8;
	[tilespmem:$0x1C800] =	vst v63  }
0x100: {  	s9 =	simm.s32 $0x100  }
0x101: {  	[tilespmem:s9], [sflag:$0x9] =	stream.linear.gather [hbm4b:s0+s22], $0x40, $0x38;
	[tilespmem:$0x1C800] =	vst v63  }
0x102: {  	s9 =	sld [smem:$0x7E5];
	_ =	sdelay $0x1  }
0x103: {  	s15 =	simm.s32 $0x500  }
0x104: {  	[tilespmem:s15], [sflag:$0x11] =	stream.linear.gather [hbm4b:s9+s22], $0x40, $0x38;
	[tilespmem:$0x1C800] =	vst v63  }
0x105: {  	_ =	swait.ge [sflag:s28], $0x2000  }
0x106: {  	[sflag:s28] =	ssyncset.done $0x0  }
0x107: {  	s9 =	simm.s32 $0xE;
	[sflag:s28] =	ssyncadd.s32 $0xFFFFE000  }
0x108: {  	_ =	swait.ge [sflag:s9], $0x40  }
0x109: {  	[sflag:s9] =	ssyncset.done $0x0  }
0x10a: {  	s15 =	simm.s32 $0x16;
	[sflag:s9] =	ssyncadd.s32 $0xFFFFFFC0  }
0x10b: {  	_ =	swait.ge [sflag:s15], $0x40  }
0x10c: {  	[sflag:s15] =	ssyncset.done $0x0  }
0x10d: {  	s9 =	simm.s32 $0x380;
	[sflag:s15] =	ssyncadd.s32 $0xFFFFFFC0  }
0x10e: {  	[tilespmem:s13], [sflag:$0x4] =	stream.indirect.gather [hbm4b:s17+s2], $0x80, s9, s2, $0xb8;
	[tilespmem:$0x1C800] =	vst v63  }
0x10f: {  	_ =	swait.ge [sflag:s26], $0x2000  }
0x110: {  	s15 =	simm.s32 $0x2800;
	[sflag:s26] =	ssyncset.done $0x0  }
0x111: {  	s9 =	simm.s32 $0x680;
	s13 =	sld [smem:$0x7E6];
	[sflag:s26] =	ssyncadd.s32 $0xFFFFE000  }
0x112: {  	[spmem:s6] =	stream.indirect.scatter.add.f32 [tilespmem:s15], [sflag:$0x6], $0x80, s9, s2, $0xb8;
	[tilespmem:$0x1C800] =	vst v63  }
0x113: {  	s15 =	simm.s32 $0x180  }
0x114: {  	[tilespmem:s15], [sflag:$0xA] =	stream.linear.gather [hbm4b:s13+s22], $0x40, $0x38;
	[tilespmem:$0x1C800] =	vst v63  }
0x115: {  	s15 =	sld [smem:$0x7E7];
	_ =	sdelay $0x2  }
0x116: {  	[tilespmem:s31], [sflag:$0x12] =	stream.linear.gather [hbm4b:s15+s22], $0x40, $0x38;
	[tilespmem:$0x1C800] =	vst v63  }
0x117: {  	_ =	swait.ge [sflag:s23], $0x2000  }
0x118: {  	[sflag:s23] =	ssyncset.done $0x0  }
0x119: {  	[sflag:s23] =	ssyncadd.s32 $0xFFFFE000  }
0x11a: {  	_ =	swait.ge [sflag:s7], $0x40  }
0x11b: {  	[sflag:s7] =	ssyncset.done $0x0  }
0x11c: {  	[sflag:s7] =	ssyncadd.s32 $0xFFFFFFC0  }
0x11d: {  	_ =	swait.ge [sflag:s3], $0x40  }
0x11e: {  	[sflag:s3] =	ssyncset.done $0x0  }
0x11f: {  	[sflag:s3] =	ssyncadd.s32 $0xFFFFFFC0  }
0x120: {  	[tilespmem:s30], [sflag:$0x1] =	stream.indirect.gather [hbm4b:s17+s2], $0x80, s4, s2, $0xb8;
	[tilespmem:$0x1C800] =	vst v63  }
0x121: {  	_ =	swait.ge [sflag:s11], $0x2000  }
0x122: {  	s13 =	simm.s32 $0x700;
	[sflag:s11] =	ssyncset.done $0x0  }
0x123: {  	s3 =	simm.s32 $0x4800;
	s7 =	rddreg [dreg:$0x13];
	[sflag:s11] =	ssyncadd.s32 $0xFFFFE000  }
0x124: {  	[spmem:s6] =	stream.indirect.scatter.add.f32 [tilespmem:s3], [sflag:$0x5], $0x80, s13, s2, $0xb8;
	[tilespmem:$0x1C800] =	vst v63  }
0x125: {  	s22 =	simm.s32 $0x200;
	s15 =	rddreg [dreg:$0x12];
	s0 =	sadd.s32 $0x0, s7  }
0x126: {  	[tilespmem:s22], [sflag:$0xB] =	stream.linear.gather [hbm4b:s0+s4], $0x40, $0x38;
	[tilespmem:$0x1C800] =	vst v63  }
0x127: {  	s7 =	sadd.s32 $0x0, s15  }
0x128: {  	[tilespmem:s5], [sflag:$0x13] =	stream.linear.gather [hbm4b:s7+s4], $0x40, $0x38;
	[tilespmem:$0x1C800] =	vst v63  }
0x129: {  	_ =	swait.ge [sflag:s28], $0x2000  }
0x12a: {  	[sflag:s28] =	ssyncset.done $0x0  }
0x12b: {  	[sflag:s28] =	ssyncadd.s32 $0xFFFFE000  }
0x12c: {  	_ =	swait.ge [sflag:s8], $0x40  }
0x12d: {  	[sflag:s8] =	ssyncset.done $0x0  }
0x12e: {  	[sflag:s8] =	ssyncadd.s32 $0xFFFFFFC0  }
0x12f: {  	_ =	swait.ge [sflag:s12], $0x40  }
0x130: {  	[sflag:s12] =	ssyncset.done $0x0  }
0x131: {  	s15 =	simm.s32 $0x2800;
	[sflag:s12] =	ssyncadd.s32 $0xFFFFFFC0  }
0x132: {  	[tilespmem:s15], [sflag:$0x2] =	stream.indirect.gather [hbm4b:s17+s2], $0x80, s10, s2, $0xb8;
	[tilespmem:$0x1C800] =	vst v63  }
0x133: {  	_ =	swait.ge [sflag:s1], $0x2000  }
0x134: {  	s5 =	simm.s32 $0x780;
	[sflag:s1] =	ssyncset.done $0x0  }
0x135: {  	s10 =	simm.s32 $0x6800;
	s8 =	rddreg [dreg:$0x11];
	[sflag:s1] =	ssyncadd.s32 $0xFFFFE000  }
0x136: {  	[spmem:s6] =	stream.indirect.scatter.add.f32 [tilespmem:s10], [sflag:$0x6], $0x80, s5, s2, $0xb8;
	[tilespmem:$0x1C800] =	vst v63  }
0x137: {  	s12 =	rddreg [dreg:$0x10];
	s0 =	sadd.s32 $0x0, s8;
	s8 =	simm.s32 $0x280  }
0x138: {  	[tilespmem:s8], [sflag:$0xC] =	stream.linear.gather [hbm4b:s0+s4], $0x40, $0x38;
	[tilespmem:$0x1C800] =	vst v63  }
0x139: {  	s12 =	sadd.s32 $0x0, s12  }
0x13a: {  	[tilespmem:s9], [sflag:$0x14] =	stream.linear.gather [hbm4b:s12+s4], $0x40, $0x38;
	[tilespmem:$0x1C800] =	vst v63  }
0x13b: {  	_ =	swait.ge [sflag:s23], $0x2000  }
0x13c: {  	[sflag:s23] =	ssyncset.done $0x0  }
0x13d: {  	[sflag:s23] =	ssyncadd.s32 $0xFFFFE000  }
0x13e: {  	_ =	swait.ge [sflag:s18], $0x40  }
0x13f: {  	[sflag:s18] =	ssyncset.done $0x0  }
0x140: {  	[sflag:s18] =	ssyncadd.s32 $0xFFFFFFC0  }
0x141: {  	_ =	swait.ge [sflag:s14], $0x40  }
0x142: {  	[sflag:s14] =	ssyncset.done $0x0  }
0x143: {  	s18 =	simm.s32 $0x100;
	[sflag:s14] =	ssyncadd.s32 $0xFFFFFFC0  }
0x144: {  	[tilespmem:s3], [sflag:$0x3] =	stream.indirect.gather [hbm4b:s17+s2], $0x80, s18, s2, $0xb8;
	[tilespmem:$0x1C800] =	vst v63  }
0x145: {  	_ =	swait.ge [sflag:s16], $0x2000  }
0x146: {  	[sflag:s16] =	ssyncset.done $0x0  }
0x147: {  	s3 =	simm.s32 $0x400;
	s7 =	rddreg [dreg:$0xf];
	[sflag:s16] =	ssyncadd.s32 $0xFFFFE000  }
0x148: {  	[spmem:s6] =	stream.indirect.scatter.add.f32 [tilespmem:s30], [sflag:$0x5], $0x80, s3, s2, $0xb8;
	[tilespmem:$0x1C800] =	vst v63  }
0x149: {  	s14 =	simm.s32 $0x300;
	s9 =	rddreg [dreg:$0xe];
	s0 =	sadd.s32 $0x0, s7  }
0x14a: {  	[tilespmem:s14], [sflag:$0xD] =	stream.linear.gather [hbm4b:s0+s4], $0x40, $0x38;
	[tilespmem:$0x1C800] =	vst v63  }
0x14b: {  	s12 =	sadd.s32 $0x0, s9  }
0x14c: {  	[tilespmem:s13], [sflag:$0x15] =	stream.linear.gather [hbm4b:s12+s4], $0x40, $0x38;
	[tilespmem:$0x1C800] =	vst v63  }
0x14d: {  	_ =	swait.ge [sflag:s28], $0x2000  }
0x14e: {  	[sflag:s28] =	ssyncset.done $0x0  }
0x14f: {  	[sflag:s28] =	ssyncadd.s32 $0xFFFFE000  }
0x150: {  	_ =	swait.ge [sflag:s25], $0x40  }
0x151: {  	[sflag:s25] =	ssyncset.done $0x0  }
0x152: {  	[sflag:s25] =	ssyncadd.s32 $0xFFFFFFC0  }
0x153: {  	_ =	swait.ge [sflag:s19], $0x40  }
0x154: {  	[sflag:s19] =	ssyncset.done $0x0  }
0x155: {  	s7 =	simm.s32 $0x180;
	[sflag:s19] =	ssyncadd.s32 $0xFFFFFFC0  }
0x156: {  	[tilespmem:s10], [sflag:$0x4] =	stream.indirect.gather [hbm4b:s17+s2], $0x80, s7, s2, $0xb8;
	[tilespmem:$0x1C800] =	vst v63  }
0x157: {  	_ =	swait.ge [sflag:s26], $0x2000  }
0x158: {  	[sflag:s26] =	ssyncset.done $0x0  }
0x159: {  	s12 =	simm.s32 $0x480;
	s9 =	rddreg [dreg:$0xd];
	[sflag:s26] =	ssyncadd.s32 $0xFFFFE000  }
0x15a: {  	[spmem:s6] =	stream.indirect.scatter.add.f32 [tilespmem:s15], [sflag:$0x6], $0x80, s12, s2, $0xb8;
	[tilespmem:$0x1C800] =	vst v63  }
0x15b: {  	s10 =	rddreg [dreg:$0xc];
	s0 =	sadd.s32 $0x0, s9;
	s9 =	simm.s32 $0x380  }
0x15c: {  	[tilespmem:s9], [sflag:$0xE] =	stream.linear.gather [hbm4b:s0+s4], $0x40, $0x38;
	[tilespmem:$0x1C800] =	vst v63  }
0x15d: {  	s13 =	sadd.s32 $0x0, s10  }
0x15e: {  	[tilespmem:s5], [sflag:$0x16] =	stream.linear.gather [hbm4b:s13+s4], $0x40, $0x38;
	[tilespmem:$0x1C800] =	vst v63  }
0x15f: {  	_ =	swait.ge [sflag:s23], $0x2000  }
0x160: {  	[sflag:s23] =	ssyncset.done $0x0  }
0x161: {  	[sflag:s23] =	ssyncadd.s32 $0xFFFFE000  }
0x162: {  	_ =	swait.ge [sflag:s21], $0x40  }
0x163: {  	[sflag:s21] =	ssyncset.done $0x0  }
0x164: {  	[sflag:s21] =	ssyncadd.s32 $0xFFFFFFC0  }
0x165: {  	_ =	swait.ge [sflag:s20], $0x40  }
0x166: {  	[sflag:s20] =	ssyncset.done $0x0  }
0x167: {  	[sflag:s20] =	ssyncadd.s32 $0xFFFFFFC0  }
0x168: {  	[tilespmem:s30], [sflag:$0x1] =	stream.indirect.gather [hbm4b:s17+s2], $0x80, s22, s2, $0xb8;
	[tilespmem:$0x1C800] =	vst v63  }
0x169: {  	_ =	swait.ge [sflag:s11], $0x2000  }
0x16a: {  	s18 =	simm.s32 $0x4800;
	[sflag:s11] =	ssyncset.done $0x0  }
0x16b: {  	s10 =	simm.s32 $0x500;
	s20 =	rddreg [dreg:$0xb];
	[sflag:s11] =	ssyncadd.s32 $0xFFFFE000  }
0x16c: {  	[spmem:s6] =	stream.indirect.scatter.add.f32 [tilespmem:s18], [sflag:$0x5], $0x80, s10, s2, $0xb8;
	[tilespmem:$0x1C800] =	vst v63  }
0x16d: {  	s21 =	rddreg [dreg:$0xa];
	s0 =	sadd.s32 $0x0, s20  }
0x16e: {  	[tilespmem:s4], [sflag:$0x7] =	stream.linear.gather [hbm4b:s0+s4], $0x40, $0x38;
	[tilespmem:$0x1C800] =	vst v63  }
0x16f: {  	s22 =	sadd.s32 $0x0, s21  }
0x170: {  	[tilespmem:s3], [sflag:$0xF] =	stream.linear.gather [hbm4b:s22+s4], $0x40, $0x38;
	[tilespmem:$0x1C800] =	vst v63  }
0x171: {  	_ =	swait.ge [sflag:s28], $0x2000  }
0x172: {  	[sflag:s28] =	ssyncset.done $0x0  }
0x173: {  	[sflag:s28] =	ssyncadd.s32 $0xFFFFE000  }
0x174: {  	_ =	swait.ge [sflag:s29], $0x40  }
0x175: {  	[sflag:s29] =	ssyncset.done $0x0  }
0x176: {  	[sflag:s29] =	ssyncadd.s32 $0xFFFFFFC0  }
0x177: {  	_ =	swait.ge [sflag:s24], $0x40  }
0x178: {  	[sflag:s24] =	ssyncset.done $0x0  }
0x179: {  	s15 =	simm.s32 $0x2800;
	[sflag:s24] =	ssyncadd.s32 $0xFFFFFFC0  }
0x17a: {  	[tilespmem:s15], [sflag:$0x2] =	stream.indirect.gather [hbm4b:s17+s2], $0x80, s8, s2, $0xb8;
	[tilespmem:$0x1C800] =	vst v63  }
0x17b: {  	_ =	swait.ge [sflag:s1], $0x2000  }
0x17c: {  	[sflag:s1] =	ssyncset.done $0x0  }
0x17d: {  	s25 =	simm.s32 $0x6800;
	s3 =	rddreg [dreg:$0x9];
	[sflag:s1] =	ssyncadd.s32 $0xFFFFE000  }
0x17e: {  	[spmem:s6] =	stream.indirect.scatter.add.f32 [tilespmem:s25], [sflag:$0x6], $0x80, s31, s2, $0xb8;
	[tilespmem:$0x1C800] =	vst v63  }
0x17f: {  	s8 =	simm.s32 $0x80;
	s5 =	rddreg [dreg:$0x8];
	s0 =	sadd.s32 $0x0, s3  }
0x180: {  	[tilespmem:s8], [sflag:$0x8] =	stream.linear.gather [hbm4b:s0+s4], $0x40, $0x38;
	[tilespmem:$0x1C800] =	vst v63  }
0x181: {  	s11 =	sadd.s32 $0x0, s5  }
0x182: {  	[tilespmem:s12], [sflag:$0x10] =	stream.linear.gather [hbm4b:s11+s4], $0x40, $0x38;
	[tilespmem:$0x1C800] =	vst v63  }
0x183: {  	_ =	swait.ge [sflag:s23], $0x2000  }
0x184: {  	[sflag:s23] =	ssyncset.done $0x0  }
0x185: {  	s12 =	simm.s32 $0xD;
	[sflag:s23] =	ssyncadd.s32 $0xFFFFE000  }
0x186: {  	_ =	swait.ge [sflag:s12], $0x40  }
0x187: {  	[sflag:s12] =	ssyncset.done $0x0  }
0x188: {  	s13 =	simm.s32 $0x15;
	[sflag:s12] =	ssyncadd.s32 $0xFFFFFFC0  }
0x189: {  	_ =	swait.ge [sflag:s13], $0x40  }
0x18a: {  	[sflag:s13] =	ssyncset.done $0x0  }
0x18b: {  	[sflag:s13] =	ssyncadd.s32 $0xFFFFFFC0  }
0x18c: {  	[tilespmem:s18], [sflag:$0x3] =	stream.indirect.gather [hbm4b:s17+s2], $0x80, s14, s2, $0xb8;
	[tilespmem:$0x1C800] =	vst v63  }
0x18d: {  	_ =	swait.ge [sflag:s16], $0x2000  }
0x18e: {  	[sflag:s16] =	ssyncset.done $0x0  }
0x18f: {  	s18 =	simm.s32 $0x600;
	s14 =	rddreg [dreg:$0x7];
	[sflag:s16] =	ssyncadd.s32 $0xFFFFE000  }
0x190: {  	[spmem:s6] =	stream.indirect.scatter.add.f32 [tilespmem:s30], [sflag:$0x5], $0x80, s18, s2, $0xb8;
	[tilespmem:$0x1C800] =	vst v63  }
0x191: {  	s20 =	simm.s32 $0x100;
	s16 =	rddreg [dreg:$0x6];
	s0 =	sadd.s32 $0x0, s14  }
0x192: {  	[tilespmem:s20], [sflag:$0x9] =	stream.linear.gather [hbm4b:s0+s4], $0x40, $0x38;
	[tilespmem:$0x1C800] =	vst v63  }
0x193: {  	s21 =	sadd.s32 $0x0, s16  }
0x194: {  	[tilespmem:s10], [sflag:$0x11] =	stream.linear.gather [hbm4b:s21+s4], $0x40, $0x38;
	[tilespmem:$0x1C800] =	vst v63  }
0x195: {  	_ =	swait.ge [sflag:s28], $0x2000  }
0x196: {  	[sflag:s28] =	ssyncset.done $0x0  }
0x197: {  	s22 =	simm.s32 $0xE;
	[sflag:s28] =	ssyncadd.s32 $0xFFFFE000  }
0x198: {  	_ =	swait.ge [sflag:s22], $0x40  }
0x199: {  	[sflag:s22] =	ssyncset.done $0x0  }
0x19a: {  	s24 =	simm.s32 $0x16;
	[sflag:s22] =	ssyncadd.s32 $0xFFFFFFC0  }
0x19b: {  	_ =	swait.ge [sflag:s24], $0x40  }
0x19c: {  	[sflag:s24] =	ssyncset.done $0x0  }
0x19d: {  	[sflag:s24] =	ssyncadd.s32 $0xFFFFFFC0  }
0x19e: {  	[tilespmem:s25], [sflag:$0x4] =	stream.indirect.gather [hbm4b:s17+s2], $0x80, s9, s2, $0xb8;
	[tilespmem:$0x1C800] =	vst v63  }
0x19f: {  	s19 =	simm.s32 $0x180;
	s1 =	simm.s32 $0x4;
	_ =	swait.ge [sflag:s26], $0x2000  }
0x1a0: {  	s11 =	simm.s32 $0x3;
	s30 =	simm.s32 $0x1;
	[sflag:s26] =	ssyncset.done $0x0  }
0x1a1: {  	s25 =	rddreg [dreg:$0x5];
	[sflag:s26] =	ssyncadd.s32 $0xFFFFE000;
	s26 =	simm.s32 $0x680  }
0x1a2: {  	[spmem:s6] =	stream.indirect.scatter.add.f32 [tilespmem:s15], [sflag:$0x6], $0x80, s26, s2, $0xb8;
	[tilespmem:$0x1C800] =	vst v63  }
0x1a3: {  	s21 =	smov.u32 s17;
	s29 =	rddreg [dreg:$0x4];
	s0 =	sadd.s32 $0x0, s25  }
0x1a4: {  	[tilespmem:s19], [sflag:$0xA] =	stream.linear.gather [hbm4b:s0+s4], $0x40, $0x38;
	[tilespmem:$0x1C800] =	vst v63  }
0x1a5: {  	s22 =	simm.s32 $0x40;
	s26 =	simm.s32 $0x2;
	s0 =	sadd.s32 $0x0, s29  }
.LBB2_4:
0x1a6: {  	[tilespmem:s31], [sflag:$0x12] =	stream.linear.gather [hbm4b:s0+s4], $0x40, $0x38;
	[tilespmem:$0x1C800] =	vst v63  }
0x1a7: {  	_ =	swait.ge [sflag:s23], $0x2000  }
0x1a8: {  	[sflag:s23] =	ssyncset.done $0x0  }
0x1a9: {  	s29 =	simm.s32 $0x7;
	[sflag:s23] =	ssyncadd.s32 $0xFFFFE000  }
0x1aa: {  	_ =	swait.ge [sflag:s29], $0x40  }
0x1ab: {  	[sflag:s29] =	ssyncset.done $0x0  }
0x1ac: {  	s3 =	simm.s32 $0xF;
	[sflag:s29] =	ssyncadd.s32 $0xFFFFFFC0  }
0x1ad: {  	_ =	swait.ge [sflag:s3], $0x40  }
0x1ae: {  	[sflag:s3] =	ssyncset.done $0x0  }
0x1af: {  	s15 =	simm.s32 $0x800;
	[sflag:s3] =	ssyncadd.s32 $0xFFFFFFC0  }
0x1b0: {  	[tilespmem:s15], [sflag:$0x1] =	stream.indirect.gather [hbm4b:s21+s2], $0x80, s4, s2, $0xb8;
	[tilespmem:$0x1C800] =	vst v63  }
0x1b1: {  	_ =	swait.ge [sflag:s11], $0x2000  }
0x1b2: {  	s31 =	smov.u32 s22;
	s29 =	simm.s32 $0x700;
	[sflag:s11] =	ssyncset.done $0x0  }
0x1b3: {  	s3 =	simm.s32 $0x4800;
	s5 =	rddreg [dreg:$0x13];
	[sflag:s11] =	ssyncadd.s32 $0xFFFFE000  }
0x1b4: {  	[spmem:s6] =	stream.indirect.scatter.add.f32 [tilespmem:s3], [sflag:$0x5], $0x80, s29, s2, $0xb8;
	[tilespmem:$0x1C800] =	vst v63  }
0x1b5: {  	s25 =	simm.s32 $0x200;
	s7 =	rddreg [dreg:$0x12];
	s0 =	sadd.s32 s31, s5  }
0x1b6: {  	[tilespmem:s25], [sflag:$0xB] =	stream.linear.gather [hbm4b:s0+s4], $0x40, $0x38;
	[tilespmem:$0x1C800] =	vst v63  }
0x1b7: {  	s12 =	simm.s32 $0x600;
	s7 =	sadd.s32 s31, s7  }
0x1b8: {  	[tilespmem:s12], [sflag:$0x13] =	stream.linear.gather [hbm4b:s7+s4], $0x40, $0x38;
	[tilespmem:$0x1C800] =	vst v63  }
0x1b9: {  	_ =	swait.ge [sflag:s28], $0x2000  }
0x1ba: {  	[sflag:s28] =	ssyncset.done $0x0  }
0x1bb: {  	s8 =	simm.s32 $0x8;
	[sflag:s28] =	ssyncadd.s32 $0xFFFFE000  }
0x1bc: {  	_ =	swait.ge [sflag:s8], $0x40  }
0x1bd: {  	[sflag:s8] =	ssyncset.done $0x0  }
0x1be: {  	s9 =	simm.s32 $0x10;
	[sflag:s8] =	ssyncadd.s32 $0xFFFFFFC0  }
0x1bf: {  	_ =	swait.ge [sflag:s9], $0x40  }
0x1c0: {  	[sflag:s9] =	ssyncset.done $0x0  }
0x1c1: {  	s8 =	simm.s32 $0x80;
	[sflag:s9] =	ssyncadd.s32 $0xFFFFFFC0;
	s9 =	simm.s32 $0x2800  }
0x1c2: {  	[tilespmem:s9], [sflag:$0x2] =	stream.indirect.gather [hbm4b:s17+s2], $0x80, s8, s2, $0xb8;
	[tilespmem:$0x1C800] =	vst v63  }
0x1c3: {  	_ =	swait.ge [sflag:s1], $0x2000  }
0x1c4: {  	s18 =	simm.s32 $0x780;
	[sflag:s1] =	ssyncset.done $0x0  }
0x1c5: {  	s16 =	simm.s32 $0x6800;
	s10 =	rddreg [dreg:$0x11];
	[sflag:s1] =	ssyncadd.s32 $0xFFFFE000  }
0x1c6: {  	[spmem:s6] =	stream.indirect.scatter.add.f32 [tilespmem:s16], [sflag:$0x6], $0x80, s18, s2, $0xb8;
	[tilespmem:$0x1C800] =	vst v63  }
0x1c7: {  	s5 =	simm.s32 $0x280;
	s13 =	rddreg [dreg:$0x10];
	s0 =	sadd.s32 s31, s10  }
0x1c8: {  	[tilespmem:s5], [sflag:$0xC] =	stream.linear.gather [hbm4b:s0+s4], $0x40, $0x38;
	[tilespmem:$0x1C800] =	vst v63  }
0x1c9: {  	s20 =	simm.s32 $0x680;
	s14 =	sadd.s32 s31, s13  }
0x1ca: {  	[tilespmem:s20], [sflag:$0x14] =	stream.linear.gather [hbm4b:s14+s4], $0x40, $0x38;
	[tilespmem:$0x1C800] =	vst v63  }
0x1cb: {  	_ =	swait.ge [sflag:s23], $0x2000  }
0x1cc: {  	[sflag:s23] =	ssyncset.done $0x0  }
0x1cd: {  	s21 =	simm.s32 $0x9;
	[sflag:s23] =	ssyncadd.s32 $0xFFFFE000  }
0x1ce: {  	_ =	swait.ge [sflag:s21], $0x40  }
0x1cf: {  	[sflag:s21] =	ssyncset.done $0x0  }
0x1d0: {  	s24 =	simm.s32 $0x11;
	[sflag:s21] =	ssyncadd.s32 $0xFFFFFFC0  }
0x1d1: {  	_ =	swait.ge [sflag:s24], $0x40  }
0x1d2: {  	[sflag:s24] =	ssyncset.done $0x0  }
0x1d3: {  	s14 =	simm.s32 $0x100;
	[sflag:s24] =	ssyncadd.s32 $0xFFFFFFC0  }
0x1d4: {  	[tilespmem:s3], [sflag:$0x3] =	stream.indirect.gather [hbm4b:s17+s2], $0x80, s14, s2, $0xb8;
	[tilespmem:$0x1C800] =	vst v63  }
0x1d5: {  	_ =	swait.ge [sflag:s30], $0x2000  }
0x1d6: {  	[sflag:s30] =	ssyncset.done $0x0  }
0x1d7: {  	s24 =	simm.s32 $0x400;
	s7 =	rddreg [dreg:$0xf];
	[sflag:s30] =	ssyncadd.s32 $0xFFFFE000  }
0x1d8: {  	[spmem:s6] =	stream.indirect.scatter.add.f32 [tilespmem:s15], [sflag:$0x5], $0x80, s24, s2, $0xb8;
	[tilespmem:$0x1C800] =	vst v63  }
0x1d9: {  	s21 =	simm.s32 $0x300;
	s10 =	rddreg [dreg:$0xe];
	s0 =	sadd.s32 s31, s7  }
0x1da: {  	[tilespmem:s21], [sflag:$0xD] =	stream.linear.gather [hbm4b:s0+s4], $0x40, $0x38;
	[tilespmem:$0x1C800] =	vst v63  }
0x1db: {  	s13 =	sadd.s32 s31, s10  }
0x1dc: {  	[tilespmem:s29], [sflag:$0x15] =	stream.linear.gather [hbm4b:s13+s4], $0x40, $0x38;
	[tilespmem:$0x1C800] =	vst v63  }
0x1dd: {  	_ =	swait.ge [sflag:s28], $0x2000  }
0x1de: {  	[sflag:s28] =	ssyncset.done $0x0  }
0x1df: {  	s20 =	simm.s32 $0xA;
	[sflag:s28] =	ssyncadd.s32 $0xFFFFE000  }
0x1e0: {  	_ =	swait.ge [sflag:s20], $0x40  }
0x1e1: {  	[sflag:s20] =	ssyncset.done $0x0  }
0x1e2: {  	s29 =	simm.s32 $0x12;
	[sflag:s20] =	ssyncadd.s32 $0xFFFFFFC0  }
0x1e3: {  	_ =	swait.ge [sflag:s29], $0x40  }
0x1e4: {  	[sflag:s29] =	ssyncset.done $0x0  }
0x1e5: {  	s13 =	simm.s32 $0x180;
	[sflag:s29] =	ssyncadd.s32 $0xFFFFFFC0  }
0x1e6: {  	[tilespmem:s16], [sflag:$0x4] =	stream.indirect.gather [hbm4b:s17+s2], $0x80, s13, s2, $0xb8;
	[tilespmem:$0x1C800] =	vst v63  }
0x1e7: {  	_ =	swait.ge [sflag:s26], $0x2000  }
0x1e8: {  	[sflag:s26] =	ssyncset.done $0x0  }
0x1e9: {  	s20 =	simm.s32 $0x480;
	s7 =	rddreg [dreg:$0xd];
	[sflag:s26] =	ssyncadd.s32 $0xFFFFE000  }
0x1ea: {  	[spmem:s6] =	stream.indirect.scatter.add.f32 [tilespmem:s9], [sflag:$0x6], $0x80, s20, s2, $0xb8;
	[tilespmem:$0x1C800] =	vst v63  }
0x1eb: {  	s29 =	simm.s32 $0x380;
	s10 =	rddreg [dreg:$0xc];
	s0 =	sadd.s32 s31, s7  }
0x1ec: {  	[tilespmem:s29], [sflag:$0xE] =	stream.linear.gather [hbm4b:s0+s4], $0x40, $0x38;
	[tilespmem:$0x1C800] =	vst v63  }
0x1ed: {  	s10 =	sadd.s32 s31, s10  }
0x1ee: {  	[tilespmem:s18], [sflag:$0x16] =	stream.linear.gather [hbm4b:s10+s4], $0x40, $0x38;
	[tilespmem:$0x1C800] =	vst v63  }
0x1ef: {  	_ =	swait.ge [sflag:s23], $0x2000  }
0x1f0: {  	[sflag:s23] =	ssyncset.done $0x0  }
0x1f1: {  	s7 =	simm.s32 $0xB;
	[sflag:s23] =	ssyncadd.s32 $0xFFFFE000  }
0x1f2: {  	_ =	swait.ge [sflag:s7], $0x40  }
0x1f3: {  	[sflag:s7] =	ssyncset.done $0x0  }
0x1f4: {  	s10 =	simm.s32 $0x13;
	[sflag:s7] =	ssyncadd.s32 $0xFFFFFFC0  }
0x1f5: {  	_ =	swait.ge [sflag:s10], $0x40  }
0x1f6: {  	[sflag:s10] =	ssyncset.done $0x0  }
0x1f7: {  	[sflag:s10] =	ssyncadd.s32 $0xFFFFFFC0  }
0x1f8: {  	[tilespmem:s15], [sflag:$0x1] =	stream.indirect.gather [hbm4b:s17+s2], $0x80, s25, s2, $0xb8;
	[tilespmem:$0x1C800] =	vst v63  }
0x1f9: {  	_ =	swait.ge [sflag:s11], $0x2000  }
0x1fa: {  	[sflag:s11] =	ssyncset.done $0x0  }
0x1fb: {  	s10 =	simm.s32 $0x500;
	s18 =	rddreg [dreg:$0xb];
	[sflag:s11] =	ssyncadd.s32 $0xFFFFE000  }
0x1fc: {  	[spmem:s6] =	stream.indirect.scatter.add.f32 [tilespmem:s3], [sflag:$0x5], $0x80, s10, s2, $0xb8;
	[tilespmem:$0x1C800] =	vst v63  }
0x1fd: {  	s25 =	rddreg [dreg:$0xa];
	s0 =	sadd.s32 s31, s18  }
0x1fe: {  	[tilespmem:s4], [sflag:$0x7] =	stream.linear.gather [hbm4b:s0+s4], $0x40, $0x38;
	[tilespmem:$0x1C800] =	vst v63  }
0x1ff: {  	s18 =	sadd.s32 s31, s25  }
0x200: {  	[tilespmem:s24], [sflag:$0xF] =	stream.linear.gather [hbm4b:s18+s4], $0x40, $0x38;
	[tilespmem:$0x1C800] =	vst v63  }
0x201: {  	_ =	swait.ge [sflag:s28], $0x2000  }
0x202: {  	[sflag:s28] =	ssyncset.done $0x0  }
0x203: {  	s24 =	simm.s32 $0xC;
	[sflag:s28] =	ssyncadd.s32 $0xFFFFE000  }
0x204: {  	_ =	swait.ge [sflag:s24], $0x40  }
0x205: {  	[sflag:s24] =	ssyncset.done $0x0  }
0x206: {  	s7 =	simm.s32 $0x14;
	[sflag:s24] =	ssyncadd.s32 $0xFFFFFFC0  }
0x207: {  	_ =	swait.ge [sflag:s7], $0x40  }
0x208: {  	[sflag:s7] =	ssyncset.done $0x0  }
0x209: {  	[sflag:s7] =	ssyncadd.s32 $0xFFFFFFC0  }
0x20a: {  	[tilespmem:s9], [sflag:$0x2] =	stream.indirect.gather [hbm4b:s17+s2], $0x80, s5, s2, $0xb8;
	[tilespmem:$0x1C800] =	vst v63  }
0x20b: {  	_ =	swait.ge [sflag:s1], $0x2000  }
0x20c: {  	[sflag:s1] =	ssyncset.done $0x0  }
0x20d: {  	s19 =	simm.s32 $0x580;
	s18 =	rddreg [dreg:$0x9];
	[sflag:s1] =	ssyncadd.s32 $0xFFFFE000  }
0x20e: {  	[spmem:s6] =	stream.indirect.scatter.add.f32 [tilespmem:s16], [sflag:$0x6], $0x80, s19, s2, $0xb8;
	[tilespmem:$0x1C800] =	vst v63  }
0x20f: {  	s24 =	rddreg [dreg:$0x8];
	s0 =	sadd.s32 s31, s18  }
0x210: {  	[tilespmem:s8], [sflag:$0x8] =	stream.linear.gather [hbm4b:s0+s4], $0x40, $0x38;
	[tilespmem:$0x1C800] =	vst v63  }
0x211: {  	s8 =	sadd.s32 s31, s24  }
0x212: {  	[tilespmem:s20], [sflag:$0x10] =	stream.linear.gather [hbm4b:s8+s4], $0x40, $0x38;
	[tilespmem:$0x1C800] =	vst v63  }
0x213: {  	_ =	swait.ge [sflag:s23], $0x2000  }
0x214: {  	[sflag:s23] =	ssyncset.done $0x0  }
0x215: {  	s20 =	simm.s32 $0xD;
	[sflag:s23] =	ssyncadd.s32 $0xFFFFE000  }
0x216: {  	_ =	swait.ge [sflag:s20], $0x40  }
0x217: {  	[sflag:s20] =	ssyncset.done $0x0  }
0x218: {  	s19 =	simm.s32 $0x15;
	[sflag:s20] =	ssyncadd.s32 $0xFFFFFFC0  }
0x219: {  	_ =	swait.ge [sflag:s19], $0x40  }
0x21a: {  	[sflag:s19] =	ssyncset.done $0x0  }
0x21b: {  	[sflag:s19] =	ssyncadd.s32 $0xFFFFFFC0  }
0x21c: {  	[tilespmem:s3], [sflag:$0x3] =	stream.indirect.gather [hbm4b:s17+s2], $0x80, s21, s2, $0xb8;
	[tilespmem:$0x1C800] =	vst v63  }
0x21d: {  	_ =	swait.ge [sflag:s30], $0x2000  }
0x21e: {  	[sflag:s30] =	ssyncset.done $0x0  }
0x21f: {  	s24 =	rddreg [dreg:$0x7];
	[sflag:s30] =	ssyncadd.s32 $0xFFFFE000  }
0x220: {  	[spmem:s6] =	stream.indirect.scatter.add.f32 [tilespmem:s15], [sflag:$0x5], $0x80, s12, s2, $0xb8;
	[tilespmem:$0x1C800] =	vst v63  }
0x221: {  	s3 =	rddreg [dreg:$0x6];
	s0 =	sadd.s32 s31, s24  }
0x222: {  	[tilespmem:s14], [sflag:$0x9] =	stream.linear.gather [hbm4b:s0+s4], $0x40, $0x38;
	[tilespmem:$0x1C800] =	vst v63  }
0x223: {  	s12 =	sadd.s32 s31, s3  }
0x224: {  	[tilespmem:s10], [sflag:$0x11] =	stream.linear.gather [hbm4b:s12+s4], $0x40, $0x38;
	[tilespmem:$0x1C800] =	vst v63  }
0x225: {  	_ =	swait.ge [sflag:s28], $0x2000  }
0x226: {  	[sflag:s28] =	ssyncset.done $0x0  }
0x227: {  	s14 =	simm.s32 $0xE;
	[sflag:s28] =	ssyncadd.s32 $0xFFFFE000  }
0x228: {  	_ =	swait.ge [sflag:s14], $0x40  }
0x229: {  	[sflag:s14] =	ssyncset.done $0x0  }
0x22a: {  	s15 =	simm.s32 $0x16;
	[sflag:s14] =	ssyncadd.s32 $0xFFFFFFC0  }
0x22b: {  	_ =	swait.ge [sflag:s15], $0x40  }
0x22c: {  	p0 =	sne.s32 s22, $0x440;
	s22 =	sadd.s32 $0x40, s22;
	[sflag:s15] =	ssyncset.done $0x0  }
0x22d: {  	s25 =	simm.s32 $0x400;
	s5 =	simm.s32 $0x80;
	[sflag:s15] =	ssyncadd.s32 $0xFFFFFFC0  }
0x22e: {  	[tilespmem:s16], [sflag:$0x4] =	stream.indirect.gather [hbm4b:s17+s2], $0x80, s29, s2, $0xb8;
	[tilespmem:$0x1C800] =	vst v63  }
0x22f: {  	s18 =	simm.s32 $0x480;
	s8 =	simm.s32 $0x100;
	_ =	swait.ge [sflag:s26], $0x2000  }
0x230: {  	s21 =	smov.u32 s17;
	s29 =	simm.s32 $0x680;
	[sflag:s26] =	ssyncset.done $0x0  }
.Ltmp1:
0x231: {  	s16 =	rddreg [dreg:$0x5];
	[sflag:s26] =	ssyncadd.s32 $0xFFFFE000;
	(pc) =	sbr.rel @p0 .LBB2_4-.Ltmp1, $4  }
0x232: {  	[spmem:s6] =	stream.indirect.scatter.add.f32 [tilespmem:s9], [sflag:$0x6], $0x80, s29, s2, $0xb8;
	[tilespmem:$0x1C800] =	vst v63  }
0x233: {  	s24 =	simm.s32 $0x500;
	s20 =	rddreg [dreg:$0x4];
	s0 =	sadd.s32 s31, s16  }
0x234: {  	[tilespmem:s13], [sflag:$0xA] =	stream.linear.gather [hbm4b:s0+s4], $0x40, $0x38;
	[tilespmem:$0x1C800] =	vst v63  }
0x235: {  	s14 =	simm.s32 $0x180;
	s0 =	sadd.s32 s31, s20;
	s31 =	simm.s32 $0x580  }
0x236: {  	[tilespmem:s31], [sflag:$0x12] =	stream.linear.gather [hbm4b:s0+s4], $0x40, $0x38;
	[tilespmem:$0x1C800] =	vst v63  }
0x237: {  	_ =	swait.ge [sflag:s23], $0x2000  }
0x238: {  	[sflag:s23] =	ssyncset.done $0x0  }
0x239: {  	s3 =	simm.s32 $0x7;
	[sflag:s23] =	ssyncadd.s32 $0xFFFFE000  }
0x23a: {  	_ =	swait.ge [sflag:s3], $0x40  }
0x23b: {  	[sflag:s3] =	ssyncset.done $0x0  }
0x23c: {  	s7 =	simm.s32 $0xF;
	[sflag:s3] =	ssyncadd.s32 $0xFFFFFFC0  }
0x23d: {  	_ =	swait.ge [sflag:s7], $0x40  }
0x23e: {  	[sflag:s7] =	ssyncset.done $0x0  }
0x23f: {  	s10 =	simm.s32 $0x800;
	[sflag:s7] =	ssyncadd.s32 $0xFFFFFFC0  }
0x240: {  	[tilespmem:s10], [sflag:$0x1] =	stream.indirect.gather [hbm4b:s21+s2], $0x80, s4, s2, $0xb8;
	[tilespmem:$0x1C800] =	vst v63  }
0x241: {  	_ =	swait.ge [sflag:s11], $0x2000  }
0x242: {  	s13 =	simm.s32 $0x4800;
	[sflag:s11] =	ssyncset.done $0x0  }
0x243: {  	s7 =	simm.s32 $0x700;
	s9 =	sld [smem:$0x7E8];
	[sflag:s11] =	ssyncadd.s32 $0xFFFFE000  }
0x244: {  	[spmem:s6] =	stream.indirect.scatter.add.f32 [tilespmem:s13], [sflag:$0x5], $0x80, s7, s2, $0xb8;
	[tilespmem:$0x1C800] =	vst v63  }
0x245: {  	s22 =	simm.s32 $0x200;
	s12 =	sld [smem:$0x7E9]  }
0x246: {  	[tilespmem:s22], [sflag:$0xB] =	stream.linear.gather [hbm4b:s9+s4], $0x40, $0x38;
	[tilespmem:$0x1C800] =	vst v63  }
0x247: {  	s16 =	simm.s32 $0x600  }
0x248: {  	[tilespmem:s16], [sflag:$0x13] =	stream.linear.gather [hbm4b:s12+s4], $0x40, $0x38;
	[tilespmem:$0x1C800] =	vst v63  }
0x249: {  	_ =	swait.ge [sflag:s28], $0x2000  }
0x24a: {  	[sflag:s28] =	ssyncset.done $0x0  }
0x24b: {  	s15 =	simm.s32 $0x8;
	[sflag:s28] =	ssyncadd.s32 $0xFFFFE000  }
0x24c: {  	_ =	swait.ge [sflag:s15], $0x40  }
0x24d: {  	[sflag:s15] =	ssyncset.done $0x0  }
0x24e: {  	s17 =	simm.s32 $0x10;
	[sflag:s15] =	ssyncadd.s32 $0xFFFFFFC0  }
0x24f: {  	_ =	swait.ge [sflag:s17], $0x40  }
0x250: {  	[sflag:s17] =	ssyncset.done $0x0  }
0x251: {  	s9 =	simm.s32 $0x2800;
	[sflag:s17] =	ssyncadd.s32 $0xFFFFFFC0  }
0x252: {  	[tilespmem:s9], [sflag:$0x2] =	stream.indirect.gather [hbm4b:s21+s2], $0x80, s5, s2, $0xb8;
	[tilespmem:$0x1C800] =	vst v63  }
0x253: {  	_ =	swait.ge [sflag:s1], $0x2000  }
0x254: {  	s12 =	simm.s32 $0x780;
	[sflag:s1] =	ssyncset.done $0x0  }
0x255: {  	s15 =	simm.s32 $0x6800;
	s20 =	sld [smem:$0x7EA];
	[sflag:s1] =	ssyncadd.s32 $0xFFFFE000  }
0x256: {  	[spmem:s6] =	stream.indirect.scatter.add.f32 [tilespmem:s15], [sflag:$0x6], $0x80, s12, s2, $0xb8;
	[tilespmem:$0x1C800] =	vst v63  }
0x257: {  	s3 =	simm.s32 $0x280;
	s29 =	sld [smem:$0x7EB]  }
0x258: {  	[tilespmem:s3], [sflag:$0xC] =	stream.linear.gather [hbm4b:s20+s4], $0x40, $0x38;
	[tilespmem:$0x1C800] =	vst v63  }
0x259: {  	s5 =	simm.s32 $0x680  }
0x25a: {  	[tilespmem:s5], [sflag:$0x14] =	stream.linear.gather [hbm4b:s29+s4], $0x40, $0x38;
	[tilespmem:$0x1C800] =	vst v63  }
0x25b: {  	_ =	swait.ge [sflag:s23], $0x2000  }
0x25c: {  	[sflag:s23] =	ssyncset.done $0x0  }
0x25d: {  	s17 =	simm.s32 $0x9;
	[sflag:s23] =	ssyncadd.s32 $0xFFFFE000  }
0x25e: {  	_ =	swait.ge [sflag:s17], $0x40  }
0x25f: {  	[sflag:s17] =	ssyncset.done $0x0  }
0x260: {  	s20 =	simm.s32 $0x11;
	[sflag:s17] =	ssyncadd.s32 $0xFFFFFFC0  }
0x261: {  	_ =	swait.ge [sflag:s20], $0x40  }
0x262: {  	[sflag:s20] =	ssyncset.done $0x0  }
0x263: {  	[sflag:s20] =	ssyncadd.s32 $0xFFFFFFC0  }
0x264: {  	[tilespmem:s13], [sflag:$0x3] =	stream.indirect.gather [hbm4b:s21+s2], $0x80, s8, s2, $0xb8;
	[tilespmem:$0x1C800] =	vst v63  }
0x265: {  	_ =	swait.ge [sflag:s30], $0x2000  }
0x266: {  	[sflag:s30] =	ssyncset.done $0x0  }
0x267: {  	s29 =	sld [smem:$0x7EE];
	[sflag:s30] =	ssyncadd.s32 $0xFFFFE000  }
0x268: {  	[spmem:s6] =	stream.indirect.scatter.add.f32 [tilespmem:s10], [sflag:$0x5], $0x80, s25, s2, $0xb8;
	[tilespmem:$0x1C800] =	vst v63  }
0x269: {  	s20 =	simm.s32 $0x300;
	s17 =	sld [smem:$0x7EF]  }
0x26a: {  	[tilespmem:s20], [sflag:$0xD] =	stream.linear.gather [hbm4b:s29+s4], $0x40, $0x38;
	[tilespmem:$0x1C800] =	vst v63  }
0x26b: {  	_ = 	snop  }
0x26c: {  	[tilespmem:s7], [sflag:$0x15] =	stream.linear.gather [hbm4b:s17+s4], $0x40, $0x38;
	[tilespmem:$0x1C800] =	vst v63  }
0x26d: {  	_ =	swait.ge [sflag:s28], $0x2000  }
0x26e: {  	[sflag:s28] =	ssyncset.done $0x0  }
0x26f: {  	s25 =	simm.s32 $0xA;
	[sflag:s28] =	ssyncadd.s32 $0xFFFFE000  }
0x270: {  	_ =	swait.ge [sflag:s25], $0x40  }
0x271: {  	[sflag:s25] =	ssyncset.done $0x0  }
0x272: {  	s29 =	simm.s32 $0x12;
	[sflag:s25] =	ssyncadd.s32 $0xFFFFFFC0  }
0x273: {  	_ =	swait.ge [sflag:s29], $0x40  }
0x274: {  	[sflag:s29] =	ssyncset.done $0x0  }
0x275: {  	[sflag:s29] =	ssyncadd.s32 $0xFFFFFFC0  }
0x276: {  	[tilespmem:s15], [sflag:$0x4] =	stream.indirect.gather [hbm4b:s21+s2], $0x80, s14, s2, $0xb8;
	[tilespmem:$0x1C800] =	vst v63  }
0x277: {  	_ =	swait.ge [sflag:s26], $0x2000  }
0x278: {  	[sflag:s26] =	ssyncset.done $0x0  }
0x279: {  	s17 =	sld [smem:$0x7F1];
	[sflag:s26] =	ssyncadd.s32 $0xFFFFE000  }
0x27a: {  	[spmem:s6] =	stream.indirect.scatter.add.f32 [tilespmem:s9], [sflag:$0x6], $0x80, s18, s2, $0xb8;
	[tilespmem:$0x1C800] =	vst v63  }
0x27b: {  	s25 =	sld [smem:$0x7F0];
	s18 =	simm.s32 $0x380  }
0x27c: {  	[tilespmem:s18], [sflag:$0xE] =	stream.linear.gather [hbm4b:s17+s4], $0x40, $0x38;
	[tilespmem:$0x1C800] =	vst v63  }
0x27d: {  	_ = 	snop  }
0x27e: {  	[tilespmem:s12], [sflag:$0x16] =	stream.linear.gather [hbm4b:s25+s4], $0x40, $0x38;
	[tilespmem:$0x1C800] =	vst v63  }
0x27f: {  	_ =	swait.ge [sflag:s23], $0x2000  }
0x280: {  	[sflag:s23] =	ssyncset.done $0x0  }
0x281: {  	s29 =	simm.s32 $0xB;
	[sflag:s23] =	ssyncadd.s32 $0xFFFFE000  }
0x282: {  	_ =	swait.ge [sflag:s29], $0x40  }
0x283: {  	[sflag:s29] =	ssyncset.done $0x0  }
0x284: {  	s17 =	simm.s32 $0x13;
	[sflag:s29] =	ssyncadd.s32 $0xFFFFFFC0  }
0x285: {  	_ =	swait.ge [sflag:s17], $0x40  }
0x286: {  	[sflag:s17] =	ssyncset.done $0x0  }
0x287: {  	[sflag:s17] =	ssyncadd.s32 $0xFFFFFFC0  }
0x288: {  	[tilespmem:s10], [sflag:$0x1] =	stream.indirect.gather [hbm4b:s21+s2], $0x80, s22, s2, $0xb8;
	[tilespmem:$0x1C800] =	vst v63  }
0x289: {  	_ =	swait.ge [sflag:s11], $0x2000  }
0x28a: {  	[sflag:s11] =	ssyncset.done $0x0  }
0x28b: {  	[sflag:s11] =	ssyncadd.s32 $0xFFFFE000  }
0x28c: {  	[spmem:s6] =	stream.indirect.scatter.add.f32 [tilespmem:s13], [sflag:$0x5], $0x80, s24, s2, $0xb8;
	[tilespmem:$0x1C800] =	vst v63  }
0x28d: {  	_ =	swait.ge [sflag:s28], $0x2000  }
0x28e: {  	[sflag:s28] =	ssyncset.done $0x0  }
0x28f: {  	s25 =	simm.s32 $0xC;
	[sflag:s28] =	ssyncadd.s32 $0xFFFFE000  }
0x290: {  	_ =	swait.ge [sflag:s25], $0x40  }
0x291: {  	[sflag:s25] =	ssyncset.done $0x0  }
0x292: {  	s29 =	simm.s32 $0x14;
	[sflag:s25] =	ssyncadd.s32 $0xFFFFFFC0  }
0x293: {  	_ =	swait.ge [sflag:s29], $0x40  }
0x294: {  	[sflag:s29] =	ssyncset.done $0x0  }
0x295: {  	[sflag:s29] =	ssyncadd.s32 $0xFFFFFFC0  }
0x296: {  	[tilespmem:s9], [sflag:$0x2] =	stream.indirect.gather [hbm4b:s21+s2], $0x80, s3, s2, $0xb8;
	[tilespmem:$0x1C800] =	vst v63  }
0x297: {  	_ =	swait.ge [sflag:s1], $0x2000  }
0x298: {  	[sflag:s1] =	ssyncset.done $0x0  }
0x299: {  	[sflag:s1] =	ssyncadd.s32 $0xFFFFE000  }
0x29a: {  	[spmem:s6] =	stream.indirect.scatter.add.f32 [tilespmem:s15], [sflag:$0x6], $0x80, s31, s2, $0xb8;
	[tilespmem:$0x1C800] =	vst v63  }
0x29b: {  	_ =	swait.ge [sflag:s23], $0x2000  }
0x29c: {  	[sflag:s23] =	ssyncset.done $0x0  }
0x29d: {  	s3 =	simm.s32 $0xD;
	[sflag:s23] =	ssyncadd.s32 $0xFFFFE000  }
0x29e: {  	_ =	swait.ge [sflag:s3], $0x40  }
0x29f: {  	[sflag:s3] =	ssyncset.done $0x0  }
0x2a0: {  	[sflag:s3] =	ssyncadd.s32 $0xFFFFFFC0  }
0x2a1: {  	_ =	swait.ge [sflag:s19], $0x40  }
0x2a2: {  	[sflag:s19] =	ssyncset.done $0x0  }
0x2a3: {  	[sflag:s19] =	ssyncadd.s32 $0xFFFFFFC0  }
0x2a4: {  	[tilespmem:s13], [sflag:$0x3] =	stream.indirect.gather [hbm4b:s21+s2], $0x80, s20, s2, $0xb8;
	[tilespmem:$0x1C800] =	vst v63  }
0x2a5: {  	_ =	swait.ge [sflag:s30], $0x2000  }
0x2a6: {  	[sflag:s30] =	ssyncset.done $0x0  }
0x2a7: {  	[sflag:s30] =	ssyncadd.s32 $0xFFFFE000  }
0x2a8: {  	[spmem:s6] =	stream.indirect.scatter.add.f32 [tilespmem:s10], [sflag:$0x5], $0x80, s16, s2, $0xb8;
	[tilespmem:$0x1C800] =	vst v63  }
0x2a9: {  	_ =	swait.ge [sflag:s28], $0x2000  }
0x2aa: {  	[sflag:s28] =	ssyncset.done $0x0  }
0x2ab: {  	s17 =	simm.s32 $0xE;
	[sflag:s28] =	ssyncadd.s32 $0xFFFFE000  }
0x2ac: {  	_ =	swait.ge [sflag:s17], $0x40  }
0x2ad: {  	[sflag:s17] =	ssyncset.done $0x0  }
0x2ae: {  	s19 =	simm.s32 $0x16;
	[sflag:s17] =	ssyncadd.s32 $0xFFFFFFC0  }
0x2af: {  	_ =	swait.ge [sflag:s19], $0x40  }
0x2b0: {  	[sflag:s19] =	ssyncset.done $0x0  }
0x2b1: {  	[sflag:s19] =	ssyncadd.s32 $0xFFFFFFC0  }
0x2b2: {  	[tilespmem:s15], [sflag:$0x4] =	stream.indirect.gather [hbm4b:s21+s2], $0x80, s18, s2, $0xb8;
	[tilespmem:$0x1C800] =	vst v63  }
0x2b3: {  	_ =	swait.ge [sflag:s26], $0x2000  }
0x2b4: {  	[sflag:s26] =	ssyncset.done $0x0  }
0x2b5: {  	[sflag:s26] =	ssyncadd.s32 $0xFFFFE000  }
0x2b6: {  	[spmem:s6] =	stream.indirect.scatter.add.f32 [tilespmem:s9], [sflag:$0x6], $0x80, s5, s2, $0xb8;
	[tilespmem:$0x1C800] =	vst v63  }
0x2b7: {  	_ =	swait.ge [sflag:s11], $0x2000  }
0x2b8: {  	[sflag:s11] =	ssyncset.done $0x0  }
0x2b9: {  	[sflag:s11] =	ssyncadd.s32 $0xFFFFE000  }
0x2ba: {  	[spmem:s6] =	stream.indirect.scatter.add.f32 [tilespmem:s13], [sflag:$0x5], $0x80, s7, s2, $0xb8;
	[tilespmem:$0x1C800] =	vst v63  }
0x2bb: {  	_ =	swait.ge [sflag:s1], $0x2000  }
0x2bc: {  	[sflag:s1] =	ssyncset.done $0x0  }
0x2bd: {  	[sflag:s1] =	ssyncadd.s32 $0xFFFFE000  }
0x2be: {  	[spmem:s6] =	stream.indirect.scatter.add.f32 [tilespmem:s15], [sflag:$0x6], $0x80, s12, s2, $0xb8;
	[tilespmem:$0x1C800] =	vst v63  }
0x2bf: {  	_ =	swait.ge [sflag:s23], $0x2000  }
0x2c0: {  	[sflag:s23] =	ssyncset.done $0x0  }
0x2c1: {  	[sflag:s23] =	ssyncadd.s32 $0xFFFFE000  }
0x2c2: {  	_ =	swait.ge [sflag:s28], $0x2000  }
0x2c3: {  	[sflag:s28] =	ssyncset.done $0x0  }
0x2c4: {  	[sflag:s28] =	ssyncadd.s32 $0xFFFFE000  }
0x2c5: {  	_ =	swait.ge [sflag:s23], $0x2000  }
0x2c6: {  	[sflag:s23] =	ssyncset.done $0x0  }
0x2c7: {  	[sflag:s23] =	ssyncadd.s32 $0xFFFFE000  }
0x2c8: {  	_ =	swait.ge [sflag:s28], $0x2000  }
0x2c9: {  	[sflag:s28] =	ssyncset.done $0x0  }
0x2ca: {  	[sflag:s28] =	ssyncadd.s32 $0xFFFFE000  }
0x2cb: {  	[bflag:$0x0] =	sbarrier.arrive $0xFFFF  }
0x2cc: {  	s22 =	sld [smem:$0x7FC]  }
0x2cd: {  	s20 =	stileid.u32;
	s25 =	sld [smem:$0x7F2]  }
0x2ce: {  	s0 =	sshll.u32 s20, $0x6  }
0x2cf: {  	s0 =	sor.u32 $0x1C17, s0;
	s26 =	simm.s32 $0x17;
	s7 =	sshrl.u32 s22, $0x3  }
0x2d0: {  	[hbm:s25], [sflag:s0] =	dma.local [spmem:s7], $0x2800  }
0x2d1: {  	_ =	swait.ge [sflag:s26], $0x2800  }
0x2d2: {  	s29 =	sld [smem:$0x7DD]  }
0x2d3: {  	s30 =	sld [smem:$0x7F3];
	_ =	sdelay $0x1  }
0x2d4: {  	s10 =	sadd.s32 $0x1, s29  }
0x2d5: {  	p0 =	sne.s32 s10, s30  }
.Ltmp2:
0x2d6: {  	s31 =	simm.s32 $0x480;
	s16 =	simm.s32 $0x1;
	(pc) =	sbr.rel @p0 .LBB2_1-.Ltmp2, $4  }
0x2d7: {  	s17 =	smov.u32 s6;
	s19 =	simm.s32 $0x580;
	s5 =	simm.s32 $0x800  }
0x2d8: {  	s9 =	simm.s32 $0x4800;
	s11 =	simm.s32 $0x3;
	s1 =	simm.s32 $0x4  }
0x2d9: {  	s15 =	simm.s32 $0x2800;
	s22 =	simm.s32 $0x80;
	[sflag:s26] =	ssyncset.done $0x0  }
0x2da: {  	s7 =	simm.s32 $0x400;
	[sflag:s26] =	ssyncadd.s32 $0xFFFFD800;
	s26 =	simm.s32 $0x2  }
0x2db: {  	_ =	sfence.sel $0x180000  }
0x2dc: {  	[bflag:$0x0] =	sbarrier.arrive $0xFFFF  }
0x2dd: {  	_ =	strace $0x90000047  }
0x2de: {  	s0 =	stileid.u32;
	[bflag:$0x2] =	sbarrier.arrive $0xFFFF  }
0x2df: {  	p0 =	sne.s32 s0, $0x0;
	s0 =	rddreg [dreg:$0x3]  }
0x2e0: {  	s0 =	sadd.s32 @!p0 $0x100000, s0  }
0x2e1: {  	[sflag:s0] =	ssyncadd.tile.s32 @!p0 $0x1;
	_ =	shalt  }
.Lfunc_end2:
_tile_overlayer_lowered:
.L_overlay_start_2:
0x2e2: {  	(tag) =	ssettag $0x2  }
0x2e3: {  	s0 =	rddreg [dreg:$0x0];
	s2 =	stileid.u32  }
0x2e4: {  	s1 =	rddreg [dreg:$0x1];
	p0 =	sne.s32 s2, $0x0  }
0x2e5: {  	s3 =	rddreg [dreg:$0x2];
	[bflag:$0x3] =	sbarrier.arrive $0xFFFF;
	s2 =	simm.s32 @!p0 $0x1C17  }
0x2e6: {  	[timem:s3], [sflag:s2] =	dma.local @!p0 [hbm:s0], s1  }
0x2e7: {  	s0 =	simm.s32 @!p0 $0x17  }
0x2e8: {  	_ =	swait.ge @!p0 [sflag:s0], s1  }
0x2e9: {  	s1 =	ssub.s32 @!p0 $0x0, s1;
	[sflag:s0] =	ssyncset.done @!p0 $0x0  }
0x2ea: {  	[sflag:s0] =	ssyncadd.s32 @!p0 s1  }
0x2eb: {  	[bflag:$0x3] =	sbarrier.arrive $0xFFFF  }
0x2ec: {  	_ =	shalt  }

</sc_bundles>
